<compile_context>
chip_gen: v7x
topology: tpu7x:2x2x1
jax: 0.10.2.dev20260603
libtpu: 0.0.44.dev20260713+nightly
codegen_flags: <defaults>
</compile_context>

<pallas_src>
import functools

import jax
import jax.numpy as jnp
from jax import lax
from jax.experimental import pallas as pl
from jax.experimental.pallas import tpu as pltpu
from jax.experimental.pallas import tpu_sc as plsc

N = 10000
D = 128
E = 320000

NC = 2
NS = 16
L = 16
NW = NC * NS
FPT = D // NW
NSTRIDE = 10008
NPAD = 10240
NPT = NPAD // NS
CHUNK = 4000
NVEC = CHUNK // L
NCHUNK = E // CHUNK
DEG_E = E // NS
DEG_CH = DEG_E // CHUNK

f32 = jnp.float32
i32 = jnp.int32


def _spl_f(v):
    return jnp.full((L,), v, dtype=f32)


def _spl_i(v):
    return jnp.full((L,), v, dtype=i32)


def _c(v):
    return jnp.int32(v)


def _i(v):
    return v if v.dtype == i32 else lax.convert_element_type(v, i32)


_PERM_DNUMS = lax.GatherDimensionNumbers(
    offset_dims=(), collapsed_slice_dims=(0,), start_index_map=(0,))


def _lperm(v, idx):
    return lax.gather(v, idx.reshape(L, 1), _PERM_DNUMS, (1,),
                      mode=lax.GatherScatterMode.PROMISE_IN_BOUNDS)


def _fori(n, body, unroll=1):
    def outer(j, carry):
        base = j * _c(unroll)
        for u in range(unroll):
            carry = body(base + _c(u), carry)
        return carry
    lax.fori_loop(_c(0), _c(n // unroll), outer, 0)
    for u in range((n // unroll) * unroll, n):
        body(_c(u), 0)


def _sc_body(ep_hbm, xT_hbm, m1T_hbm, m2T_hbm,
             x_sl, agg, deg_priv, dinv, red_buf, ep0, ep1,
             deg_parts, dinv_s, sem0, sem1, sem_x):
    c = _i(lax.axis_index("c"))
    s = _i(lax.axis_index("s"))
    wid = s * _c(NC) + c
    f0 = wid * _c(FPT)
    sems = (sem0, sem1)
    ebufs = (ep0, ep1)
    c14 = _spl_i(14)
    cmask = _spl_i((1 << 14) - 1)

    xcopies = [
        pltpu.make_async_copy(xT_hbm.at[pl.ds((f0 + _c(k)) * _c(N), N)],
                              x_sl.at[pl.ds(_c(k * NSTRIDE), N)], sem_x)
        for k in range(FPT)
    ]
    for cp in xcopies:
        cp.start()

    def zero_deg(j, carry):
        deg_priv[pl.ds(j * _c(L), L)] = _spl_f(0.0)
        return carry

    _fori(NPAD // L, zero_deg, unroll=4)

    def zero_agg(j, carry):
        agg[pl.ds(j * _c(L), L)] = _spl_f(0.0)
        return carry

    _fori(FPT * NSTRIDE // L, zero_agg, unroll=4)

    j16 = lax.iota(i32, 16)
    e8 = lax.shift_right_logical(j16, _spl_i(1))
    phs = (e8, e8 + _spl_i(8))
    kp01 = (j16 & _spl_i(1)) * _spl_i(NSTRIDE)
    kps = (kp01, kp01 + _spl_i(2 * NSTRIDE))

    def edge_sweep(nchunks, base, process_vec):
        def start(chunk_idx, b):
            off = base + chunk_idx * _c(CHUNK)
            pltpu.make_async_copy(ep_hbm.at[pl.ds(off, CHUNK)],
                                  ebufs[b], sems[b]).start()

        def wait(b):
            pltpu.make_async_copy(ep_hbm.at[pl.ds(_c(0), CHUNK)],
                                  ebufs[b], sems[b]).wait()

        def proc_buf(b):
            @plsc.parallel_loop(_c(0), _c(NVEC), _c(1), unroll=5)
            def _(j):
                process_vec(b, j)

        last = _c(nchunks - 1)
        start(_c(0), 0)

        def obody(i, carry):
            g = i * _c(2)
            start(jnp.minimum(g + _c(1), last), 1)
            wait(0)
            proc_buf(0)
            start(jnp.minimum(g + _c(2), last), 0)
            wait(1)
            proc_buf(1)
            return carry

        _fori(nchunks // 2, obody)
        wait(0)
        if nchunks % 2:
            proc_buf(0)

    def deg_vec(b, j):
        sl = pl.ds(j * _c(L), L)
        ep = ebufs[b][sl]
        r = lax.shift_right_logical(ep, c14)
        cl = ep & cmask
        m = jnp.where(r != cl, _spl_f(1.0), _spl_f(0.0))
        plsc.addupdate_scatter(deg_priv, [r], m)

    edge_sweep(DEG_CH, s * _c(DEG_E), deg_vec)

    pltpu.sync_copy(deg_priv, deg_parts.at[s])
    plsc.subcore_barrier()
    nb = s * _c(NPT)
    pltpu.sync_copy(deg_parts.at[:, pl.ds(nb, NPT)], red_buf)

    def red_vec(j, carry):
        sl = pl.ds(j * _c(L), L)
        acc = red_buf[_c(0), sl]
        for t in range(1, NS):
            acc = acc + red_buf[_c(t), sl]
        xi = lax.bitcast_convert_type(acc, i32)
        yi = _spl_i(0x5F3759DF) - lax.shift_right_arithmetic(xi, _spl_i(1))
        y = lax.bitcast_convert_type(yi, f32)
        for _ in range(3):
            y = y * (_spl_f(1.5) - _spl_f(0.5) * acc * y * y)
        y = jnp.where(acc > _spl_f(0.5), y, _spl_f(0.0))
        deg_priv[sl] = y
        return carry

    _fori(NPT // L, red_vec)
    pltpu.sync_copy(deg_priv.at[pl.ds(_c(0), NPT)], dinv_s.at[pl.ds(nb, NPT)])
    plsc.subcore_barrier()
    pltpu.sync_copy(dinv_s, dinv)
    for cp in xcopies:
        cp.wait()

    def scale_vec(j, carry):
        sl = pl.ds(j * _c(L), L)
        d = dinv[sl]
        for k in range(FPT):
            off = pl.ds(j * _c(L) + _c(k * NSTRIDE), L)
            x_sl[off] = x_sl[off] * d
        return carry

    _fori(N // L, scale_vec, unroll=2)

    def pass_vec(b, j):
        sl = pl.ds(j * _c(L), L)
        ep = ebufs[b][sl]
        for ph in phs:
            eg = _lperm(ep, ph)
            rg = lax.shift_right_logical(eg, c14)
            cg = eg & cmask
            mf = jnp.where(rg != cg, _spl_f(1.0), _spl_f(0.0))
            for kp in kps:
                xv = plsc.load_gather(x_sl, [cg + kp])
                plsc.addupdate_scatter(agg, [rg + kp], mf * xv)

    def fin_vec(j, carry):
        sl = pl.ds(j * _c(L), L)
        d = dinv[sl]
        for k in range(FPT):
            off = pl.ds(j * _c(L) + _c(k * NSTRIDE), L)
            x_sl[off] = agg[off] * d
            agg[off] = _spl_f(0.0)
        return carry

    def rescale_vec(j, carry):
        sl = pl.ds(j * _c(L), L)
        d = dinv[sl]
        for k in range(FPT):
            off = pl.ds(j * _c(L) + _c(k * NSTRIDE), L)
            x_sl[off] = x_sl[off] * d
        return carry

    edge_sweep(NCHUNK, 0, pass_vec)
    _fori(N // L, fin_vec, unroll=2)
    for k in range(FPT):
        pltpu.sync_copy(x_sl.at[pl.ds(_c(k * NSTRIDE), N)],
                        m1T_hbm.at[pl.ds((f0 + _c(k)) * _c(N), N)])
    _fori(N // L, rescale_vec, unroll=2)

    edge_sweep(NCHUNK, 0, pass_vec)
    _fori(N // L, fin_vec, unroll=2)
    for k in range(FPT):
        pltpu.sync_copy(x_sl.at[pl.ds(_c(k * NSTRIDE), N)],
                        m2T_hbm.at[pl.ds((f0 + _c(k)) * _c(N), N)])


_sc_spmm = pl.kernel(
    _sc_body,
    out_type=(jax.ShapeDtypeStruct((D * N,), f32),
              jax.ShapeDtypeStruct((D * N,), f32)),
    mesh=plsc.VectorSubcoreMesh(core_axis_name="c", subcore_axis_name="s",
                                num_cores=NC, num_subcores=NS),
    compiler_params=pltpu.CompilerParams(needs_layout_passes=False),
    scratch_types=[
        pltpu.VMEM((FPT * NSTRIDE,), f32),
        pltpu.VMEM((FPT * NSTRIDE,), f32),
        pltpu.VMEM((NPAD,), f32),
        pltpu.VMEM((NPAD,), f32),
        pltpu.VMEM((NS, NPT), f32),
        pltpu.VMEM((CHUNK,), i32),
        pltpu.VMEM((CHUNK,), i32),
        pltpu.VMEM_SHARED((NS, NPAD), f32),
        pltpu.VMEM_SHARED((NPAD,), f32),
        pltpu.SemaphoreType.DMA,
        pltpu.SemaphoreType.DMA,
        pltpu.SemaphoreType.DMA,
    ],
)


BN = 1000


EPR = E // 128


def _pack_body(r_ref, c_ref, out_ref):
    out_ref[...] = jnp.bitwise_or(
        lax.shift_left(r_ref[...], jnp.int32(14)), c_ref[...])


_tc_pack = pl.pallas_call(
    _pack_body,
    in_specs=[pl.BlockSpec((EPR, 128), lambda: (0, 0)),
              pl.BlockSpec((EPR, 128), lambda: (0, 0))],
    out_specs=pl.BlockSpec((EPR, 128), lambda: (0, 0)),
    out_shape=jax.ShapeDtypeStruct((EPR, 128), i32),
)


def _tc_body(cs_ref, xT_ref, m1T_ref, m2T_ref, w_ref, bias_ref, out_ref):
    c0 = cs_ref[0]
    c1 = cs_ref[1]
    c2 = cs_ref[2]
    comb = c0 * xT_ref[...] + c1 * m1T_ref[...] + c2 * m2T_ref[...]
    out_ref[...] = lax.dot_general(
        comb, w_ref[...], (((0,), (1,)), ((), ())),
        preferred_element_type=f32) + bias_ref[...]


_tc_combine = pl.pallas_call(
    _tc_body,
    in_specs=[
        pl.BlockSpec(memory_space=pltpu.SMEM),
        pl.BlockSpec((D, N), lambda: (0, 0)),
        pl.BlockSpec((D, N), lambda: (0, 0)),
        pl.BlockSpec((D, N), lambda: (0, 0)),
        pl.BlockSpec((D, D), lambda: (0, 0)),
        pl.BlockSpec((1, D), lambda: (0, 0)),
    ],
    out_specs=pl.BlockSpec((N, D), lambda: (0, 0)),
    out_shape=jax.ShapeDtypeStruct((N, D), f32),
)


def kernel(x, edge_index, W, bias, a, b, c):
    row = edge_index[0].astype(i32)
    col = edge_index[1].astype(i32)
    ep = _tc_pack(row.reshape(EPR, 128), col.reshape(EPR, 128)).reshape(E)
    xT = x.T
    m1f, m2f = _sc_spmm(ep, xT.reshape(D * N))
    cs = jnp.stack([a + b + c, -(2.0 * a + b), a]).astype(f32)
    return _tc_combine(cs, xT, m1f.reshape(D, N), m2f.reshape(D, N),
                       W, bias.reshape(1, D))

# --- scband reference (transcript-rebuilt; emitter-appended) ---
"""Pipeline reference for scband-spectral-conv-86371792323181 (READ-ONLY COPY).

The authoritative reference and input builder live on the scoring server;
editing this copy changes nothing except your own understanding.
"""

import jax, jax.numpy as jnp
import numpy as np

jax.config.update("jax_enable_x64", True)

N = 10000
D_IN = 128
D_OUT = 128
E = 320000


def setup_inputs(seed: int = 0) -> dict:
    key = jax.random.key(seed)
    k1, k2, k3, k4 = jax.random.split(key, 4)
    x = jax.random.normal(k1, (N, D_IN), dtype=jnp.float32)
    edge_index = jax.random.randint(k2, (2, E), 0, N, dtype=jnp.int64)
    # nn.Linear(in_channels, out_channels) params: W [out, in], bias [out]
    bound = 1.0 / np.sqrt(D_IN)
    W = jax.random.uniform(k3, (D_OUT, D_IN), dtype=jnp.float32, minval=-bound, maxval=bound)
    bias = jax.random.uniform(k4, (D_OUT,), dtype=jnp.float32, minval=-bound, maxval=bound)
    a = jnp.float32(-1.0)
    b = jnp.float32(2.0)
    c = jnp.float32(0.0)
    return {"x": x, "edge_index": edge_index, "W": W, "bias": bias, "a": a, "b": b, "c": c}


def reference(x, edge_index, W, bias, a, b, c):
    # remove_self_loops -> add_self_loops -> get_laplacian(sym) in PyG:
    # get_laplacian itself removes self loops first, so self loops (original or added)
    # contribute nothing. We mask them out here, matching PyG semantics exactly.
    row = edge_index[0]
    col = edge_index[1]
    mask = (row != col).astype(x.dtype)
    # degree from row with unit edge weights (self loops removed)
    deg = jax.ops.segment_sum(mask, row, num_segments=N)
    dinv = jnp.where(deg > 0, 1.0 / jnp.sqrt(deg), 0.0)
    # L = I - D^{-1/2} A D^{-1/2}; diagonal entries are exactly 1 (PyG fill_value=1.)
    w = dinv[row] * dinv[col] * mask

    def lap_matvec(v):
        msg = w[:, None] * jnp.take(v, col, axis=0)
        agg = jax.ops.segment_sum(msg, row, num_segments=N)
        return v - agg

    Lx = lap_matvec(x)
    L2x = lap_matvec(Lx)
    Ix = x  # SparseTensor.eye(N) @ x
    out = a * L2x + b * Lx + c * Ix
    return out @ W.T + bias

if __name__ == "__main__":
    import jax
    _d = setup_inputs()
    print(jax.jit(kernel)(*tuple(_d.values())))

</pallas_src>

<mosaic_0001>
#map = affine_map<(d0, d1) -> (0)>
module attributes {stable_mosaic.version = 14 : i64} {
  func.func @_sc_body(%arg0: i32, %arg1: i32, %arg2: memref<320000xi32, #tpu.memory_space<hbm>>, %arg3: memref<1280000xf32, #tpu.memory_space<hbm>>, %arg4: memref<1280000xf32, #tpu.memory_space<hbm>>, %arg5: memref<1280000xf32, #tpu.memory_space<hbm>>, %arg6: memref<40032xf32, #tpu.memory_space<vmem>>, %arg7: memref<40032xf32, #tpu.memory_space<vmem>>, %arg8: memref<10240xf32, #tpu.memory_space<vmem>>, %arg9: memref<10240xf32, #tpu.memory_space<vmem>>, %arg10: memref<16x640xf32, #tpu.memory_space<vmem>>, %arg11: memref<4000xi32, #tpu.memory_space<vmem>>, %arg12: memref<4000xi32, #tpu.memory_space<vmem>>, %arg13: memref<16x10240xf32, #tpu.memory_space<vmem_shared>>, %arg14: memref<10240xf32, #tpu.memory_space<vmem_shared>>, %arg15: memref<!tpu.dma_semaphore, #tpu.memory_space<semaphore_mem>>, %arg16: memref<!tpu.dma_semaphore, #tpu.memory_space<semaphore_mem>>, %arg17: memref<!tpu.dma_semaphore, #tpu.memory_space<semaphore_mem>>) attributes {dimension_semantics = [#tpu.dimension_semantics<core_parallel>, #tpu.dimension_semantics<subcore_parallel>], iteration_bounds = array<i64: 2, 16>, scalar_prefetch = 0 : i64, scratch_operands = 12 : i64, tpu.core_type = #tpu.core_type<sc_vector_subcore>, window_params = [{transform_indices = #map}, {transform_indices = #map}, {transform_indices = #map}, {transform_indices = #map}]} {
    %mul3A = arith.constant 2 : i32
    %mul3A_0 = arith.muli %arg1, %mul3A : i32
    %add3A = arith.addi %mul3A_0, %arg0 : i32
    %mul3A_1 = arith.constant 4 : i32
    %mul3A_2 = arith.muli %add3A, %mul3A_1 : i32
    %broadcast_in_dim3A = arith.constant 14 : i32
    %broadcast_in_dim3A_3 = vector.broadcast %broadcast_in_dim3A : i32 to vector<16xi32>
    %broadcast_in_dim3A_4 = arith.constant 16383 : i32
    %broadcast_in_dim3A_5 = vector.broadcast %broadcast_in_dim3A_4 : i32 to vector<16xi32>
    %add3A_6 = arith.constant 0 : i32
    %add3A_7 = arith.addi %mul3A_2, %add3A_6 : i32
    %mul3A_8 = arith.constant 10000 : i32
    %mul3A_9 = arith.muli %add3A_7, %mul3A_8 : i32
    %add3A_10 = arith.constant 1 : i32
    %add3A_11 = arith.addi %mul3A_2, %add3A_10 : i32
    %mul3A_12 = arith.constant 10000 : i32
    %mul3A_13 = arith.muli %add3A_11, %mul3A_12 : i32
    %add3A_14 = arith.constant 2 : i32
    %add3A_15 = arith.addi %mul3A_2, %add3A_14 : i32
    %mul3A_16 = arith.constant 10000 : i32
    %mul3A_17 = arith.muli %add3A_15, %mul3A_16 : i32
    %add3A_18 = arith.constant 3 : i32
    %add3A_19 = arith.addi %mul3A_2, %add3A_18 : i32
    %mul3A_20 = arith.constant 10000 : i32
    %mul3A_21 = arith.muli %add3A_19, %mul3A_20 : i32
    %dma_start3A = arith.constant 0 : i32
    %dma_start3A_22 = tpu.memref_slice %arg6[%dma_start3A] : memref<40032xf32, #tpu.memory_space<vmem>> -> memref<10000xf32, #tpu.memory_space<vmem>>
    %dma_start3A_23 = tpu.memref_slice %arg3[%mul3A_9] : memref<1280000xf32, #tpu.memory_space<hbm>> -> memref<10000xf32, #tpu.memory_space<hbm>>
    %dma_start3A_24 = tpu.memref_slice %arg6[%dma_start3A] : memref<40032xf32, #tpu.memory_space<vmem>> -> memref<10000xf32, #tpu.memory_space<vmem>>
    %dma_start3A_25 = tpu.memref_slice %arg3[%mul3A_9] : memref<1280000xf32, #tpu.memory_space<hbm>> -> memref<10000xf32, #tpu.memory_space<hbm>>
    tpu.enqueue_dma source(%dma_start3A_25 : memref<10000xf32, #tpu.memory_space<hbm>>) target(%dma_start3A_24 : memref<10000xf32, #tpu.memory_space<vmem>>) target_semaphore(%arg17 : memref<!tpu.dma_semaphore, #tpu.memory_space<semaphore_mem>>)
    %dma_start3A_26 = arith.constant 10008 : i32
    %dma_start3A_27 = tpu.memref_slice %arg6[%dma_start3A_26] : memref<40032xf32, #tpu.memory_space<vmem>> -> memref<10000xf32, #tpu.memory_space<vmem>>
    %dma_start3A_28 = tpu.memref_slice %arg3[%mul3A_13] : memref<1280000xf32, #tpu.memory_space<hbm>> -> memref<10000xf32, #tpu.memory_space<hbm>>
    %dma_start3A_29 = tpu.memref_slice %arg6[%dma_start3A_26] : memref<40032xf32, #tpu.memory_space<vmem>> -> memref<10000xf32, #tpu.memory_space<vmem>>
    %dma_start3A_30 = tpu.memref_slice %arg3[%mul3A_13] : memref<1280000xf32, #tpu.memory_space<hbm>> -> memref<10000xf32, #tpu.memory_space<hbm>>
    tpu.enqueue_dma source(%dma_start3A_30 : memref<10000xf32, #tpu.memory_space<hbm>>) target(%dma_start3A_29 : memref<10000xf32, #tpu.memory_space<vmem>>) target_semaphore(%arg17 : memref<!tpu.dma_semaphore, #tpu.memory_space<semaphore_mem>>)
    %dma_start3A_31 = arith.constant 20016 : i32
    %dma_start3A_32 = tpu.memref_slice %arg6[%dma_start3A_31] : memref<40032xf32, #tpu.memory_space<vmem>> -> memref<10000xf32, #tpu.memory_space<vmem>>
    %dma_start3A_33 = tpu.memref_slice %arg3[%mul3A_17] : memref<1280000xf32, #tpu.memory_space<hbm>> -> memref<10000xf32, #tpu.memory_space<hbm>>
    %dma_start3A_34 = tpu.memref_slice %arg6[%dma_start3A_31] : memref<40032xf32, #tpu.memory_space<vmem>> -> memref<10000xf32, #tpu.memory_space<vmem>>
    %dma_start3A_35 = tpu.memref_slice %arg3[%mul3A_17] : memref<1280000xf32, #tpu.memory_space<hbm>> -> memref<10000xf32, #tpu.memory_space<hbm>>
    tpu.enqueue_dma source(%dma_start3A_35 : memref<10000xf32, #tpu.memory_space<hbm>>) target(%dma_start3A_34 : memref<10000xf32, #tpu.memory_space<vmem>>) target_semaphore(%arg17 : memref<!tpu.dma_semaphore, #tpu.memory_space<semaphore_mem>>)
    %dma_start3A_36 = arith.constant 30024 : i32
    %dma_start3A_37 = tpu.memref_slice %arg6[%dma_start3A_36] : memref<40032xf32, #tpu.memory_space<vmem>> -> memref<10000xf32, #tpu.memory_space<vmem>>
    %dma_start3A_38 = tpu.memref_slice %arg3[%mul3A_21] : memref<1280000xf32, #tpu.memory_space<hbm>> -> memref<10000xf32, #tpu.memory_space<hbm>>
    %dma_start3A_39 = tpu.memref_slice %arg6[%dma_start3A_36] : memref<40032xf32, #tpu.memory_space<vmem>> -> memref<10000xf32, #tpu.memory_space<vmem>>
    %dma_start3A_40 = tpu.memref_slice %arg3[%mul3A_21] : memref<1280000xf32, #tpu.memory_space<hbm>> -> memref<10000xf32, #tpu.memory_space<hbm>>
    tpu.enqueue_dma source(%dma_start3A_40 : memref<10000xf32, #tpu.memory_space<hbm>>) target(%dma_start3A_39 : memref<10000xf32, #tpu.memory_space<vmem>>) target_semaphore(%arg17 : memref<!tpu.dma_semaphore, #tpu.memory_space<semaphore_mem>>)
    %while3A = arith.constant 0 : i64
    %while3A_41 = arith.constant 0 : i32
    %while3A_42 = arith.constant 160 : i32
    %while3A_43 = arith.subi %while3A_42, %while3A_41 : i32
    %while3A_44 = arith.addi %while3A_41, %while3A_43 : i32
    %while3A_45 = arith.constant 1 : i32
    %while3A_46 = arith.divsi %while3A_43, %while3A_45 : i32
    %while3A_47 = arith.muli %while3A_46, %while3A_45 : i32
    %while3A_48 = arith.addi %while3A_41, %while3A_47 : i32
    %while3A_49 = arith.constant 1 : i32
    scf.for %while3A_485 = %while3A_41 to %while3A_48 step %while3A_49  : i32 {
      %mul3A_486 = arith.constant 4 : i32
      %mul3A_487 = arith.muli %while3A_485, %mul3A_486 : i32
      %add3A_488 = arith.constant 0 : i32
      %add3A_489 = arith.addi %mul3A_487, %add3A_488 : i32
      %broadcast_in_dim3A_490 = arith.constant 0.000000e+00 : f32
      %broadcast_in_dim3A_491 = vector.broadcast %broadcast_in_dim3A_490 : f32 to vector<16xf32>
      %mul3A_492 = arith.constant 16 : i32
      %mul3A_493 = arith.muli %add3A_489, %mul3A_492 : i32
      %swap3A_494 = arith.index_cast %mul3A_493 : i32 to index
      %swap3A_495 = tpu.vector_load %arg8[%swap3A_494] {strides = array<i32>} : memref<10240xf32, #tpu.memory_space<vmem>>, vector<16xf32>,
      tpu.vector_store %arg8[%swap3A_494], %broadcast_in_dim3A_491 {strides = array<i32>} : memref<10240xf32, #tpu.memory_space<vmem>>, vector<16xf32>,
      %add3A_496 = arith.constant 1 : i32
      %add3A_497 = arith.addi %mul3A_487, %add3A_496 : i32
      %broadcast_in_dim3A_498 = arith.constant 0.000000e+00 : f32
      %broadcast_in_dim3A_499 = vector.broadcast %broadcast_in_dim3A_498 : f32 to vector<16xf32>
      %mul3A_500 = arith.constant 16 : i32
      %mul3A_501 = arith.muli %add3A_497, %mul3A_500 : i32
      %swap3A_502 = arith.index_cast %mul3A_501 : i32 to index
      %swap3A_503 = tpu.vector_load %arg8[%swap3A_502] {strides = array<i32>} : memref<10240xf32, #tpu.memory_space<vmem>>, vector<16xf32>,
      tpu.vector_store %arg8[%swap3A_502], %broadcast_in_dim3A_499 {strides = array<i32>} : memref<10240xf32, #tpu.memory_space<vmem>>, vector<16xf32>,
      %add3A_504 = arith.constant 2 : i32
      %add3A_505 = arith.addi %mul3A_487, %add3A_504 : i32
      %broadcast_in_dim3A_506 = arith.constant 0.000000e+00 : f32
      %broadcast_in_dim3A_507 = vector.broadcast %broadcast_in_dim3A_506 : f32 to vector<16xf32>
      %mul3A_508 = arith.constant 16 : i32
      %mul3A_509 = arith.muli %add3A_505, %mul3A_508 : i32
      %swap3A_510 = arith.index_cast %mul3A_509 : i32 to index
      %swap3A_511 = tpu.vector_load %arg8[%swap3A_510] {strides = array<i32>} : memref<10240xf32, #tpu.memory_space<vmem>>, vector<16xf32>,
      tpu.vector_store %arg8[%swap3A_510], %broadcast_in_dim3A_507 {strides = array<i32>} : memref<10240xf32, #tpu.memory_space<vmem>>, vector<16xf32>,
      %add3A_512 = arith.constant 3 : i32
      %add3A_513 = arith.addi %mul3A_487, %add3A_512 : i32
      %broadcast_in_dim3A_514 = arith.constant 0.000000e+00 : f32
      %broadcast_in_dim3A_515 = vector.broadcast %broadcast_in_dim3A_514 : f32 to vector<16xf32>
      %mul3A_516 = arith.constant 16 : i32
      %mul3A_517 = arith.muli %add3A_513, %mul3A_516 : i32
      %swap3A_518 = arith.index_cast %mul3A_517 : i32 to index
      %swap3A_519 = tpu.vector_load %arg8[%swap3A_518] {strides = array<i32>} : memref<10240xf32, #tpu.memory_space<vmem>>, vector<16xf32>,
      tpu.vector_store %arg8[%swap3A_518], %broadcast_in_dim3A_515 {strides = array<i32>} : memref<10240xf32, #tpu.memory_space<vmem>>, vector<16xf32>,
    }
    %while3A_50 = arith.constant 1 : i32
    scf.for %while3A_485 = %while3A_48 to %while3A_44 step %while3A_50  : i32 {
      %mul3A_486 = arith.constant 4 : i32
      %mul3A_487 = arith.muli %while3A_485, %mul3A_486 : i32
      %add3A_488 = arith.constant 0 : i32
      %add3A_489 = arith.addi %mul3A_487, %add3A_488 : i32
      %broadcast_in_dim3A_490 = arith.constant 0.000000e+00 : f32
      %broadcast_in_dim3A_491 = vector.broadcast %broadcast_in_dim3A_490 : f32 to vector<16xf32>
      %mul3A_492 = arith.constant 16 : i32
      %mul3A_493 = arith.muli %add3A_489, %mul3A_492 : i32
      %swap3A_494 = arith.index_cast %mul3A_493 : i32 to index
      %swap3A_495 = tpu.vector_load %arg8[%swap3A_494] {strides = array<i32>} : memref<10240xf32, #tpu.memory_space<vmem>>, vector<16xf32>,
      tpu.vector_store %arg8[%swap3A_494], %broadcast_in_dim3A_491 {strides = array<i32>} : memref<10240xf32, #tpu.memory_space<vmem>>, vector<16xf32>,
      %add3A_496 = arith.constant 1 : i32
      %add3A_497 = arith.addi %mul3A_487, %add3A_496 : i32
      %broadcast_in_dim3A_498 = arith.constant 0.000000e+00 : f32
      %broadcast_in_dim3A_499 = vector.broadcast %broadcast_in_dim3A_498 : f32 to vector<16xf32>
      %mul3A_500 = arith.constant 16 : i32
      %mul3A_501 = arith.muli %add3A_497, %mul3A_500 : i32
      %swap3A_502 = arith.index_cast %mul3A_501 : i32 to index
      %swap3A_503 = tpu.vector_load %arg8[%swap3A_502] {strides = array<i32>} : memref<10240xf32, #tpu.memory_space<vmem>>, vector<16xf32>,
      tpu.vector_store %arg8[%swap3A_502], %broadcast_in_dim3A_499 {strides = array<i32>} : memref<10240xf32, #tpu.memory_space<vmem>>, vector<16xf32>,
      %add3A_504 = arith.constant 2 : i32
      %add3A_505 = arith.addi %mul3A_487, %add3A_504 : i32
      %broadcast_in_dim3A_506 = arith.constant 0.000000e+00 : f32
      %broadcast_in_dim3A_507 = vector.broadcast %broadcast_in_dim3A_506 : f32 to vector<16xf32>
      %mul3A_508 = arith.constant 16 : i32
      %mul3A_509 = arith.muli %add3A_505, %mul3A_508 : i32
      %swap3A_510 = arith.index_cast %mul3A_509 : i32 to index
      %swap3A_511 = tpu.vector_load %arg8[%swap3A_510] {strides = array<i32>} : memref<10240xf32, #tpu.memory_space<vmem>>, vector<16xf32>,
      tpu.vector_store %arg8[%swap3A_510], %broadcast_in_dim3A_507 {strides = array<i32>} : memref<10240xf32, #tpu.memory_space<vmem>>, vector<16xf32>,
      %add3A_512 = arith.constant 3 : i32
      %add3A_513 = arith.addi %mul3A_487, %add3A_512 : i32
      %broadcast_in_dim3A_514 = arith.constant 0.000000e+00 : f32
      %broadcast_in_dim3A_515 = vector.broadcast %broadcast_in_dim3A_514 : f32 to vector<16xf32>
      %mul3A_516 = arith.constant 16 : i32
      %mul3A_517 = arith.muli %add3A_513, %mul3A_516 : i32
      %swap3A_518 = arith.index_cast %mul3A_517 : i32 to index
      %swap3A_519 = tpu.vector_load %arg8[%swap3A_518] {strides = array<i32>} : memref<10240xf32, #tpu.memory_space<vmem>>, vector<16xf32>,
      tpu.vector_store %arg8[%swap3A_518], %broadcast_in_dim3A_515 {strides = array<i32>} : memref<10240xf32, #tpu.memory_space<vmem>>, vector<16xf32>,
    }
    %while3A_51 = arith.constant 0 : i64
    %while3A_52 = arith.constant 0 : i32
    %while3A_53 = arith.constant 625 : i32
    %while3A_54 = arith.subi %while3A_53, %while3A_52 : i32
    %while3A_55 = arith.addi %while3A_52, %while3A_54 : i32
    %while3A_56 = arith.constant 1 : i32
    %while3A_57 = arith.divsi %while3A_54, %while3A_56 : i32
    %while3A_58 = arith.muli %while3A_57, %while3A_56 : i32
    %while3A_59 = arith.addi %while3A_52, %while3A_58 : i32
    %while3A_60 = arith.constant 1 : i32
    scf.for %while3A_485 = %while3A_52 to %while3A_59 step %while3A_60  : i32 {
      %mul3A_486 = arith.constant 4 : i32
      %mul3A_487 = arith.muli %while3A_485, %mul3A_486 : i32
      %add3A_488 = arith.constant 0 : i32
      %add3A_489 = arith.addi %mul3A_487, %add3A_488 : i32
      %broadcast_in_dim3A_490 = arith.constant 0.000000e+00 : f32
      %broadcast_in_dim3A_491 = vector.broadcast %broadcast_in_dim3A_490 : f32 to vector<16xf32>
      %mul3A_492 = arith.constant 16 : i32
      %mul3A_493 = arith.muli %add3A_489, %mul3A_492 : i32
      %swap3A_494 = arith.index_cast %mul3A_493 : i32 to index
      %swap3A_495 = tpu.vector_load %arg7[%swap3A_494] {strides = array<i32>} : memref<40032xf32, #tpu.memory_space<vmem>>, vector<16xf32>,
      tpu.vector_store %arg7[%swap3A_494], %broadcast_in_dim3A_491 {strides = array<i32>} : memref<40032xf32, #tpu.memory_space<vmem>>, vector<16xf32>,
      %add3A_496 = arith.constant 1 : i32
      %add3A_497 = arith.addi %mul3A_487, %add3A_496 : i32
      %broadcast_in_dim3A_498 = arith.constant 0.000000e+00 : f32
      %broadcast_in_dim3A_499 = vector.broadcast %broadcast_in_dim3A_498 : f32 to vector<16xf32>
      %mul3A_500 = arith.constant 16 : i32
      %mul3A_501 = arith.muli %add3A_497, %mul3A_500 : i32
      %swap3A_502 = arith.index_cast %mul3A_501 : i32 to index
      %swap3A_503 = tpu.vector_load %arg7[%swap3A_502] {strides = array<i32>} : memref<40032xf32, #tpu.memory_space<vmem>>, vector<16xf32>,
      tpu.vector_store %arg7[%swap3A_502], %broadcast_in_dim3A_499 {strides = array<i32>} : memref<40032xf32, #tpu.memory_space<vmem>>, vector<16xf32>,
      %add3A_504 = arith.constant 2 : i32
      %add3A_505 = arith.addi %mul3A_487, %add3A_504 : i32
      %broadcast_in_dim3A_506 = arith.constant 0.000000e+00 : f32
      %broadcast_in_dim3A_507 = vector.broadcast %broadcast_in_dim3A_506 : f32 to vector<16xf32>
      %mul3A_508 = arith.constant 16 : i32
      %mul3A_509 = arith.muli %add3A_505, %mul3A_508 : i32
      %swap3A_510 = arith.index_cast %mul3A_509 : i32 to index
      %swap3A_511 = tpu.vector_load %arg7[%swap3A_510] {strides = array<i32>} : memref<40032xf32, #tpu.memory_space<vmem>>, vector<16xf32>,
      tpu.vector_store %arg7[%swap3A_510], %broadcast_in_dim3A_507 {strides = array<i32>} : memref<40032xf32, #tpu.memory_space<vmem>>, vector<16xf32>,
      %add3A_512 = arith.constant 3 : i32
      %add3A_513 = arith.addi %mul3A_487, %add3A_512 : i32
      %broadcast_in_dim3A_514 = arith.constant 0.000000e+00 : f32
      %broadcast_in_dim3A_515 = vector.broadcast %broadcast_in_dim3A_514 : f32 to vector<16xf32>
      %mul3A_516 = arith.constant 16 : i32
      %mul3A_517 = arith.muli %add3A_513, %mul3A_516 : i32
      %swap3A_518 = arith.index_cast %mul3A_517 : i32 to index
      %swap3A_519 = tpu.vector_load %arg7[%swap3A_518] {strides = array<i32>} : memref<40032xf32, #tpu.memory_space<vmem>>, vector<16xf32>,
      tpu.vector_store %arg7[%swap3A_518], %broadcast_in_dim3A_515 {strides = array<i32>} : memref<40032xf32, #tpu.memory_space<vmem>>, vector<16xf32>,
    }
    %while3A_61 = arith.constant 1 : i32
    scf.for %while3A_485 = %while3A_59 to %while3A_55 step %while3A_61  : i32 {
      %mul3A_486 = arith.constant 4 : i32
      %mul3A_487 = arith.muli %while3A_485, %mul3A_486 : i32
      %add3A_488 = arith.constant 0 : i32
      %add3A_489 = arith.addi %mul3A_487, %add3A_488 : i32
      %broadcast_in_dim3A_490 = arith.constant 0.000000e+00 : f32
      %broadcast_in_dim3A_491 = vector.broadcast %broadcast_in_dim3A_490 : f32 to vector<16xf32>
      %mul3A_492 = arith.constant 16 : i32
      %mul3A_493 = arith.muli %add3A_489, %mul3A_492 : i32
      %swap3A_494 = arith.index_cast %mul3A_493 : i32 to index
      %swap3A_495 = tpu.vector_load %arg7[%swap3A_494] {strides = array<i32>} : memref<40032xf32, #tpu.memory_space<vmem>>, vector<16xf32>,
      tpu.vector_store %arg7[%swap3A_494], %broadcast_in_dim3A_491 {strides = array<i32>} : memref<40032xf32, #tpu.memory_space<vmem>>, vector<16xf32>,
      %add3A_496 = arith.constant 1 : i32
      %add3A_497 = arith.addi %mul3A_487, %add3A_496 : i32
      %broadcast_in_dim3A_498 = arith.constant 0.000000e+00 : f32
      %broadcast_in_dim3A_499 = vector.broadcast %broadcast_in_dim3A_498 : f32 to vector<16xf32>
      %mul3A_500 = arith.constant 16 : i32
      %mul3A_501 = arith.muli %add3A_497, %mul3A_500 : i32
      %swap3A_502 = arith.index_cast %mul3A_501 : i32 to index
      %swap3A_503 = tpu.vector_load %arg7[%swap3A_502] {strides = array<i32>} : memref<40032xf32, #tpu.memory_space<vmem>>, vector<16xf32>,
      tpu.vector_store %arg7[%swap3A_502], %broadcast_in_dim3A_499 {strides = array<i32>} : memref<40032xf32, #tpu.memory_space<vmem>>, vector<16xf32>,
      %add3A_504 = arith.constant 2 : i32
      %add3A_505 = arith.addi %mul3A_487, %add3A_504 : i32
      %broadcast_in_dim3A_506 = arith.constant 0.000000e+00 : f32
      %broadcast_in_dim3A_507 = vector.broadcast %broadcast_in_dim3A_506 : f32 to vector<16xf32>
      %mul3A_508 = arith.constant 16 : i32
      %mul3A_509 = arith.muli %add3A_505, %mul3A_508 : i32
      %swap3A_510 = arith.index_cast %mul3A_509 : i32 to index
      %swap3A_511 = tpu.vector_load %arg7[%swap3A_510] {strides = array<i32>} : memref<40032xf32, #tpu.memory_space<vmem>>, vector<16xf32>,
      tpu.vector_store %arg7[%swap3A_510], %broadcast_in_dim3A_507 {strides = array<i32>} : memref<40032xf32, #tpu.memory_space<vmem>>, vector<16xf32>,
      %add3A_512 = arith.constant 3 : i32
      %add3A_513 = arith.addi %mul3A_487, %add3A_512 : i32
      %broadcast_in_dim3A_514 = arith.constant 0.000000e+00 : f32
      %broadcast_in_dim3A_515 = vector.broadcast %broadcast_in_dim3A_514 : f32 to vector<16xf32>
      %mul3A_516 = arith.constant 16 : i32
      %mul3A_517 = arith.muli %add3A_513, %mul3A_516 : i32
      %swap3A_518 = arith.index_cast %mul3A_517 : i32 to index
      %swap3A_519 = tpu.vector_load %arg7[%swap3A_518] {strides = array<i32>} : memref<40032xf32, #tpu.memory_space<vmem>>, vector<16xf32>,
      tpu.vector_store %arg7[%swap3A_518], %broadcast_in_dim3A_515 {strides = array<i32>} : memref<40032xf32, #tpu.memory_space<vmem>>, vector<16xf32>,
    }
    %broadcast_in_dim3A_62 = arith.constant 0.000000e+00 : f32
    %broadcast_in_dim3A_63 = vector.broadcast %broadcast_in_dim3A_62 : f32 to vector<16xf32>
    %mul3A_64 = arith.constant 2500 : i32
    %mul3A_65 = arith.constant 16 : i32
    %mul3A_66 = arith.muli %mul3A_64, %mul3A_65 : i32
    %swap3A = arith.index_cast %mul3A_66 : i32 to index
    %swap3A_67 = tpu.vector_load %arg7[%swap3A] {strides = array<i32>} : memref<40032xf32, #tpu.memory_space<vmem>>, vector<16xf32>,
    tpu.vector_store %arg7[%swap3A], %broadcast_in_dim3A_63 {strides = array<i32>} : memref<40032xf32, #tpu.memory_space<vmem>>, vector<16xf32>,
    %broadcast_in_dim3A_68 = arith.constant 0.000000e+00 : f32
    %broadcast_in_dim3A_69 = vector.broadcast %broadcast_in_dim3A_68 : f32 to vector<16xf32>
    %mul3A_70 = arith.constant 2501 : i32
    %mul3A_71 = arith.constant 16 : i32
    %mul3A_72 = arith.muli %mul3A_70, %mul3A_71 : i32
    %swap3A_73 = arith.index_cast %mul3A_72 : i32 to index
    %swap3A_74 = tpu.vector_load %arg7[%swap3A_73] {strides = array<i32>} : memref<40032xf32, #tpu.memory_space<vmem>>, vector<16xf32>,
    tpu.vector_store %arg7[%swap3A_73], %broadcast_in_dim3A_69 {strides = array<i32>} : memref<40032xf32, #tpu.memory_space<vmem>>, vector<16xf32>,
    %iota3A = tpu.iota {dimensions = array<i32: 0>} : vector<16xi32>
    %broadcast_in_dim3A_75 = arith.constant 1 : i32
    %broadcast_in_dim3A_76 = vector.broadcast %broadcast_in_dim3A_75 : i32 to vector<16xi32>
    %shift_right_logical3A = arith.shrui %iota3A, %broadcast_in_dim3A_76 : vector<16xi32>
    %broadcast_in_dim3A_77 = arith.constant 8 : i32
    %broadcast_in_dim3A_78 = vector.broadcast %broadcast_in_dim3A_77 : i32 to vector<16xi32>
    %add3A_79 = arith.addi %shift_right_logical3A, %broadcast_in_dim3A_78 : vector<16xi32>
    %broadcast_in_dim3A_80 = arith.constant 1 : i32
    %broadcast_in_dim3A_81 = vector.broadcast %broadcast_in_dim3A_80 : i32 to vector<16xi32>
    %and3A = arith.andi %iota3A, %broadcast_in_dim3A_81 : vector<16xi32>
    %broadcast_in_dim3A_82 = arith.constant 10008 : i32
    %broadcast_in_dim3A_83 = vector.broadcast %broadcast_in_dim3A_82 : i32 to vector<16xi32>
    %mul3A_84 = arith.muli %and3A, %broadcast_in_dim3A_83 : vector<16xi32>
    %broadcast_in_dim3A_85 = arith.constant 20016 : i32
    %broadcast_in_dim3A_86 = vector.broadcast %broadcast_in_dim3A_85 : i32 to vector<16xi32>
    %add3A_87 = arith.addi %mul3A_84, %broadcast_in_dim3A_86 : vector<16xi32>
    %mul3A_88 = arith.constant 20000 : i32
    %mul3A_89 = arith.muli %arg1, %mul3A_88 : i32
    %mul3A_90 = arith.constant 0 : i32
    %mul3A_91 = arith.constant 4000 : i32
    %mul3A_92 = arith.muli %mul3A_90, %mul3A_91 : i32
    %add3A_93 = arith.addi %mul3A_89, %mul3A_92 : i32
    %dma_start3A_94 = tpu.memref_slice %arg2[%add3A_93] : memref<320000xi32, #tpu.memory_space<hbm>> -> memref<4000xi32, #tpu.memory_space<hbm>>
    %dma_start3A_95 = tpu.memref_slice %arg2[%add3A_93] : memref<320000xi32, #tpu.memory_space<hbm>> -> memref<4000xi32, #tpu.memory_space<hbm>>
    tpu.enqueue_dma source(%dma_start3A_95 : memref<4000xi32, #tpu.memory_space<hbm>>) target(%arg11 : memref<4000xi32, #tpu.memory_space<vmem>>) target_semaphore(%arg15 : memref<!tpu.dma_semaphore, #tpu.memory_space<semaphore_mem>>)
    %while3A_96 = arith.constant 0 : i64
    %while3A_97 = arith.constant 4 : i32
    %while3A_98 = arith.constant 0 : i32
    %while3A_99 = arith.constant 2 : i32
    %while3A_100 = arith.subi %while3A_99, %while3A_98 : i32
    %while3A_101 = arith.addi %while3A_98, %while3A_100 : i32
    %while3A_102 = arith.constant 1 : i32
    %while3A_103 = arith.divsi %while3A_100, %while3A_102 : i32
    %while3A_104 = arith.muli %while3A_103, %while3A_102 : i32
    %while3A_105 = arith.addi %while3A_98, %while3A_104 : i32
    %while3A_106 = arith.constant 1 : i32
    scf.for %while3A_485 = %while3A_98 to %while3A_105 step %while3A_106  : i32 {
      %mul3A_486 = arith.constant 1 : i32
      %mul3A_487 = arith.muli %while3A_485, %mul3A_486 : i32
      %add3A_488 = arith.constant 0 : i32
      %add3A_489 = arith.addi %mul3A_487, %add3A_488 : i32
      %mul3A_490 = arith.constant 2 : i32
      %mul3A_491 = arith.muli %add3A_489, %mul3A_490 : i32
      %add3A_492 = arith.constant 1 : i32
      %add3A_493 = arith.addi %mul3A_491, %add3A_492 : i32
      %min3A = arith.minsi %add3A_493, %while3A_97 : i32
      %mul3A_494 = arith.constant 4000 : i32
      %mul3A_495 = arith.muli %min3A, %mul3A_494 : i32
      %add3A_496 = arith.addi %mul3A_89, %mul3A_495 : i32
      %dma_start3A_497 = tpu.memref_slice %arg2[%add3A_496] : memref<320000xi32, #tpu.memory_space<hbm>> -> memref<4000xi32, #tpu.memory_space<hbm>>
      %dma_start3A_498 = tpu.memref_slice %arg2[%add3A_496] : memref<320000xi32, #tpu.memory_space<hbm>> -> memref<4000xi32, #tpu.memory_space<hbm>>
      tpu.enqueue_dma source(%dma_start3A_498 : memref<4000xi32, #tpu.memory_space<hbm>>) target(%arg12 : memref<4000xi32, #tpu.memory_space<vmem>>) target_semaphore(%arg16 : memref<!tpu.dma_semaphore, #tpu.memory_space<semaphore_mem>>)
      %dma_wait3A_499 = arith.constant 0 : i32
      %dma_wait3A_500 = tpu.memref_slice %arg2[%dma_wait3A_499] : memref<320000xi32, #tpu.memory_space<hbm>> -> memref<4000xi32, #tpu.memory_space<hbm>>
      %dma_wait3A_501 = tpu.memref_slice %arg2[%dma_wait3A_499] : memref<320000xi32, #tpu.memory_space<hbm>> -> memref<4000xi32, #tpu.memory_space<hbm>>
      tpu.wait_dma2 semaphore(%arg15 : memref<!tpu.dma_semaphore, #tpu.memory_space<semaphore_mem>>) src(%dma_wait3A_501 : memref<4000xi32, #tpu.memory_space<hbm>>) dst(%arg11 : memref<4000xi32, #tpu.memory_space<vmem>>)
      %parallel_loop3A_502 = arith.constant 0 : i32
      %parallel_loop3A_503 = arith.constant 250 : i32
      %parallel_loop3A_504 = arith.constant 1 : i32
      scf.for %parallel_loop3A_519 = %parallel_loop3A_502 to %parallel_loop3A_503 step %parallel_loop3A_504  : i32 {
        %parallel_loop3A_520 = arith.constant 16 : i32
        %parallel_loop3A_521 = arith.muli %parallel_loop3A_519, %parallel_loop3A_520 : i32
        %parallel_loop3A_522 = arith.index_cast %parallel_loop3A_521 : i32 to index
        %parallel_loop3A_523 = tpu.vector_load %arg11[%parallel_loop3A_522] {strides = array<i32>} : memref<4000xi32, #tpu.memory_space<vmem>>, vector<16xi32>,
        %parallel_loop3A_524 = arith.shrui %parallel_loop3A_523, %broadcast_in_dim3A_3 : vector<16xi32>
        %parallel_loop3A_525 = arith.andi %parallel_loop3A_523, %broadcast_in_dim3A_5 : vector<16xi32>
        %parallel_loop3A_526 = arith.cmpi ne, %parallel_loop3A_524, %parallel_loop3A_525 : vector<16xi32>
        %parallel_loop3A_527 = arith.constant 1.000000e+00 : f32
        %parallel_loop3A_528 = vector.broadcast %parallel_loop3A_527 : f32 to vector<16xf32>
        %parallel_loop3A_529 = arith.constant 0.000000e+00 : f32
        %parallel_loop3A_530 = vector.broadcast %parallel_loop3A_529 : f32 to vector<16xf32>
        %parallel_loop3A_531 = arith.select %parallel_loop3A_526, %parallel_loop3A_528, %parallel_loop3A_530 : vector<16xi1>, vector<16xf32>
        tpu.vector_store_idx %arg8[%parallel_loop3A_524], %parallel_loop3A_531 {add = true} : memref<10240xf32, #tpu.memory_space<vmem>>[vector<16xi32>], vector<16xf32>,
      } {sc.loop_unroll_factor = 5 : i64, sc.parallel_access}
      %add3A_505 = arith.constant 2 : i32
      %add3A_506 = arith.addi %mul3A_491, %add3A_505 : i32
      %min3A_507 = arith.minsi %add3A_506, %while3A_97 : i32
      %mul3A_508 = arith.constant 4000 : i32
      %mul3A_509 = arith.muli %min3A_507, %mul3A_508 : i32
      %add3A_510 = arith.addi %mul3A_89, %mul3A_509 : i32
      %dma_start3A_511 = tpu.memref_slice %arg2[%add3A_510] : memref<320000xi32, #tpu.memory_space<hbm>> -> memref<4000xi32, #tpu.memory_space<hbm>>
      %dma_start3A_512 = tpu.memref_slice %arg2[%add3A_510] : memref<320000xi32, #tpu.memory_space<hbm>> -> memref<4000xi32, #tpu.memory_space<hbm>>
      tpu.enqueue_dma source(%dma_start3A_512 : memref<4000xi32, #tpu.memory_space<hbm>>) target(%arg11 : memref<4000xi32, #tpu.memory_space<vmem>>) target_semaphore(%arg15 : memref<!tpu.dma_semaphore, #tpu.memory_space<semaphore_mem>>)
      %dma_wait3A_513 = arith.constant 0 : i32
      %dma_wait3A_514 = tpu.memref_slice %arg2[%dma_wait3A_513] : memref<320000xi32, #tpu.memory_space<hbm>> -> memref<4000xi32, #tpu.memory_space<hbm>>
      %dma_wait3A_515 = tpu.memref_slice %arg2[%dma_wait3A_513] : memref<320000xi32, #tpu.memory_space<hbm>> -> memref<4000xi32, #tpu.memory_space<hbm>>
      tpu.wait_dma2 semaphore(%arg16 : memref<!tpu.dma_semaphore, #tpu.memory_space<semaphore_mem>>) src(%dma_wait3A_515 : memref<4000xi32, #tpu.memory_space<hbm>>) dst(%arg12 : memref<4000xi32, #tpu.memory_space<vmem>>)
      %parallel_loop3A_516 = arith.constant 0 : i32
      %parallel_loop3A_517 = arith.constant 250 : i32
      %parallel_loop3A_518 = arith.constant 1 : i32
      scf.for %parallel_loop3A_519 = %parallel_loop3A_516 to %parallel_loop3A_517 step %parallel_loop3A_518  : i32 {
        %parallel_loop3A_520 = arith.constant 16 : i32
        %parallel_loop3A_521 = arith.muli %parallel_loop3A_519, %parallel_loop3A_520 : i32
        %parallel_loop3A_522 = arith.index_cast %parallel_loop3A_521 : i32 to index
        %parallel_loop3A_523 = tpu.vector_load %arg12[%parallel_loop3A_522] {strides = array<i32>} : memref<4000xi32, #tpu.memory_space<vmem>>, vector<16xi32>,
        %parallel_loop3A_524 = arith.shrui %parallel_loop3A_523, %broadcast_in_dim3A_3 : vector<16xi32>
        %parallel_loop3A_525 = arith.andi %parallel_loop3A_523, %broadcast_in_dim3A_5 : vector<16xi32>
        %parallel_loop3A_526 = arith.cmpi ne, %parallel_loop3A_524, %parallel_loop3A_525 : vector<16xi32>
        %parallel_loop3A_527 = arith.constant 1.000000e+00 : f32
        %parallel_loop3A_528 = vector.broadcast %parallel_loop3A_527 : f32 to vector<16xf32>
        %parallel_loop3A_529 = arith.constant 0.000000e+00 : f32
        %parallel_loop3A_530 = vector.broadcast %parallel_loop3A_529 : f32 to vector<16xf32>
        %parallel_loop3A_531 = arith.select %parallel_loop3A_526, %parallel_loop3A_528, %parallel_loop3A_530 : vector<16xi1>, vector<16xf32>
        tpu.vector_store_idx %arg8[%parallel_loop3A_524], %parallel_loop3A_531 {add = true} : memref<10240xf32, #tpu.memory_space<vmem>>[vector<16xi32>], vector<16xf32>,
      } {sc.loop_unroll_factor = 5 : i64, sc.parallel_access}
    }
    %while3A_107 = arith.constant 1 : i32
    scf.for %while3A_485 = %while3A_105 to %while3A_101 step %while3A_107  : i32 {
      %mul3A_486 = arith.constant 1 : i32
      %mul3A_487 = arith.muli %while3A_485, %mul3A_486 : i32
      %add3A_488 = arith.constant 0 : i32
      %add3A_489 = arith.addi %mul3A_487, %add3A_488 : i32
      %mul3A_490 = arith.constant 2 : i32
      %mul3A_491 = arith.muli %add3A_489, %mul3A_490 : i32
      %add3A_492 = arith.constant 1 : i32
      %add3A_493 = arith.addi %mul3A_491, %add3A_492 : i32
      %min3A = arith.minsi %add3A_493, %while3A_97 : i32
      %mul3A_494 = arith.constant 4000 : i32
      %mul3A_495 = arith.muli %min3A, %mul3A_494 : i32
      %add3A_496 = arith.addi %mul3A_89, %mul3A_495 : i32
      %dma_start3A_497 = tpu.memref_slice %arg2[%add3A_496] : memref<320000xi32, #tpu.memory_space<hbm>> -> memref<4000xi32, #tpu.memory_space<hbm>>
      %dma_start3A_498 = tpu.memref_slice %arg2[%add3A_496] : memref<320000xi32, #tpu.memory_space<hbm>> -> memref<4000xi32, #tpu.memory_space<hbm>>
      tpu.enqueue_dma source(%dma_start3A_498 : memref<4000xi32, #tpu.memory_space<hbm>>) target(%arg12 : memref<4000xi32, #tpu.memory_space<vmem>>) target_semaphore(%arg16 : memref<!tpu.dma_semaphore, #tpu.memory_space<semaphore_mem>>)
      %dma_wait3A_499 = arith.constant 0 : i32
      %dma_wait3A_500 = tpu.memref_slice %arg2[%dma_wait3A_499] : memref<320000xi32, #tpu.memory_space<hbm>> -> memref<4000xi32, #tpu.memory_space<hbm>>
      %dma_wait3A_501 = tpu.memref_slice %arg2[%dma_wait3A_499] : memref<320000xi32, #tpu.memory_space<hbm>> -> memref<4000xi32, #tpu.memory_space<hbm>>
      tpu.wait_dma2 semaphore(%arg15 : memref<!tpu.dma_semaphore, #tpu.memory_space<semaphore_mem>>) src(%dma_wait3A_501 : memref<4000xi32, #tpu.memory_space<hbm>>) dst(%arg11 : memref<4000xi32, #tpu.memory_space<vmem>>)
      %parallel_loop3A_502 = arith.constant 0 : i32
      %parallel_loop3A_503 = arith.constant 250 : i32
      %parallel_loop3A_504 = arith.constant 1 : i32
      scf.for %parallel_loop3A_519 = %parallel_loop3A_502 to %parallel_loop3A_503 step %parallel_loop3A_504  : i32 {
        %parallel_loop3A_520 = arith.constant 16 : i32
        %parallel_loop3A_521 = arith.muli %parallel_loop3A_519, %parallel_loop3A_520 : i32
        %parallel_loop3A_522 = arith.index_cast %parallel_loop3A_521 : i32 to index
        %parallel_loop3A_523 = tpu.vector_load %arg11[%parallel_loop3A_522] {strides = array<i32>} : memref<4000xi32, #tpu.memory_space<vmem>>, vector<16xi32>,
        %parallel_loop3A_524 = arith.shrui %parallel_loop3A_523, %broadcast_in_dim3A_3 : vector<16xi32>
        %parallel_loop3A_525 = arith.andi %parallel_loop3A_523, %broadcast_in_dim3A_5 : vector<16xi32>
        %parallel_loop3A_526 = arith.cmpi ne, %parallel_loop3A_524, %parallel_loop3A_525 : vector<16xi32>
        %parallel_loop3A_527 = arith.constant 1.000000e+00 : f32
        %parallel_loop3A_528 = vector.broadcast %parallel_loop3A_527 : f32 to vector<16xf32>
        %parallel_loop3A_529 = arith.constant 0.000000e+00 : f32
        %parallel_loop3A_530 = vector.broadcast %parallel_loop3A_529 : f32 to vector<16xf32>
        %parallel_loop3A_531 = arith.select %parallel_loop3A_526, %parallel_loop3A_528, %parallel_loop3A_530 : vector<16xi1>, vector<16xf32>
        tpu.vector_store_idx %arg8[%parallel_loop3A_524], %parallel_loop3A_531 {add = true} : memref<10240xf32, #tpu.memory_space<vmem>>[vector<16xi32>], vector<16xf32>,
      } {sc.loop_unroll_factor = 5 : i64, sc.parallel_access}
      %add3A_505 = arith.constant 2 : i32
      %add3A_506 = arith.addi %mul3A_491, %add3A_505 : i32
      %min3A_507 = arith.minsi %add3A_506, %while3A_97 : i32
      %mul3A_508 = arith.constant 4000 : i32
      %mul3A_509 = arith.muli %min3A_507, %mul3A_508 : i32
      %add3A_510 = arith.addi %mul3A_89, %mul3A_509 : i32
      %dma_start3A_511 = tpu.memref_slice %arg2[%add3A_510] : memref<320000xi32, #tpu.memory_space<hbm>> -> memref<4000xi32, #tpu.memory_space<hbm>>
      %dma_start3A_512 = tpu.memref_slice %arg2[%add3A_510] : memref<320000xi32, #tpu.memory_space<hbm>> -> memref<4000xi32, #tpu.memory_space<hbm>>
      tpu.enqueue_dma source(%dma_start3A_512 : memref<4000xi32, #tpu.memory_space<hbm>>) target(%arg11 : memref<4000xi32, #tpu.memory_space<vmem>>) target_semaphore(%arg15 : memref<!tpu.dma_semaphore, #tpu.memory_space<semaphore_mem>>)
      %dma_wait3A_513 = arith.constant 0 : i32
      %dma_wait3A_514 = tpu.memref_slice %arg2[%dma_wait3A_513] : memref<320000xi32, #tpu.memory_space<hbm>> -> memref<4000xi32, #tpu.memory_space<hbm>>
      %dma_wait3A_515 = tpu.memref_slice %arg2[%dma_wait3A_513] : memref<320000xi32, #tpu.memory_space<hbm>> -> memref<4000xi32, #tpu.memory_space<hbm>>
      tpu.wait_dma2 semaphore(%arg16 : memref<!tpu.dma_semaphore, #tpu.memory_space<semaphore_mem>>) src(%dma_wait3A_515 : memref<4000xi32, #tpu.memory_space<hbm>>) dst(%arg12 : memref<4000xi32, #tpu.memory_space<vmem>>)
      %parallel_loop3A_516 = arith.constant 0 : i32
      %parallel_loop3A_517 = arith.constant 250 : i32
      %parallel_loop3A_518 = arith.constant 1 : i32
      scf.for %parallel_loop3A_519 = %parallel_loop3A_516 to %parallel_loop3A_517 step %parallel_loop3A_518  : i32 {
        %parallel_loop3A_520 = arith.constant 16 : i32
        %parallel_loop3A_521 = arith.muli %parallel_loop3A_519, %parallel_loop3A_520 : i32
        %parallel_loop3A_522 = arith.index_cast %parallel_loop3A_521 : i32 to index
        %parallel_loop3A_523 = tpu.vector_load %arg12[%parallel_loop3A_522] {strides = array<i32>} : memref<4000xi32, #tpu.memory_space<vmem>>, vector<16xi32>,
        %parallel_loop3A_524 = arith.shrui %parallel_loop3A_523, %broadcast_in_dim3A_3 : vector<16xi32>
        %parallel_loop3A_525 = arith.andi %parallel_loop3A_523, %broadcast_in_dim3A_5 : vector<16xi32>
        %parallel_loop3A_526 = arith.cmpi ne, %parallel_loop3A_524, %parallel_loop3A_525 : vector<16xi32>
        %parallel_loop3A_527 = arith.constant 1.000000e+00 : f32
        %parallel_loop3A_528 = vector.broadcast %parallel_loop3A_527 : f32 to vector<16xf32>
        %parallel_loop3A_529 = arith.constant 0.000000e+00 : f32
        %parallel_loop3A_530 = vector.broadcast %parallel_loop3A_529 : f32 to vector<16xf32>
        %parallel_loop3A_531 = arith.select %parallel_loop3A_526, %parallel_loop3A_528, %parallel_loop3A_530 : vector<16xi1>, vector<16xf32>
        tpu.vector_store_idx %arg8[%parallel_loop3A_524], %parallel_loop3A_531 {add = true} : memref<10240xf32, #tpu.memory_space<vmem>>[vector<16xi32>], vector<16xf32>,
      } {sc.loop_unroll_factor = 5 : i64, sc.parallel_access}
    }
    %dma_wait3A = arith.constant 0 : i32
    %dma_wait3A_108 = tpu.memref_slice %arg2[%dma_wait3A] : memref<320000xi32, #tpu.memory_space<hbm>> -> memref<4000xi32, #tpu.memory_space<hbm>>
    %dma_wait3A_109 = tpu.memref_slice %arg2[%dma_wait3A] : memref<320000xi32, #tpu.memory_space<hbm>> -> memref<4000xi32, #tpu.memory_space<hbm>>
    tpu.wait_dma2 semaphore(%arg15 : memref<!tpu.dma_semaphore, #tpu.memory_space<semaphore_mem>>) src(%dma_wait3A_109 : memref<4000xi32, #tpu.memory_space<hbm>>) dst(%arg11 : memref<4000xi32, #tpu.memory_space<vmem>>)
    %parallel_loop3A = arith.constant 0 : i32
    %parallel_loop3A_110 = arith.constant 250 : i32
    %parallel_loop3A_111 = arith.constant 1 : i32
    scf.for %parallel_loop3A_485 = %parallel_loop3A to %parallel_loop3A_110 step %parallel_loop3A_111  : i32 {
      %parallel_loop3A_486 = arith.constant 16 : i32
      %parallel_loop3A_487 = arith.muli %parallel_loop3A_485, %parallel_loop3A_486 : i32
      %parallel_loop3A_488 = arith.index_cast %parallel_loop3A_487 : i32 to index
      %parallel_loop3A_489 = tpu.vector_load %arg11[%parallel_loop3A_488] {strides = array<i32>} : memref<4000xi32, #tpu.memory_space<vmem>>, vector<16xi32>,
      %parallel_loop3A_490 = arith.shrui %parallel_loop3A_489, %broadcast_in_dim3A_3 : vector<16xi32>
      %parallel_loop3A_491 = arith.andi %parallel_loop3A_489, %broadcast_in_dim3A_5 : vector<16xi32>
      %parallel_loop3A_492 = arith.cmpi ne, %parallel_loop3A_490, %parallel_loop3A_491 : vector<16xi32>
      %parallel_loop3A_493 = arith.constant 1.000000e+00 : f32
      %parallel_loop3A_494 = vector.broadcast %parallel_loop3A_493 : f32 to vector<16xf32>
      %parallel_loop3A_495 = arith.constant 0.000000e+00 : f32
      %parallel_loop3A_496 = vector.broadcast %parallel_loop3A_495 : f32 to vector<16xf32>
      %parallel_loop3A_497 = arith.select %parallel_loop3A_492, %parallel_loop3A_494, %parallel_loop3A_496 : vector<16xi1>, vector<16xf32>
      tpu.vector_store_idx %arg8[%parallel_loop3A_490], %parallel_loop3A_497 {add = true} : memref<10240xf32, #tpu.memory_space<vmem>>[vector<16xi32>], vector<16xf32>,
    } {sc.loop_unroll_factor = 5 : i64, sc.parallel_access}
    "tpu.region"() ({
      %run_scoped3A_485 = tpu.sem_alloc : memref<!tpu.dma_semaphore, #tpu.memory_space<semaphore_mem>>
      %dma_start3A_486 = arith.constant 0 : i32
      %dma_start3A_487 = tpu.memref_slice %arg13[%arg1, %dma_start3A_486] : memref<16x10240xf32, #tpu.memory_space<vmem_shared>> -> memref<1x10240xf32, #tpu.memory_space<vmem_shared>>
      %dma_start3A_488 = tpu.memref_squeeze %dma_start3A_487 : memref<1x10240xf32, #tpu.memory_space<vmem_shared>> -> memref<10240xf32, #tpu.memory_space<vmem_shared>>
      %dma_start3A_489 = arith.constant 0 : i32
      %dma_start3A_490 = tpu.memref_slice %arg13[%arg1, %dma_start3A_489] : memref<16x10240xf32, #tpu.memory_space<vmem_shared>> -> memref<1x10240xf32, #tpu.memory_space<vmem_shared>>
      %dma_start3A_491 = tpu.memref_squeeze %dma_start3A_490 : memref<1x10240xf32, #tpu.memory_space<vmem_shared>> -> memref<10240xf32, #tpu.memory_space<vmem_shared>>
      tpu.enqueue_dma source(%arg8 : memref<10240xf32, #tpu.memory_space<vmem>>) target(%dma_start3A_491 : memref<10240xf32, #tpu.memory_space<vmem_shared>>) target_semaphore(%run_scoped3A_485 : memref<!tpu.dma_semaphore, #tpu.memory_space<semaphore_mem>>)
      %dma_wait3A_492 = arith.constant 0 : i32
      %dma_wait3A_493 = tpu.memref_slice %arg13[%arg1, %dma_wait3A_492] : memref<16x10240xf32, #tpu.memory_space<vmem_shared>> -> memref<1x10240xf32, #tpu.memory_space<vmem_shared>>
      %dma_wait3A_494 = tpu.memref_squeeze %dma_wait3A_493 : memref<1x10240xf32, #tpu.memory_space<vmem_shared>> -> memref<10240xf32, #tpu.memory_space<vmem_shared>>
      %dma_wait3A_495 = arith.constant 0 : i32
      %dma_wait3A_496 = tpu.memref_slice %arg13[%arg1, %dma_wait3A_495] : memref<16x10240xf32, #tpu.memory_space<vmem_shared>> -> memref<1x10240xf32, #tpu.memory_space<vmem_shared>>
      %dma_wait3A_497 = tpu.memref_squeeze %dma_wait3A_496 : memref<1x10240xf32, #tpu.memory_space<vmem_shared>> -> memref<10240xf32, #tpu.memory_space<vmem_shared>>
      tpu.wait_dma2 semaphore(%run_scoped3A_485 : memref<!tpu.dma_semaphore, #tpu.memory_space<semaphore_mem>>) src(%arg8 : memref<10240xf32, #tpu.memory_space<vmem>>) dst(%dma_wait3A_497 : memref<10240xf32, #tpu.memory_space<vmem_shared>>)
      tpu.yield
    }) : () -> ()
    %barrier3A = arith.constant 0 : index
    tpu.barrier barrier_id(%barrier3A)
    %mul3A_112 = arith.constant 640 : i32
    %mul3A_113 = arith.muli %arg1, %mul3A_112 : i32
    "tpu.region"() ({
      %run_scoped3A_485 = tpu.sem_alloc : memref<!tpu.dma_semaphore, #tpu.memory_space<semaphore_mem>>
      %dma_start3A_486 = arith.constant 0 : i32
      %dma_start3A_487 = tpu.memref_slice %arg13[%dma_start3A_486, %mul3A_113] : memref<16x10240xf32, #tpu.memory_space<vmem_shared>> -> memref<16x640xf32, #tpu.memory_space<vmem_shared>>
      %dma_start3A_488 = arith.constant 0 : i32
      %dma_start3A_489 = tpu.memref_slice %arg13[%dma_start3A_488, %mul3A_113] : memref<16x10240xf32, #tpu.memory_space<vmem_shared>> -> memref<16x640xf32, #tpu.memory_space<vmem_shared>>
      tpu.enqueue_dma source(%dma_start3A_489 : memref<16x640xf32, #tpu.memory_space<vmem_shared>>) target(%arg10 : memref<16x640xf32, #tpu.memory_space<vmem>>) target_semaphore(%run_scoped3A_485 : memref<!tpu.dma_semaphore, #tpu.memory_space<semaphore_mem>>)
      %dma_wait3A_490 = arith.constant 0 : i32
      %dma_wait3A_491 = tpu.memref_slice %arg13[%dma_wait3A_490, %mul3A_113] : memref<16x10240xf32, #tpu.memory_space<vmem_shared>> -> memref<16x640xf32, #tpu.memory_space<vmem_shared>>
      %dma_wait3A_492 = arith.constant 0 : i32
      %dma_wait3A_493 = tpu.memref_slice %arg13[%dma_wait3A_492, %mul3A_113] : memref<16x10240xf32, #tpu.memory_space<vmem_shared>> -> memref<16x640xf32, #tpu.memory_space<vmem_shared>>
      tpu.wait_dma2 semaphore(%run_scoped3A_485 : memref<!tpu.dma_semaphore, #tpu.memory_space<semaphore_mem>>) src(%dma_wait3A_493 : memref<16x640xf32, #tpu.memory_space<vmem_shared>>) dst(%arg10 : memref<16x640xf32, #tpu.memory_space<vmem>>)
      tpu.yield
    }) : () -> ()
    %while3A_114 = arith.constant 0 : i64
    %while3A_115 = arith.constant 0 : i32
    %while3A_116 = arith.constant 40 : i32
    %while3A_117 = arith.subi %while3A_116, %while3A_115 : i32
    %while3A_118 = arith.addi %while3A_115, %while3A_117 : i32
    %while3A_119 = arith.constant 1 : i32
    %while3A_120 = arith.divsi %while3A_117, %while3A_119 : i32
    %while3A_121 = arith.muli %while3A_120, %while3A_119 : i32
    %while3A_122 = arith.addi %while3A_115, %while3A_121 : i32
    %while3A_123 = arith.constant 1 : i32
    scf.for %while3A_485 = %while3A_115 to %while3A_122 step %while3A_123  : i32 {
      %mul3A_486 = arith.constant 1 : i32
      %mul3A_487 = arith.muli %while3A_485, %mul3A_486 : i32
      %add3A_488 = arith.constant 0 : i32
      %add3A_489 = arith.addi %mul3A_487, %add3A_488 : i32
      %mul3A_490 = arith.constant 16 : i32
      %mul3A_491 = arith.muli %add3A_489, %mul3A_490 : i32
      %get3A_492 = arith.constant 0 : i32
      %get3A_493 = arith.index_cast %get3A_492 : i32 to index
      %get3A_494 = arith.index_cast %mul3A_491 : i32 to index
      %get3A_495 = tpu.vector_load %arg10[%get3A_493, %get3A_494] {strides = array<i32>} : memref<16x640xf32, #tpu.memory_space<vmem>>, vector<16xf32>,
      %get3A_496 = arith.constant 1 : i32
      %get3A_497 = arith.index_cast %get3A_496 : i32 to index
      %get3A_498 = arith.index_cast %mul3A_491 : i32 to index
      %get3A_499 = tpu.vector_load %arg10[%get3A_497, %get3A_498] {strides = array<i32>} : memref<16x640xf32, #tpu.memory_space<vmem>>, vector<16xf32>,
      %add3A_500 = arith.addf %get3A_495, %get3A_499 : vector<16xf32>
      %get3A_501 = arith.constant 2 : i32
      %get3A_502 = arith.index_cast %get3A_501 : i32 to index
      %get3A_503 = arith.index_cast %mul3A_491 : i32 to index
      %get3A_504 = tpu.vector_load %arg10[%get3A_502, %get3A_503] {strides = array<i32>} : memref<16x640xf32, #tpu.memory_space<vmem>>, vector<16xf32>,
      %add3A_505 = arith.addf %add3A_500, %get3A_504 : vector<16xf32>
      %get3A_506 = arith.constant 3 : i32
      %get3A_507 = arith.index_cast %get3A_506 : i32 to index
      %get3A_508 = arith.index_cast %mul3A_491 : i32 to index
      %get3A_509 = tpu.vector_load %arg10[%get3A_507, %get3A_508] {strides = array<i32>} : memref<16x640xf32, #tpu.memory_space<vmem>>, vector<16xf32>,
      %add3A_510 = arith.addf %add3A_505, %get3A_509 : vector<16xf32>
      %get3A_511 = arith.constant 4 : i32
      %get3A_512 = arith.index_cast %get3A_511 : i32 to index
      %get3A_513 = arith.index_cast %mul3A_491 : i32 to index
      %get3A_514 = tpu.vector_load %arg10[%get3A_512, %get3A_513] {strides = array<i32>} : memref<16x640xf32, #tpu.memory_space<vmem>>, vector<16xf32>,
      %add3A_515 = arith.addf %add3A_510, %get3A_514 : vector<16xf32>
      %get3A_516 = arith.constant 5 : i32
      %get3A_517 = arith.index_cast %get3A_516 : i32 to index
      %get3A_518 = arith.index_cast %mul3A_491 : i32 to index
      %get3A_519 = tpu.vector_load %arg10[%get3A_517, %get3A_518] {strides = array<i32>} : memref<16x640xf32, #tpu.memory_space<vmem>>, vector<16xf32>,
      %add3A_520 = arith.addf %add3A_515, %get3A_519 : vector<16xf32>
      %get3A_521 = arith.constant 6 : i32
      %get3A_522 = arith.index_cast %get3A_521 : i32 to index
      %get3A_523 = arith.index_cast %mul3A_491 : i32 to index
      %get3A_524 = tpu.vector_load %arg10[%get3A_522, %get3A_523] {strides = array<i32>} : memref<16x640xf32, #tpu.memory_space<vmem>>, vector<16xf32>,
      %add3A_525 = arith.addf %add3A_520, %get3A_524 : vector<16xf32>
      %get3A_526 = arith.constant 7 : i32
      %get3A_527 = arith.index_cast %get3A_526 : i32 to index
      %get3A_528 = arith.index_cast %mul3A_491 : i32 to index
      %get3A_529 = tpu.vector_load %arg10[%get3A_527, %get3A_528] {strides = array<i32>} : memref<16x640xf32, #tpu.memory_space<vmem>>, vector<16xf32>,
      %add3A_530 = arith.addf %add3A_525, %get3A_529 : vector<16xf32>
      %get3A_531 = arith.constant 8 : i32
      %get3A_532 = arith.index_cast %get3A_531 : i32 to index
      %get3A_533 = arith.index_cast %mul3A_491 : i32 to index
      %get3A_534 = tpu.vector_load %arg10[%get3A_532, %get3A_533] {strides = array<i32>} : memref<16x640xf32, #tpu.memory_space<vmem>>, vector<16xf32>,
      %add3A_535 = arith.addf %add3A_530, %get3A_534 : vector<16xf32>
      %get3A_536 = arith.constant 9 : i32
      %get3A_537 = arith.index_cast %get3A_536 : i32 to index
      %get3A_538 = arith.index_cast %mul3A_491 : i32 to index
      %get3A_539 = tpu.vector_load %arg10[%get3A_537, %get3A_538] {strides = array<i32>} : memref<16x640xf32, #tpu.memory_space<vmem>>, vector<16xf32>,
      %add3A_540 = arith.addf %add3A_535, %get3A_539 : vector<16xf32>
      %get3A_541 = arith.constant 10 : i32
      %get3A_542 = arith.index_cast %get3A_541 : i32 to index
      %get3A_543 = arith.index_cast %mul3A_491 : i32 to index
      %get3A_544 = tpu.vector_load %arg10[%get3A_542, %get3A_543] {strides = array<i32>} : memref<16x640xf32, #tpu.memory_space<vmem>>, vector<16xf32>,
      %add3A_545 = arith.addf %add3A_540, %get3A_544 : vector<16xf32>
      %get3A_546 = arith.constant 11 : i32
      %get3A_547 = arith.index_cast %get3A_546 : i32 to index
      %get3A_548 = arith.index_cast %mul3A_491 : i32 to index
      %get3A_549 = tpu.vector_load %arg10[%get3A_547, %get3A_548] {strides = array<i32>} : memref<16x640xf32, #tpu.memory_space<vmem>>, vector<16xf32>,
      %add3A_550 = arith.addf %add3A_545, %get3A_549 : vector<16xf32>
      %get3A_551 = arith.constant 12 : i32
      %get3A_552 = arith.index_cast %get3A_551 : i32 to index
      %get3A_553 = arith.index_cast %mul3A_491 : i32 to index
      %get3A_554 = tpu.vector_load %arg10[%get3A_552, %get3A_553] {strides = array<i32>} : memref<16x640xf32, #tpu.memory_space<vmem>>, vector<16xf32>,
      %add3A_555 = arith.addf %add3A_550, %get3A_554 : vector<16xf32>
      %get3A_556 = arith.constant 13 : i32
      %get3A_557 = arith.index_cast %get3A_556 : i32 to index
      %get3A_558 = arith.index_cast %mul3A_491 : i32 to index
      %get3A_559 = tpu.vector_load %arg10[%get3A_557, %get3A_558] {strides = array<i32>} : memref<16x640xf32, #tpu.memory_space<vmem>>, vector<16xf32>,
      %add3A_560 = arith.addf %add3A_555, %get3A_559 : vector<16xf32>
      %get3A_561 = arith.constant 14 : i32
      %get3A_562 = arith.index_cast %get3A_561 : i32 to index
      %get3A_563 = arith.index_cast %mul3A_491 : i32 to index
      %get3A_564 = tpu.vector_load %arg10[%get3A_562, %get3A_563] {strides = array<i32>} : memref<16x640xf32, #tpu.memory_space<vmem>>, vector<16xf32>,
      %add3A_565 = arith.addf %add3A_560, %get3A_564 : vector<16xf32>
      %get3A_566 = arith.constant 15 : i32
      %get3A_567 = arith.index_cast %get3A_566 : i32 to index
      %get3A_568 = arith.index_cast %mul3A_491 : i32 to index
      %get3A_569 = tpu.vector_load %arg10[%get3A_567, %get3A_568] {strides = array<i32>} : memref<16x640xf32, #tpu.memory_space<vmem>>, vector<16xf32>,
      %add3A_570 = arith.addf %add3A_565, %get3A_569 : vector<16xf32>
      %bitcast_convert_type3A = tpu.bitcast %add3A_570 : vector<16xf32> -> vector<16xi32>
      %broadcast_in_dim3A_571 = arith.constant 1597463007 : i32
      %broadcast_in_dim3A_572 = vector.broadcast %broadcast_in_dim3A_571 : i32 to vector<16xi32>
      %broadcast_in_dim3A_573 = arith.constant 1 : i32
      %broadcast_in_dim3A_574 = vector.broadcast %broadcast_in_dim3A_573 : i32 to vector<16xi32>
      %shift_right_arithmetic3A = arith.shrsi %bitcast_convert_type3A, %broadcast_in_dim3A_574 : vector<16xi32>
      %sub3A = arith.subi %broadcast_in_dim3A_572, %shift_right_arithmetic3A : vector<16xi32>
      %bitcast_convert_type3A_575 = tpu.bitcast %sub3A : vector<16xi32> -> vector<16xf32>
      %broadcast_in_dim3A_576 = arith.constant 1.500000e+00 : f32
      %broadcast_in_dim3A_577 = vector.broadcast %broadcast_in_dim3A_576 : f32 to vector<16xf32>
      %broadcast_in_dim3A_578 = arith.constant 5.000000e-01 : f32
      %broadcast_in_dim3A_579 = vector.broadcast %broadcast_in_dim3A_578 : f32 to vector<16xf32>
      %mul3A_580 = arith.mulf %broadcast_in_dim3A_579, %add3A_570 : vector<16xf32>
      %mul3A_581 = arith.mulf %mul3A_580, %bitcast_convert_type3A_575 : vector<16xf32>
      %mul3A_582 = arith.mulf %mul3A_581, %bitcast_convert_type3A_575 : vector<16xf32>
      %sub3A_583 = arith.subf %broadcast_in_dim3A_577, %mul3A_582 : vector<16xf32>
      %mul3A_584 = arith.mulf %bitcast_convert_type3A_575, %sub3A_583 : vector<16xf32>
      %broadcast_in_dim3A_585 = arith.constant 1.500000e+00 : f32
      %broadcast_in_dim3A_586 = vector.broadcast %broadcast_in_dim3A_585 : f32 to vector<16xf32>
      %broadcast_in_dim3A_587 = arith.constant 5.000000e-01 : f32
      %broadcast_in_dim3A_588 = vector.broadcast %broadcast_in_dim3A_587 : f32 to vector<16xf32>
      %mul3A_589 = arith.mulf %broadcast_in_dim3A_588, %add3A_570 : vector<16xf32>
      %mul3A_590 = arith.mulf %mul3A_589, %mul3A_584 : vector<16xf32>
      %mul3A_591 = arith.mulf %mul3A_590, %mul3A_584 : vector<16xf32>
      %sub3A_592 = arith.subf %broadcast_in_dim3A_586, %mul3A_591 : vector<16xf32>
      %mul3A_593 = arith.mulf %mul3A_584, %sub3A_592 : vector<16xf32>
      %broadcast_in_dim3A_594 = arith.constant 1.500000e+00 : f32
      %broadcast_in_dim3A_595 = vector.broadcast %broadcast_in_dim3A_594 : f32 to vector<16xf32>
      %broadcast_in_dim3A_596 = arith.constant 5.000000e-01 : f32
      %broadcast_in_dim3A_597 = vector.broadcast %broadcast_in_dim3A_596 : f32 to vector<16xf32>
      %mul3A_598 = arith.mulf %broadcast_in_dim3A_597, %add3A_570 : vector<16xf32>
      %mul3A_599 = arith.mulf %mul3A_598, %mul3A_593 : vector<16xf32>
      %mul3A_600 = arith.mulf %mul3A_599, %mul3A_593 : vector<16xf32>
      %sub3A_601 = arith.subf %broadcast_in_dim3A_595, %mul3A_600 : vector<16xf32>
      %mul3A_602 = arith.mulf %mul3A_593, %sub3A_601 : vector<16xf32>
      %broadcast_in_dim3A_603 = arith.constant 5.000000e-01 : f32
      %broadcast_in_dim3A_604 = vector.broadcast %broadcast_in_dim3A_603 : f32 to vector<16xf32>
      %gt3A = arith.cmpf ogt, %add3A_570, %broadcast_in_dim3A_604 : vector<16xf32>
      %broadcast_in_dim3A_605 = arith.constant 0.000000e+00 : f32
      %broadcast_in_dim3A_606 = vector.broadcast %broadcast_in_dim3A_605 : f32 to vector<16xf32>
      %select_n3A = arith.select %gt3A, %mul3A_602, %broadcast_in_dim3A_606 : vector<16xi1>, vector<16xf32>
      %swap3A_607 = arith.index_cast %mul3A_491 : i32 to index
      %swap3A_608 = tpu.vector_load %arg8[%swap3A_607] {strides = array<i32>} : memref<10240xf32, #tpu.memory_space<vmem>>, vector<16xf32>,
      tpu.vector_store %arg8[%swap3A_607], %select_n3A {strides = array<i32>} : memref<10240xf32, #tpu.memory_space<vmem>>, vector<16xf32>,
    }
    %while3A_124 = arith.constant 1 : i32
    scf.for %while3A_485 = %while3A_122 to %while3A_118 step %while3A_124  : i32 {
      %mul3A_486 = arith.constant 1 : i32
      %mul3A_487 = arith.muli %while3A_485, %mul3A_486 : i32
      %add3A_488 = arith.constant 0 : i32
      %add3A_489 = arith.addi %mul3A_487, %add3A_488 : i32
      %mul3A_490 = arith.constant 16 : i32
      %mul3A_491 = arith.muli %add3A_489, %mul3A_490 : i32
      %get3A_492 = arith.constant 0 : i32
      %get3A_493 = arith.index_cast %get3A_492 : i32 to index
      %get3A_494 = arith.index_cast %mul3A_491 : i32 to index
      %get3A_495 = tpu.vector_load %arg10[%get3A_493, %get3A_494] {strides = array<i32>} : memref<16x640xf32, #tpu.memory_space<vmem>>, vector<16xf32>,
      %get3A_496 = arith.constant 1 : i32
      %get3A_497 = arith.index_cast %get3A_496 : i32 to index
      %get3A_498 = arith.index_cast %mul3A_491 : i32 to index
      %get3A_499 = tpu.vector_load %arg10[%get3A_497, %get3A_498] {strides = array<i32>} : memref<16x640xf32, #tpu.memory_space<vmem>>, vector<16xf32>,
      %add3A_500 = arith.addf %get3A_495, %get3A_499 : vector<16xf32>
      %get3A_501 = arith.constant 2 : i32
      %get3A_502 = arith.index_cast %get3A_501 : i32 to index
      %get3A_503 = arith.index_cast %mul3A_491 : i32 to index
      %get3A_504 = tpu.vector_load %arg10[%get3A_502, %get3A_503] {strides = array<i32>} : memref<16x640xf32, #tpu.memory_space<vmem>>, vector<16xf32>,
      %add3A_505 = arith.addf %add3A_500, %get3A_504 : vector<16xf32>
      %get3A_506 = arith.constant 3 : i32
      %get3A_507 = arith.index_cast %get3A_506 : i32 to index
      %get3A_508 = arith.index_cast %mul3A_491 : i32 to index
      %get3A_509 = tpu.vector_load %arg10[%get3A_507, %get3A_508] {strides = array<i32>} : memref<16x640xf32, #tpu.memory_space<vmem>>, vector<16xf32>,
      %add3A_510 = arith.addf %add3A_505, %get3A_509 : vector<16xf32>
      %get3A_511 = arith.constant 4 : i32
      %get3A_512 = arith.index_cast %get3A_511 : i32 to index
      %get3A_513 = arith.index_cast %mul3A_491 : i32 to index
      %get3A_514 = tpu.vector_load %arg10[%get3A_512, %get3A_513] {strides = array<i32>} : memref<16x640xf32, #tpu.memory_space<vmem>>, vector<16xf32>,
      %add3A_515 = arith.addf %add3A_510, %get3A_514 : vector<16xf32>
      %get3A_516 = arith.constant 5 : i32
      %get3A_517 = arith.index_cast %get3A_516 : i32 to index
      %get3A_518 = arith.index_cast %mul3A_491 : i32 to index
      %get3A_519 = tpu.vector_load %arg10[%get3A_517, %get3A_518] {strides = array<i32>} : memref<16x640xf32, #tpu.memory_space<vmem>>, vector<16xf32>,
      %add3A_520 = arith.addf %add3A_515, %get3A_519 : vector<16xf32>
      %get3A_521 = arith.constant 6 : i32
      %get3A_522 = arith.index_cast %get3A_521 : i32 to index
      %get3A_523 = arith.index_cast %mul3A_491 : i32 to index
      %get3A_524 = tpu.vector_load %arg10[%get3A_522, %get3A_523] {strides = array<i32>} : memref<16x640xf32, #tpu.memory_space<vmem>>, vector<16xf32>,
      %add3A_525 = arith.addf %add3A_520, %get3A_524 : vector<16xf32>
      %get3A_526 = arith.constant 7 : i32
      %get3A_527 = arith.index_cast %get3A_526 : i32 to index
      %get3A_528 = arith.index_cast %mul3A_491 : i32 to index
      %get3A_529 = tpu.vector_load %arg10[%get3A_527, %get3A_528] {strides = array<i32>} : memref<16x640xf32, #tpu.memory_space<vmem>>, vector<16xf32>,
      %add3A_530 = arith.addf %add3A_525, %get3A_529 : vector<16xf32>
      %get3A_531 = arith.constant 8 : i32
      %get3A_532 = arith.index_cast %get3A_531 : i32 to index
      %get3A_533 = arith.index_cast %mul3A_491 : i32 to index
      %get3A_534 = tpu.vector_load %arg10[%get3A_532, %get3A_533] {strides = array<i32>} : memref<16x640xf32, #tpu.memory_space<vmem>>, vector<16xf32>,
      %add3A_535 = arith.addf %add3A_530, %get3A_534 : vector<16xf32>
      %get3A_536 = arith.constant 9 : i32
      %get3A_537 = arith.index_cast %get3A_536 : i32 to index
      %get3A_538 = arith.index_cast %mul3A_491 : i32 to index
      %get3A_539 = tpu.vector_load %arg10[%get3A_537, %get3A_538] {strides = array<i32>} : memref<16x640xf32, #tpu.memory_space<vmem>>, vector<16xf32>,
      %add3A_540 = arith.addf %add3A_535, %get3A_539 : vector<16xf32>
      %get3A_541 = arith.constant 10 : i32
      %get3A_542 = arith.index_cast %get3A_541 : i32 to index
      %get3A_543 = arith.index_cast %mul3A_491 : i32 to index
      %get3A_544 = tpu.vector_load %arg10[%get3A_542, %get3A_543] {strides = array<i32>} : memref<16x640xf32, #tpu.memory_space<vmem>>, vector<16xf32>,
      %add3A_545 = arith.addf %add3A_540, %get3A_544 : vector<16xf32>
      %get3A_546 = arith.constant 11 : i32
      %get3A_547 = arith.index_cast %get3A_546 : i32 to index
      %get3A_548 = arith.index_cast %mul3A_491 : i32 to index
      %get3A_549 = tpu.vector_load %arg10[%get3A_547, %get3A_548] {strides = array<i32>} : memref<16x640xf32, #tpu.memory_space<vmem>>, vector<16xf32>,
      %add3A_550 = arith.addf %add3A_545, %get3A_549 : vector<16xf32>
      %get3A_551 = arith.constant 12 : i32
      %get3A_552 = arith.index_cast %get3A_551 : i32 to index
      %get3A_553 = arith.index_cast %mul3A_491 : i32 to index
      %get3A_554 = tpu.vector_load %arg10[%get3A_552, %get3A_553] {strides = array<i32>} : memref<16x640xf32, #tpu.memory_space<vmem>>, vector<16xf32>,
      %add3A_555 = arith.addf %add3A_550, %get3A_554 : vector<16xf32>
      %get3A_556 = arith.constant 13 : i32
      %get3A_557 = arith.index_cast %get3A_556 : i32 to index
      %get3A_558 = arith.index_cast %mul3A_491 : i32 to index
      %get3A_559 = tpu.vector_load %arg10[%get3A_557, %get3A_558] {strides = array<i32>} : memref<16x640xf32, #tpu.memory_space<vmem>>, vector<16xf32>,
      %add3A_560 = arith.addf %add3A_555, %get3A_559 : vector<16xf32>
      %get3A_561 = arith.constant 14 : i32
      %get3A_562 = arith.index_cast %get3A_561 : i32 to index
      %get3A_563 = arith.index_cast %mul3A_491 : i32 to index
      %get3A_564 = tpu.vector_load %arg10[%get3A_562, %get3A_563] {strides = array<i32>} : memref<16x640xf32, #tpu.memory_space<vmem>>, vector<16xf32>,
      %add3A_565 = arith.addf %add3A_560, %get3A_564 : vector<16xf32>
      %get3A_566 = arith.constant 15 : i32
      %get3A_567 = arith.index_cast %get3A_566 : i32 to index
      %get3A_568 = arith.index_cast %mul3A_491 : i32 to index
      %get3A_569 = tpu.vector_load %arg10[%get3A_567, %get3A_568] {strides = array<i32>} : memref<16x640xf32, #tpu.memory_space<vmem>>, vector<16xf32>,
      %add3A_570 = arith.addf %add3A_565, %get3A_569 : vector<16xf32>
      %bitcast_convert_type3A = tpu.bitcast %add3A_570 : vector<16xf32> -> vector<16xi32>
      %broadcast_in_dim3A_571 = arith.constant 1597463007 : i32
      %broadcast_in_dim3A_572 = vector.broadcast %broadcast_in_dim3A_571 : i32 to vector<16xi32>
      %broadcast_in_dim3A_573 = arith.constant 1 : i32
      %broadcast_in_dim3A_574 = vector.broadcast %broadcast_in_dim3A_573 : i32 to vector<16xi32>
      %shift_right_arithmetic3A = arith.shrsi %bitcast_convert_type3A, %broadcast_in_dim3A_574 : vector<16xi32>
      %sub3A = arith.subi %broadcast_in_dim3A_572, %shift_right_arithmetic3A : vector<16xi32>
      %bitcast_convert_type3A_575 = tpu.bitcast %sub3A : vector<16xi32> -> vector<16xf32>
      %broadcast_in_dim3A_576 = arith.constant 1.500000e+00 : f32
      %broadcast_in_dim3A_577 = vector.broadcast %broadcast_in_dim3A_576 : f32 to vector<16xf32>
      %broadcast_in_dim3A_578 = arith.constant 5.000000e-01 : f32
      %broadcast_in_dim3A_579 = vector.broadcast %broadcast_in_dim3A_578 : f32 to vector<16xf32>
      %mul3A_580 = arith.mulf %broadcast_in_dim3A_579, %add3A_570 : vector<16xf32>
      %mul3A_581 = arith.mulf %mul3A_580, %bitcast_convert_type3A_575 : vector<16xf32>
      %mul3A_582 = arith.mulf %mul3A_581, %bitcast_convert_type3A_575 : vector<16xf32>
      %sub3A_583 = arith.subf %broadcast_in_dim3A_577, %mul3A_582 : vector<16xf32>
      %mul3A_584 = arith.mulf %bitcast_convert_type3A_575, %sub3A_583 : vector<16xf32>
      %broadcast_in_dim3A_585 = arith.constant 1.500000e+00 : f32
      %broadcast_in_dim3A_586 = vector.broadcast %broadcast_in_dim3A_585 : f32 to vector<16xf32>
      %broadcast_in_dim3A_587 = arith.constant 5.000000e-01 : f32
      %broadcast_in_dim3A_588 = vector.broadcast %broadcast_in_dim3A_587 : f32 to vector<16xf32>
      %mul3A_589 = arith.mulf %broadcast_in_dim3A_588, %add3A_570 : vector<16xf32>
      %mul3A_590 = arith.mulf %mul3A_589, %mul3A_584 : vector<16xf32>
      %mul3A_591 = arith.mulf %mul3A_590, %mul3A_584 : vector<16xf32>
      %sub3A_592 = arith.subf %broadcast_in_dim3A_586, %mul3A_591 : vector<16xf32>
      %mul3A_593 = arith.mulf %mul3A_584, %sub3A_592 : vector<16xf32>
      %broadcast_in_dim3A_594 = arith.constant 1.500000e+00 : f32
      %broadcast_in_dim3A_595 = vector.broadcast %broadcast_in_dim3A_594 : f32 to vector<16xf32>
      %broadcast_in_dim3A_596 = arith.constant 5.000000e-01 : f32
      %broadcast_in_dim3A_597 = vector.broadcast %broadcast_in_dim3A_596 : f32 to vector<16xf32>
      %mul3A_598 = arith.mulf %broadcast_in_dim3A_597, %add3A_570 : vector<16xf32>
      %mul3A_599 = arith.mulf %mul3A_598, %mul3A_593 : vector<16xf32>
      %mul3A_600 = arith.mulf %mul3A_599, %mul3A_593 : vector<16xf32>
      %sub3A_601 = arith.subf %broadcast_in_dim3A_595, %mul3A_600 : vector<16xf32>
      %mul3A_602 = arith.mulf %mul3A_593, %sub3A_601 : vector<16xf32>
      %broadcast_in_dim3A_603 = arith.constant 5.000000e-01 : f32
      %broadcast_in_dim3A_604 = vector.broadcast %broadcast_in_dim3A_603 : f32 to vector<16xf32>
      %gt3A = arith.cmpf ogt, %add3A_570, %broadcast_in_dim3A_604 : vector<16xf32>
      %broadcast_in_dim3A_605 = arith.constant 0.000000e+00 : f32
      %broadcast_in_dim3A_606 = vector.broadcast %broadcast_in_dim3A_605 : f32 to vector<16xf32>
      %select_n3A = arith.select %gt3A, %mul3A_602, %broadcast_in_dim3A_606 : vector<16xi1>, vector<16xf32>
      %swap3A_607 = arith.index_cast %mul3A_491 : i32 to index
      %swap3A_608 = tpu.vector_load %arg8[%swap3A_607] {strides = array<i32>} : memref<10240xf32, #tpu.memory_space<vmem>>, vector<16xf32>,
      tpu.vector_store %arg8[%swap3A_607], %select_n3A {strides = array<i32>} : memref<10240xf32, #tpu.memory_space<vmem>>, vector<16xf32>,
    }
    %run_scoped3A = arith.constant 0 : i32
    "tpu.region"() ({
      %run_scoped3A_485 = tpu.sem_alloc : memref<!tpu.dma_semaphore, #tpu.memory_space<semaphore_mem>>
      %dma_start3A_486 = tpu.memref_slice %arg8[%run_scoped3A] : memref<10240xf32, #tpu.memory_space<vmem>> -> memref<640xf32, #tpu.memory_space<vmem>>
      %dma_start3A_487 = tpu.memref_slice %arg14[%mul3A_113] : memref<10240xf32, #tpu.memory_space<vmem_shared>> -> memref<640xf32, #tpu.memory_space<vmem_shared>>
      %dma_start3A_488 = tpu.memref_slice %arg14[%mul3A_113] : memref<10240xf32, #tpu.memory_space<vmem_shared>> -> memref<640xf32, #tpu.memory_space<vmem_shared>>
      %dma_start3A_489 = tpu.memref_slice %arg8[%run_scoped3A] : memref<10240xf32, #tpu.memory_space<vmem>> -> memref<640xf32, #tpu.memory_space<vmem>>
      tpu.enqueue_dma source(%dma_start3A_489 : memref<640xf32, #tpu.memory_space<vmem>>) target(%dma_start3A_488 : memref<640xf32, #tpu.memory_space<vmem_shared>>) target_semaphore(%run_scoped3A_485 : memref<!tpu.dma_semaphore, #tpu.memory_space<semaphore_mem>>)
      %dma_wait3A_490 = tpu.memref_slice %arg8[%run_scoped3A] : memref<10240xf32, #tpu.memory_space<vmem>> -> memref<640xf32, #tpu.memory_space<vmem>>
      %dma_wait3A_491 = tpu.memref_slice %arg14[%mul3A_113] : memref<10240xf32, #tpu.memory_space<vmem_shared>> -> memref<640xf32, #tpu.memory_space<vmem_shared>>
      %dma_wait3A_492 = tpu.memref_slice %arg14[%mul3A_113] : memref<10240xf32, #tpu.memory_space<vmem_shared>> -> memref<640xf32, #tpu.memory_space<vmem_shared>>
      %dma_wait3A_493 = tpu.memref_slice %arg8[%run_scoped3A] : memref<10240xf32, #tpu.memory_space<vmem>> -> memref<640xf32, #tpu.memory_space<vmem>>
      tpu.wait_dma2 semaphore(%run_scoped3A_485 : memref<!tpu.dma_semaphore, #tpu.memory_space<semaphore_mem>>) src(%dma_wait3A_493 : memref<640xf32, #tpu.memory_space<vmem>>) dst(%dma_wait3A_492 : memref<640xf32, #tpu.memory_space<vmem_shared>>)
      tpu.yield
    }) : () -> ()
    %barrier3A_125 = arith.constant 0 : index
    tpu.barrier barrier_id(%barrier3A_125)
    "tpu.region"() ({
      %run_scoped3A_485 = tpu.sem_alloc : memref<!tpu.dma_semaphore, #tpu.memory_space<semaphore_mem>>
      tpu.enqueue_dma source(%arg14 : memref<10240xf32, #tpu.memory_space<vmem_shared>>) target(%arg9 : memref<10240xf32, #tpu.memory_space<vmem>>) target_semaphore(%run_scoped3A_485 : memref<!tpu.dma_semaphore, #tpu.memory_space<semaphore_mem>>)
      tpu.wait_dma2 semaphore(%run_scoped3A_485 : memref<!tpu.dma_semaphore, #tpu.memory_space<semaphore_mem>>) src(%arg14 : memref<10240xf32, #tpu.memory_space<vmem_shared>>) dst(%arg9 : memref<10240xf32, #tpu.memory_space<vmem>>)
      tpu.yield
    }) : () -> ()
    %dma_wait3A_126 = arith.constant 0 : i32
    %dma_wait3A_127 = tpu.memref_slice %arg6[%dma_wait3A_126] : memref<40032xf32, #tpu.memory_space<vmem>> -> memref<10000xf32, #tpu.memory_space<vmem>>
    %dma_wait3A_128 = tpu.memref_slice %arg3[%mul3A_9] : memref<1280000xf32, #tpu.memory_space<hbm>> -> memref<10000xf32, #tpu.memory_space<hbm>>
    %dma_wait3A_129 = tpu.memref_slice %arg6[%dma_wait3A_126] : memref<40032xf32, #tpu.memory_space<vmem>> -> memref<10000xf32, #tpu.memory_space<vmem>>
    %dma_wait3A_130 = tpu.memref_slice %arg3[%mul3A_9] : memref<1280000xf32, #tpu.memory_space<hbm>> -> memref<10000xf32, #tpu.memory_space<hbm>>
    tpu.wait_dma2 semaphore(%arg17 : memref<!tpu.dma_semaphore, #tpu.memory_space<semaphore_mem>>) src(%dma_wait3A_130 : memref<10000xf32, #tpu.memory_space<hbm>>) dst(%dma_wait3A_129 : memref<10000xf32, #tpu.memory_space<vmem>>)
    %dma_wait3A_131 = arith.constant 10008 : i32
    %dma_wait3A_132 = tpu.memref_slice %arg6[%dma_wait3A_131] : memref<40032xf32, #tpu.memory_space<vmem>> -> memref<10000xf32, #tpu.memory_space<vmem>>
    %dma_wait3A_133 = tpu.memref_slice %arg3[%mul3A_13] : memref<1280000xf32, #tpu.memory_space<hbm>> -> memref<10000xf32, #tpu.memory_space<hbm>>
    %dma_wait3A_134 = tpu.memref_slice %arg6[%dma_wait3A_131] : memref<40032xf32, #tpu.memory_space<vmem>> -> memref<10000xf32, #tpu.memory_space<vmem>>
    %dma_wait3A_135 = tpu.memref_slice %arg3[%mul3A_13] : memref<1280000xf32, #tpu.memory_space<hbm>> -> memref<10000xf32, #tpu.memory_space<hbm>>
    tpu.wait_dma2 semaphore(%arg17 : memref<!tpu.dma_semaphore, #tpu.memory_space<semaphore_mem>>) src(%dma_wait3A_135 : memref<10000xf32, #tpu.memory_space<hbm>>) dst(%dma_wait3A_134 : memref<10000xf32, #tpu.memory_space<vmem>>)
    %dma_wait3A_136 = arith.constant 20016 : i32
    %dma_wait3A_137 = tpu.memref_slice %arg6[%dma_wait3A_136] : memref<40032xf32, #tpu.memory_space<vmem>> -> memref<10000xf32, #tpu.memory_space<vmem>>
    %dma_wait3A_138 = tpu.memref_slice %arg3[%mul3A_17] : memref<1280000xf32, #tpu.memory_space<hbm>> -> memref<10000xf32, #tpu.memory_space<hbm>>
    %dma_wait3A_139 = tpu.memref_slice %arg6[%dma_wait3A_136] : memref<40032xf32, #tpu.memory_space<vmem>> -> memref<10000xf32, #tpu.memory_space<vmem>>
    %dma_wait3A_140 = tpu.memref_slice %arg3[%mul3A_17] : memref<1280000xf32, #tpu.memory_space<hbm>> -> memref<10000xf32, #tpu.memory_space<hbm>>
    tpu.wait_dma2 semaphore(%arg17 : memref<!tpu.dma_semaphore, #tpu.memory_space<semaphore_mem>>) src(%dma_wait3A_140 : memref<10000xf32, #tpu.memory_space<hbm>>) dst(%dma_wait3A_139 : memref<10000xf32, #tpu.memory_space<vmem>>)
    %dma_wait3A_141 = arith.constant 30024 : i32
    %dma_wait3A_142 = tpu.memref_slice %arg6[%dma_wait3A_141] : memref<40032xf32, #tpu.memory_space<vmem>> -> memref<10000xf32, #tpu.memory_space<vmem>>
    %dma_wait3A_143 = tpu.memref_slice %arg3[%mul3A_21] : memref<1280000xf32, #tpu.memory_space<hbm>> -> memref<10000xf32, #tpu.memory_space<hbm>>
    %dma_wait3A_144 = tpu.memref_slice %arg6[%dma_wait3A_141] : memref<40032xf32, #tpu.memory_space<vmem>> -> memref<10000xf32, #tpu.memory_space<vmem>>
    %dma_wait3A_145 = tpu.memref_slice %arg3[%mul3A_21] : memref<1280000xf32, #tpu.memory_space<hbm>> -> memref<10000xf32, #tpu.memory_space<hbm>>
    tpu.wait_dma2 semaphore(%arg17 : memref<!tpu.dma_semaphore, #tpu.memory_space<semaphore_mem>>) src(%dma_wait3A_145 : memref<10000xf32, #tpu.memory_space<hbm>>) dst(%dma_wait3A_144 : memref<10000xf32, #tpu.memory_space<vmem>>)
    %while3A_146 = arith.constant 0 : i64
    %while3A_147 = arith.constant 0 : i32
    %while3A_148 = arith.constant 312 : i32
    %while3A_149 = arith.subi %while3A_148, %while3A_147 : i32
    %while3A_150 = arith.addi %while3A_147, %while3A_149 : i32
    %while3A_151 = arith.constant 1 : i32
    %while3A_152 = arith.divsi %while3A_149, %while3A_151 : i32
    %while3A_153 = arith.muli %while3A_152, %while3A_151 : i32
    %while3A_154 = arith.addi %while3A_147, %while3A_153 : i32
    %while3A_155 = arith.constant 1 : i32
    scf.for %while3A_485 = %while3A_147 to %while3A_154 step %while3A_155  : i32 {
      %mul3A_486 = arith.constant 2 : i32
      %mul3A_487 = arith.muli %while3A_485, %mul3A_486 : i32
      %add3A_488 = arith.constant 0 : i32
      %add3A_489 = arith.addi %mul3A_487, %add3A_488 : i32
      %mul3A_490 = arith.constant 16 : i32
      %mul3A_491 = arith.muli %add3A_489, %mul3A_490 : i32
      %get3A_492 = arith.index_cast %mul3A_491 : i32 to index
      %get3A_493 = tpu.vector_load %arg9[%get3A_492] {strides = array<i32>} : memref<10240xf32, #tpu.memory_space<vmem>>, vector<16xf32>,
      %mul3A_494 = arith.constant 16 : i32
      %mul3A_495 = arith.muli %add3A_489, %mul3A_494 : i32
      %add3A_496 = arith.constant 0 : i32
      %add3A_497 = arith.addi %mul3A_495, %add3A_496 : i32
      %get3A_498 = arith.index_cast %add3A_497 : i32 to index
      %get3A_499 = tpu.vector_load %arg6[%get3A_498] {strides = array<i32>} : memref<40032xf32, #tpu.memory_space<vmem>>, vector<16xf32>,
      %mul3A_500 = arith.mulf %get3A_499, %get3A_493 : vector<16xf32>
      %swap3A_501 = arith.index_cast %add3A_497 : i32 to index
      %swap3A_502 = tpu.vector_load %arg6[%swap3A_501] {strides = array<i32>} : memref<40032xf32, #tpu.memory_space<vmem>>, vector<16xf32>,
      tpu.vector_store %arg6[%swap3A_501], %mul3A_500 {strides = array<i32>} : memref<40032xf32, #tpu.memory_space<vmem>>, vector<16xf32>,
      %mul3A_503 = arith.constant 16 : i32
      %mul3A_504 = arith.muli %add3A_489, %mul3A_503 : i32
      %add3A_505 = arith.constant 10008 : i32
      %add3A_506 = arith.addi %mul3A_504, %add3A_505 : i32
      %get3A_507 = arith.index_cast %add3A_506 : i32 to index
      %get3A_508 = tpu.vector_load %arg6[%get3A_507] {strides = array<i32>} : memref<40032xf32, #tpu.memory_space<vmem>>, vector<16xf32>,
      %mul3A_509 = arith.mulf %get3A_508, %get3A_493 : vector<16xf32>
      %swap3A_510 = arith.index_cast %add3A_506 : i32 to index
      %swap3A_511 = tpu.vector_load %arg6[%swap3A_510] {strides = array<i32>} : memref<40032xf32, #tpu.memory_space<vmem>>, vector<16xf32>,
      tpu.vector_store %arg6[%swap3A_510], %mul3A_509 {strides = array<i32>} : memref<40032xf32, #tpu.memory_space<vmem>>, vector<16xf32>,
      %mul3A_512 = arith.constant 16 : i32
      %mul3A_513 = arith.muli %add3A_489, %mul3A_512 : i32
      %add3A_514 = arith.constant 20016 : i32
      %add3A_515 = arith.addi %mul3A_513, %add3A_514 : i32
      %get3A_516 = arith.index_cast %add3A_515 : i32 to index
      %get3A_517 = tpu.vector_load %arg6[%get3A_516] {strides = array<i32>} : memref<40032xf32, #tpu.memory_space<vmem>>, vector<16xf32>,
      %mul3A_518 = arith.mulf %get3A_517, %get3A_493 : vector<16xf32>
      %swap3A_519 = arith.index_cast %add3A_515 : i32 to index
      %swap3A_520 = tpu.vector_load %arg6[%swap3A_519] {strides = array<i32>} : memref<40032xf32, #tpu.memory_space<vmem>>, vector<16xf32>,
      tpu.vector_store %arg6[%swap3A_519], %mul3A_518 {strides = array<i32>} : memref<40032xf32, #tpu.memory_space<vmem>>, vector<16xf32>,
      %mul3A_521 = arith.constant 16 : i32
      %mul3A_522 = arith.muli %add3A_489, %mul3A_521 : i32
      %add3A_523 = arith.constant 30024 : i32
      %add3A_524 = arith.addi %mul3A_522, %add3A_523 : i32
      %get3A_525 = arith.index_cast %add3A_524 : i32 to index
      %get3A_526 = tpu.vector_load %arg6[%get3A_525] {strides = array<i32>} : memref<40032xf32, #tpu.memory_space<vmem>>, vector<16xf32>,
      %mul3A_527 = arith.mulf %get3A_526, %get3A_493 : vector<16xf32>
      %swap3A_528 = arith.index_cast %add3A_524 : i32 to index
      %swap3A_529 = tpu.vector_load %arg6[%swap3A_528] {strides = array<i32>} : memref<40032xf32, #tpu.memory_space<vmem>>, vector<16xf32>,
      tpu.vector_store %arg6[%swap3A_528], %mul3A_527 {strides = array<i32>} : memref<40032xf32, #tpu.memory_space<vmem>>, vector<16xf32>,
      %add3A_530 = arith.constant 1 : i32
      %add3A_531 = arith.addi %mul3A_487, %add3A_530 : i32
      %mul3A_532 = arith.constant 16 : i32
      %mul3A_533 = arith.muli %add3A_531, %mul3A_532 : i32
      %get3A_534 = arith.index_cast %mul3A_533 : i32 to index
      %get3A_535 = tpu.vector_load %arg9[%get3A_534] {strides = array<i32>} : memref<10240xf32, #tpu.memory_space<vmem>>, vector<16xf32>,
      %mul3A_536 = arith.constant 16 : i32
      %mul3A_537 = arith.muli %add3A_531, %mul3A_536 : i32
      %add3A_538 = arith.constant 0 : i32
      %add3A_539 = arith.addi %mul3A_537, %add3A_538 : i32
      %get3A_540 = arith.index_cast %add3A_539 : i32 to index
      %get3A_541 = tpu.vector_load %arg6[%get3A_540] {strides = array<i32>} : memref<40032xf32, #tpu.memory_space<vmem>>, vector<16xf32>,
      %mul3A_542 = arith.mulf %get3A_541, %get3A_535 : vector<16xf32>
      %swap3A_543 = arith.index_cast %add3A_539 : i32 to index
      %swap3A_544 = tpu.vector_load %arg6[%swap3A_543] {strides = array<i32>} : memref<40032xf32, #tpu.memory_space<vmem>>, vector<16xf32>,
      tpu.vector_store %arg6[%swap3A_543], %mul3A_542 {strides = array<i32>} : memref<40032xf32, #tpu.memory_space<vmem>>, vector<16xf32>,
      %mul3A_545 = arith.constant 16 : i32
      %mul3A_546 = arith.muli %add3A_531, %mul3A_545 : i32
      %add3A_547 = arith.constant 10008 : i32
      %add3A_548 = arith.addi %mul3A_546, %add3A_547 : i32
      %get3A_549 = arith.index_cast %add3A_548 : i32 to index
      %get3A_550 = tpu.vector_load %arg6[%get3A_549] {strides = array<i32>} : memref<40032xf32, #tpu.memory_space<vmem>>, vector<16xf32>,
      %mul3A_551 = arith.mulf %get3A_550, %get3A_535 : vector<16xf32>
      %swap3A_552 = arith.index_cast %add3A_548 : i32 to index
      %swap3A_553 = tpu.vector_load %arg6[%swap3A_552] {strides = array<i32>} : memref<40032xf32, #tpu.memory_space<vmem>>, vector<16xf32>,
      tpu.vector_store %arg6[%swap3A_552], %mul3A_551 {strides = array<i32>} : memref<40032xf32, #tpu.memory_space<vmem>>, vector<16xf32>,
      %mul3A_554 = arith.constant 16 : i32
      %mul3A_555 = arith.muli %add3A_531, %mul3A_554 : i32
      %add3A_556 = arith.constant 20016 : i32
      %add3A_557 = arith.addi %mul3A_555, %add3A_556 : i32
      %get3A_558 = arith.index_cast %add3A_557 : i32 to index
      %get3A_559 = tpu.vector_load %arg6[%get3A_558] {strides = array<i32>} : memref<40032xf32, #tpu.memory_space<vmem>>, vector<16xf32>,
      %mul3A_560 = arith.mulf %get3A_559, %get3A_535 : vector<16xf32>
      %swap3A_561 = arith.index_cast %add3A_557 : i32 to index
      %swap3A_562 = tpu.vector_load %arg6[%swap3A_561] {strides = array<i32>} : memref<40032xf32, #tpu.memory_space<vmem>>, vector<16xf32>,
      tpu.vector_store %arg6[%swap3A_561], %mul3A_560 {strides = array<i32>} : memref<40032xf32, #tpu.memory_space<vmem>>, vector<16xf32>,
      %mul3A_563 = arith.constant 16 : i32
      %mul3A_564 = arith.muli %add3A_531, %mul3A_563 : i32
      %add3A_565 = arith.constant 30024 : i32
      %add3A_566 = arith.addi %mul3A_564, %add3A_565 : i32
      %get3A_567 = arith.index_cast %add3A_566 : i32 to index
      %get3A_568 = tpu.vector_load %arg6[%get3A_567] {strides = array<i32>} : memref<40032xf32, #tpu.memory_space<vmem>>, vector<16xf32>,
      %mul3A_569 = arith.mulf %get3A_568, %get3A_535 : vector<16xf32>
      %swap3A_570 = arith.index_cast %add3A_566 : i32 to index
      %swap3A_571 = tpu.vector_load %arg6[%swap3A_570] {strides = array<i32>} : memref<40032xf32, #tpu.memory_space<vmem>>, vector<16xf32>,
      tpu.vector_store %arg6[%swap3A_570], %mul3A_569 {strides = array<i32>} : memref<40032xf32, #tpu.memory_space<vmem>>, vector<16xf32>,
    }
    %while3A_156 = arith.constant 1 : i32
    scf.for %while3A_485 = %while3A_154 to %while3A_150 step %while3A_156  : i32 {
      %mul3A_486 = arith.constant 2 : i32
      %mul3A_487 = arith.muli %while3A_485, %mul3A_486 : i32
      %add3A_488 = arith.constant 0 : i32
      %add3A_489 = arith.addi %mul3A_487, %add3A_488 : i32
      %mul3A_490 = arith.constant 16 : i32
      %mul3A_491 = arith.muli %add3A_489, %mul3A_490 : i32
      %get3A_492 = arith.index_cast %mul3A_491 : i32 to index
      %get3A_493 = tpu.vector_load %arg9[%get3A_492] {strides = array<i32>} : memref<10240xf32, #tpu.memory_space<vmem>>, vector<16xf32>,
      %mul3A_494 = arith.constant 16 : i32
      %mul3A_495 = arith.muli %add3A_489, %mul3A_494 : i32
      %add3A_496 = arith.constant 0 : i32
      %add3A_497 = arith.addi %mul3A_495, %add3A_496 : i32
      %get3A_498 = arith.index_cast %add3A_497 : i32 to index
      %get3A_499 = tpu.vector_load %arg6[%get3A_498] {strides = array<i32>} : memref<40032xf32, #tpu.memory_space<vmem>>, vector<16xf32>,
      %mul3A_500 = arith.mulf %get3A_499, %get3A_493 : vector<16xf32>
      %swap3A_501 = arith.index_cast %add3A_497 : i32 to index
      %swap3A_502 = tpu.vector_load %arg6[%swap3A_501] {strides = array<i32>} : memref<40032xf32, #tpu.memory_space<vmem>>, vector<16xf32>,
      tpu.vector_store %arg6[%swap3A_501], %mul3A_500 {strides = array<i32>} : memref<40032xf32, #tpu.memory_space<vmem>>, vector<16xf32>,
      %mul3A_503 = arith.constant 16 : i32
      %mul3A_504 = arith.muli %add3A_489, %mul3A_503 : i32
      %add3A_505 = arith.constant 10008 : i32
      %add3A_506 = arith.addi %mul3A_504, %add3A_505 : i32
      %get3A_507 = arith.index_cast %add3A_506 : i32 to index
      %get3A_508 = tpu.vector_load %arg6[%get3A_507] {strides = array<i32>} : memref<40032xf32, #tpu.memory_space<vmem>>, vector<16xf32>,
      %mul3A_509 = arith.mulf %get3A_508, %get3A_493 : vector<16xf32>
      %swap3A_510 = arith.index_cast %add3A_506 : i32 to index
      %swap3A_511 = tpu.vector_load %arg6[%swap3A_510] {strides = array<i32>} : memref<40032xf32, #tpu.memory_space<vmem>>, vector<16xf32>,
      tpu.vector_store %arg6[%swap3A_510], %mul3A_509 {strides = array<i32>} : memref<40032xf32, #tpu.memory_space<vmem>>, vector<16xf32>,
      %mul3A_512 = arith.constant 16 : i32
      %mul3A_513 = arith.muli %add3A_489, %mul3A_512 : i32
      %add3A_514 = arith.constant 20016 : i32
      %add3A_515 = arith.addi %mul3A_513, %add3A_514 : i32
      %get3A_516 = arith.index_cast %add3A_515 : i32 to index
      %get3A_517 = tpu.vector_load %arg6[%get3A_516] {strides = array<i32>} : memref<40032xf32, #tpu.memory_space<vmem>>, vector<16xf32>,
      %mul3A_518 = arith.mulf %get3A_517, %get3A_493 : vector<16xf32>
      %swap3A_519 = arith.index_cast %add3A_515 : i32 to index
      %swap3A_520 = tpu.vector_load %arg6[%swap3A_519] {strides = array<i32>} : memref<40032xf32, #tpu.memory_space<vmem>>, vector<16xf32>,
      tpu.vector_store %arg6[%swap3A_519], %mul3A_518 {strides = array<i32>} : memref<40032xf32, #tpu.memory_space<vmem>>, vector<16xf32>,
      %mul3A_521 = arith.constant 16 : i32
      %mul3A_522 = arith.muli %add3A_489, %mul3A_521 : i32
      %add3A_523 = arith.constant 30024 : i32
      %add3A_524 = arith.addi %mul3A_522, %add3A_523 : i32
      %get3A_525 = arith.index_cast %add3A_524 : i32 to index
      %get3A_526 = tpu.vector_load %arg6[%get3A_525] {strides = array<i32>} : memref<40032xf32, #tpu.memory_space<vmem>>, vector<16xf32>,
      %mul3A_527 = arith.mulf %get3A_526, %get3A_493 : vector<16xf32>
      %swap3A_528 = arith.index_cast %add3A_524 : i32 to index
      %swap3A_529 = tpu.vector_load %arg6[%swap3A_528] {strides = array<i32>} : memref<40032xf32, #tpu.memory_space<vmem>>, vector<16xf32>,
      tpu.vector_store %arg6[%swap3A_528], %mul3A_527 {strides = array<i32>} : memref<40032xf32, #tpu.memory_space<vmem>>, vector<16xf32>,
      %add3A_530 = arith.constant 1 : i32
      %add3A_531 = arith.addi %mul3A_487, %add3A_530 : i32
      %mul3A_532 = arith.constant 16 : i32
      %mul3A_533 = arith.muli %add3A_531, %mul3A_532 : i32
      %get3A_534 = arith.index_cast %mul3A_533 : i32 to index
      %get3A_535 = tpu.vector_load %arg9[%get3A_534] {strides = array<i32>} : memref<10240xf32, #tpu.memory_space<vmem>>, vector<16xf32>,
      %mul3A_536 = arith.constant 16 : i32
      %mul3A_537 = arith.muli %add3A_531, %mul3A_536 : i32
      %add3A_538 = arith.constant 0 : i32
      %add3A_539 = arith.addi %mul3A_537, %add3A_538 : i32
      %get3A_540 = arith.index_cast %add3A_539 : i32 to index
      %get3A_541 = tpu.vector_load %arg6[%get3A_540] {strides = array<i32>} : memref<40032xf32, #tpu.memory_space<vmem>>, vector<16xf32>,
      %mul3A_542 = arith.mulf %get3A_541, %get3A_535 : vector<16xf32>
      %swap3A_543 = arith.index_cast %add3A_539 : i32 to index
      %swap3A_544 = tpu.vector_load %arg6[%swap3A_543] {strides = array<i32>} : memref<40032xf32, #tpu.memory_space<vmem>>, vector<16xf32>,
      tpu.vector_store %arg6[%swap3A_543], %mul3A_542 {strides = array<i32>} : memref<40032xf32, #tpu.memory_space<vmem>>, vector<16xf32>,
      %mul3A_545 = arith.constant 16 : i32
      %mul3A_546 = arith.muli %add3A_531, %mul3A_545 : i32
      %add3A_547 = arith.constant 10008 : i32
      %add3A_548 = arith.addi %mul3A_546, %add3A_547 : i32
      %get3A_549 = arith.index_cast %add3A_548 : i32 to index
      %get3A_550 = tpu.vector_load %arg6[%get3A_549] {strides = array<i32>} : memref<40032xf32, #tpu.memory_space<vmem>>, vector<16xf32>,
      %mul3A_551 = arith.mulf %get3A_550, %get3A_535 : vector<16xf32>
      %swap3A_552 = arith.index_cast %add3A_548 : i32 to index
      %swap3A_553 = tpu.vector_load %arg6[%swap3A_552] {strides = array<i32>} : memref<40032xf32, #tpu.memory_space<vmem>>, vector<16xf32>,
      tpu.vector_store %arg6[%swap3A_552], %mul3A_551 {strides = array<i32>} : memref<40032xf32, #tpu.memory_space<vmem>>, vector<16xf32>,
      %mul3A_554 = arith.constant 16 : i32
      %mul3A_555 = arith.muli %add3A_531, %mul3A_554 : i32
      %add3A_556 = arith.constant 20016 : i32
      %add3A_557 = arith.addi %mul3A_555, %add3A_556 : i32
      %get3A_558 = arith.index_cast %add3A_557 : i32 to index
      %get3A_559 = tpu.vector_load %arg6[%get3A_558] {strides = array<i32>} : memref<40032xf32, #tpu.memory_space<vmem>>, vector<16xf32>,
      %mul3A_560 = arith.mulf %get3A_559, %get3A_535 : vector<16xf32>
      %swap3A_561 = arith.index_cast %add3A_557 : i32 to index
      %swap3A_562 = tpu.vector_load %arg6[%swap3A_561] {strides = array<i32>} : memref<40032xf32, #tpu.memory_space<vmem>>, vector<16xf32>,
      tpu.vector_store %arg6[%swap3A_561], %mul3A_560 {strides = array<i32>} : memref<40032xf32, #tpu.memory_space<vmem>>, vector<16xf32>,
      %mul3A_563 = arith.constant 16 : i32
      %mul3A_564 = arith.muli %add3A_531, %mul3A_563 : i32
      %add3A_565 = arith.constant 30024 : i32
      %add3A_566 = arith.addi %mul3A_564, %add3A_565 : i32
      %get3A_567 = arith.index_cast %add3A_566 : i32 to index
      %get3A_568 = tpu.vector_load %arg6[%get3A_567] {strides = array<i32>} : memref<40032xf32, #tpu.memory_space<vmem>>, vector<16xf32>,
      %mul3A_569 = arith.mulf %get3A_568, %get3A_535 : vector<16xf32>
      %swap3A_570 = arith.index_cast %add3A_566 : i32 to index
      %swap3A_571 = tpu.vector_load %arg6[%swap3A_570] {strides = array<i32>} : memref<40032xf32, #tpu.memory_space<vmem>>, vector<16xf32>,
      tpu.vector_store %arg6[%swap3A_570], %mul3A_569 {strides = array<i32>} : memref<40032xf32, #tpu.memory_space<vmem>>, vector<16xf32>,
    }
    %mul3A_157 = arith.constant 624 : i32
    %mul3A_158 = arith.constant 16 : i32
    %mul3A_159 = arith.muli %mul3A_157, %mul3A_158 : i32
    %get3A = arith.index_cast %mul3A_159 : i32 to index
    %get3A_160 = tpu.vector_load %arg9[%get3A] {strides = array<i32>} : memref<10240xf32, #tpu.memory_space<vmem>>, vector<16xf32>,
    %mul3A_161 = arith.constant 624 : i32
    %mul3A_162 = arith.constant 16 : i32
    %mul3A_163 = arith.muli %mul3A_161, %mul3A_162 : i32
    %add3A_164 = arith.constant 0 : i32
    %add3A_165 = arith.addi %mul3A_163, %add3A_164 : i32
    %get3A_166 = arith.index_cast %add3A_165 : i32 to index
    %get3A_167 = tpu.vector_load %arg6[%get3A_166] {strides = array<i32>} : memref<40032xf32, #tpu.memory_space<vmem>>, vector<16xf32>,
    %mul3A_168 = arith.mulf %get3A_167, %get3A_160 : vector<16xf32>
    %swap3A_169 = arith.index_cast %add3A_165 : i32 to index
    %swap3A_170 = tpu.vector_load %arg6[%swap3A_169] {strides = array<i32>} : memref<40032xf32, #tpu.memory_space<vmem>>, vector<16xf32>,
    tpu.vector_store %arg6[%swap3A_169], %mul3A_168 {strides = array<i32>} : memref<40032xf32, #tpu.memory_space<vmem>>, vector<16xf32>,
    %mul3A_171 = arith.constant 624 : i32
    %mul3A_172 = arith.constant 16 : i32
    %mul3A_173 = arith.muli %mul3A_171, %mul3A_172 : i32
    %add3A_174 = arith.constant 10008 : i32
    %add3A_175 = arith.addi %mul3A_173, %add3A_174 : i32
    %get3A_176 = arith.index_cast %add3A_175 : i32 to index
    %get3A_177 = tpu.vector_load %arg6[%get3A_176] {strides = array<i32>} : memref<40032xf32, #tpu.memory_space<vmem>>, vector<16xf32>,
    %mul3A_178 = arith.mulf %get3A_177, %get3A_160 : vector<16xf32>
    %swap3A_179 = arith.index_cast %add3A_175 : i32 to index
    %swap3A_180 = tpu.vector_load %arg6[%swap3A_179] {strides = array<i32>} : memref<40032xf32, #tpu.memory_space<vmem>>, vector<16xf32>,
    tpu.vector_store %arg6[%swap3A_179], %mul3A_178 {strides = array<i32>} : memref<40032xf32, #tpu.memory_space<vmem>>, vector<16xf32>,
    %mul3A_181 = arith.constant 624 : i32
    %mul3A_182 = arith.constant 16 : i32
    %mul3A_183 = arith.muli %mul3A_181, %mul3A_182 : i32
    %add3A_184 = arith.constant 20016 : i32
    %add3A_185 = arith.addi %mul3A_183, %add3A_184 : i32
    %get3A_186 = arith.index_cast %add3A_185 : i32 to index
    %get3A_187 = tpu.vector_load %arg6[%get3A_186] {strides = array<i32>} : memref<40032xf32, #tpu.memory_space<vmem>>, vector<16xf32>,
    %mul3A_188 = arith.mulf %get3A_187, %get3A_160 : vector<16xf32>
    %swap3A_189 = arith.index_cast %add3A_185 : i32 to index
    %swap3A_190 = tpu.vector_load %arg6[%swap3A_189] {strides = array<i32>} : memref<40032xf32, #tpu.memory_space<vmem>>, vector<16xf32>,
    tpu.vector_store %arg6[%swap3A_189], %mul3A_188 {strides = array<i32>} : memref<40032xf32, #tpu.memory_space<vmem>>, vector<16xf32>,
    %mul3A_191 = arith.constant 624 : i32
    %mul3A_192 = arith.constant 16 : i32
    %mul3A_193 = arith.muli %mul3A_191, %mul3A_192 : i32
    %add3A_194 = arith.constant 30024 : i32
    %add3A_195 = arith.addi %mul3A_193, %add3A_194 : i32
    %get3A_196 = arith.index_cast %add3A_195 : i32 to index
    %get3A_197 = tpu.vector_load %arg6[%get3A_196] {strides = array<i32>} : memref<40032xf32, #tpu.memory_space<vmem>>, vector<16xf32>,
    %mul3A_198 = arith.mulf %get3A_197, %get3A_160 : vector<16xf32>
    %swap3A_199 = arith.index_cast %add3A_195 : i32 to index
    %swap3A_200 = tpu.vector_load %arg6[%swap3A_199] {strides = array<i32>} : memref<40032xf32, #tpu.memory_space<vmem>>, vector<16xf32>,
    tpu.vector_store %arg6[%swap3A_199], %mul3A_198 {strides = array<i32>} : memref<40032xf32, #tpu.memory_space<vmem>>, vector<16xf32>,
    %mul3A_201 = arith.constant 0 : i32
    %mul3A_202 = arith.constant 4000 : i32
    %mul3A_203 = arith.muli %mul3A_201, %mul3A_202 : i32
    %add3A_204 = arith.constant 0 : i32
    %add3A_205 = arith.addi %add3A_204, %mul3A_203 : i32
    %dma_start3A_206 = tpu.memref_slice %arg2[%add3A_205] : memref<320000xi32, #tpu.memory_space<hbm>> -> memref<4000xi32, #tpu.memory_space<hbm>>
    %dma_start3A_207 = tpu.memref_slice %arg2[%add3A_205] : memref<320000xi32, #tpu.memory_space<hbm>> -> memref<4000xi32, #tpu.memory_space<hbm>>
    tpu.enqueue_dma source(%dma_start3A_207 : memref<4000xi32, #tpu.memory_space<hbm>>) target(%arg11 : memref<4000xi32, #tpu.memory_space<vmem>>) target_semaphore(%arg15 : memref<!tpu.dma_semaphore, #tpu.memory_space<semaphore_mem>>)
    %while3A_208 = arith.constant 0 : i64
    %while3A_209 = arith.constant 79 : i32
    %while3A_210 = arith.constant 0 : i32
    %while3A_211 = arith.constant 40 : i32
    %while3A_212 = arith.subi %while3A_211, %while3A_210 : i32
    %while3A_213 = arith.addi %while3A_210, %while3A_212 : i32
    %while3A_214 = arith.constant 1 : i32
    %while3A_215 = arith.divsi %while3A_212, %while3A_214 : i32
    %while3A_216 = arith.muli %while3A_215, %while3A_214 : i32
    %while3A_217 = arith.addi %while3A_210, %while3A_216 : i32
    %while3A_218 = arith.constant 1 : i32
    scf.for %while3A_485 = %while3A_210 to %while3A_217 step %while3A_218  : i32 {
      %mul3A_486 = arith.constant 1 : i32
      %mul3A_487 = arith.muli %while3A_485, %mul3A_486 : i32
      %add3A_488 = arith.constant 0 : i32
      %add3A_489 = arith.addi %mul3A_487, %add3A_488 : i32
      %mul3A_490 = arith.constant 2 : i32
      %mul3A_491 = arith.muli %add3A_489, %mul3A_490 : i32
      %add3A_492 = arith.constant 1 : i32
      %add3A_493 = arith.addi %mul3A_491, %add3A_492 : i32
      %min3A = arith.minsi %add3A_493, %while3A_209 : i32
      %mul3A_494 = arith.constant 4000 : i32
      %mul3A_495 = arith.muli %min3A, %mul3A_494 : i32
      %add3A_496 = arith.constant 0 : i32
      %add3A_497 = arith.addi %add3A_496, %mul3A_495 : i32
      %dma_start3A_498 = tpu.memref_slice %arg2[%add3A_497] : memref<320000xi32, #tpu.memory_space<hbm>> -> memref<4000xi32, #tpu.memory_space<hbm>>
      %dma_start3A_499 = tpu.memref_slice %arg2[%add3A_497] : memref<320000xi32, #tpu.memory_space<hbm>> -> memref<4000xi32, #tpu.memory_space<hbm>>
      tpu.enqueue_dma source(%dma_start3A_499 : memref<4000xi32, #tpu.memory_space<hbm>>) target(%arg12 : memref<4000xi32, #tpu.memory_space<vmem>>) target_semaphore(%arg16 : memref<!tpu.dma_semaphore, #tpu.memory_space<semaphore_mem>>)
      %dma_wait3A_500 = arith.constant 0 : i32
      %dma_wait3A_501 = tpu.memref_slice %arg2[%dma_wait3A_500] : memref<320000xi32, #tpu.memory_space<hbm>> -> memref<4000xi32, #tpu.memory_space<hbm>>
      %dma_wait3A_502 = tpu.memref_slice %arg2[%dma_wait3A_500] : memref<320000xi32, #tpu.memory_space<hbm>> -> memref<4000xi32, #tpu.memory_space<hbm>>
      tpu.wait_dma2 semaphore(%arg15 : memref<!tpu.dma_semaphore, #tpu.memory_space<semaphore_mem>>) src(%dma_wait3A_502 : memref<4000xi32, #tpu.memory_space<hbm>>) dst(%arg11 : memref<4000xi32, #tpu.memory_space<vmem>>)
      %parallel_loop3A_503 = arith.constant 0 : i32
      %parallel_loop3A_504 = arith.constant 250 : i32
      %parallel_loop3A_505 = arith.constant 1 : i32
      scf.for %parallel_loop3A_521 = %parallel_loop3A_503 to %parallel_loop3A_504 step %parallel_loop3A_505  : i32 {
        %parallel_loop3A_522 = arith.constant 16 : i32
        %parallel_loop3A_523 = arith.muli %parallel_loop3A_521, %parallel_loop3A_522 : i32
        %parallel_loop3A_524 = arith.index_cast %parallel_loop3A_523 : i32 to index
        %parallel_loop3A_525 = tpu.vector_load %arg11[%parallel_loop3A_524] {strides = array<i32>} : memref<4000xi32, #tpu.memory_space<vmem>>, vector<16xi32>,
        %parallel_loop3A_526 = vector.shape_cast %shift_right_logical3A : vector<16xi32> to vector<16x1xi32>
        %parallel_loop3A_527 = vector.shape_cast %parallel_loop3A_526 : vector<16x1xi32> to vector<16xi32>
        %parallel_loop3A_528 = tpu.dynamic_gather %parallel_loop3A_525[%parallel_loop3A_527] in [0] : vector<16xi32>, vector<16xi32> -> vector<16xi32>
        %parallel_loop3A_529 = arith.shrui %parallel_loop3A_528, %broadcast_in_dim3A_3 : vector<16xi32>
        %parallel_loop3A_530 = arith.andi %parallel_loop3A_528, %broadcast_in_dim3A_5 : vector<16xi32>
        %parallel_loop3A_531 = arith.cmpi ne, %parallel_loop3A_529, %parallel_loop3A_530 : vector<16xi32>
        %parallel_loop3A_532 = arith.constant 1.000000e+00 : f32
        %parallel_loop3A_533 = vector.broadcast %parallel_loop3A_532 : f32 to vector<16xf32>
        %parallel_loop3A_534 = arith.constant 0.000000e+00 : f32
        %parallel_loop3A_535 = vector.broadcast %parallel_loop3A_534 : f32 to vector<16xf32>
        %parallel_loop3A_536 = arith.select %parallel_loop3A_531, %parallel_loop3A_533, %parallel_loop3A_535 : vector<16xi1>, vector<16xf32>
        %parallel_loop3A_537 = arith.addi %parallel_loop3A_530, %mul3A_84 : vector<16xi32>
        %parallel_loop3A_538 = tpu.vector_load_idx %arg6[%parallel_loop3A_537] : memref<40032xf32, #tpu.memory_space<vmem>>[vector<16xi32>], vector<16xf32>,
        %parallel_loop3A_539 = arith.addi %parallel_loop3A_529, %mul3A_84 : vector<16xi32>
        %parallel_loop3A_540 = arith.mulf %parallel_loop3A_536, %parallel_loop3A_538 : vector<16xf32>
        tpu.vector_store_idx %arg7[%parallel_loop3A_539], %parallel_loop3A_540 {add = true} : memref<40032xf32, #tpu.memory_space<vmem>>[vector<16xi32>], vector<16xf32>,
        %parallel_loop3A_541 = arith.addi %parallel_loop3A_530, %add3A_87 : vector<16xi32>
        %parallel_loop3A_542 = tpu.vector_load_idx %arg6[%parallel_loop3A_541] : memref<40032xf32, #tpu.memory_space<vmem>>[vector<16xi32>], vector<16xf32>,
        %parallel_loop3A_543 = arith.addi %parallel_loop3A_529, %add3A_87 : vector<16xi32>
        %parallel_loop3A_544 = arith.mulf %parallel_loop3A_536, %parallel_loop3A_542 : vector<16xf32>
        tpu.vector_store_idx %arg7[%parallel_loop3A_543], %parallel_loop3A_544 {add = true} : memref<40032xf32, #tpu.memory_space<vmem>>[vector<16xi32>], vector<16xf32>,
        %parallel_loop3A_545 = vector.shape_cast %add3A_79 : vector<16xi32> to vector<16x1xi32>
        %parallel_loop3A_546 = vector.shape_cast %parallel_loop3A_545 : vector<16x1xi32> to vector<16xi32>
        %parallel_loop3A_547 = tpu.dynamic_gather %parallel_loop3A_525[%parallel_loop3A_546] in [0] : vector<16xi32>, vector<16xi32> -> vector<16xi32>
        %parallel_loop3A_548 = arith.shrui %parallel_loop3A_547, %broadcast_in_dim3A_3 : vector<16xi32>
        %parallel_loop3A_549 = arith.andi %parallel_loop3A_547, %broadcast_in_dim3A_5 : vector<16xi32>
        %parallel_loop3A_550 = arith.cmpi ne, %parallel_loop3A_548, %parallel_loop3A_549 : vector<16xi32>
        %parallel_loop3A_551 = arith.constant 1.000000e+00 : f32
        %parallel_loop3A_552 = vector.broadcast %parallel_loop3A_551 : f32 to vector<16xf32>
        %parallel_loop3A_553 = arith.constant 0.000000e+00 : f32
        %parallel_loop3A_554 = vector.broadcast %parallel_loop3A_553 : f32 to vector<16xf32>
        %parallel_loop3A_555 = arith.select %parallel_loop3A_550, %parallel_loop3A_552, %parallel_loop3A_554 : vector<16xi1>, vector<16xf32>
        %parallel_loop3A_556 = arith.addi %parallel_loop3A_549, %mul3A_84 : vector<16xi32>
        %parallel_loop3A_557 = tpu.vector_load_idx %arg6[%parallel_loop3A_556] : memref<40032xf32, #tpu.memory_space<vmem>>[vector<16xi32>], vector<16xf32>,
        %parallel_loop3A_558 = arith.addi %parallel_loop3A_548, %mul3A_84 : vector<16xi32>
        %parallel_loop3A_559 = arith.mulf %parallel_loop3A_555, %parallel_loop3A_557 : vector<16xf32>
        tpu.vector_store_idx %arg7[%parallel_loop3A_558], %parallel_loop3A_559 {add = true} : memref<40032xf32, #tpu.memory_space<vmem>>[vector<16xi32>], vector<16xf32>,
        %parallel_loop3A_560 = arith.addi %parallel_loop3A_549, %add3A_87 : vector<16xi32>
        %parallel_loop3A_561 = tpu.vector_load_idx %arg6[%parallel_loop3A_560] : memref<40032xf32, #tpu.memory_space<vmem>>[vector<16xi32>], vector<16xf32>,
        %parallel_loop3A_562 = arith.addi %parallel_loop3A_548, %add3A_87 : vector<16xi32>
        %parallel_loop3A_563 = arith.mulf %parallel_loop3A_555, %parallel_loop3A_561 : vector<16xf32>
        tpu.vector_store_idx %arg7[%parallel_loop3A_562], %parallel_loop3A_563 {add = true} : memref<40032xf32, #tpu.memory_space<vmem>>[vector<16xi32>], vector<16xf32>,
      } {sc.loop_unroll_factor = 5 : i64, sc.parallel_access}
      %add3A_506 = arith.constant 2 : i32
      %add3A_507 = arith.addi %mul3A_491, %add3A_506 : i32
      %min3A_508 = arith.minsi %add3A_507, %while3A_209 : i32
      %mul3A_509 = arith.constant 4000 : i32
      %mul3A_510 = arith.muli %min3A_508, %mul3A_509 : i32
      %add3A_511 = arith.constant 0 : i32
      %add3A_512 = arith.addi %add3A_511, %mul3A_510 : i32
      %dma_start3A_513 = tpu.memref_slice %arg2[%add3A_512] : memref<320000xi32, #tpu.memory_space<hbm>> -> memref<4000xi32, #tpu.memory_space<hbm>>
      %dma_start3A_514 = tpu.memref_slice %arg2[%add3A_512] : memref<320000xi32, #tpu.memory_space<hbm>> -> memref<4000xi32, #tpu.memory_space<hbm>>
      tpu.enqueue_dma source(%dma_start3A_514 : memref<4000xi32, #tpu.memory_space<hbm>>) target(%arg11 : memref<4000xi32, #tpu.memory_space<vmem>>) target_semaphore(%arg15 : memref<!tpu.dma_semaphore, #tpu.memory_space<semaphore_mem>>)
      %dma_wait3A_515 = arith.constant 0 : i32
      %dma_wait3A_516 = tpu.memref_slice %arg2[%dma_wait3A_515] : memref<320000xi32, #tpu.memory_space<hbm>> -> memref<4000xi32, #tpu.memory_space<hbm>>
      %dma_wait3A_517 = tpu.memref_slice %arg2[%dma_wait3A_515] : memref<320000xi32, #tpu.memory_space<hbm>> -> memref<4000xi32, #tpu.memory_space<hbm>>
      tpu.wait_dma2 semaphore(%arg16 : memref<!tpu.dma_semaphore, #tpu.memory_space<semaphore_mem>>) src(%dma_wait3A_517 : memref<4000xi32, #tpu.memory_space<hbm>>) dst(%arg12 : memref<4000xi32, #tpu.memory_space<vmem>>)
      %parallel_loop3A_518 = arith.constant 0 : i32
      %parallel_loop3A_519 = arith.constant 250 : i32
      %parallel_loop3A_520 = arith.constant 1 : i32
      scf.for %parallel_loop3A_521 = %parallel_loop3A_518 to %parallel_loop3A_519 step %parallel_loop3A_520  : i32 {
        %parallel_loop3A_522 = arith.constant 16 : i32
        %parallel_loop3A_523 = arith.muli %parallel_loop3A_521, %parallel_loop3A_522 : i32
        %parallel_loop3A_524 = arith.index_cast %parallel_loop3A_523 : i32 to index
        %parallel_loop3A_525 = tpu.vector_load %arg12[%parallel_loop3A_524] {strides = array<i32>} : memref<4000xi32, #tpu.memory_space<vmem>>, vector<16xi32>,
        %parallel_loop3A_526 = vector.shape_cast %shift_right_logical3A : vector<16xi32> to vector<16x1xi32>
        %parallel_loop3A_527 = vector.shape_cast %parallel_loop3A_526 : vector<16x1xi32> to vector<16xi32>
        %parallel_loop3A_528 = tpu.dynamic_gather %parallel_loop3A_525[%parallel_loop3A_527] in [0] : vector<16xi32>, vector<16xi32> -> vector<16xi32>
        %parallel_loop3A_529 = arith.shrui %parallel_loop3A_528, %broadcast_in_dim3A_3 : vector<16xi32>
        %parallel_loop3A_530 = arith.andi %parallel_loop3A_528, %broadcast_in_dim3A_5 : vector<16xi32>
        %parallel_loop3A_531 = arith.cmpi ne, %parallel_loop3A_529, %parallel_loop3A_530 : vector<16xi32>
        %parallel_loop3A_532 = arith.constant 1.000000e+00 : f32
        %parallel_loop3A_533 = vector.broadcast %parallel_loop3A_532 : f32 to vector<16xf32>
        %parallel_loop3A_534 = arith.constant 0.000000e+00 : f32
        %parallel_loop3A_535 = vector.broadcast %parallel_loop3A_534 : f32 to vector<16xf32>
        %parallel_loop3A_536 = arith.select %parallel_loop3A_531, %parallel_loop3A_533, %parallel_loop3A_535 : vector<16xi1>, vector<16xf32>
        %parallel_loop3A_537 = arith.addi %parallel_loop3A_530, %mul3A_84 : vector<16xi32>
        %parallel_loop3A_538 = tpu.vector_load_idx %arg6[%parallel_loop3A_537] : memref<40032xf32, #tpu.memory_space<vmem>>[vector<16xi32>], vector<16xf32>,
        %parallel_loop3A_539 = arith.addi %parallel_loop3A_529, %mul3A_84 : vector<16xi32>
        %parallel_loop3A_540 = arith.mulf %parallel_loop3A_536, %parallel_loop3A_538 : vector<16xf32>
        tpu.vector_store_idx %arg7[%parallel_loop3A_539], %parallel_loop3A_540 {add = true} : memref<40032xf32, #tpu.memory_space<vmem>>[vector<16xi32>], vector<16xf32>,
        %parallel_loop3A_541 = arith.addi %parallel_loop3A_530, %add3A_87 : vector<16xi32>
        %parallel_loop3A_542 = tpu.vector_load_idx %arg6[%parallel_loop3A_541] : memref<40032xf32, #tpu.memory_space<vmem>>[vector<16xi32>], vector<16xf32>,
        %parallel_loop3A_543 = arith.addi %parallel_loop3A_529, %add3A_87 : vector<16xi32>
        %parallel_loop3A_544 = arith.mulf %parallel_loop3A_536, %parallel_loop3A_542 : vector<16xf32>
        tpu.vector_store_idx %arg7[%parallel_loop3A_543], %parallel_loop3A_544 {add = true} : memref<40032xf32, #tpu.memory_space<vmem>>[vector<16xi32>], vector<16xf32>,
        %parallel_loop3A_545 = vector.shape_cast %add3A_79 : vector<16xi32> to vector<16x1xi32>
        %parallel_loop3A_546 = vector.shape_cast %parallel_loop3A_545 : vector<16x1xi32> to vector<16xi32>
        %parallel_loop3A_547 = tpu.dynamic_gather %parallel_loop3A_525[%parallel_loop3A_546] in [0] : vector<16xi32>, vector<16xi32> -> vector<16xi32>
        %parallel_loop3A_548 = arith.shrui %parallel_loop3A_547, %broadcast_in_dim3A_3 : vector<16xi32>
        %parallel_loop3A_549 = arith.andi %parallel_loop3A_547, %broadcast_in_dim3A_5 : vector<16xi32>
        %parallel_loop3A_550 = arith.cmpi ne, %parallel_loop3A_548, %parallel_loop3A_549 : vector<16xi32>
        %parallel_loop3A_551 = arith.constant 1.000000e+00 : f32
        %parallel_loop3A_552 = vector.broadcast %parallel_loop3A_551 : f32 to vector<16xf32>
        %parallel_loop3A_553 = arith.constant 0.000000e+00 : f32
        %parallel_loop3A_554 = vector.broadcast %parallel_loop3A_553 : f32 to vector<16xf32>
        %parallel_loop3A_555 = arith.select %parallel_loop3A_550, %parallel_loop3A_552, %parallel_loop3A_554 : vector<16xi1>, vector<16xf32>
        %parallel_loop3A_556 = arith.addi %parallel_loop3A_549, %mul3A_84 : vector<16xi32>
        %parallel_loop3A_557 = tpu.vector_load_idx %arg6[%parallel_loop3A_556] : memref<40032xf32, #tpu.memory_space<vmem>>[vector<16xi32>], vector<16xf32>,
        %parallel_loop3A_558 = arith.addi %parallel_loop3A_548, %mul3A_84 : vector<16xi32>
        %parallel_loop3A_559 = arith.mulf %parallel_loop3A_555, %parallel_loop3A_557 : vector<16xf32>
        tpu.vector_store_idx %arg7[%parallel_loop3A_558], %parallel_loop3A_559 {add = true} : memref<40032xf32, #tpu.memory_space<vmem>>[vector<16xi32>], vector<16xf32>,
        %parallel_loop3A_560 = arith.addi %parallel_loop3A_549, %add3A_87 : vector<16xi32>
        %parallel_loop3A_561 = tpu.vector_load_idx %arg6[%parallel_loop3A_560] : memref<40032xf32, #tpu.memory_space<vmem>>[vector<16xi32>], vector<16xf32>,
        %parallel_loop3A_562 = arith.addi %parallel_loop3A_548, %add3A_87 : vector<16xi32>
        %parallel_loop3A_563 = arith.mulf %parallel_loop3A_555, %parallel_loop3A_561 : vector<16xf32>
        tpu.vector_store_idx %arg7[%parallel_loop3A_562], %parallel_loop3A_563 {add = true} : memref<40032xf32, #tpu.memory_space<vmem>>[vector<16xi32>], vector<16xf32>,
      } {sc.loop_unroll_factor = 5 : i64, sc.parallel_access}
    }
    %while3A_219 = arith.constant 1 : i32
    scf.for %while3A_485 = %while3A_217 to %while3A_213 step %while3A_219  : i32 {
      %mul3A_486 = arith.constant 1 : i32
      %mul3A_487 = arith.muli %while3A_485, %mul3A_486 : i32
      %add3A_488 = arith.constant 0 : i32
      %add3A_489 = arith.addi %mul3A_487, %add3A_488 : i32
      %mul3A_490 = arith.constant 2 : i32
      %mul3A_491 = arith.muli %add3A_489, %mul3A_490 : i32
      %add3A_492 = arith.constant 1 : i32
      %add3A_493 = arith.addi %mul3A_491, %add3A_492 : i32
      %min3A = arith.minsi %add3A_493, %while3A_209 : i32
      %mul3A_494 = arith.constant 4000 : i32
      %mul3A_495 = arith.muli %min3A, %mul3A_494 : i32
      %add3A_496 = arith.constant 0 : i32
      %add3A_497 = arith.addi %add3A_496, %mul3A_495 : i32
      %dma_start3A_498 = tpu.memref_slice %arg2[%add3A_497] : memref<320000xi32, #tpu.memory_space<hbm>> -> memref<4000xi32, #tpu.memory_space<hbm>>
      %dma_start3A_499 = tpu.memref_slice %arg2[%add3A_497] : memref<320000xi32, #tpu.memory_space<hbm>> -> memref<4000xi32, #tpu.memory_space<hbm>>
      tpu.enqueue_dma source(%dma_start3A_499 : memref<4000xi32, #tpu.memory_space<hbm>>) target(%arg12 : memref<4000xi32, #tpu.memory_space<vmem>>) target_semaphore(%arg16 : memref<!tpu.dma_semaphore, #tpu.memory_space<semaphore_mem>>)
      %dma_wait3A_500 = arith.constant 0 : i32
      %dma_wait3A_501 = tpu.memref_slice %arg2[%dma_wait3A_500] : memref<320000xi32, #tpu.memory_space<hbm>> -> memref<4000xi32, #tpu.memory_space<hbm>>
      %dma_wait3A_502 = tpu.memref_slice %arg2[%dma_wait3A_500] : memref<320000xi32, #tpu.memory_space<hbm>> -> memref<4000xi32, #tpu.memory_space<hbm>>
      tpu.wait_dma2 semaphore(%arg15 : memref<!tpu.dma_semaphore, #tpu.memory_space<semaphore_mem>>) src(%dma_wait3A_502 : memref<4000xi32, #tpu.memory_space<hbm>>) dst(%arg11 : memref<4000xi32, #tpu.memory_space<vmem>>)
      %parallel_loop3A_503 = arith.constant 0 : i32
      %parallel_loop3A_504 = arith.constant 250 : i32
      %parallel_loop3A_505 = arith.constant 1 : i32
      scf.for %parallel_loop3A_521 = %parallel_loop3A_503 to %parallel_loop3A_504 step %parallel_loop3A_505  : i32 {
        %parallel_loop3A_522 = arith.constant 16 : i32
        %parallel_loop3A_523 = arith.muli %parallel_loop3A_521, %parallel_loop3A_522 : i32
        %parallel_loop3A_524 = arith.index_cast %parallel_loop3A_523 : i32 to index
        %parallel_loop3A_525 = tpu.vector_load %arg11[%parallel_loop3A_524] {strides = array<i32>} : memref<4000xi32, #tpu.memory_space<vmem>>, vector<16xi32>,
        %parallel_loop3A_526 = vector.shape_cast %shift_right_logical3A : vector<16xi32> to vector<16x1xi32>
        %parallel_loop3A_527 = vector.shape_cast %parallel_loop3A_526 : vector<16x1xi32> to vector<16xi32>
        %parallel_loop3A_528 = tpu.dynamic_gather %parallel_loop3A_525[%parallel_loop3A_527] in [0] : vector<16xi32>, vector<16xi32> -> vector<16xi32>
        %parallel_loop3A_529 = arith.shrui %parallel_loop3A_528, %broadcast_in_dim3A_3 : vector<16xi32>
        %parallel_loop3A_530 = arith.andi %parallel_loop3A_528, %broadcast_in_dim3A_5 : vector<16xi32>
        %parallel_loop3A_531 = arith.cmpi ne, %parallel_loop3A_529, %parallel_loop3A_530 : vector<16xi32>
        %parallel_loop3A_532 = arith.constant 1.000000e+00 : f32
        %parallel_loop3A_533 = vector.broadcast %parallel_loop3A_532 : f32 to vector<16xf32>
        %parallel_loop3A_534 = arith.constant 0.000000e+00 : f32
        %parallel_loop3A_535 = vector.broadcast %parallel_loop3A_534 : f32 to vector<16xf32>
        %parallel_loop3A_536 = arith.select %parallel_loop3A_531, %parallel_loop3A_533, %parallel_loop3A_535 : vector<16xi1>, vector<16xf32>
        %parallel_loop3A_537 = arith.addi %parallel_loop3A_530, %mul3A_84 : vector<16xi32>
        %parallel_loop3A_538 = tpu.vector_load_idx %arg6[%parallel_loop3A_537] : memref<40032xf32, #tpu.memory_space<vmem>>[vector<16xi32>], vector<16xf32>,
        %parallel_loop3A_539 = arith.addi %parallel_loop3A_529, %mul3A_84 : vector<16xi32>
        %parallel_loop3A_540 = arith.mulf %parallel_loop3A_536, %parallel_loop3A_538 : vector<16xf32>
        tpu.vector_store_idx %arg7[%parallel_loop3A_539], %parallel_loop3A_540 {add = true} : memref<40032xf32, #tpu.memory_space<vmem>>[vector<16xi32>], vector<16xf32>,
        %parallel_loop3A_541 = arith.addi %parallel_loop3A_530, %add3A_87 : vector<16xi32>
        %parallel_loop3A_542 = tpu.vector_load_idx %arg6[%parallel_loop3A_541] : memref<40032xf32, #tpu.memory_space<vmem>>[vector<16xi32>], vector<16xf32>,
        %parallel_loop3A_543 = arith.addi %parallel_loop3A_529, %add3A_87 : vector<16xi32>
        %parallel_loop3A_544 = arith.mulf %parallel_loop3A_536, %parallel_loop3A_542 : vector<16xf32>
        tpu.vector_store_idx %arg7[%parallel_loop3A_543], %parallel_loop3A_544 {add = true} : memref<40032xf32, #tpu.memory_space<vmem>>[vector<16xi32>], vector<16xf32>,
        %parallel_loop3A_545 = vector.shape_cast %add3A_79 : vector<16xi32> to vector<16x1xi32>
        %parallel_loop3A_546 = vector.shape_cast %parallel_loop3A_545 : vector<16x1xi32> to vector<16xi32>
        %parallel_loop3A_547 = tpu.dynamic_gather %parallel_loop3A_525[%parallel_loop3A_546] in [0] : vector<16xi32>, vector<16xi32> -> vector<16xi32>
        %parallel_loop3A_548 = arith.shrui %parallel_loop3A_547, %broadcast_in_dim3A_3 : vector<16xi32>
        %parallel_loop3A_549 = arith.andi %parallel_loop3A_547, %broadcast_in_dim3A_5 : vector<16xi32>
        %parallel_loop3A_550 = arith.cmpi ne, %parallel_loop3A_548, %parallel_loop3A_549 : vector<16xi32>
        %parallel_loop3A_551 = arith.constant 1.000000e+00 : f32
        %parallel_loop3A_552 = vector.broadcast %parallel_loop3A_551 : f32 to vector<16xf32>
        %parallel_loop3A_553 = arith.constant 0.000000e+00 : f32
        %parallel_loop3A_554 = vector.broadcast %parallel_loop3A_553 : f32 to vector<16xf32>
        %parallel_loop3A_555 = arith.select %parallel_loop3A_550, %parallel_loop3A_552, %parallel_loop3A_554 : vector<16xi1>, vector<16xf32>
        %parallel_loop3A_556 = arith.addi %parallel_loop3A_549, %mul3A_84 : vector<16xi32>
        %parallel_loop3A_557 = tpu.vector_load_idx %arg6[%parallel_loop3A_556] : memref<40032xf32, #tpu.memory_space<vmem>>[vector<16xi32>], vector<16xf32>,
        %parallel_loop3A_558 = arith.addi %parallel_loop3A_548, %mul3A_84 : vector<16xi32>
        %parallel_loop3A_559 = arith.mulf %parallel_loop3A_555, %parallel_loop3A_557 : vector<16xf32>
        tpu.vector_store_idx %arg7[%parallel_loop3A_558], %parallel_loop3A_559 {add = true} : memref<40032xf32, #tpu.memory_space<vmem>>[vector<16xi32>], vector<16xf32>,
        %parallel_loop3A_560 = arith.addi %parallel_loop3A_549, %add3A_87 : vector<16xi32>
        %parallel_loop3A_561 = tpu.vector_load_idx %arg6[%parallel_loop3A_560] : memref<40032xf32, #tpu.memory_space<vmem>>[vector<16xi32>], vector<16xf32>,
        %parallel_loop3A_562 = arith.addi %parallel_loop3A_548, %add3A_87 : vector<16xi32>
        %parallel_loop3A_563 = arith.mulf %parallel_loop3A_555, %parallel_loop3A_561 : vector<16xf32>
        tpu.vector_store_idx %arg7[%parallel_loop3A_562], %parallel_loop3A_563 {add = true} : memref<40032xf32, #tpu.memory_space<vmem>>[vector<16xi32>], vector<16xf32>,
      } {sc.loop_unroll_factor = 5 : i64, sc.parallel_access}
      %add3A_506 = arith.constant 2 : i32
      %add3A_507 = arith.addi %mul3A_491, %add3A_506 : i32
      %min3A_508 = arith.minsi %add3A_507, %while3A_209 : i32
      %mul3A_509 = arith.constant 4000 : i32
      %mul3A_510 = arith.muli %min3A_508, %mul3A_509 : i32
      %add3A_511 = arith.constant 0 : i32
      %add3A_512 = arith.addi %add3A_511, %mul3A_510 : i32
      %dma_start3A_513 = tpu.memref_slice %arg2[%add3A_512] : memref<320000xi32, #tpu.memory_space<hbm>> -> memref<4000xi32, #tpu.memory_space<hbm>>
      %dma_start3A_514 = tpu.memref_slice %arg2[%add3A_512] : memref<320000xi32, #tpu.memory_space<hbm>> -> memref<4000xi32, #tpu.memory_space<hbm>>
      tpu.enqueue_dma source(%dma_start3A_514 : memref<4000xi32, #tpu.memory_space<hbm>>) target(%arg11 : memref<4000xi32, #tpu.memory_space<vmem>>) target_semaphore(%arg15 : memref<!tpu.dma_semaphore, #tpu.memory_space<semaphore_mem>>)
      %dma_wait3A_515 = arith.constant 0 : i32
      %dma_wait3A_516 = tpu.memref_slice %arg2[%dma_wait3A_515] : memref<320000xi32, #tpu.memory_space<hbm>> -> memref<4000xi32, #tpu.memory_space<hbm>>
      %dma_wait3A_517 = tpu.memref_slice %arg2[%dma_wait3A_515] : memref<320000xi32, #tpu.memory_space<hbm>> -> memref<4000xi32, #tpu.memory_space<hbm>>
      tpu.wait_dma2 semaphore(%arg16 : memref<!tpu.dma_semaphore, #tpu.memory_space<semaphore_mem>>) src(%dma_wait3A_517 : memref<4000xi32, #tpu.memory_space<hbm>>) dst(%arg12 : memref<4000xi32, #tpu.memory_space<vmem>>)
      %parallel_loop3A_518 = arith.constant 0 : i32
      %parallel_loop3A_519 = arith.constant 250 : i32
      %parallel_loop3A_520 = arith.constant 1 : i32
      scf.for %parallel_loop3A_521 = %parallel_loop3A_518 to %parallel_loop3A_519 step %parallel_loop3A_520  : i32 {
        %parallel_loop3A_522 = arith.constant 16 : i32
        %parallel_loop3A_523 = arith.muli %parallel_loop3A_521, %parallel_loop3A_522 : i32
        %parallel_loop3A_524 = arith.index_cast %parallel_loop3A_523 : i32 to index
        %parallel_loop3A_525 = tpu.vector_load %arg12[%parallel_loop3A_524] {strides = array<i32>} : memref<4000xi32, #tpu.memory_space<vmem>>, vector<16xi32>,
        %parallel_loop3A_526 = vector.shape_cast %shift_right_logical3A : vector<16xi32> to vector<16x1xi32>
        %parallel_loop3A_527 = vector.shape_cast %parallel_loop3A_526 : vector<16x1xi32> to vector<16xi32>
        %parallel_loop3A_528 = tpu.dynamic_gather %parallel_loop3A_525[%parallel_loop3A_527] in [0] : vector<16xi32>, vector<16xi32> -> vector<16xi32>
        %parallel_loop3A_529 = arith.shrui %parallel_loop3A_528, %broadcast_in_dim3A_3 : vector<16xi32>
        %parallel_loop3A_530 = arith.andi %parallel_loop3A_528, %broadcast_in_dim3A_5 : vector<16xi32>
        %parallel_loop3A_531 = arith.cmpi ne, %parallel_loop3A_529, %parallel_loop3A_530 : vector<16xi32>
        %parallel_loop3A_532 = arith.constant 1.000000e+00 : f32
        %parallel_loop3A_533 = vector.broadcast %parallel_loop3A_532 : f32 to vector<16xf32>
        %parallel_loop3A_534 = arith.constant 0.000000e+00 : f32
        %parallel_loop3A_535 = vector.broadcast %parallel_loop3A_534 : f32 to vector<16xf32>
        %parallel_loop3A_536 = arith.select %parallel_loop3A_531, %parallel_loop3A_533, %parallel_loop3A_535 : vector<16xi1>, vector<16xf32>
        %parallel_loop3A_537 = arith.addi %parallel_loop3A_530, %mul3A_84 : vector<16xi32>
        %parallel_loop3A_538 = tpu.vector_load_idx %arg6[%parallel_loop3A_537] : memref<40032xf32, #tpu.memory_space<vmem>>[vector<16xi32>], vector<16xf32>,
        %parallel_loop3A_539 = arith.addi %parallel_loop3A_529, %mul3A_84 : vector<16xi32>
        %parallel_loop3A_540 = arith.mulf %parallel_loop3A_536, %parallel_loop3A_538 : vector<16xf32>
        tpu.vector_store_idx %arg7[%parallel_loop3A_539], %parallel_loop3A_540 {add = true} : memref<40032xf32, #tpu.memory_space<vmem>>[vector<16xi32>], vector<16xf32>,
        %parallel_loop3A_541 = arith.addi %parallel_loop3A_530, %add3A_87 : vector<16xi32>
        %parallel_loop3A_542 = tpu.vector_load_idx %arg6[%parallel_loop3A_541] : memref<40032xf32, #tpu.memory_space<vmem>>[vector<16xi32>], vector<16xf32>,
        %parallel_loop3A_543 = arith.addi %parallel_loop3A_529, %add3A_87 : vector<16xi32>
        %parallel_loop3A_544 = arith.mulf %parallel_loop3A_536, %parallel_loop3A_542 : vector<16xf32>
        tpu.vector_store_idx %arg7[%parallel_loop3A_543], %parallel_loop3A_544 {add = true} : memref<40032xf32, #tpu.memory_space<vmem>>[vector<16xi32>], vector<16xf32>,
        %parallel_loop3A_545 = vector.shape_cast %add3A_79 : vector<16xi32> to vector<16x1xi32>
        %parallel_loop3A_546 = vector.shape_cast %parallel_loop3A_545 : vector<16x1xi32> to vector<16xi32>
        %parallel_loop3A_547 = tpu.dynamic_gather %parallel_loop3A_525[%parallel_loop3A_546] in [0] : vector<16xi32>, vector<16xi32> -> vector<16xi32>
        %parallel_loop3A_548 = arith.shrui %parallel_loop3A_547, %broadcast_in_dim3A_3 : vector<16xi32>
        %parallel_loop3A_549 = arith.andi %parallel_loop3A_547, %broadcast_in_dim3A_5 : vector<16xi32>
        %parallel_loop3A_550 = arith.cmpi ne, %parallel_loop3A_548, %parallel_loop3A_549 : vector<16xi32>
        %parallel_loop3A_551 = arith.constant 1.000000e+00 : f32
        %parallel_loop3A_552 = vector.broadcast %parallel_loop3A_551 : f32 to vector<16xf32>
        %parallel_loop3A_553 = arith.constant 0.000000e+00 : f32
        %parallel_loop3A_554 = vector.broadcast %parallel_loop3A_553 : f32 to vector<16xf32>
        %parallel_loop3A_555 = arith.select %parallel_loop3A_550, %parallel_loop3A_552, %parallel_loop3A_554 : vector<16xi1>, vector<16xf32>
        %parallel_loop3A_556 = arith.addi %parallel_loop3A_549, %mul3A_84 : vector<16xi32>
        %parallel_loop3A_557 = tpu.vector_load_idx %arg6[%parallel_loop3A_556] : memref<40032xf32, #tpu.memory_space<vmem>>[vector<16xi32>], vector<16xf32>,
        %parallel_loop3A_558 = arith.addi %parallel_loop3A_548, %mul3A_84 : vector<16xi32>
        %parallel_loop3A_559 = arith.mulf %parallel_loop3A_555, %parallel_loop3A_557 : vector<16xf32>
        tpu.vector_store_idx %arg7[%parallel_loop3A_558], %parallel_loop3A_559 {add = true} : memref<40032xf32, #tpu.memory_space<vmem>>[vector<16xi32>], vector<16xf32>,
        %parallel_loop3A_560 = arith.addi %parallel_loop3A_549, %add3A_87 : vector<16xi32>
        %parallel_loop3A_561 = tpu.vector_load_idx %arg6[%parallel_loop3A_560] : memref<40032xf32, #tpu.memory_space<vmem>>[vector<16xi32>], vector<16xf32>,
        %parallel_loop3A_562 = arith.addi %parallel_loop3A_548, %add3A_87 : vector<16xi32>
        %parallel_loop3A_563 = arith.mulf %parallel_loop3A_555, %parallel_loop3A_561 : vector<16xf32>
        tpu.vector_store_idx %arg7[%parallel_loop3A_562], %parallel_loop3A_563 {add = true} : memref<40032xf32, #tpu.memory_space<vmem>>[vector<16xi32>], vector<16xf32>,
      } {sc.loop_unroll_factor = 5 : i64, sc.parallel_access}
    }
    %dma_wait3A_220 = arith.constant 0 : i32
    %dma_wait3A_221 = tpu.memref_slice %arg2[%dma_wait3A_220] : memref<320000xi32, #tpu.memory_space<hbm>> -> memref<4000xi32, #tpu.memory_space<hbm>>
    %dma_wait3A_222 = tpu.memref_slice %arg2[%dma_wait3A_220] : memref<320000xi32, #tpu.memory_space<hbm>> -> memref<4000xi32, #tpu.memory_space<hbm>>
    tpu.wait_dma2 semaphore(%arg15 : memref<!tpu.dma_semaphore, #tpu.memory_space<semaphore_mem>>) src(%dma_wait3A_222 : memref<4000xi32, #tpu.memory_space<hbm>>) dst(%arg11 : memref<4000xi32, #tpu.memory_space<vmem>>)
    %while3A_223 = arith.constant 0 : i64
    %while3A_224 = arith.constant 0 : i32
    %while3A_225 = arith.constant 312 : i32
    %while3A_226 = arith.subi %while3A_225, %while3A_224 : i32
    %while3A_227 = arith.addi %while3A_224, %while3A_226 : i32
    %while3A_228 = arith.constant 1 : i32
    %while3A_229 = arith.divsi %while3A_226, %while3A_228 : i32
    %while3A_230 = arith.muli %while3A_229, %while3A_228 : i32
    %while3A_231 = arith.addi %while3A_224, %while3A_230 : i32
    %while3A_232 = arith.constant 1 : i32
    scf.for %while3A_485 = %while3A_224 to %while3A_231 step %while3A_232  : i32 {
      %mul3A_486 = arith.constant 2 : i32
      %mul3A_487 = arith.muli %while3A_485, %mul3A_486 : i32
      %add3A_488 = arith.constant 0 : i32
      %add3A_489 = arith.addi %mul3A_487, %add3A_488 : i32
      %mul3A_490 = arith.constant 16 : i32
      %mul3A_491 = arith.muli %add3A_489, %mul3A_490 : i32
      %get3A_492 = arith.index_cast %mul3A_491 : i32 to index
      %get3A_493 = tpu.vector_load %arg9[%get3A_492] {strides = array<i32>} : memref<10240xf32, #tpu.memory_space<vmem>>, vector<16xf32>,
      %mul3A_494 = arith.constant 16 : i32
      %mul3A_495 = arith.muli %add3A_489, %mul3A_494 : i32
      %add3A_496 = arith.constant 0 : i32
      %add3A_497 = arith.addi %mul3A_495, %add3A_496 : i32
      %get3A_498 = arith.index_cast %add3A_497 : i32 to index
      %get3A_499 = tpu.vector_load %arg7[%get3A_498] {strides = array<i32>} : memref<40032xf32, #tpu.memory_space<vmem>>, vector<16xf32>,
      %mul3A_500 = arith.mulf %get3A_499, %get3A_493 : vector<16xf32>
      %swap3A_501 = arith.index_cast %add3A_497 : i32 to index
      %swap3A_502 = tpu.vector_load %arg6[%swap3A_501] {strides = array<i32>} : memref<40032xf32, #tpu.memory_space<vmem>>, vector<16xf32>,
      tpu.vector_store %arg6[%swap3A_501], %mul3A_500 {strides = array<i32>} : memref<40032xf32, #tpu.memory_space<vmem>>, vector<16xf32>,
      %broadcast_in_dim3A_503 = arith.constant 0.000000e+00 : f32
      %broadcast_in_dim3A_504 = vector.broadcast %broadcast_in_dim3A_503 : f32 to vector<16xf32>
      %swap3A_505 = arith.index_cast %add3A_497 : i32 to index
      %swap3A_506 = tpu.vector_load %arg7[%swap3A_505] {strides = array<i32>} : memref<40032xf32, #tpu.memory_space<vmem>>, vector<16xf32>,
      tpu.vector_store %arg7[%swap3A_505], %broadcast_in_dim3A_504 {strides = array<i32>} : memref<40032xf32, #tpu.memory_space<vmem>>, vector<16xf32>,
      %mul3A_507 = arith.constant 16 : i32
      %mul3A_508 = arith.muli %add3A_489, %mul3A_507 : i32
      %add3A_509 = arith.constant 10008 : i32
      %add3A_510 = arith.addi %mul3A_508, %add3A_509 : i32
      %get3A_511 = arith.index_cast %add3A_510 : i32 to index
      %get3A_512 = tpu.vector_load %arg7[%get3A_511] {strides = array<i32>} : memref<40032xf32, #tpu.memory_space<vmem>>, vector<16xf32>,
      %mul3A_513 = arith.mulf %get3A_512, %get3A_493 : vector<16xf32>
      %swap3A_514 = arith.index_cast %add3A_510 : i32 to index
      %swap3A_515 = tpu.vector_load %arg6[%swap3A_514] {strides = array<i32>} : memref<40032xf32, #tpu.memory_space<vmem>>, vector<16xf32>,
      tpu.vector_store %arg6[%swap3A_514], %mul3A_513 {strides = array<i32>} : memref<40032xf32, #tpu.memory_space<vmem>>, vector<16xf32>,
      %broadcast_in_dim3A_516 = arith.constant 0.000000e+00 : f32
      %broadcast_in_dim3A_517 = vector.broadcast %broadcast_in_dim3A_516 : f32 to vector<16xf32>
      %swap3A_518 = arith.index_cast %add3A_510 : i32 to index
      %swap3A_519 = tpu.vector_load %arg7[%swap3A_518] {strides = array<i32>} : memref<40032xf32, #tpu.memory_space<vmem>>, vector<16xf32>,
      tpu.vector_store %arg7[%swap3A_518], %broadcast_in_dim3A_517 {strides = array<i32>} : memref<40032xf32, #tpu.memory_space<vmem>>, vector<16xf32>,
      %mul3A_520 = arith.constant 16 : i32
      %mul3A_521 = arith.muli %add3A_489, %mul3A_520 : i32
      %add3A_522 = arith.constant 20016 : i32
      %add3A_523 = arith.addi %mul3A_521, %add3A_522 : i32
      %get3A_524 = arith.index_cast %add3A_523 : i32 to index
      %get3A_525 = tpu.vector_load %arg7[%get3A_524] {strides = array<i32>} : memref<40032xf32, #tpu.memory_space<vmem>>, vector<16xf32>,
      %mul3A_526 = arith.mulf %get3A_525, %get3A_493 : vector<16xf32>
      %swap3A_527 = arith.index_cast %add3A_523 : i32 to index
      %swap3A_528 = tpu.vector_load %arg6[%swap3A_527] {strides = array<i32>} : memref<40032xf32, #tpu.memory_space<vmem>>, vector<16xf32>,
      tpu.vector_store %arg6[%swap3A_527], %mul3A_526 {strides = array<i32>} : memref<40032xf32, #tpu.memory_space<vmem>>, vector<16xf32>,
      %broadcast_in_dim3A_529 = arith.constant 0.000000e+00 : f32
      %broadcast_in_dim3A_530 = vector.broadcast %broadcast_in_dim3A_529 : f32 to vector<16xf32>
      %swap3A_531 = arith.index_cast %add3A_523 : i32 to index
      %swap3A_532 = tpu.vector_load %arg7[%swap3A_531] {strides = array<i32>} : memref<40032xf32, #tpu.memory_space<vmem>>, vector<16xf32>,
      tpu.vector_store %arg7[%swap3A_531], %broadcast_in_dim3A_530 {strides = array<i32>} : memref<40032xf32, #tpu.memory_space<vmem>>, vector<16xf32>,
      %mul3A_533 = arith.constant 16 : i32
      %mul3A_534 = arith.muli %add3A_489, %mul3A_533 : i32
      %add3A_535 = arith.constant 30024 : i32
      %add3A_536 = arith.addi %mul3A_534, %add3A_535 : i32
      %get3A_537 = arith.index_cast %add3A_536 : i32 to index
      %get3A_538 = tpu.vector_load %arg7[%get3A_537] {strides = array<i32>} : memref<40032xf32, #tpu.memory_space<vmem>>, vector<16xf32>,
      %mul3A_539 = arith.mulf %get3A_538, %get3A_493 : vector<16xf32>
      %swap3A_540 = arith.index_cast %add3A_536 : i32 to index
      %swap3A_541 = tpu.vector_load %arg6[%swap3A_540] {strides = array<i32>} : memref<40032xf32, #tpu.memory_space<vmem>>, vector<16xf32>,
      tpu.vector_store %arg6[%swap3A_540], %mul3A_539 {strides = array<i32>} : memref<40032xf32, #tpu.memory_space<vmem>>, vector<16xf32>,
      %broadcast_in_dim3A_542 = arith.constant 0.000000e+00 : f32
      %broadcast_in_dim3A_543 = vector.broadcast %broadcast_in_dim3A_542 : f32 to vector<16xf32>
      %swap3A_544 = arith.index_cast %add3A_536 : i32 to index
      %swap3A_545 = tpu.vector_load %arg7[%swap3A_544] {strides = array<i32>} : memref<40032xf32, #tpu.memory_space<vmem>>, vector<16xf32>,
      tpu.vector_store %arg7[%swap3A_544], %broadcast_in_dim3A_543 {strides = array<i32>} : memref<40032xf32, #tpu.memory_space<vmem>>, vector<16xf32>,
      %add3A_546 = arith.constant 1 : i32
      %add3A_547 = arith.addi %mul3A_487, %add3A_546 : i32
      %mul3A_548 = arith.constant 16 : i32
      %mul3A_549 = arith.muli %add3A_547, %mul3A_548 : i32
      %get3A_550 = arith.index_cast %mul3A_549 : i32 to index
      %get3A_551 = tpu.vector_load %arg9[%get3A_550] {strides = array<i32>} : memref<10240xf32, #tpu.memory_space<vmem>>, vector<16xf32>,
      %mul3A_552 = arith.constant 16 : i32
      %mul3A_553 = arith.muli %add3A_547, %mul3A_552 : i32
      %add3A_554 = arith.constant 0 : i32
      %add3A_555 = arith.addi %mul3A_553, %add3A_554 : i32
      %get3A_556 = arith.index_cast %add3A_555 : i32 to index
      %get3A_557 = tpu.vector_load %arg7[%get3A_556] {strides = array<i32>} : memref<40032xf32, #tpu.memory_space<vmem>>, vector<16xf32>,
      %mul3A_558 = arith.mulf %get3A_557, %get3A_551 : vector<16xf32>
      %swap3A_559 = arith.index_cast %add3A_555 : i32 to index
      %swap3A_560 = tpu.vector_load %arg6[%swap3A_559] {strides = array<i32>} : memref<40032xf32, #tpu.memory_space<vmem>>, vector<16xf32>,
      tpu.vector_store %arg6[%swap3A_559], %mul3A_558 {strides = array<i32>} : memref<40032xf32, #tpu.memory_space<vmem>>, vector<16xf32>,
      %broadcast_in_dim3A_561 = arith.constant 0.000000e+00 : f32
      %broadcast_in_dim3A_562 = vector.broadcast %broadcast_in_dim3A_561 : f32 to vector<16xf32>
      %swap3A_563 = arith.index_cast %add3A_555 : i32 to index
      %swap3A_564 = tpu.vector_load %arg7[%swap3A_563] {strides = array<i32>} : memref<40032xf32, #tpu.memory_space<vmem>>, vector<16xf32>,
      tpu.vector_store %arg7[%swap3A_563], %broadcast_in_dim3A_562 {strides = array<i32>} : memref<40032xf32, #tpu.memory_space<vmem>>, vector<16xf32>,
      %mul3A_565 = arith.constant 16 : i32
      %mul3A_566 = arith.muli %add3A_547, %mul3A_565 : i32
      %add3A_567 = arith.constant 10008 : i32
      %add3A_568 = arith.addi %mul3A_566, %add3A_567 : i32
      %get3A_569 = arith.index_cast %add3A_568 : i32 to index
      %get3A_570 = tpu.vector_load %arg7[%get3A_569] {strides = array<i32>} : memref<40032xf32, #tpu.memory_space<vmem>>, vector<16xf32>,
      %mul3A_571 = arith.mulf %get3A_570, %get3A_551 : vector<16xf32>
      %swap3A_572 = arith.index_cast %add3A_568 : i32 to index
      %swap3A_573 = tpu.vector_load %arg6[%swap3A_572] {strides = array<i32>} : memref<40032xf32, #tpu.memory_space<vmem>>, vector<16xf32>,
      tpu.vector_store %arg6[%swap3A_572], %mul3A_571 {strides = array<i32>} : memref<40032xf32, #tpu.memory_space<vmem>>, vector<16xf32>,
      %broadcast_in_dim3A_574 = arith.constant 0.000000e+00 : f32
      %broadcast_in_dim3A_575 = vector.broadcast %broadcast_in_dim3A_574 : f32 to vector<16xf32>
      %swap3A_576 = arith.index_cast %add3A_568 : i32 to index
      %swap3A_577 = tpu.vector_load %arg7[%swap3A_576] {strides = array<i32>} : memref<40032xf32, #tpu.memory_space<vmem>>, vector<16xf32>,
      tpu.vector_store %arg7[%swap3A_576], %broadcast_in_dim3A_575 {strides = array<i32>} : memref<40032xf32, #tpu.memory_space<vmem>>, vector<16xf32>,
      %mul3A_578 = arith.constant 16 : i32
      %mul3A_579 = arith.muli %add3A_547, %mul3A_578 : i32
      %add3A_580 = arith.constant 20016 : i32
      %add3A_581 = arith.addi %mul3A_579, %add3A_580 : i32
      %get3A_582 = arith.index_cast %add3A_581 : i32 to index
      %get3A_583 = tpu.vector_load %arg7[%get3A_582] {strides = array<i32>} : memref<40032xf32, #tpu.memory_space<vmem>>, vector<16xf32>,
      %mul3A_584 = arith.mulf %get3A_583, %get3A_551 : vector<16xf32>
      %swap3A_585 = arith.index_cast %add3A_581 : i32 to index
      %swap3A_586 = tpu.vector_load %arg6[%swap3A_585] {strides = array<i32>} : memref<40032xf32, #tpu.memory_space<vmem>>, vector<16xf32>,
      tpu.vector_store %arg6[%swap3A_585], %mul3A_584 {strides = array<i32>} : memref<40032xf32, #tpu.memory_space<vmem>>, vector<16xf32>,
      %broadcast_in_dim3A_587 = arith.constant 0.000000e+00 : f32
      %broadcast_in_dim3A_588 = vector.broadcast %broadcast_in_dim3A_587 : f32 to vector<16xf32>
      %swap3A_589 = arith.index_cast %add3A_581 : i32 to index
      %swap3A_590 = tpu.vector_load %arg7[%swap3A_589] {strides = array<i32>} : memref<40032xf32, #tpu.memory_space<vmem>>, vector<16xf32>,
      tpu.vector_store %arg7[%swap3A_589], %broadcast_in_dim3A_588 {strides = array<i32>} : memref<40032xf32, #tpu.memory_space<vmem>>, vector<16xf32>,
      %mul3A_591 = arith.constant 16 : i32
      %mul3A_592 = arith.muli %add3A_547, %mul3A_591 : i32
      %add3A_593 = arith.constant 30024 : i32
      %add3A_594 = arith.addi %mul3A_592, %add3A_593 : i32
      %get3A_595 = arith.index_cast %add3A_594 : i32 to index
      %get3A_596 = tpu.vector_load %arg7[%get3A_595] {strides = array<i32>} : memref<40032xf32, #tpu.memory_space<vmem>>, vector<16xf32>,
      %mul3A_597 = arith.mulf %get3A_596, %get3A_551 : vector<16xf32>
      %swap3A_598 = arith.index_cast %add3A_594 : i32 to index
      %swap3A_599 = tpu.vector_load %arg6[%swap3A_598] {strides = array<i32>} : memref<40032xf32, #tpu.memory_space<vmem>>, vector<16xf32>,
      tpu.vector_store %arg6[%swap3A_598], %mul3A_597 {strides = array<i32>} : memref<40032xf32, #tpu.memory_space<vmem>>, vector<16xf32>,
      %broadcast_in_dim3A_600 = arith.constant 0.000000e+00 : f32
      %broadcast_in_dim3A_601 = vector.broadcast %broadcast_in_dim3A_600 : f32 to vector<16xf32>
      %swap3A_602 = arith.index_cast %add3A_594 : i32 to index
      %swap3A_603 = tpu.vector_load %arg7[%swap3A_602] {strides = array<i32>} : memref<40032xf32, #tpu.memory_space<vmem>>, vector<16xf32>,
      tpu.vector_store %arg7[%swap3A_602], %broadcast_in_dim3A_601 {strides = array<i32>} : memref<40032xf32, #tpu.memory_space<vmem>>, vector<16xf32>,
    }
    %while3A_233 = arith.constant 1 : i32
    scf.for %while3A_485 = %while3A_231 to %while3A_227 step %while3A_233  : i32 {
      %mul3A_486 = arith.constant 2 : i32
      %mul3A_487 = arith.muli %while3A_485, %mul3A_486 : i32
      %add3A_488 = arith.constant 0 : i32
      %add3A_489 = arith.addi %mul3A_487, %add3A_488 : i32
      %mul3A_490 = arith.constant 16 : i32
      %mul3A_491 = arith.muli %add3A_489, %mul3A_490 : i32
      %get3A_492 = arith.index_cast %mul3A_491 : i32 to index
      %get3A_493 = tpu.vector_load %arg9[%get3A_492] {strides = array<i32>} : memref<10240xf32, #tpu.memory_space<vmem>>, vector<16xf32>,
      %mul3A_494 = arith.constant 16 : i32
      %mul3A_495 = arith.muli %add3A_489, %mul3A_494 : i32
      %add3A_496 = arith.constant 0 : i32
      %add3A_497 = arith.addi %mul3A_495, %add3A_496 : i32
      %get3A_498 = arith.index_cast %add3A_497 : i32 to index
      %get3A_499 = tpu.vector_load %arg7[%get3A_498] {strides = array<i32>} : memref<40032xf32, #tpu.memory_space<vmem>>, vector<16xf32>,
      %mul3A_500 = arith.mulf %get3A_499, %get3A_493 : vector<16xf32>
      %swap3A_501 = arith.index_cast %add3A_497 : i32 to index
      %swap3A_502 = tpu.vector_load %arg6[%swap3A_501] {strides = array<i32>} : memref<40032xf32, #tpu.memory_space<vmem>>, vector<16xf32>,
      tpu.vector_store %arg6[%swap3A_501], %mul3A_500 {strides = array<i32>} : memref<40032xf32, #tpu.memory_space<vmem>>, vector<16xf32>,
      %broadcast_in_dim3A_503 = arith.constant 0.000000e+00 : f32
      %broadcast_in_dim3A_504 = vector.broadcast %broadcast_in_dim3A_503 : f32 to vector<16xf32>
      %swap3A_505 = arith.index_cast %add3A_497 : i32 to index
      %swap3A_506 = tpu.vector_load %arg7[%swap3A_505] {strides = array<i32>} : memref<40032xf32, #tpu.memory_space<vmem>>, vector<16xf32>,
      tpu.vector_store %arg7[%swap3A_505], %broadcast_in_dim3A_504 {strides = array<i32>} : memref<40032xf32, #tpu.memory_space<vmem>>, vector<16xf32>,
      %mul3A_507 = arith.constant 16 : i32
      %mul3A_508 = arith.muli %add3A_489, %mul3A_507 : i32
      %add3A_509 = arith.constant 10008 : i32
      %add3A_510 = arith.addi %mul3A_508, %add3A_509 : i32
      %get3A_511 = arith.index_cast %add3A_510 : i32 to index
      %get3A_512 = tpu.vector_load %arg7[%get3A_511] {strides = array<i32>} : memref<40032xf32, #tpu.memory_space<vmem>>, vector<16xf32>,
      %mul3A_513 = arith.mulf %get3A_512, %get3A_493 : vector<16xf32>
      %swap3A_514 = arith.index_cast %add3A_510 : i32 to index
      %swap3A_515 = tpu.vector_load %arg6[%swap3A_514] {strides = array<i32>} : memref<40032xf32, #tpu.memory_space<vmem>>, vector<16xf32>,
      tpu.vector_store %arg6[%swap3A_514], %mul3A_513 {strides = array<i32>} : memref<40032xf32, #tpu.memory_space<vmem>>, vector<16xf32>,
      %broadcast_in_dim3A_516 = arith.constant 0.000000e+00 : f32
      %broadcast_in_dim3A_517 = vector.broadcast %broadcast_in_dim3A_516 : f32 to vector<16xf32>
      %swap3A_518 = arith.index_cast %add3A_510 : i32 to index
      %swap3A_519 = tpu.vector_load %arg7[%swap3A_518] {strides = array<i32>} : memref<40032xf32, #tpu.memory_space<vmem>>, vector<16xf32>,
      tpu.vector_store %arg7[%swap3A_518], %broadcast_in_dim3A_517 {strides = array<i32>} : memref<40032xf32, #tpu.memory_space<vmem>>, vector<16xf32>,
      %mul3A_520 = arith.constant 16 : i32
      %mul3A_521 = arith.muli %add3A_489, %mul3A_520 : i32
      %add3A_522 = arith.constant 20016 : i32
      %add3A_523 = arith.addi %mul3A_521, %add3A_522 : i32
      %get3A_524 = arith.index_cast %add3A_523 : i32 to index
      %get3A_525 = tpu.vector_load %arg7[%get3A_524] {strides = array<i32>} : memref<40032xf32, #tpu.memory_space<vmem>>, vector<16xf32>,
      %mul3A_526 = arith.mulf %get3A_525, %get3A_493 : vector<16xf32>
      %swap3A_527 = arith.index_cast %add3A_523 : i32 to index
      %swap3A_528 = tpu.vector_load %arg6[%swap3A_527] {strides = array<i32>} : memref<40032xf32, #tpu.memory_space<vmem>>, vector<16xf32>,
      tpu.vector_store %arg6[%swap3A_527], %mul3A_526 {strides = array<i32>} : memref<40032xf32, #tpu.memory_space<vmem>>, vector<16xf32>,
      %broadcast_in_dim3A_529 = arith.constant 0.000000e+00 : f32
      %broadcast_in_dim3A_530 = vector.broadcast %broadcast_in_dim3A_529 : f32 to vector<16xf32>
      %swap3A_531 = arith.index_cast %add3A_523 : i32 to index
      %swap3A_532 = tpu.vector_load %arg7[%swap3A_531] {strides = array<i32>} : memref<40032xf32, #tpu.memory_space<vmem>>, vector<16xf32>,
      tpu.vector_store %arg7[%swap3A_531], %broadcast_in_dim3A_530 {strides = array<i32>} : memref<40032xf32, #tpu.memory_space<vmem>>, vector<16xf32>,
      %mul3A_533 = arith.constant 16 : i32
      %mul3A_534 = arith.muli %add3A_489, %mul3A_533 : i32
      %add3A_535 = arith.constant 30024 : i32
      %add3A_536 = arith.addi %mul3A_534, %add3A_535 : i32
      %get3A_537 = arith.index_cast %add3A_536 : i32 to index
      %get3A_538 = tpu.vector_load %arg7[%get3A_537] {strides = array<i32>} : memref<40032xf32, #tpu.memory_space<vmem>>, vector<16xf32>,
      %mul3A_539 = arith.mulf %get3A_538, %get3A_493 : vector<16xf32>
      %swap3A_540 = arith.index_cast %add3A_536 : i32 to index
      %swap3A_541 = tpu.vector_load %arg6[%swap3A_540] {strides = array<i32>} : memref<40032xf32, #tpu.memory_space<vmem>>, vector<16xf32>,
      tpu.vector_store %arg6[%swap3A_540], %mul3A_539 {strides = array<i32>} : memref<40032xf32, #tpu.memory_space<vmem>>, vector<16xf32>,
      %broadcast_in_dim3A_542 = arith.constant 0.000000e+00 : f32
      %broadcast_in_dim3A_543 = vector.broadcast %broadcast_in_dim3A_542 : f32 to vector<16xf32>
      %swap3A_544 = arith.index_cast %add3A_536 : i32 to index
      %swap3A_545 = tpu.vector_load %arg7[%swap3A_544] {strides = array<i32>} : memref<40032xf32, #tpu.memory_space<vmem>>, vector<16xf32>,
      tpu.vector_store %arg7[%swap3A_544], %broadcast_in_dim3A_543 {strides = array<i32>} : memref<40032xf32, #tpu.memory_space<vmem>>, vector<16xf32>,
      %add3A_546 = arith.constant 1 : i32
      %add3A_547 = arith.addi %mul3A_487, %add3A_546 : i32
      %mul3A_548 = arith.constant 16 : i32
      %mul3A_549 = arith.muli %add3A_547, %mul3A_548 : i32
      %get3A_550 = arith.index_cast %mul3A_549 : i32 to index
      %get3A_551 = tpu.vector_load %arg9[%get3A_550] {strides = array<i32>} : memref<10240xf32, #tpu.memory_space<vmem>>, vector<16xf32>,
      %mul3A_552 = arith.constant 16 : i32
      %mul3A_553 = arith.muli %add3A_547, %mul3A_552 : i32
      %add3A_554 = arith.constant 0 : i32
      %add3A_555 = arith.addi %mul3A_553, %add3A_554 : i32
      %get3A_556 = arith.index_cast %add3A_555 : i32 to index
      %get3A_557 = tpu.vector_load %arg7[%get3A_556] {strides = array<i32>} : memref<40032xf32, #tpu.memory_space<vmem>>, vector<16xf32>,
      %mul3A_558 = arith.mulf %get3A_557, %get3A_551 : vector<16xf32>
      %swap3A_559 = arith.index_cast %add3A_555 : i32 to index
      %swap3A_560 = tpu.vector_load %arg6[%swap3A_559] {strides = array<i32>} : memref<40032xf32, #tpu.memory_space<vmem>>, vector<16xf32>,
      tpu.vector_store %arg6[%swap3A_559], %mul3A_558 {strides = array<i32>} : memref<40032xf32, #tpu.memory_space<vmem>>, vector<16xf32>,
      %broadcast_in_dim3A_561 = arith.constant 0.000000e+00 : f32
      %broadcast_in_dim3A_562 = vector.broadcast %broadcast_in_dim3A_561 : f32 to vector<16xf32>
      %swap3A_563 = arith.index_cast %add3A_555 : i32 to index
      %swap3A_564 = tpu.vector_load %arg7[%swap3A_563] {strides = array<i32>} : memref<40032xf32, #tpu.memory_space<vmem>>, vector<16xf32>,
      tpu.vector_store %arg7[%swap3A_563], %broadcast_in_dim3A_562 {strides = array<i32>} : memref<40032xf32, #tpu.memory_space<vmem>>, vector<16xf32>,
      %mul3A_565 = arith.constant 16 : i32
      %mul3A_566 = arith.muli %add3A_547, %mul3A_565 : i32
      %add3A_567 = arith.constant 10008 : i32
      %add3A_568 = arith.addi %mul3A_566, %add3A_567 : i32
      %get3A_569 = arith.index_cast %add3A_568 : i32 to index
      %get3A_570 = tpu.vector_load %arg7[%get3A_569] {strides = array<i32>} : memref<40032xf32, #tpu.memory_space<vmem>>, vector<16xf32>,
      %mul3A_571 = arith.mulf %get3A_570, %get3A_551 : vector<16xf32>
      %swap3A_572 = arith.index_cast %add3A_568 : i32 to index
      %swap3A_573 = tpu.vector_load %arg6[%swap3A_572] {strides = array<i32>} : memref<40032xf32, #tpu.memory_space<vmem>>, vector<16xf32>,
      tpu.vector_store %arg6[%swap3A_572], %mul3A_571 {strides = array<i32>} : memref<40032xf32, #tpu.memory_space<vmem>>, vector<16xf32>,
      %broadcast_in_dim3A_574 = arith.constant 0.000000e+00 : f32
      %broadcast_in_dim3A_575 = vector.broadcast %broadcast_in_dim3A_574 : f32 to vector<16xf32>
      %swap3A_576 = arith.index_cast %add3A_568 : i32 to index
      %swap3A_577 = tpu.vector_load %arg7[%swap3A_576] {strides = array<i32>} : memref<40032xf32, #tpu.memory_space<vmem>>, vector<16xf32>,
      tpu.vector_store %arg7[%swap3A_576], %broadcast_in_dim3A_575 {strides = array<i32>} : memref<40032xf32, #tpu.memory_space<vmem>>, vector<16xf32>,
      %mul3A_578 = arith.constant 16 : i32
      %mul3A_579 = arith.muli %add3A_547, %mul3A_578 : i32
      %add3A_580 = arith.constant 20016 : i32
      %add3A_581 = arith.addi %mul3A_579, %add3A_580 : i32
      %get3A_582 = arith.index_cast %add3A_581 : i32 to index
      %get3A_583 = tpu.vector_load %arg7[%get3A_582] {strides = array<i32>} : memref<40032xf32, #tpu.memory_space<vmem>>, vector<16xf32>,
      %mul3A_584 = arith.mulf %get3A_583, %get3A_551 : vector<16xf32>
      %swap3A_585 = arith.index_cast %add3A_581 : i32 to index
      %swap3A_586 = tpu.vector_load %arg6[%swap3A_585] {strides = array<i32>} : memref<40032xf32, #tpu.memory_space<vmem>>, vector<16xf32>,
      tpu.vector_store %arg6[%swap3A_585], %mul3A_584 {strides = array<i32>} : memref<40032xf32, #tpu.memory_space<vmem>>, vector<16xf32>,
      %broadcast_in_dim3A_587 = arith.constant 0.000000e+00 : f32
      %broadcast_in_dim3A_588 = vector.broadcast %broadcast_in_dim3A_587 : f32 to vector<16xf32>
      %swap3A_589 = arith.index_cast %add3A_581 : i32 to index
      %swap3A_590 = tpu.vector_load %arg7[%swap3A_589] {strides = array<i32>} : memref<40032xf32, #tpu.memory_space<vmem>>, vector<16xf32>,
      tpu.vector_store %arg7[%swap3A_589], %broadcast_in_dim3A_588 {strides = array<i32>} : memref<40032xf32, #tpu.memory_space<vmem>>, vector<16xf32>,
      %mul3A_591 = arith.constant 16 : i32
      %mul3A_592 = arith.muli %add3A_547, %mul3A_591 : i32
      %add3A_593 = arith.constant 30024 : i32
      %add3A_594 = arith.addi %mul3A_592, %add3A_593 : i32
      %get3A_595 = arith.index_cast %add3A_594 : i32 to index
      %get3A_596 = tpu.vector_load %arg7[%get3A_595] {strides = array<i32>} : memref<40032xf32, #tpu.memory_space<vmem>>, vector<16xf32>,
      %mul3A_597 = arith.mulf %get3A_596, %get3A_551 : vector<16xf32>
      %swap3A_598 = arith.index_cast %add3A_594 : i32 to index
      %swap3A_599 = tpu.vector_load %arg6[%swap3A_598] {strides = array<i32>} : memref<40032xf32, #tpu.memory_space<vmem>>, vector<16xf32>,
      tpu.vector_store %arg6[%swap3A_598], %mul3A_597 {strides = array<i32>} : memref<40032xf32, #tpu.memory_space<vmem>>, vector<16xf32>,
      %broadcast_in_dim3A_600 = arith.constant 0.000000e+00 : f32
      %broadcast_in_dim3A_601 = vector.broadcast %broadcast_in_dim3A_600 : f32 to vector<16xf32>
      %swap3A_602 = arith.index_cast %add3A_594 : i32 to index
      %swap3A_603 = tpu.vector_load %arg7[%swap3A_602] {strides = array<i32>} : memref<40032xf32, #tpu.memory_space<vmem>>, vector<16xf32>,
      tpu.vector_store %arg7[%swap3A_602], %broadcast_in_dim3A_601 {strides = array<i32>} : memref<40032xf32, #tpu.memory_space<vmem>>, vector<16xf32>,
    }
    %mul3A_234 = arith.constant 624 : i32
    %mul3A_235 = arith.constant 16 : i32
    %mul3A_236 = arith.muli %mul3A_234, %mul3A_235 : i32
    %get3A_237 = arith.index_cast %mul3A_236 : i32 to index
    %get3A_238 = tpu.vector_load %arg9[%get3A_237] {strides = array<i32>} : memref<10240xf32, #tpu.memory_space<vmem>>, vector<16xf32>,
    %mul3A_239 = arith.constant 624 : i32
    %mul3A_240 = arith.constant 16 : i32
    %mul3A_241 = arith.muli %mul3A_239, %mul3A_240 : i32
    %add3A_242 = arith.constant 0 : i32
    %add3A_243 = arith.addi %mul3A_241, %add3A_242 : i32
    %get3A_244 = arith.index_cast %add3A_243 : i32 to index
    %get3A_245 = tpu.vector_load %arg7[%get3A_244] {strides = array<i32>} : memref<40032xf32, #tpu.memory_space<vmem>>, vector<16xf32>,
    %mul3A_246 = arith.mulf %get3A_245, %get3A_238 : vector<16xf32>
    %swap3A_247 = arith.index_cast %add3A_243 : i32 to index
    %swap3A_248 = tpu.vector_load %arg6[%swap3A_247] {strides = array<i32>} : memref<40032xf32, #tpu.memory_space<vmem>>, vector<16xf32>,
    tpu.vector_store %arg6[%swap3A_247], %mul3A_246 {strides = array<i32>} : memref<40032xf32, #tpu.memory_space<vmem>>, vector<16xf32>,
    %broadcast_in_dim3A_249 = arith.constant 0.000000e+00 : f32
    %broadcast_in_dim3A_250 = vector.broadcast %broadcast_in_dim3A_249 : f32 to vector<16xf32>
    %swap3A_251 = arith.index_cast %add3A_243 : i32 to index
    %swap3A_252 = tpu.vector_load %arg7[%swap3A_251] {strides = array<i32>} : memref<40032xf32, #tpu.memory_space<vmem>>, vector<16xf32>,
    tpu.vector_store %arg7[%swap3A_251], %broadcast_in_dim3A_250 {strides = array<i32>} : memref<40032xf32, #tpu.memory_space<vmem>>, vector<16xf32>,
    %mul3A_253 = arith.constant 624 : i32
    %mul3A_254 = arith.constant 16 : i32
    %mul3A_255 = arith.muli %mul3A_253, %mul3A_254 : i32
    %add3A_256 = arith.constant 10008 : i32
    %add3A_257 = arith.addi %mul3A_255, %add3A_256 : i32
    %get3A_258 = arith.index_cast %add3A_257 : i32 to index
    %get3A_259 = tpu.vector_load %arg7[%get3A_258] {strides = array<i32>} : memref<40032xf32, #tpu.memory_space<vmem>>, vector<16xf32>,
    %mul3A_260 = arith.mulf %get3A_259, %get3A_238 : vector<16xf32>
    %swap3A_261 = arith.index_cast %add3A_257 : i32 to index
    %swap3A_262 = tpu.vector_load %arg6[%swap3A_261] {strides = array<i32>} : memref<40032xf32, #tpu.memory_space<vmem>>, vector<16xf32>,
    tpu.vector_store %arg6[%swap3A_261], %mul3A_260 {strides = array<i32>} : memref<40032xf32, #tpu.memory_space<vmem>>, vector<16xf32>,
    %broadcast_in_dim3A_263 = arith.constant 0.000000e+00 : f32
    %broadcast_in_dim3A_264 = vector.broadcast %broadcast_in_dim3A_263 : f32 to vector<16xf32>
    %swap3A_265 = arith.index_cast %add3A_257 : i32 to index
    %swap3A_266 = tpu.vector_load %arg7[%swap3A_265] {strides = array<i32>} : memref<40032xf32, #tpu.memory_space<vmem>>, vector<16xf32>,
    tpu.vector_store %arg7[%swap3A_265], %broadcast_in_dim3A_264 {strides = array<i32>} : memref<40032xf32, #tpu.memory_space<vmem>>, vector<16xf32>,
    %mul3A_267 = arith.constant 624 : i32
    %mul3A_268 = arith.constant 16 : i32
    %mul3A_269 = arith.muli %mul3A_267, %mul3A_268 : i32
    %add3A_270 = arith.constant 20016 : i32
    %add3A_271 = arith.addi %mul3A_269, %add3A_270 : i32
    %get3A_272 = arith.index_cast %add3A_271 : i32 to index
    %get3A_273 = tpu.vector_load %arg7[%get3A_272] {strides = array<i32>} : memref<40032xf32, #tpu.memory_space<vmem>>, vector<16xf32>,
    %mul3A_274 = arith.mulf %get3A_273, %get3A_238 : vector<16xf32>
    %swap3A_275 = arith.index_cast %add3A_271 : i32 to index
    %swap3A_276 = tpu.vector_load %arg6[%swap3A_275] {strides = array<i32>} : memref<40032xf32, #tpu.memory_space<vmem>>, vector<16xf32>,
    tpu.vector_store %arg6[%swap3A_275], %mul3A_274 {strides = array<i32>} : memref<40032xf32, #tpu.memory_space<vmem>>, vector<16xf32>,
    %broadcast_in_dim3A_277 = arith.constant 0.000000e+00 : f32
    %broadcast_in_dim3A_278 = vector.broadcast %broadcast_in_dim3A_277 : f32 to vector<16xf32>
    %swap3A_279 = arith.index_cast %add3A_271 : i32 to index
    %swap3A_280 = tpu.vector_load %arg7[%swap3A_279] {strides = array<i32>} : memref<40032xf32, #tpu.memory_space<vmem>>, vector<16xf32>,
    tpu.vector_store %arg7[%swap3A_279], %broadcast_in_dim3A_278 {strides = array<i32>} : memref<40032xf32, #tpu.memory_space<vmem>>, vector<16xf32>,
    %mul3A_281 = arith.constant 624 : i32
    %mul3A_282 = arith.constant 16 : i32
    %mul3A_283 = arith.muli %mul3A_281, %mul3A_282 : i32
    %add3A_284 = arith.constant 30024 : i32
    %add3A_285 = arith.addi %mul3A_283, %add3A_284 : i32
    %get3A_286 = arith.index_cast %add3A_285 : i32 to index
    %get3A_287 = tpu.vector_load %arg7[%get3A_286] {strides = array<i32>} : memref<40032xf32, #tpu.memory_space<vmem>>, vector<16xf32>,
    %mul3A_288 = arith.mulf %get3A_287, %get3A_238 : vector<16xf32>
    %swap3A_289 = arith.index_cast %add3A_285 : i32 to index
    %swap3A_290 = tpu.vector_load %arg6[%swap3A_289] {strides = array<i32>} : memref<40032xf32, #tpu.memory_space<vmem>>, vector<16xf32>,
    tpu.vector_store %arg6[%swap3A_289], %mul3A_288 {strides = array<i32>} : memref<40032xf32, #tpu.memory_space<vmem>>, vector<16xf32>,
    %broadcast_in_dim3A_291 = arith.constant 0.000000e+00 : f32
    %broadcast_in_dim3A_292 = vector.broadcast %broadcast_in_dim3A_291 : f32 to vector<16xf32>
    %swap3A_293 = arith.index_cast %add3A_285 : i32 to index
    %swap3A_294 = tpu.vector_load %arg7[%swap3A_293] {strides = array<i32>} : memref<40032xf32, #tpu.memory_space<vmem>>, vector<16xf32>,
    tpu.vector_store %arg7[%swap3A_293], %broadcast_in_dim3A_292 {strides = array<i32>} : memref<40032xf32, #tpu.memory_space<vmem>>, vector<16xf32>,
    %add3A_295 = arith.constant 0 : i32
    %add3A_296 = arith.addi %mul3A_2, %add3A_295 : i32
    %mul3A_297 = arith.constant 10000 : i32
    %mul3A_298 = arith.muli %add3A_296, %mul3A_297 : i32
    %run_scoped3A_299 = arith.constant 0 : i32
    "tpu.region"() ({
      %run_scoped3A_485 = tpu.sem_alloc : memref<!tpu.dma_semaphore, #tpu.memory_space<semaphore_mem>>
      %dma_start3A_486 = tpu.memref_slice %arg6[%run_scoped3A_299] : memref<40032xf32, #tpu.memory_space<vmem>> -> memref<10000xf32, #tpu.memory_space<vmem>>
      %dma_start3A_487 = tpu.memref_slice %arg4[%mul3A_298] : memref<1280000xf32, #tpu.memory_space<hbm>> -> memref<10000xf32, #tpu.memory_space<hbm>>
      %dma_start3A_488 = tpu.memref_slice %arg4[%mul3A_298] : memref<1280000xf32, #tpu.memory_space<hbm>> -> memref<10000xf32, #tpu.memory_space<hbm>>
      %dma_start3A_489 = tpu.memref_slice %arg6[%run_scoped3A_299] : memref<40032xf32, #tpu.memory_space<vmem>> -> memref<10000xf32, #tpu.memory_space<vmem>>
      tpu.enqueue_dma source(%dma_start3A_489 : memref<10000xf32, #tpu.memory_space<vmem>>) target(%dma_start3A_488 : memref<10000xf32, #tpu.memory_space<hbm>>) target_semaphore(%run_scoped3A_485 : memref<!tpu.dma_semaphore, #tpu.memory_space<semaphore_mem>>)
      %dma_wait3A_490 = tpu.memref_slice %arg6[%run_scoped3A_299] : memref<40032xf32, #tpu.memory_space<vmem>> -> memref<10000xf32, #tpu.memory_space<vmem>>
      %dma_wait3A_491 = tpu.memref_slice %arg4[%mul3A_298] : memref<1280000xf32, #tpu.memory_space<hbm>> -> memref<10000xf32, #tpu.memory_space<hbm>>
      %dma_wait3A_492 = tpu.memref_slice %arg4[%mul3A_298] : memref<1280000xf32, #tpu.memory_space<hbm>> -> memref<10000xf32, #tpu.memory_space<hbm>>
      %dma_wait3A_493 = tpu.memref_slice %arg6[%run_scoped3A_299] : memref<40032xf32, #tpu.memory_space<vmem>> -> memref<10000xf32, #tpu.memory_space<vmem>>
      tpu.wait_dma2 semaphore(%run_scoped3A_485 : memref<!tpu.dma_semaphore, #tpu.memory_space<semaphore_mem>>) src(%dma_wait3A_493 : memref<10000xf32, #tpu.memory_space<vmem>>) dst(%dma_wait3A_492 : memref<10000xf32, #tpu.memory_space<hbm>>)
      tpu.yield
    }) : () -> ()
    %add3A_300 = arith.constant 1 : i32
    %add3A_301 = arith.addi %mul3A_2, %add3A_300 : i32
    %mul3A_302 = arith.constant 10000 : i32
    %mul3A_303 = arith.muli %add3A_301, %mul3A_302 : i32
    %run_scoped3A_304 = arith.constant 10008 : i32
    "tpu.region"() ({
      %run_scoped3A_485 = tpu.sem_alloc : memref<!tpu.dma_semaphore, #tpu.memory_space<semaphore_mem>>
      %dma_start3A_486 = tpu.memref_slice %arg6[%run_scoped3A_304] : memref<40032xf32, #tpu.memory_space<vmem>> -> memref<10000xf32, #tpu.memory_space<vmem>>
      %dma_start3A_487 = tpu.memref_slice %arg4[%mul3A_303] : memref<1280000xf32, #tpu.memory_space<hbm>> -> memref<10000xf32, #tpu.memory_space<hbm>>
      %dma_start3A_488 = tpu.memref_slice %arg4[%mul3A_303] : memref<1280000xf32, #tpu.memory_space<hbm>> -> memref<10000xf32, #tpu.memory_space<hbm>>
      %dma_start3A_489 = tpu.memref_slice %arg6[%run_scoped3A_304] : memref<40032xf32, #tpu.memory_space<vmem>> -> memref<10000xf32, #tpu.memory_space<vmem>>
      tpu.enqueue_dma source(%dma_start3A_489 : memref<10000xf32, #tpu.memory_space<vmem>>) target(%dma_start3A_488 : memref<10000xf32, #tpu.memory_space<hbm>>) target_semaphore(%run_scoped3A_485 : memref<!tpu.dma_semaphore, #tpu.memory_space<semaphore_mem>>)
      %dma_wait3A_490 = tpu.memref_slice %arg6[%run_scoped3A_304] : memref<40032xf32, #tpu.memory_space<vmem>> -> memref<10000xf32, #tpu.memory_space<vmem>>
      %dma_wait3A_491 = tpu.memref_slice %arg4[%mul3A_303] : memref<1280000xf32, #tpu.memory_space<hbm>> -> memref<10000xf32, #tpu.memory_space<hbm>>
      %dma_wait3A_492 = tpu.memref_slice %arg4[%mul3A_303] : memref<1280000xf32, #tpu.memory_space<hbm>> -> memref<10000xf32, #tpu.memory_space<hbm>>
      %dma_wait3A_493 = tpu.memref_slice %arg6[%run_scoped3A_304] : memref<40032xf32, #tpu.memory_space<vmem>> -> memref<10000xf32, #tpu.memory_space<vmem>>
      tpu.wait_dma2 semaphore(%run_scoped3A_485 : memref<!tpu.dma_semaphore, #tpu.memory_space<semaphore_mem>>) src(%dma_wait3A_493 : memref<10000xf32, #tpu.memory_space<vmem>>) dst(%dma_wait3A_492 : memref<10000xf32, #tpu.memory_space<hbm>>)
      tpu.yield
    }) : () -> ()
    %add3A_305 = arith.constant 2 : i32
    %add3A_306 = arith.addi %mul3A_2, %add3A_305 : i32
    %mul3A_307 = arith.constant 10000 : i32
    %mul3A_308 = arith.muli %add3A_306, %mul3A_307 : i32
    %run_scoped3A_309 = arith.constant 20016 : i32
    "tpu.region"() ({
      %run_scoped3A_485 = tpu.sem_alloc : memref<!tpu.dma_semaphore, #tpu.memory_space<semaphore_mem>>
      %dma_start3A_486 = tpu.memref_slice %arg6[%run_scoped3A_309] : memref<40032xf32, #tpu.memory_space<vmem>> -> memref<10000xf32, #tpu.memory_space<vmem>>
      %dma_start3A_487 = tpu.memref_slice %arg4[%mul3A_308] : memref<1280000xf32, #tpu.memory_space<hbm>> -> memref<10000xf32, #tpu.memory_space<hbm>>
      %dma_start3A_488 = tpu.memref_slice %arg4[%mul3A_308] : memref<1280000xf32, #tpu.memory_space<hbm>> -> memref<10000xf32, #tpu.memory_space<hbm>>
      %dma_start3A_489 = tpu.memref_slice %arg6[%run_scoped3A_309] : memref<40032xf32, #tpu.memory_space<vmem>> -> memref<10000xf32, #tpu.memory_space<vmem>>
      tpu.enqueue_dma source(%dma_start3A_489 : memref<10000xf32, #tpu.memory_space<vmem>>) target(%dma_start3A_488 : memref<10000xf32, #tpu.memory_space<hbm>>) target_semaphore(%run_scoped3A_485 : memref<!tpu.dma_semaphore, #tpu.memory_space<semaphore_mem>>)
      %dma_wait3A_490 = tpu.memref_slice %arg6[%run_scoped3A_309] : memref<40032xf32, #tpu.memory_space<vmem>> -> memref<10000xf32, #tpu.memory_space<vmem>>
      %dma_wait3A_491 = tpu.memref_slice %arg4[%mul3A_308] : memref<1280000xf32, #tpu.memory_space<hbm>> -> memref<10000xf32, #tpu.memory_space<hbm>>
      %dma_wait3A_492 = tpu.memref_slice %arg4[%mul3A_308] : memref<1280000xf32, #tpu.memory_space<hbm>> -> memref<10000xf32, #tpu.memory_space<hbm>>
      %dma_wait3A_493 = tpu.memref_slice %arg6[%run_scoped3A_309] : memref<40032xf32, #tpu.memory_space<vmem>> -> memref<10000xf32, #tpu.memory_space<vmem>>
      tpu.wait_dma2 semaphore(%run_scoped3A_485 : memref<!tpu.dma_semaphore, #tpu.memory_space<semaphore_mem>>) src(%dma_wait3A_493 : memref<10000xf32, #tpu.memory_space<vmem>>) dst(%dma_wait3A_492 : memref<10000xf32, #tpu.memory_space<hbm>>)
      tpu.yield
    }) : () -> ()
    %add3A_310 = arith.constant 3 : i32
    %add3A_311 = arith.addi %mul3A_2, %add3A_310 : i32
    %mul3A_312 = arith.constant 10000 : i32
    %mul3A_313 = arith.muli %add3A_311, %mul3A_312 : i32
    %run_scoped3A_314 = arith.constant 30024 : i32
    "tpu.region"() ({
      %run_scoped3A_485 = tpu.sem_alloc : memref<!tpu.dma_semaphore, #tpu.memory_space<semaphore_mem>>
      %dma_start3A_486 = tpu.memref_slice %arg6[%run_scoped3A_314] : memref<40032xf32, #tpu.memory_space<vmem>> -> memref<10000xf32, #tpu.memory_space<vmem>>
      %dma_start3A_487 = tpu.memref_slice %arg4[%mul3A_313] : memref<1280000xf32, #tpu.memory_space<hbm>> -> memref<10000xf32, #tpu.memory_space<hbm>>
      %dma_start3A_488 = tpu.memref_slice %arg4[%mul3A_313] : memref<1280000xf32, #tpu.memory_space<hbm>> -> memref<10000xf32, #tpu.memory_space<hbm>>
      %dma_start3A_489 = tpu.memref_slice %arg6[%run_scoped3A_314] : memref<40032xf32, #tpu.memory_space<vmem>> -> memref<10000xf32, #tpu.memory_space<vmem>>
      tpu.enqueue_dma source(%dma_start3A_489 : memref<10000xf32, #tpu.memory_space<vmem>>) target(%dma_start3A_488 : memref<10000xf32, #tpu.memory_space<hbm>>) target_semaphore(%run_scoped3A_485 : memref<!tpu.dma_semaphore, #tpu.memory_space<semaphore_mem>>)
      %dma_wait3A_490 = tpu.memref_slice %arg6[%run_scoped3A_314] : memref<40032xf32, #tpu.memory_space<vmem>> -> memref<10000xf32, #tpu.memory_space<vmem>>
      %dma_wait3A_491 = tpu.memref_slice %arg4[%mul3A_313] : memref<1280000xf32, #tpu.memory_space<hbm>> -> memref<10000xf32, #tpu.memory_space<hbm>>
      %dma_wait3A_492 = tpu.memref_slice %arg4[%mul3A_313] : memref<1280000xf32, #tpu.memory_space<hbm>> -> memref<10000xf32, #tpu.memory_space<hbm>>
      %dma_wait3A_493 = tpu.memref_slice %arg6[%run_scoped3A_314] : memref<40032xf32, #tpu.memory_space<vmem>> -> memref<10000xf32, #tpu.memory_space<vmem>>
      tpu.wait_dma2 semaphore(%run_scoped3A_485 : memref<!tpu.dma_semaphore, #tpu.memory_space<semaphore_mem>>) src(%dma_wait3A_493 : memref<10000xf32, #tpu.memory_space<vmem>>) dst(%dma_wait3A_492 : memref<10000xf32, #tpu.memory_space<hbm>>)
      tpu.yield
    }) : () -> ()
    %while3A_315 = arith.constant 0 : i64
    %while3A_316 = arith.constant 0 : i32
    %while3A_317 = arith.constant 312 : i32
    %while3A_318 = arith.subi %while3A_317, %while3A_316 : i32
    %while3A_319 = arith.addi %while3A_316, %while3A_318 : i32
    %while3A_320 = arith.constant 1 : i32
    %while3A_321 = arith.divsi %while3A_318, %while3A_320 : i32
    %while3A_322 = arith.muli %while3A_321, %while3A_320 : i32
    %while3A_323 = arith.addi %while3A_316, %while3A_322 : i32
    %while3A_324 = arith.constant 1 : i32
    scf.for %while3A_485 = %while3A_316 to %while3A_323 step %while3A_324  : i32 {
      %mul3A_486 = arith.constant 2 : i32
      %mul3A_487 = arith.muli %while3A_485, %mul3A_486 : i32
      %add3A_488 = arith.constant 0 : i32
      %add3A_489 = arith.addi %mul3A_487, %add3A_488 : i32
      %mul3A_490 = arith.constant 16 : i32
      %mul3A_491 = arith.muli %add3A_489, %mul3A_490 : i32
      %get3A_492 = arith.index_cast %mul3A_491 : i32 to index
      %get3A_493 = tpu.vector_load %arg9[%get3A_492] {strides = array<i32>} : memref<10240xf32, #tpu.memory_space<vmem>>, vector<16xf32>,
      %mul3A_494 = arith.constant 16 : i32
      %mul3A_495 = arith.muli %add3A_489, %mul3A_494 : i32
      %add3A_496 = arith.constant 0 : i32
      %add3A_497 = arith.addi %mul3A_495, %add3A_496 : i32
      %get3A_498 = arith.index_cast %add3A_497 : i32 to index
      %get3A_499 = tpu.vector_load %arg6[%get3A_498] {strides = array<i32>} : memref<40032xf32, #tpu.memory_space<vmem>>, vector<16xf32>,
      %mul3A_500 = arith.mulf %get3A_499, %get3A_493 : vector<16xf32>
      %swap3A_501 = arith.index_cast %add3A_497 : i32 to index
      %swap3A_502 = tpu.vector_load %arg6[%swap3A_501] {strides = array<i32>} : memref<40032xf32, #tpu.memory_space<vmem>>, vector<16xf32>,
      tpu.vector_store %arg6[%swap3A_501], %mul3A_500 {strides = array<i32>} : memref<40032xf32, #tpu.memory_space<vmem>>, vector<16xf32>,
      %mul3A_503 = arith.constant 16 : i32
      %mul3A_504 = arith.muli %add3A_489, %mul3A_503 : i32
      %add3A_505 = arith.constant 10008 : i32
      %add3A_506 = arith.addi %mul3A_504, %add3A_505 : i32
      %get3A_507 = arith.index_cast %add3A_506 : i32 to index
      %get3A_508 = tpu.vector_load %arg6[%get3A_507] {strides = array<i32>} : memref<40032xf32, #tpu.memory_space<vmem>>, vector<16xf32>,
      %mul3A_509 = arith.mulf %get3A_508, %get3A_493 : vector<16xf32>
      %swap3A_510 = arith.index_cast %add3A_506 : i32 to index
      %swap3A_511 = tpu.vector_load %arg6[%swap3A_510] {strides = array<i32>} : memref<40032xf32, #tpu.memory_space<vmem>>, vector<16xf32>,
      tpu.vector_store %arg6[%swap3A_510], %mul3A_509 {strides = array<i32>} : memref<40032xf32, #tpu.memory_space<vmem>>, vector<16xf32>,
      %mul3A_512 = arith.constant 16 : i32
      %mul3A_513 = arith.muli %add3A_489, %mul3A_512 : i32
      %add3A_514 = arith.constant 20016 : i32
      %add3A_515 = arith.addi %mul3A_513, %add3A_514 : i32
      %get3A_516 = arith.index_cast %add3A_515 : i32 to index
      %get3A_517 = tpu.vector_load %arg6[%get3A_516] {strides = array<i32>} : memref<40032xf32, #tpu.memory_space<vmem>>, vector<16xf32>,
      %mul3A_518 = arith.mulf %get3A_517, %get3A_493 : vector<16xf32>
      %swap3A_519 = arith.index_cast %add3A_515 : i32 to index
      %swap3A_520 = tpu.vector_load %arg6[%swap3A_519] {strides = array<i32>} : memref<40032xf32, #tpu.memory_space<vmem>>, vector<16xf32>,
      tpu.vector_store %arg6[%swap3A_519], %mul3A_518 {strides = array<i32>} : memref<40032xf32, #tpu.memory_space<vmem>>, vector<16xf32>,
      %mul3A_521 = arith.constant 16 : i32
      %mul3A_522 = arith.muli %add3A_489, %mul3A_521 : i32
      %add3A_523 = arith.constant 30024 : i32
      %add3A_524 = arith.addi %mul3A_522, %add3A_523 : i32
      %get3A_525 = arith.index_cast %add3A_524 : i32 to index
      %get3A_526 = tpu.vector_load %arg6[%get3A_525] {strides = array<i32>} : memref<40032xf32, #tpu.memory_space<vmem>>, vector<16xf32>,
      %mul3A_527 = arith.mulf %get3A_526, %get3A_493 : vector<16xf32>
      %swap3A_528 = arith.index_cast %add3A_524 : i32 to index
      %swap3A_529 = tpu.vector_load %arg6[%swap3A_528] {strides = array<i32>} : memref<40032xf32, #tpu.memory_space<vmem>>, vector<16xf32>,
      tpu.vector_store %arg6[%swap3A_528], %mul3A_527 {strides = array<i32>} : memref<40032xf32, #tpu.memory_space<vmem>>, vector<16xf32>,
      %add3A_530 = arith.constant 1 : i32
      %add3A_531 = arith.addi %mul3A_487, %add3A_530 : i32
      %mul3A_532 = arith.constant 16 : i32
      %mul3A_533 = arith.muli %add3A_531, %mul3A_532 : i32
      %get3A_534 = arith.index_cast %mul3A_533 : i32 to index
      %get3A_535 = tpu.vector_load %arg9[%get3A_534] {strides = array<i32>} : memref<10240xf32, #tpu.memory_space<vmem>>, vector<16xf32>,
      %mul3A_536 = arith.constant 16 : i32
      %mul3A_537 = arith.muli %add3A_531, %mul3A_536 : i32
      %add3A_538 = arith.constant 0 : i32
      %add3A_539 = arith.addi %mul3A_537, %add3A_538 : i32
      %get3A_540 = arith.index_cast %add3A_539 : i32 to index
      %get3A_541 = tpu.vector_load %arg6[%get3A_540] {strides = array<i32>} : memref<40032xf32, #tpu.memory_space<vmem>>, vector<16xf32>,
      %mul3A_542 = arith.mulf %get3A_541, %get3A_535 : vector<16xf32>
      %swap3A_543 = arith.index_cast %add3A_539 : i32 to index
      %swap3A_544 = tpu.vector_load %arg6[%swap3A_543] {strides = array<i32>} : memref<40032xf32, #tpu.memory_space<vmem>>, vector<16xf32>,
      tpu.vector_store %arg6[%swap3A_543], %mul3A_542 {strides = array<i32>} : memref<40032xf32, #tpu.memory_space<vmem>>, vector<16xf32>,
      %mul3A_545 = arith.constant 16 : i32
      %mul3A_546 = arith.muli %add3A_531, %mul3A_545 : i32
      %add3A_547 = arith.constant 10008 : i32
      %add3A_548 = arith.addi %mul3A_546, %add3A_547 : i32
      %get3A_549 = arith.index_cast %add3A_548 : i32 to index
      %get3A_550 = tpu.vector_load %arg6[%get3A_549] {strides = array<i32>} : memref<40032xf32, #tpu.memory_space<vmem>>, vector<16xf32>,
      %mul3A_551 = arith.mulf %get3A_550, %get3A_535 : vector<16xf32>
      %swap3A_552 = arith.index_cast %add3A_548 : i32 to index
      %swap3A_553 = tpu.vector_load %arg6[%swap3A_552] {strides = array<i32>} : memref<40032xf32, #tpu.memory_space<vmem>>, vector<16xf32>,
      tpu.vector_store %arg6[%swap3A_552], %mul3A_551 {strides = array<i32>} : memref<40032xf32, #tpu.memory_space<vmem>>, vector<16xf32>,
      %mul3A_554 = arith.constant 16 : i32
      %mul3A_555 = arith.muli %add3A_531, %mul3A_554 : i32
      %add3A_556 = arith.constant 20016 : i32
      %add3A_557 = arith.addi %mul3A_555, %add3A_556 : i32
      %get3A_558 = arith.index_cast %add3A_557 : i32 to index
      %get3A_559 = tpu.vector_load %arg6[%get3A_558] {strides = array<i32>} : memref<40032xf32, #tpu.memory_space<vmem>>, vector<16xf32>,
      %mul3A_560 = arith.mulf %get3A_559, %get3A_535 : vector<16xf32>
      %swap3A_561 = arith.index_cast %add3A_557 : i32 to index
      %swap3A_562 = tpu.vector_load %arg6[%swap3A_561] {strides = array<i32>} : memref<40032xf32, #tpu.memory_space<vmem>>, vector<16xf32>,
      tpu.vector_store %arg6[%swap3A_561], %mul3A_560 {strides = array<i32>} : memref<40032xf32, #tpu.memory_space<vmem>>, vector<16xf32>,
      %mul3A_563 = arith.constant 16 : i32
      %mul3A_564 = arith.muli %add3A_531, %mul3A_563 : i32
      %add3A_565 = arith.constant 30024 : i32
      %add3A_566 = arith.addi %mul3A_564, %add3A_565 : i32
      %get3A_567 = arith.index_cast %add3A_566 : i32 to index
      %get3A_568 = tpu.vector_load %arg6[%get3A_567] {strides = array<i32>} : memref<40032xf32, #tpu.memory_space<vmem>>, vector<16xf32>,
      %mul3A_569 = arith.mulf %get3A_568, %get3A_535 : vector<16xf32>
      %swap3A_570 = arith.index_cast %add3A_566 : i32 to index
      %swap3A_571 = tpu.vector_load %arg6[%swap3A_570] {strides = array<i32>} : memref<40032xf32, #tpu.memory_space<vmem>>, vector<16xf32>,
      tpu.vector_store %arg6[%swap3A_570], %mul3A_569 {strides = array<i32>} : memref<40032xf32, #tpu.memory_space<vmem>>, vector<16xf32>,
    }
    %while3A_325 = arith.constant 1 : i32
    scf.for %while3A_485 = %while3A_323 to %while3A_319 step %while3A_325  : i32 {
      %mul3A_486 = arith.constant 2 : i32
      %mul3A_487 = arith.muli %while3A_485, %mul3A_486 : i32
      %add3A_488 = arith.constant 0 : i32
      %add3A_489 = arith.addi %mul3A_487, %add3A_488 : i32
      %mul3A_490 = arith.constant 16 : i32
      %mul3A_491 = arith.muli %add3A_489, %mul3A_490 : i32
      %get3A_492 = arith.index_cast %mul3A_491 : i32 to index
      %get3A_493 = tpu.vector_load %arg9[%get3A_492] {strides = array<i32>} : memref<10240xf32, #tpu.memory_space<vmem>>, vector<16xf32>,
      %mul3A_494 = arith.constant 16 : i32
      %mul3A_495 = arith.muli %add3A_489, %mul3A_494 : i32
      %add3A_496 = arith.constant 0 : i32
      %add3A_497 = arith.addi %mul3A_495, %add3A_496 : i32
      %get3A_498 = arith.index_cast %add3A_497 : i32 to index
      %get3A_499 = tpu.vector_load %arg6[%get3A_498] {strides = array<i32>} : memref<40032xf32, #tpu.memory_space<vmem>>, vector<16xf32>,
      %mul3A_500 = arith.mulf %get3A_499, %get3A_493 : vector<16xf32>
      %swap3A_501 = arith.index_cast %add3A_497 : i32 to index
      %swap3A_502 = tpu.vector_load %arg6[%swap3A_501] {strides = array<i32>} : memref<40032xf32, #tpu.memory_space<vmem>>, vector<16xf32>,
      tpu.vector_store %arg6[%swap3A_501], %mul3A_500 {strides = array<i32>} : memref<40032xf32, #tpu.memory_space<vmem>>, vector<16xf32>,
      %mul3A_503 = arith.constant 16 : i32
      %mul3A_504 = arith.muli %add3A_489, %mul3A_503 : i32
      %add3A_505 = arith.constant 10008 : i32
      %add3A_506 = arith.addi %mul3A_504, %add3A_505 : i32
      %get3A_507 = arith.index_cast %add3A_506 : i32 to index
      %get3A_508 = tpu.vector_load %arg6[%get3A_507] {strides = array<i32>} : memref<40032xf32, #tpu.memory_space<vmem>>, vector<16xf32>,
      %mul3A_509 = arith.mulf %get3A_508, %get3A_493 : vector<16xf32>
      %swap3A_510 = arith.index_cast %add3A_506 : i32 to index
      %swap3A_511 = tpu.vector_load %arg6[%swap3A_510] {strides = array<i32>} : memref<40032xf32, #tpu.memory_space<vmem>>, vector<16xf32>,
      tpu.vector_store %arg6[%swap3A_510], %mul3A_509 {strides = array<i32>} : memref<40032xf32, #tpu.memory_space<vmem>>, vector<16xf32>,
      %mul3A_512 = arith.constant 16 : i32
      %mul3A_513 = arith.muli %add3A_489, %mul3A_512 : i32
      %add3A_514 = arith.constant 20016 : i32
      %add3A_515 = arith.addi %mul3A_513, %add3A_514 : i32
      %get3A_516 = arith.index_cast %add3A_515 : i32 to index
      %get3A_517 = tpu.vector_load %arg6[%get3A_516] {strides = array<i32>} : memref<40032xf32, #tpu.memory_space<vmem>>, vector<16xf32>,
      %mul3A_518 = arith.mulf %get3A_517, %get3A_493 : vector<16xf32>
      %swap3A_519 = arith.index_cast %add3A_515 : i32 to index
      %swap3A_520 = tpu.vector_load %arg6[%swap3A_519] {strides = array<i32>} : memref<40032xf32, #tpu.memory_space<vmem>>, vector<16xf32>,
      tpu.vector_store %arg6[%swap3A_519], %mul3A_518 {strides = array<i32>} : memref<40032xf32, #tpu.memory_space<vmem>>, vector<16xf32>,
      %mul3A_521 = arith.constant 16 : i32
      %mul3A_522 = arith.muli %add3A_489, %mul3A_521 : i32
      %add3A_523 = arith.constant 30024 : i32
      %add3A_524 = arith.addi %mul3A_522, %add3A_523 : i32
      %get3A_525 = arith.index_cast %add3A_524 : i32 to index
      %get3A_526 = tpu.vector_load %arg6[%get3A_525] {strides = array<i32>} : memref<40032xf32, #tpu.memory_space<vmem>>, vector<16xf32>,
      %mul3A_527 = arith.mulf %get3A_526, %get3A_493 : vector<16xf32>
      %swap3A_528 = arith.index_cast %add3A_524 : i32 to index
      %swap3A_529 = tpu.vector_load %arg6[%swap3A_528] {strides = array<i32>} : memref<40032xf32, #tpu.memory_space<vmem>>, vector<16xf32>,
      tpu.vector_store %arg6[%swap3A_528], %mul3A_527 {strides = array<i32>} : memref<40032xf32, #tpu.memory_space<vmem>>, vector<16xf32>,
      %add3A_530 = arith.constant 1 : i32
      %add3A_531 = arith.addi %mul3A_487, %add3A_530 : i32
      %mul3A_532 = arith.constant 16 : i32
      %mul3A_533 = arith.muli %add3A_531, %mul3A_532 : i32
      %get3A_534 = arith.index_cast %mul3A_533 : i32 to index
      %get3A_535 = tpu.vector_load %arg9[%get3A_534] {strides = array<i32>} : memref<10240xf32, #tpu.memory_space<vmem>>, vector<16xf32>,
      %mul3A_536 = arith.constant 16 : i32
      %mul3A_537 = arith.muli %add3A_531, %mul3A_536 : i32
      %add3A_538 = arith.constant 0 : i32
      %add3A_539 = arith.addi %mul3A_537, %add3A_538 : i32
      %get3A_540 = arith.index_cast %add3A_539 : i32 to index
      %get3A_541 = tpu.vector_load %arg6[%get3A_540] {strides = array<i32>} : memref<40032xf32, #tpu.memory_space<vmem>>, vector<16xf32>,
      %mul3A_542 = arith.mulf %get3A_541, %get3A_535 : vector<16xf32>
      %swap3A_543 = arith.index_cast %add3A_539 : i32 to index
      %swap3A_544 = tpu.vector_load %arg6[%swap3A_543] {strides = array<i32>} : memref<40032xf32, #tpu.memory_space<vmem>>, vector<16xf32>,
      tpu.vector_store %arg6[%swap3A_543], %mul3A_542 {strides = array<i32>} : memref<40032xf32, #tpu.memory_space<vmem>>, vector<16xf32>,
      %mul3A_545 = arith.constant 16 : i32
      %mul3A_546 = arith.muli %add3A_531, %mul3A_545 : i32
      %add3A_547 = arith.constant 10008 : i32
      %add3A_548 = arith.addi %mul3A_546, %add3A_547 : i32
      %get3A_549 = arith.index_cast %add3A_548 : i32 to index
      %get3A_550 = tpu.vector_load %arg6[%get3A_549] {strides = array<i32>} : memref<40032xf32, #tpu.memory_space<vmem>>, vector<16xf32>,
      %mul3A_551 = arith.mulf %get3A_550, %get3A_535 : vector<16xf32>
      %swap3A_552 = arith.index_cast %add3A_548 : i32 to index
      %swap3A_553 = tpu.vector_load %arg6[%swap3A_552] {strides = array<i32>} : memref<40032xf32, #tpu.memory_space<vmem>>, vector<16xf32>,
      tpu.vector_store %arg6[%swap3A_552], %mul3A_551 {strides = array<i32>} : memref<40032xf32, #tpu.memory_space<vmem>>, vector<16xf32>,
      %mul3A_554 = arith.constant 16 : i32
      %mul3A_555 = arith.muli %add3A_531, %mul3A_554 : i32
      %add3A_556 = arith.constant 20016 : i32
      %add3A_557 = arith.addi %mul3A_555, %add3A_556 : i32
      %get3A_558 = arith.index_cast %add3A_557 : i32 to index
      %get3A_559 = tpu.vector_load %arg6[%get3A_558] {strides = array<i32>} : memref<40032xf32, #tpu.memory_space<vmem>>, vector<16xf32>,
      %mul3A_560 = arith.mulf %get3A_559, %get3A_535 : vector<16xf32>
      %swap3A_561 = arith.index_cast %add3A_557 : i32 to index
      %swap3A_562 = tpu.vector_load %arg6[%swap3A_561] {strides = array<i32>} : memref<40032xf32, #tpu.memory_space<vmem>>, vector<16xf32>,
      tpu.vector_store %arg6[%swap3A_561], %mul3A_560 {strides = array<i32>} : memref<40032xf32, #tpu.memory_space<vmem>>, vector<16xf32>,
      %mul3A_563 = arith.constant 16 : i32
      %mul3A_564 = arith.muli %add3A_531, %mul3A_563 : i32
      %add3A_565 = arith.constant 30024 : i32
      %add3A_566 = arith.addi %mul3A_564, %add3A_565 : i32
      %get3A_567 = arith.index_cast %add3A_566 : i32 to index
      %get3A_568 = tpu.vector_load %arg6[%get3A_567] {strides = array<i32>} : memref<40032xf32, #tpu.memory_space<vmem>>, vector<16xf32>,
      %mul3A_569 = arith.mulf %get3A_568, %get3A_535 : vector<16xf32>
      %swap3A_570 = arith.index_cast %add3A_566 : i32 to index
      %swap3A_571 = tpu.vector_load %arg6[%swap3A_570] {strides = array<i32>} : memref<40032xf32, #tpu.memory_space<vmem>>, vector<16xf32>,
      tpu.vector_store %arg6[%swap3A_570], %mul3A_569 {strides = array<i32>} : memref<40032xf32, #tpu.memory_space<vmem>>, vector<16xf32>,
    }
    %mul3A_326 = arith.constant 624 : i32
    %mul3A_327 = arith.constant 16 : i32
    %mul3A_328 = arith.muli %mul3A_326, %mul3A_327 : i32
    %get3A_329 = arith.index_cast %mul3A_328 : i32 to index
    %get3A_330 = tpu.vector_load %arg9[%get3A_329] {strides = array<i32>} : memref<10240xf32, #tpu.memory_space<vmem>>, vector<16xf32>,
    %mul3A_331 = arith.constant 624 : i32
    %mul3A_332 = arith.constant 16 : i32
    %mul3A_333 = arith.muli %mul3A_331, %mul3A_332 : i32
    %add3A_334 = arith.constant 0 : i32
    %add3A_335 = arith.addi %mul3A_333, %add3A_334 : i32
    %get3A_336 = arith.index_cast %add3A_335 : i32 to index
    %get3A_337 = tpu.vector_load %arg6[%get3A_336] {strides = array<i32>} : memref<40032xf32, #tpu.memory_space<vmem>>, vector<16xf32>,
    %mul3A_338 = arith.mulf %get3A_337, %get3A_330 : vector<16xf32>
    %swap3A_339 = arith.index_cast %add3A_335 : i32 to index
    %swap3A_340 = tpu.vector_load %arg6[%swap3A_339] {strides = array<i32>} : memref<40032xf32, #tpu.memory_space<vmem>>, vector<16xf32>,
    tpu.vector_store %arg6[%swap3A_339], %mul3A_338 {strides = array<i32>} : memref<40032xf32, #tpu.memory_space<vmem>>, vector<16xf32>,
    %mul3A_341 = arith.constant 624 : i32
    %mul3A_342 = arith.constant 16 : i32
    %mul3A_343 = arith.muli %mul3A_341, %mul3A_342 : i32
    %add3A_344 = arith.constant 10008 : i32
    %add3A_345 = arith.addi %mul3A_343, %add3A_344 : i32
    %get3A_346 = arith.index_cast %add3A_345 : i32 to index
    %get3A_347 = tpu.vector_load %arg6[%get3A_346] {strides = array<i32>} : memref<40032xf32, #tpu.memory_space<vmem>>, vector<16xf32>,
    %mul3A_348 = arith.mulf %get3A_347, %get3A_330 : vector<16xf32>
    %swap3A_349 = arith.index_cast %add3A_345 : i32 to index
    %swap3A_350 = tpu.vector_load %arg6[%swap3A_349] {strides = array<i32>} : memref<40032xf32, #tpu.memory_space<vmem>>, vector<16xf32>,
    tpu.vector_store %arg6[%swap3A_349], %mul3A_348 {strides = array<i32>} : memref<40032xf32, #tpu.memory_space<vmem>>, vector<16xf32>,
    %mul3A_351 = arith.constant 624 : i32
    %mul3A_352 = arith.constant 16 : i32
    %mul3A_353 = arith.muli %mul3A_351, %mul3A_352 : i32
    %add3A_354 = arith.constant 20016 : i32
    %add3A_355 = arith.addi %mul3A_353, %add3A_354 : i32
    %get3A_356 = arith.index_cast %add3A_355 : i32 to index
    %get3A_357 = tpu.vector_load %arg6[%get3A_356] {strides = array<i32>} : memref<40032xf32, #tpu.memory_space<vmem>>, vector<16xf32>,
    %mul3A_358 = arith.mulf %get3A_357, %get3A_330 : vector<16xf32>
    %swap3A_359 = arith.index_cast %add3A_355 : i32 to index
    %swap3A_360 = tpu.vector_load %arg6[%swap3A_359] {strides = array<i32>} : memref<40032xf32, #tpu.memory_space<vmem>>, vector<16xf32>,
    tpu.vector_store %arg6[%swap3A_359], %mul3A_358 {strides = array<i32>} : memref<40032xf32, #tpu.memory_space<vmem>>, vector<16xf32>,
    %mul3A_361 = arith.constant 624 : i32
    %mul3A_362 = arith.constant 16 : i32
    %mul3A_363 = arith.muli %mul3A_361, %mul3A_362 : i32
    %add3A_364 = arith.constant 30024 : i32
    %add3A_365 = arith.addi %mul3A_363, %add3A_364 : i32
    %get3A_366 = arith.index_cast %add3A_365 : i32 to index
    %get3A_367 = tpu.vector_load %arg6[%get3A_366] {strides = array<i32>} : memref<40032xf32, #tpu.memory_space<vmem>>, vector<16xf32>,
    %mul3A_368 = arith.mulf %get3A_367, %get3A_330 : vector<16xf32>
    %swap3A_369 = arith.index_cast %add3A_365 : i32 to index
    %swap3A_370 = tpu.vector_load %arg6[%swap3A_369] {strides = array<i32>} : memref<40032xf32, #tpu.memory_space<vmem>>, vector<16xf32>,
    tpu.vector_store %arg6[%swap3A_369], %mul3A_368 {strides = array<i32>} : memref<40032xf32, #tpu.memory_space<vmem>>, vector<16xf32>,
    %mul3A_371 = arith.constant 0 : i32
    %mul3A_372 = arith.constant 4000 : i32
    %mul3A_373 = arith.muli %mul3A_371, %mul3A_372 : i32
    %add3A_374 = arith.constant 0 : i32
    %add3A_375 = arith.addi %add3A_374, %mul3A_373 : i32
    %dma_start3A_376 = tpu.memref_slice %arg2[%add3A_375] : memref<320000xi32, #tpu.memory_space<hbm>> -> memref<4000xi32, #tpu.memory_space<hbm>>
    %dma_start3A_377 = tpu.memref_slice %arg2[%add3A_375] : memref<320000xi32, #tpu.memory_space<hbm>> -> memref<4000xi32, #tpu.memory_space<hbm>>
    tpu.enqueue_dma source(%dma_start3A_377 : memref<4000xi32, #tpu.memory_space<hbm>>) target(%arg11 : memref<4000xi32, #tpu.memory_space<vmem>>) target_semaphore(%arg15 : memref<!tpu.dma_semaphore, #tpu.memory_space<semaphore_mem>>)
    %while3A_378 = arith.constant 0 : i64
    %while3A_379 = arith.constant 79 : i32
    %while3A_380 = arith.constant 0 : i32
    %while3A_381 = arith.constant 40 : i32
    %while3A_382 = arith.subi %while3A_381, %while3A_380 : i32
    %while3A_383 = arith.addi %while3A_380, %while3A_382 : i32
    %while3A_384 = arith.constant 1 : i32
    %while3A_385 = arith.divsi %while3A_382, %while3A_384 : i32
    %while3A_386 = arith.muli %while3A_385, %while3A_384 : i32
    %while3A_387 = arith.addi %while3A_380, %while3A_386 : i32
    %while3A_388 = arith.constant 1 : i32
    scf.for %while3A_485 = %while3A_380 to %while3A_387 step %while3A_388  : i32 {
      %mul3A_486 = arith.constant 1 : i32
      %mul3A_487 = arith.muli %while3A_485, %mul3A_486 : i32
      %add3A_488 = arith.constant 0 : i32
      %add3A_489 = arith.addi %mul3A_487, %add3A_488 : i32
      %mul3A_490 = arith.constant 2 : i32
      %mul3A_491 = arith.muli %add3A_489, %mul3A_490 : i32
      %add3A_492 = arith.constant 1 : i32
      %add3A_493 = arith.addi %mul3A_491, %add3A_492 : i32
      %min3A = arith.minsi %add3A_493, %while3A_379 : i32
      %mul3A_494 = arith.constant 4000 : i32
      %mul3A_495 = arith.muli %min3A, %mul3A_494 : i32
      %add3A_496 = arith.constant 0 : i32
      %add3A_497 = arith.addi %add3A_496, %mul3A_495 : i32
      %dma_start3A_498 = tpu.memref_slice %arg2[%add3A_497] : memref<320000xi32, #tpu.memory_space<hbm>> -> memref<4000xi32, #tpu.memory_space<hbm>>
      %dma_start3A_499 = tpu.memref_slice %arg2[%add3A_497] : memref<320000xi32, #tpu.memory_space<hbm>> -> memref<4000xi32, #tpu.memory_space<hbm>>
      tpu.enqueue_dma source(%dma_start3A_499 : memref<4000xi32, #tpu.memory_space<hbm>>) target(%arg12 : memref<4000xi32, #tpu.memory_space<vmem>>) target_semaphore(%arg16 : memref<!tpu.dma_semaphore, #tpu.memory_space<semaphore_mem>>)
      %dma_wait3A_500 = arith.constant 0 : i32
      %dma_wait3A_501 = tpu.memref_slice %arg2[%dma_wait3A_500] : memref<320000xi32, #tpu.memory_space<hbm>> -> memref<4000xi32, #tpu.memory_space<hbm>>
      %dma_wait3A_502 = tpu.memref_slice %arg2[%dma_wait3A_500] : memref<320000xi32, #tpu.memory_space<hbm>> -> memref<4000xi32, #tpu.memory_space<hbm>>
      tpu.wait_dma2 semaphore(%arg15 : memref<!tpu.dma_semaphore, #tpu.memory_space<semaphore_mem>>) src(%dma_wait3A_502 : memref<4000xi32, #tpu.memory_space<hbm>>) dst(%arg11 : memref<4000xi32, #tpu.memory_space<vmem>>)
      %parallel_loop3A_503 = arith.constant 0 : i32
      %parallel_loop3A_504 = arith.constant 250 : i32
      %parallel_loop3A_505 = arith.constant 1 : i32
      scf.for %parallel_loop3A_521 = %parallel_loop3A_503 to %parallel_loop3A_504 step %parallel_loop3A_505  : i32 {
        %parallel_loop3A_522 = arith.constant 16 : i32
        %parallel_loop3A_523 = arith.muli %parallel_loop3A_521, %parallel_loop3A_522 : i32
        %parallel_loop3A_524 = arith.index_cast %parallel_loop3A_523 : i32 to index
        %parallel_loop3A_525 = tpu.vector_load %arg11[%parallel_loop3A_524] {strides = array<i32>} : memref<4000xi32, #tpu.memory_space<vmem>>, vector<16xi32>,
        %parallel_loop3A_526 = vector.shape_cast %shift_right_logical3A : vector<16xi32> to vector<16x1xi32>
        %parallel_loop3A_527 = vector.shape_cast %parallel_loop3A_526 : vector<16x1xi32> to vector<16xi32>
        %parallel_loop3A_528 = tpu.dynamic_gather %parallel_loop3A_525[%parallel_loop3A_527] in [0] : vector<16xi32>, vector<16xi32> -> vector<16xi32>
        %parallel_loop3A_529 = arith.shrui %parallel_loop3A_528, %broadcast_in_dim3A_3 : vector<16xi32>
        %parallel_loop3A_530 = arith.andi %parallel_loop3A_528, %broadcast_in_dim3A_5 : vector<16xi32>
        %parallel_loop3A_531 = arith.cmpi ne, %parallel_loop3A_529, %parallel_loop3A_530 : vector<16xi32>
        %parallel_loop3A_532 = arith.constant 1.000000e+00 : f32
        %parallel_loop3A_533 = vector.broadcast %parallel_loop3A_532 : f32 to vector<16xf32>
        %parallel_loop3A_534 = arith.constant 0.000000e+00 : f32
        %parallel_loop3A_535 = vector.broadcast %parallel_loop3A_534 : f32 to vector<16xf32>
        %parallel_loop3A_536 = arith.select %parallel_loop3A_531, %parallel_loop3A_533, %parallel_loop3A_535 : vector<16xi1>, vector<16xf32>
        %parallel_loop3A_537 = arith.addi %parallel_loop3A_530, %mul3A_84 : vector<16xi32>
        %parallel_loop3A_538 = tpu.vector_load_idx %arg6[%parallel_loop3A_537] : memref<40032xf32, #tpu.memory_space<vmem>>[vector<16xi32>], vector<16xf32>,
        %parallel_loop3A_539 = arith.addi %parallel_loop3A_529, %mul3A_84 : vector<16xi32>
        %parallel_loop3A_540 = arith.mulf %parallel_loop3A_536, %parallel_loop3A_538 : vector<16xf32>
        tpu.vector_store_idx %arg7[%parallel_loop3A_539], %parallel_loop3A_540 {add = true} : memref<40032xf32, #tpu.memory_space<vmem>>[vector<16xi32>], vector<16xf32>,
        %parallel_loop3A_541 = arith.addi %parallel_loop3A_530, %add3A_87 : vector<16xi32>
        %parallel_loop3A_542 = tpu.vector_load_idx %arg6[%parallel_loop3A_541] : memref<40032xf32, #tpu.memory_space<vmem>>[vector<16xi32>], vector<16xf32>,
        %parallel_loop3A_543 = arith.addi %parallel_loop3A_529, %add3A_87 : vector<16xi32>
        %parallel_loop3A_544 = arith.mulf %parallel_loop3A_536, %parallel_loop3A_542 : vector<16xf32>
        tpu.vector_store_idx %arg7[%parallel_loop3A_543], %parallel_loop3A_544 {add = true} : memref<40032xf32, #tpu.memory_space<vmem>>[vector<16xi32>], vector<16xf32>,
        %parallel_loop3A_545 = vector.shape_cast %add3A_79 : vector<16xi32> to vector<16x1xi32>
        %parallel_loop3A_546 = vector.shape_cast %parallel_loop3A_545 : vector<16x1xi32> to vector<16xi32>
        %parallel_loop3A_547 = tpu.dynamic_gather %parallel_loop3A_525[%parallel_loop3A_546] in [0] : vector<16xi32>, vector<16xi32> -> vector<16xi32>
        %parallel_loop3A_548 = arith.shrui %parallel_loop3A_547, %broadcast_in_dim3A_3 : vector<16xi32>
        %parallel_loop3A_549 = arith.andi %parallel_loop3A_547, %broadcast_in_dim3A_5 : vector<16xi32>
        %parallel_loop3A_550 = arith.cmpi ne, %parallel_loop3A_548, %parallel_loop3A_549 : vector<16xi32>
        %parallel_loop3A_551 = arith.constant 1.000000e+00 : f32
        %parallel_loop3A_552 = vector.broadcast %parallel_loop3A_551 : f32 to vector<16xf32>
        %parallel_loop3A_553 = arith.constant 0.000000e+00 : f32
        %parallel_loop3A_554 = vector.broadcast %parallel_loop3A_553 : f32 to vector<16xf32>
        %parallel_loop3A_555 = arith.select %parallel_loop3A_550, %parallel_loop3A_552, %parallel_loop3A_554 : vector<16xi1>, vector<16xf32>
        %parallel_loop3A_556 = arith.addi %parallel_loop3A_549, %mul3A_84 : vector<16xi32>
        %parallel_loop3A_557 = tpu.vector_load_idx %arg6[%parallel_loop3A_556] : memref<40032xf32, #tpu.memory_space<vmem>>[vector<16xi32>], vector<16xf32>,
        %parallel_loop3A_558 = arith.addi %parallel_loop3A_548, %mul3A_84 : vector<16xi32>
        %parallel_loop3A_559 = arith.mulf %parallel_loop3A_555, %parallel_loop3A_557 : vector<16xf32>
        tpu.vector_store_idx %arg7[%parallel_loop3A_558], %parallel_loop3A_559 {add = true} : memref<40032xf32, #tpu.memory_space<vmem>>[vector<16xi32>], vector<16xf32>,
        %parallel_loop3A_560 = arith.addi %parallel_loop3A_549, %add3A_87 : vector<16xi32>
        %parallel_loop3A_561 = tpu.vector_load_idx %arg6[%parallel_loop3A_560] : memref<40032xf32, #tpu.memory_space<vmem>>[vector<16xi32>], vector<16xf32>,
        %parallel_loop3A_562 = arith.addi %parallel_loop3A_548, %add3A_87 : vector<16xi32>
        %parallel_loop3A_563 = arith.mulf %parallel_loop3A_555, %parallel_loop3A_561 : vector<16xf32>
        tpu.vector_store_idx %arg7[%parallel_loop3A_562], %parallel_loop3A_563 {add = true} : memref<40032xf32, #tpu.memory_space<vmem>>[vector<16xi32>], vector<16xf32>,
      } {sc.loop_unroll_factor = 5 : i64, sc.parallel_access}
      %add3A_506 = arith.constant 2 : i32
      %add3A_507 = arith.addi %mul3A_491, %add3A_506 : i32
      %min3A_508 = arith.minsi %add3A_507, %while3A_379 : i32
      %mul3A_509 = arith.constant 4000 : i32
      %mul3A_510 = arith.muli %min3A_508, %mul3A_509 : i32
      %add3A_511 = arith.constant 0 : i32
      %add3A_512 = arith.addi %add3A_511, %mul3A_510 : i32
      %dma_start3A_513 = tpu.memref_slice %arg2[%add3A_512] : memref<320000xi32, #tpu.memory_space<hbm>> -> memref<4000xi32, #tpu.memory_space<hbm>>
      %dma_start3A_514 = tpu.memref_slice %arg2[%add3A_512] : memref<320000xi32, #tpu.memory_space<hbm>> -> memref<4000xi32, #tpu.memory_space<hbm>>
      tpu.enqueue_dma source(%dma_start3A_514 : memref<4000xi32, #tpu.memory_space<hbm>>) target(%arg11 : memref<4000xi32, #tpu.memory_space<vmem>>) target_semaphore(%arg15 : memref<!tpu.dma_semaphore, #tpu.memory_space<semaphore_mem>>)
      %dma_wait3A_515 = arith.constant 0 : i32
      %dma_wait3A_516 = tpu.memref_slice %arg2[%dma_wait3A_515] : memref<320000xi32, #tpu.memory_space<hbm>> -> memref<4000xi32, #tpu.memory_space<hbm>>
      %dma_wait3A_517 = tpu.memref_slice %arg2[%dma_wait3A_515] : memref<320000xi32, #tpu.memory_space<hbm>> -> memref<4000xi32, #tpu.memory_space<hbm>>
      tpu.wait_dma2 semaphore(%arg16 : memref<!tpu.dma_semaphore, #tpu.memory_space<semaphore_mem>>) src(%dma_wait3A_517 : memref<4000xi32, #tpu.memory_space<hbm>>) dst(%arg12 : memref<4000xi32, #tpu.memory_space<vmem>>)
      %parallel_loop3A_518 = arith.constant 0 : i32
      %parallel_loop3A_519 = arith.constant 250 : i32
      %parallel_loop3A_520 = arith.constant 1 : i32
      scf.for %parallel_loop3A_521 = %parallel_loop3A_518 to %parallel_loop3A_519 step %parallel_loop3A_520  : i32 {
        %parallel_loop3A_522 = arith.constant 16 : i32
        %parallel_loop3A_523 = arith.muli %parallel_loop3A_521, %parallel_loop3A_522 : i32
        %parallel_loop3A_524 = arith.index_cast %parallel_loop3A_523 : i32 to index
        %parallel_loop3A_525 = tpu.vector_load %arg12[%parallel_loop3A_524] {strides = array<i32>} : memref<4000xi32, #tpu.memory_space<vmem>>, vector<16xi32>,
        %parallel_loop3A_526 = vector.shape_cast %shift_right_logical3A : vector<16xi32> to vector<16x1xi32>
        %parallel_loop3A_527 = vector.shape_cast %parallel_loop3A_526 : vector<16x1xi32> to vector<16xi32>
        %parallel_loop3A_528 = tpu.dynamic_gather %parallel_loop3A_525[%parallel_loop3A_527] in [0] : vector<16xi32>, vector<16xi32> -> vector<16xi32>
        %parallel_loop3A_529 = arith.shrui %parallel_loop3A_528, %broadcast_in_dim3A_3 : vector<16xi32>
        %parallel_loop3A_530 = arith.andi %parallel_loop3A_528, %broadcast_in_dim3A_5 : vector<16xi32>
        %parallel_loop3A_531 = arith.cmpi ne, %parallel_loop3A_529, %parallel_loop3A_530 : vector<16xi32>
        %parallel_loop3A_532 = arith.constant 1.000000e+00 : f32
        %parallel_loop3A_533 = vector.broadcast %parallel_loop3A_532 : f32 to vector<16xf32>
        %parallel_loop3A_534 = arith.constant 0.000000e+00 : f32
        %parallel_loop3A_535 = vector.broadcast %parallel_loop3A_534 : f32 to vector<16xf32>
        %parallel_loop3A_536 = arith.select %parallel_loop3A_531, %parallel_loop3A_533, %parallel_loop3A_535 : vector<16xi1>, vector<16xf32>
        %parallel_loop3A_537 = arith.addi %parallel_loop3A_530, %mul3A_84 : vector<16xi32>
        %parallel_loop3A_538 = tpu.vector_load_idx %arg6[%parallel_loop3A_537] : memref<40032xf32, #tpu.memory_space<vmem>>[vector<16xi32>], vector<16xf32>,
        %parallel_loop3A_539 = arith.addi %parallel_loop3A_529, %mul3A_84 : vector<16xi32>
        %parallel_loop3A_540 = arith.mulf %parallel_loop3A_536, %parallel_loop3A_538 : vector<16xf32>
        tpu.vector_store_idx %arg7[%parallel_loop3A_539], %parallel_loop3A_540 {add = true} : memref<40032xf32, #tpu.memory_space<vmem>>[vector<16xi32>], vector<16xf32>,
        %parallel_loop3A_541 = arith.addi %parallel_loop3A_530, %add3A_87 : vector<16xi32>
        %parallel_loop3A_542 = tpu.vector_load_idx %arg6[%parallel_loop3A_541] : memref<40032xf32, #tpu.memory_space<vmem>>[vector<16xi32>], vector<16xf32>,
        %parallel_loop3A_543 = arith.addi %parallel_loop3A_529, %add3A_87 : vector<16xi32>
        %parallel_loop3A_544 = arith.mulf %parallel_loop3A_536, %parallel_loop3A_542 : vector<16xf32>
        tpu.vector_store_idx %arg7[%parallel_loop3A_543], %parallel_loop3A_544 {add = true} : memref<40032xf32, #tpu.memory_space<vmem>>[vector<16xi32>], vector<16xf32>,
        %parallel_loop3A_545 = vector.shape_cast %add3A_79 : vector<16xi32> to vector<16x1xi32>
        %parallel_loop3A_546 = vector.shape_cast %parallel_loop3A_545 : vector<16x1xi32> to vector<16xi32>
        %parallel_loop3A_547 = tpu.dynamic_gather %parallel_loop3A_525[%parallel_loop3A_546] in [0] : vector<16xi32>, vector<16xi32> -> vector<16xi32>
        %parallel_loop3A_548 = arith.shrui %parallel_loop3A_547, %broadcast_in_dim3A_3 : vector<16xi32>
        %parallel_loop3A_549 = arith.andi %parallel_loop3A_547, %broadcast_in_dim3A_5 : vector<16xi32>
        %parallel_loop3A_550 = arith.cmpi ne, %parallel_loop3A_548, %parallel_loop3A_549 : vector<16xi32>
        %parallel_loop3A_551 = arith.constant 1.000000e+00 : f32
        %parallel_loop3A_552 = vector.broadcast %parallel_loop3A_551 : f32 to vector<16xf32>
        %parallel_loop3A_553 = arith.constant 0.000000e+00 : f32
        %parallel_loop3A_554 = vector.broadcast %parallel_loop3A_553 : f32 to vector<16xf32>
        %parallel_loop3A_555 = arith.select %parallel_loop3A_550, %parallel_loop3A_552, %parallel_loop3A_554 : vector<16xi1>, vector<16xf32>
        %parallel_loop3A_556 = arith.addi %parallel_loop3A_549, %mul3A_84 : vector<16xi32>
        %parallel_loop3A_557 = tpu.vector_load_idx %arg6[%parallel_loop3A_556] : memref<40032xf32, #tpu.memory_space<vmem>>[vector<16xi32>], vector<16xf32>,
        %parallel_loop3A_558 = arith.addi %parallel_loop3A_548, %mul3A_84 : vector<16xi32>
        %parallel_loop3A_559 = arith.mulf %parallel_loop3A_555, %parallel_loop3A_557 : vector<16xf32>
        tpu.vector_store_idx %arg7[%parallel_loop3A_558], %parallel_loop3A_559 {add = true} : memref<40032xf32, #tpu.memory_space<vmem>>[vector<16xi32>], vector<16xf32>,
        %parallel_loop3A_560 = arith.addi %parallel_loop3A_549, %add3A_87 : vector<16xi32>
        %parallel_loop3A_561 = tpu.vector_load_idx %arg6[%parallel_loop3A_560] : memref<40032xf32, #tpu.memory_space<vmem>>[vector<16xi32>], vector<16xf32>,
        %parallel_loop3A_562 = arith.addi %parallel_loop3A_548, %add3A_87 : vector<16xi32>
        %parallel_loop3A_563 = arith.mulf %parallel_loop3A_555, %parallel_loop3A_561 : vector<16xf32>
        tpu.vector_store_idx %arg7[%parallel_loop3A_562], %parallel_loop3A_563 {add = true} : memref<40032xf32, #tpu.memory_space<vmem>>[vector<16xi32>], vector<16xf32>,
      } {sc.loop_unroll_factor = 5 : i64, sc.parallel_access}
    }
    %while3A_389 = arith.constant 1 : i32
    scf.for %while3A_485 = %while3A_387 to %while3A_383 step %while3A_389  : i32 {
      %mul3A_486 = arith.constant 1 : i32
      %mul3A_487 = arith.muli %while3A_485, %mul3A_486 : i32
      %add3A_488 = arith.constant 0 : i32
      %add3A_489 = arith.addi %mul3A_487, %add3A_488 : i32
      %mul3A_490 = arith.constant 2 : i32
      %mul3A_491 = arith.muli %add3A_489, %mul3A_490 : i32
      %add3A_492 = arith.constant 1 : i32
      %add3A_493 = arith.addi %mul3A_491, %add3A_492 : i32
      %min3A = arith.minsi %add3A_493, %while3A_379 : i32
      %mul3A_494 = arith.constant 4000 : i32
      %mul3A_495 = arith.muli %min3A, %mul3A_494 : i32
      %add3A_496 = arith.constant 0 : i32
      %add3A_497 = arith.addi %add3A_496, %mul3A_495 : i32
      %dma_start3A_498 = tpu.memref_slice %arg2[%add3A_497] : memref<320000xi32, #tpu.memory_space<hbm>> -> memref<4000xi32, #tpu.memory_space<hbm>>
      %dma_start3A_499 = tpu.memref_slice %arg2[%add3A_497] : memref<320000xi32, #tpu.memory_space<hbm>> -> memref<4000xi32, #tpu.memory_space<hbm>>
      tpu.enqueue_dma source(%dma_start3A_499 : memref<4000xi32, #tpu.memory_space<hbm>>) target(%arg12 : memref<4000xi32, #tpu.memory_space<vmem>>) target_semaphore(%arg16 : memref<!tpu.dma_semaphore, #tpu.memory_space<semaphore_mem>>)
      %dma_wait3A_500 = arith.constant 0 : i32
      %dma_wait3A_501 = tpu.memref_slice %arg2[%dma_wait3A_500] : memref<320000xi32, #tpu.memory_space<hbm>> -> memref<4000xi32, #tpu.memory_space<hbm>>
      %dma_wait3A_502 = tpu.memref_slice %arg2[%dma_wait3A_500] : memref<320000xi32, #tpu.memory_space<hbm>> -> memref<4000xi32, #tpu.memory_space<hbm>>
      tpu.wait_dma2 semaphore(%arg15 : memref<!tpu.dma_semaphore, #tpu.memory_space<semaphore_mem>>) src(%dma_wait3A_502 : memref<4000xi32, #tpu.memory_space<hbm>>) dst(%arg11 : memref<4000xi32, #tpu.memory_space<vmem>>)
      %parallel_loop3A_503 = arith.constant 0 : i32
      %parallel_loop3A_504 = arith.constant 250 : i32
      %parallel_loop3A_505 = arith.constant 1 : i32
      scf.for %parallel_loop3A_521 = %parallel_loop3A_503 to %parallel_loop3A_504 step %parallel_loop3A_505  : i32 {
        %parallel_loop3A_522 = arith.constant 16 : i32
        %parallel_loop3A_523 = arith.muli %parallel_loop3A_521, %parallel_loop3A_522 : i32
        %parallel_loop3A_524 = arith.index_cast %parallel_loop3A_523 : i32 to index
        %parallel_loop3A_525 = tpu.vector_load %arg11[%parallel_loop3A_524] {strides = array<i32>} : memref<4000xi32, #tpu.memory_space<vmem>>, vector<16xi32>,
        %parallel_loop3A_526 = vector.shape_cast %shift_right_logical3A : vector<16xi32> to vector<16x1xi32>
        %parallel_loop3A_527 = vector.shape_cast %parallel_loop3A_526 : vector<16x1xi32> to vector<16xi32>
        %parallel_loop3A_528 = tpu.dynamic_gather %parallel_loop3A_525[%parallel_loop3A_527] in [0] : vector<16xi32>, vector<16xi32> -> vector<16xi32>
        %parallel_loop3A_529 = arith.shrui %parallel_loop3A_528, %broadcast_in_dim3A_3 : vector<16xi32>
        %parallel_loop3A_530 = arith.andi %parallel_loop3A_528, %broadcast_in_dim3A_5 : vector<16xi32>
        %parallel_loop3A_531 = arith.cmpi ne, %parallel_loop3A_529, %parallel_loop3A_530 : vector<16xi32>
        %parallel_loop3A_532 = arith.constant 1.000000e+00 : f32
        %parallel_loop3A_533 = vector.broadcast %parallel_loop3A_532 : f32 to vector<16xf32>
        %parallel_loop3A_534 = arith.constant 0.000000e+00 : f32
        %parallel_loop3A_535 = vector.broadcast %parallel_loop3A_534 : f32 to vector<16xf32>
        %parallel_loop3A_536 = arith.select %parallel_loop3A_531, %parallel_loop3A_533, %parallel_loop3A_535 : vector<16xi1>, vector<16xf32>
        %parallel_loop3A_537 = arith.addi %parallel_loop3A_530, %mul3A_84 : vector<16xi32>
        %parallel_loop3A_538 = tpu.vector_load_idx %arg6[%parallel_loop3A_537] : memref<40032xf32, #tpu.memory_space<vmem>>[vector<16xi32>], vector<16xf32>,
        %parallel_loop3A_539 = arith.addi %parallel_loop3A_529, %mul3A_84 : vector<16xi32>
        %parallel_loop3A_540 = arith.mulf %parallel_loop3A_536, %parallel_loop3A_538 : vector<16xf32>
        tpu.vector_store_idx %arg7[%parallel_loop3A_539], %parallel_loop3A_540 {add = true} : memref<40032xf32, #tpu.memory_space<vmem>>[vector<16xi32>], vector<16xf32>,
        %parallel_loop3A_541 = arith.addi %parallel_loop3A_530, %add3A_87 : vector<16xi32>
        %parallel_loop3A_542 = tpu.vector_load_idx %arg6[%parallel_loop3A_541] : memref<40032xf32, #tpu.memory_space<vmem>>[vector<16xi32>], vector<16xf32>,
        %parallel_loop3A_543 = arith.addi %parallel_loop3A_529, %add3A_87 : vector<16xi32>
        %parallel_loop3A_544 = arith.mulf %parallel_loop3A_536, %parallel_loop3A_542 : vector<16xf32>
        tpu.vector_store_idx %arg7[%parallel_loop3A_543], %parallel_loop3A_544 {add = true} : memref<40032xf32, #tpu.memory_space<vmem>>[vector<16xi32>], vector<16xf32>,
        %parallel_loop3A_545 = vector.shape_cast %add3A_79 : vector<16xi32> to vector<16x1xi32>
        %parallel_loop3A_546 = vector.shape_cast %parallel_loop3A_545 : vector<16x1xi32> to vector<16xi32>
        %parallel_loop3A_547 = tpu.dynamic_gather %parallel_loop3A_525[%parallel_loop3A_546] in [0] : vector<16xi32>, vector<16xi32> -> vector<16xi32>
        %parallel_loop3A_548 = arith.shrui %parallel_loop3A_547, %broadcast_in_dim3A_3 : vector<16xi32>
        %parallel_loop3A_549 = arith.andi %parallel_loop3A_547, %broadcast_in_dim3A_5 : vector<16xi32>
        %parallel_loop3A_550 = arith.cmpi ne, %parallel_loop3A_548, %parallel_loop3A_549 : vector<16xi32>
        %parallel_loop3A_551 = arith.constant 1.000000e+00 : f32
        %parallel_loop3A_552 = vector.broadcast %parallel_loop3A_551 : f32 to vector<16xf32>
        %parallel_loop3A_553 = arith.constant 0.000000e+00 : f32
        %parallel_loop3A_554 = vector.broadcast %parallel_loop3A_553 : f32 to vector<16xf32>
        %parallel_loop3A_555 = arith.select %parallel_loop3A_550, %parallel_loop3A_552, %parallel_loop3A_554 : vector<16xi1>, vector<16xf32>
        %parallel_loop3A_556 = arith.addi %parallel_loop3A_549, %mul3A_84 : vector<16xi32>
        %parallel_loop3A_557 = tpu.vector_load_idx %arg6[%parallel_loop3A_556] : memref<40032xf32, #tpu.memory_space<vmem>>[vector<16xi32>], vector<16xf32>,
        %parallel_loop3A_558 = arith.addi %parallel_loop3A_548, %mul3A_84 : vector<16xi32>
        %parallel_loop3A_559 = arith.mulf %parallel_loop3A_555, %parallel_loop3A_557 : vector<16xf32>
        tpu.vector_store_idx %arg7[%parallel_loop3A_558], %parallel_loop3A_559 {add = true} : memref<40032xf32, #tpu.memory_space<vmem>>[vector<16xi32>], vector<16xf32>,
        %parallel_loop3A_560 = arith.addi %parallel_loop3A_549, %add3A_87 : vector<16xi32>
        %parallel_loop3A_561 = tpu.vector_load_idx %arg6[%parallel_loop3A_560] : memref<40032xf32, #tpu.memory_space<vmem>>[vector<16xi32>], vector<16xf32>,
        %parallel_loop3A_562 = arith.addi %parallel_loop3A_548, %add3A_87 : vector<16xi32>
        %parallel_loop3A_563 = arith.mulf %parallel_loop3A_555, %parallel_loop3A_561 : vector<16xf32>
        tpu.vector_store_idx %arg7[%parallel_loop3A_562], %parallel_loop3A_563 {add = true} : memref<40032xf32, #tpu.memory_space<vmem>>[vector<16xi32>], vector<16xf32>,
      } {sc.loop_unroll_factor = 5 : i64, sc.parallel_access}
      %add3A_506 = arith.constant 2 : i32
      %add3A_507 = arith.addi %mul3A_491, %add3A_506 : i32
      %min3A_508 = arith.minsi %add3A_507, %while3A_379 : i32
      %mul3A_509 = arith.constant 4000 : i32
      %mul3A_510 = arith.muli %min3A_508, %mul3A_509 : i32
      %add3A_511 = arith.constant 0 : i32
      %add3A_512 = arith.addi %add3A_511, %mul3A_510 : i32
      %dma_start3A_513 = tpu.memref_slice %arg2[%add3A_512] : memref<320000xi32, #tpu.memory_space<hbm>> -> memref<4000xi32, #tpu.memory_space<hbm>>
      %dma_start3A_514 = tpu.memref_slice %arg2[%add3A_512] : memref<320000xi32, #tpu.memory_space<hbm>> -> memref<4000xi32, #tpu.memory_space<hbm>>
      tpu.enqueue_dma source(%dma_start3A_514 : memref<4000xi32, #tpu.memory_space<hbm>>) target(%arg11 : memref<4000xi32, #tpu.memory_space<vmem>>) target_semaphore(%arg15 : memref<!tpu.dma_semaphore, #tpu.memory_space<semaphore_mem>>)
      %dma_wait3A_515 = arith.constant 0 : i32
      %dma_wait3A_516 = tpu.memref_slice %arg2[%dma_wait3A_515] : memref<320000xi32, #tpu.memory_space<hbm>> -> memref<4000xi32, #tpu.memory_space<hbm>>
      %dma_wait3A_517 = tpu.memref_slice %arg2[%dma_wait3A_515] : memref<320000xi32, #tpu.memory_space<hbm>> -> memref<4000xi32, #tpu.memory_space<hbm>>
      tpu.wait_dma2 semaphore(%arg16 : memref<!tpu.dma_semaphore, #tpu.memory_space<semaphore_mem>>) src(%dma_wait3A_517 : memref<4000xi32, #tpu.memory_space<hbm>>) dst(%arg12 : memref<4000xi32, #tpu.memory_space<vmem>>)
      %parallel_loop3A_518 = arith.constant 0 : i32
      %parallel_loop3A_519 = arith.constant 250 : i32
      %parallel_loop3A_520 = arith.constant 1 : i32
      scf.for %parallel_loop3A_521 = %parallel_loop3A_518 to %parallel_loop3A_519 step %parallel_loop3A_520  : i32 {
        %parallel_loop3A_522 = arith.constant 16 : i32
        %parallel_loop3A_523 = arith.muli %parallel_loop3A_521, %parallel_loop3A_522 : i32
        %parallel_loop3A_524 = arith.index_cast %parallel_loop3A_523 : i32 to index
        %parallel_loop3A_525 = tpu.vector_load %arg12[%parallel_loop3A_524] {strides = array<i32>} : memref<4000xi32, #tpu.memory_space<vmem>>, vector<16xi32>,
        %parallel_loop3A_526 = vector.shape_cast %shift_right_logical3A : vector<16xi32> to vector<16x1xi32>
        %parallel_loop3A_527 = vector.shape_cast %parallel_loop3A_526 : vector<16x1xi32> to vector<16xi32>
        %parallel_loop3A_528 = tpu.dynamic_gather %parallel_loop3A_525[%parallel_loop3A_527] in [0] : vector<16xi32>, vector<16xi32> -> vector<16xi32>
        %parallel_loop3A_529 = arith.shrui %parallel_loop3A_528, %broadcast_in_dim3A_3 : vector<16xi32>
        %parallel_loop3A_530 = arith.andi %parallel_loop3A_528, %broadcast_in_dim3A_5 : vector<16xi32>
        %parallel_loop3A_531 = arith.cmpi ne, %parallel_loop3A_529, %parallel_loop3A_530 : vector<16xi32>
        %parallel_loop3A_532 = arith.constant 1.000000e+00 : f32
        %parallel_loop3A_533 = vector.broadcast %parallel_loop3A_532 : f32 to vector<16xf32>
        %parallel_loop3A_534 = arith.constant 0.000000e+00 : f32
        %parallel_loop3A_535 = vector.broadcast %parallel_loop3A_534 : f32 to vector<16xf32>
        %parallel_loop3A_536 = arith.select %parallel_loop3A_531, %parallel_loop3A_533, %parallel_loop3A_535 : vector<16xi1>, vector<16xf32>
        %parallel_loop3A_537 = arith.addi %parallel_loop3A_530, %mul3A_84 : vector<16xi32>
        %parallel_loop3A_538 = tpu.vector_load_idx %arg6[%parallel_loop3A_537] : memref<40032xf32, #tpu.memory_space<vmem>>[vector<16xi32>], vector<16xf32>,
        %parallel_loop3A_539 = arith.addi %parallel_loop3A_529, %mul3A_84 : vector<16xi32>
        %parallel_loop3A_540 = arith.mulf %parallel_loop3A_536, %parallel_loop3A_538 : vector<16xf32>
        tpu.vector_store_idx %arg7[%parallel_loop3A_539], %parallel_loop3A_540 {add = true} : memref<40032xf32, #tpu.memory_space<vmem>>[vector<16xi32>], vector<16xf32>,
        %parallel_loop3A_541 = arith.addi %parallel_loop3A_530, %add3A_87 : vector<16xi32>
        %parallel_loop3A_542 = tpu.vector_load_idx %arg6[%parallel_loop3A_541] : memref<40032xf32, #tpu.memory_space<vmem>>[vector<16xi32>], vector<16xf32>,
        %parallel_loop3A_543 = arith.addi %parallel_loop3A_529, %add3A_87 : vector<16xi32>
        %parallel_loop3A_544 = arith.mulf %parallel_loop3A_536, %parallel_loop3A_542 : vector<16xf32>
        tpu.vector_store_idx %arg7[%parallel_loop3A_543], %parallel_loop3A_544 {add = true} : memref<40032xf32, #tpu.memory_space<vmem>>[vector<16xi32>], vector<16xf32>,
        %parallel_loop3A_545 = vector.shape_cast %add3A_79 : vector<16xi32> to vector<16x1xi32>
        %parallel_loop3A_546 = vector.shape_cast %parallel_loop3A_545 : vector<16x1xi32> to vector<16xi32>
        %parallel_loop3A_547 = tpu.dynamic_gather %parallel_loop3A_525[%parallel_loop3A_546] in [0] : vector<16xi32>, vector<16xi32> -> vector<16xi32>
        %parallel_loop3A_548 = arith.shrui %parallel_loop3A_547, %broadcast_in_dim3A_3 : vector<16xi32>
        %parallel_loop3A_549 = arith.andi %parallel_loop3A_547, %broadcast_in_dim3A_5 : vector<16xi32>
        %parallel_loop3A_550 = arith.cmpi ne, %parallel_loop3A_548, %parallel_loop3A_549 : vector<16xi32>
        %parallel_loop3A_551 = arith.constant 1.000000e+00 : f32
        %parallel_loop3A_552 = vector.broadcast %parallel_loop3A_551 : f32 to vector<16xf32>
        %parallel_loop3A_553 = arith.constant 0.000000e+00 : f32
        %parallel_loop3A_554 = vector.broadcast %parallel_loop3A_553 : f32 to vector<16xf32>
        %parallel_loop3A_555 = arith.select %parallel_loop3A_550, %parallel_loop3A_552, %parallel_loop3A_554 : vector<16xi1>, vector<16xf32>
        %parallel_loop3A_556 = arith.addi %parallel_loop3A_549, %mul3A_84 : vector<16xi32>
        %parallel_loop3A_557 = tpu.vector_load_idx %arg6[%parallel_loop3A_556] : memref<40032xf32, #tpu.memory_space<vmem>>[vector<16xi32>], vector<16xf32>,
        %parallel_loop3A_558 = arith.addi %parallel_loop3A_548, %mul3A_84 : vector<16xi32>
        %parallel_loop3A_559 = arith.mulf %parallel_loop3A_555, %parallel_loop3A_557 : vector<16xf32>
        tpu.vector_store_idx %arg7[%parallel_loop3A_558], %parallel_loop3A_559 {add = true} : memref<40032xf32, #tpu.memory_space<vmem>>[vector<16xi32>], vector<16xf32>,
        %parallel_loop3A_560 = arith.addi %parallel_loop3A_549, %add3A_87 : vector<16xi32>
        %parallel_loop3A_561 = tpu.vector_load_idx %arg6[%parallel_loop3A_560] : memref<40032xf32, #tpu.memory_space<vmem>>[vector<16xi32>], vector<16xf32>,
        %parallel_loop3A_562 = arith.addi %parallel_loop3A_548, %add3A_87 : vector<16xi32>
        %parallel_loop3A_563 = arith.mulf %parallel_loop3A_555, %parallel_loop3A_561 : vector<16xf32>
        tpu.vector_store_idx %arg7[%parallel_loop3A_562], %parallel_loop3A_563 {add = true} : memref<40032xf32, #tpu.memory_space<vmem>>[vector<16xi32>], vector<16xf32>,
      } {sc.loop_unroll_factor = 5 : i64, sc.parallel_access}
    }
    %dma_wait3A_390 = arith.constant 0 : i32
    %dma_wait3A_391 = tpu.memref_slice %arg2[%dma_wait3A_390] : memref<320000xi32, #tpu.memory_space<hbm>> -> memref<4000xi32, #tpu.memory_space<hbm>>
    %dma_wait3A_392 = tpu.memref_slice %arg2[%dma_wait3A_390] : memref<320000xi32, #tpu.memory_space<hbm>> -> memref<4000xi32, #tpu.memory_space<hbm>>
    tpu.wait_dma2 semaphore(%arg15 : memref<!tpu.dma_semaphore, #tpu.memory_space<semaphore_mem>>) src(%dma_wait3A_392 : memref<4000xi32, #tpu.memory_space<hbm>>) dst(%arg11 : memref<4000xi32, #tpu.memory_space<vmem>>)
    %while3A_393 = arith.constant 0 : i64
    %while3A_394 = arith.constant 0 : i32
    %while3A_395 = arith.constant 312 : i32
    %while3A_396 = arith.subi %while3A_395, %while3A_394 : i32
    %while3A_397 = arith.addi %while3A_394, %while3A_396 : i32
    %while3A_398 = arith.constant 1 : i32
    %while3A_399 = arith.divsi %while3A_396, %while3A_398 : i32
    %while3A_400 = arith.muli %while3A_399, %while3A_398 : i32
    %while3A_401 = arith.addi %while3A_394, %while3A_400 : i32
    %while3A_402 = arith.constant 1 : i32
    scf.for %while3A_485 = %while3A_394 to %while3A_401 step %while3A_402  : i32 {
      %mul3A_486 = arith.constant 2 : i32
      %mul3A_487 = arith.muli %while3A_485, %mul3A_486 : i32
      %add3A_488 = arith.constant 0 : i32
      %add3A_489 = arith.addi %mul3A_487, %add3A_488 : i32
      %mul3A_490 = arith.constant 16 : i32
      %mul3A_491 = arith.muli %add3A_489, %mul3A_490 : i32
      %get3A_492 = arith.index_cast %mul3A_491 : i32 to index
      %get3A_493 = tpu.vector_load %arg9[%get3A_492] {strides = array<i32>} : memref<10240xf32, #tpu.memory_space<vmem>>, vector<16xf32>,
      %mul3A_494 = arith.constant 16 : i32
      %mul3A_495 = arith.muli %add3A_489, %mul3A_494 : i32
      %add3A_496 = arith.constant 0 : i32
      %add3A_497 = arith.addi %mul3A_495, %add3A_496 : i32
      %get3A_498 = arith.index_cast %add3A_497 : i32 to index
      %get3A_499 = tpu.vector_load %arg7[%get3A_498] {strides = array<i32>} : memref<40032xf32, #tpu.memory_space<vmem>>, vector<16xf32>,
      %mul3A_500 = arith.mulf %get3A_499, %get3A_493 : vector<16xf32>
      %swap3A_501 = arith.index_cast %add3A_497 : i32 to index
      %swap3A_502 = tpu.vector_load %arg6[%swap3A_501] {strides = array<i32>} : memref<40032xf32, #tpu.memory_space<vmem>>, vector<16xf32>,
      tpu.vector_store %arg6[%swap3A_501], %mul3A_500 {strides = array<i32>} : memref<40032xf32, #tpu.memory_space<vmem>>, vector<16xf32>,
      %broadcast_in_dim3A_503 = arith.constant 0.000000e+00 : f32
      %broadcast_in_dim3A_504 = vector.broadcast %broadcast_in_dim3A_503 : f32 to vector<16xf32>
      %swap3A_505 = arith.index_cast %add3A_497 : i32 to index
      %swap3A_506 = tpu.vector_load %arg7[%swap3A_505] {strides = array<i32>} : memref<40032xf32, #tpu.memory_space<vmem>>, vector<16xf32>,
      tpu.vector_store %arg7[%swap3A_505], %broadcast_in_dim3A_504 {strides = array<i32>} : memref<40032xf32, #tpu.memory_space<vmem>>, vector<16xf32>,
      %mul3A_507 = arith.constant 16 : i32
      %mul3A_508 = arith.muli %add3A_489, %mul3A_507 : i32
      %add3A_509 = arith.constant 10008 : i32
      %add3A_510 = arith.addi %mul3A_508, %add3A_509 : i32
      %get3A_511 = arith.index_cast %add3A_510 : i32 to index
      %get3A_512 = tpu.vector_load %arg7[%get3A_511] {strides = array<i32>} : memref<40032xf32, #tpu.memory_space<vmem>>, vector<16xf32>,
      %mul3A_513 = arith.mulf %get3A_512, %get3A_493 : vector<16xf32>
      %swap3A_514 = arith.index_cast %add3A_510 : i32 to index
      %swap3A_515 = tpu.vector_load %arg6[%swap3A_514] {strides = array<i32>} : memref<40032xf32, #tpu.memory_space<vmem>>, vector<16xf32>,
      tpu.vector_store %arg6[%swap3A_514], %mul3A_513 {strides = array<i32>} : memref<40032xf32, #tpu.memory_space<vmem>>, vector<16xf32>,
      %broadcast_in_dim3A_516 = arith.constant 0.000000e+00 : f32
      %broadcast_in_dim3A_517 = vector.broadcast %broadcast_in_dim3A_516 : f32 to vector<16xf32>
      %swap3A_518 = arith.index_cast %add3A_510 : i32 to index
      %swap3A_519 = tpu.vector_load %arg7[%swap3A_518] {strides = array<i32>} : memref<40032xf32, #tpu.memory_space<vmem>>, vector<16xf32>,
      tpu.vector_store %arg7[%swap3A_518], %broadcast_in_dim3A_517 {strides = array<i32>} : memref<40032xf32, #tpu.memory_space<vmem>>, vector<16xf32>,
      %mul3A_520 = arith.constant 16 : i32
      %mul3A_521 = arith.muli %add3A_489, %mul3A_520 : i32
      %add3A_522 = arith.constant 20016 : i32
      %add3A_523 = arith.addi %mul3A_521, %add3A_522 : i32
      %get3A_524 = arith.index_cast %add3A_523 : i32 to index
      %get3A_525 = tpu.vector_load %arg7[%get3A_524] {strides = array<i32>} : memref<40032xf32, #tpu.memory_space<vmem>>, vector<16xf32>,
      %mul3A_526 = arith.mulf %get3A_525, %get3A_493 : vector<16xf32>
      %swap3A_527 = arith.index_cast %add3A_523 : i32 to index
      %swap3A_528 = tpu.vector_load %arg6[%swap3A_527] {strides = array<i32>} : memref<40032xf32, #tpu.memory_space<vmem>>, vector<16xf32>,
      tpu.vector_store %arg6[%swap3A_527], %mul3A_526 {strides = array<i32>} : memref<40032xf32, #tpu.memory_space<vmem>>, vector<16xf32>,
      %broadcast_in_dim3A_529 = arith.constant 0.000000e+00 : f32
      %broadcast_in_dim3A_530 = vector.broadcast %broadcast_in_dim3A_529 : f32 to vector<16xf32>
      %swap3A_531 = arith.index_cast %add3A_523 : i32 to index
      %swap3A_532 = tpu.vector_load %arg7[%swap3A_531] {strides = array<i32>} : memref<40032xf32, #tpu.memory_space<vmem>>, vector<16xf32>,
      tpu.vector_store %arg7[%swap3A_531], %broadcast_in_dim3A_530 {strides = array<i32>} : memref<40032xf32, #tpu.memory_space<vmem>>, vector<16xf32>,
      %mul3A_533 = arith.constant 16 : i32
      %mul3A_534 = arith.muli %add3A_489, %mul3A_533 : i32
      %add3A_535 = arith.constant 30024 : i32
      %add3A_536 = arith.addi %mul3A_534, %add3A_535 : i32
      %get3A_537 = arith.index_cast %add3A_536 : i32 to index
      %get3A_538 = tpu.vector_load %arg7[%get3A_537] {strides = array<i32>} : memref<40032xf32, #tpu.memory_space<vmem>>, vector<16xf32>,
      %mul3A_539 = arith.mulf %get3A_538, %get3A_493 : vector<16xf32>
      %swap3A_540 = arith.index_cast %add3A_536 : i32 to index
      %swap3A_541 = tpu.vector_load %arg6[%swap3A_540] {strides = array<i32>} : memref<40032xf32, #tpu.memory_space<vmem>>, vector<16xf32>,
      tpu.vector_store %arg6[%swap3A_540], %mul3A_539 {strides = array<i32>} : memref<40032xf32, #tpu.memory_space<vmem>>, vector<16xf32>,
      %broadcast_in_dim3A_542 = arith.constant 0.000000e+00 : f32
      %broadcast_in_dim3A_543 = vector.broadcast %broadcast_in_dim3A_542 : f32 to vector<16xf32>
      %swap3A_544 = arith.index_cast %add3A_536 : i32 to index
      %swap3A_545 = tpu.vector_load %arg7[%swap3A_544] {strides = array<i32>} : memref<40032xf32, #tpu.memory_space<vmem>>, vector<16xf32>,
      tpu.vector_store %arg7[%swap3A_544], %broadcast_in_dim3A_543 {strides = array<i32>} : memref<40032xf32, #tpu.memory_space<vmem>>, vector<16xf32>,
      %add3A_546 = arith.constant 1 : i32
      %add3A_547 = arith.addi %mul3A_487, %add3A_546 : i32
      %mul3A_548 = arith.constant 16 : i32
      %mul3A_549 = arith.muli %add3A_547, %mul3A_548 : i32
      %get3A_550 = arith.index_cast %mul3A_549 : i32 to index
      %get3A_551 = tpu.vector_load %arg9[%get3A_550] {strides = array<i32>} : memref<10240xf32, #tpu.memory_space<vmem>>, vector<16xf32>,
      %mul3A_552 = arith.constant 16 : i32
      %mul3A_553 = arith.muli %add3A_547, %mul3A_552 : i32
      %add3A_554 = arith.constant 0 : i32
      %add3A_555 = arith.addi %mul3A_553, %add3A_554 : i32
      %get3A_556 = arith.index_cast %add3A_555 : i32 to index
      %get3A_557 = tpu.vector_load %arg7[%get3A_556] {strides = array<i32>} : memref<40032xf32, #tpu.memory_space<vmem>>, vector<16xf32>,
      %mul3A_558 = arith.mulf %get3A_557, %get3A_551 : vector<16xf32>
      %swap3A_559 = arith.index_cast %add3A_555 : i32 to index
      %swap3A_560 = tpu.vector_load %arg6[%swap3A_559] {strides = array<i32>} : memref<40032xf32, #tpu.memory_space<vmem>>, vector<16xf32>,
      tpu.vector_store %arg6[%swap3A_559], %mul3A_558 {strides = array<i32>} : memref<40032xf32, #tpu.memory_space<vmem>>, vector<16xf32>,
      %broadcast_in_dim3A_561 = arith.constant 0.000000e+00 : f32
      %broadcast_in_dim3A_562 = vector.broadcast %broadcast_in_dim3A_561 : f32 to vector<16xf32>
      %swap3A_563 = arith.index_cast %add3A_555 : i32 to index
      %swap3A_564 = tpu.vector_load %arg7[%swap3A_563] {strides = array<i32>} : memref<40032xf32, #tpu.memory_space<vmem>>, vector<16xf32>,
      tpu.vector_store %arg7[%swap3A_563], %broadcast_in_dim3A_562 {strides = array<i32>} : memref<40032xf32, #tpu.memory_space<vmem>>, vector<16xf32>,
      %mul3A_565 = arith.constant 16 : i32
      %mul3A_566 = arith.muli %add3A_547, %mul3A_565 : i32
      %add3A_567 = arith.constant 10008 : i32
      %add3A_568 = arith.addi %mul3A_566, %add3A_567 : i32
      %get3A_569 = arith.index_cast %add3A_568 : i32 to index
      %get3A_570 = tpu.vector_load %arg7[%get3A_569] {strides = array<i32>} : memref<40032xf32, #tpu.memory_space<vmem>>, vector<16xf32>,
      %mul3A_571 = arith.mulf %get3A_570, %get3A_551 : vector<16xf32>
      %swap3A_572 = arith.index_cast %add3A_568 : i32 to index
      %swap3A_573 = tpu.vector_load %arg6[%swap3A_572] {strides = array<i32>} : memref<40032xf32, #tpu.memory_space<vmem>>, vector<16xf32>,
      tpu.vector_store %arg6[%swap3A_572], %mul3A_571 {strides = array<i32>} : memref<40032xf32, #tpu.memory_space<vmem>>, vector<16xf32>,
      %broadcast_in_dim3A_574 = arith.constant 0.000000e+00 : f32
      %broadcast_in_dim3A_575 = vector.broadcast %broadcast_in_dim3A_574 : f32 to vector<16xf32>
      %swap3A_576 = arith.index_cast %add3A_568 : i32 to index
      %swap3A_577 = tpu.vector_load %arg7[%swap3A_576] {strides = array<i32>} : memref<40032xf32, #tpu.memory_space<vmem>>, vector<16xf32>,
      tpu.vector_store %arg7[%swap3A_576], %broadcast_in_dim3A_575 {strides = array<i32>} : memref<40032xf32, #tpu.memory_space<vmem>>, vector<16xf32>,
      %mul3A_578 = arith.constant 16 : i32
      %mul3A_579 = arith.muli %add3A_547, %mul3A_578 : i32
      %add3A_580 = arith.constant 20016 : i32
      %add3A_581 = arith.addi %mul3A_579, %add3A_580 : i32
      %get3A_582 = arith.index_cast %add3A_581 : i32 to index
      %get3A_583 = tpu.vector_load %arg7[%get3A_582] {strides = array<i32>} : memref<40032xf32, #tpu.memory_space<vmem>>, vector<16xf32>,
      %mul3A_584 = arith.mulf %get3A_583, %get3A_551 : vector<16xf32>
      %swap3A_585 = arith.index_cast %add3A_581 : i32 to index
      %swap3A_586 = tpu.vector_load %arg6[%swap3A_585] {strides = array<i32>} : memref<40032xf32, #tpu.memory_space<vmem>>, vector<16xf32>,
      tpu.vector_store %arg6[%swap3A_585], %mul3A_584 {strides = array<i32>} : memref<40032xf32, #tpu.memory_space<vmem>>, vector<16xf32>,
      %broadcast_in_dim3A_587 = arith.constant 0.000000e+00 : f32
      %broadcast_in_dim3A_588 = vector.broadcast %broadcast_in_dim3A_587 : f32 to vector<16xf32>
      %swap3A_589 = arith.index_cast %add3A_581 : i32 to index
      %swap3A_590 = tpu.vector_load %arg7[%swap3A_589] {strides = array<i32>} : memref<40032xf32, #tpu.memory_space<vmem>>, vector<16xf32>,
      tpu.vector_store %arg7[%swap3A_589], %broadcast_in_dim3A_588 {strides = array<i32>} : memref<40032xf32, #tpu.memory_space<vmem>>, vector<16xf32>,
      %mul3A_591 = arith.constant 16 : i32
      %mul3A_592 = arith.muli %add3A_547, %mul3A_591 : i32
      %add3A_593 = arith.constant 30024 : i32
      %add3A_594 = arith.addi %mul3A_592, %add3A_593 : i32
      %get3A_595 = arith.index_cast %add3A_594 : i32 to index
      %get3A_596 = tpu.vector_load %arg7[%get3A_595] {strides = array<i32>} : memref<40032xf32, #tpu.memory_space<vmem>>, vector<16xf32>,
      %mul3A_597 = arith.mulf %get3A_596, %get3A_551 : vector<16xf32>
      %swap3A_598 = arith.index_cast %add3A_594 : i32 to index
      %swap3A_599 = tpu.vector_load %arg6[%swap3A_598] {strides = array<i32>} : memref<40032xf32, #tpu.memory_space<vmem>>, vector<16xf32>,
      tpu.vector_store %arg6[%swap3A_598], %mul3A_597 {strides = array<i32>} : memref<40032xf32, #tpu.memory_space<vmem>>, vector<16xf32>,
      %broadcast_in_dim3A_600 = arith.constant 0.000000e+00 : f32
      %broadcast_in_dim3A_601 = vector.broadcast %broadcast_in_dim3A_600 : f32 to vector<16xf32>
      %swap3A_602 = arith.index_cast %add3A_594 : i32 to index
      %swap3A_603 = tpu.vector_load %arg7[%swap3A_602] {strides = array<i32>} : memref<40032xf32, #tpu.memory_space<vmem>>, vector<16xf32>,
      tpu.vector_store %arg7[%swap3A_602], %broadcast_in_dim3A_601 {strides = array<i32>} : memref<40032xf32, #tpu.memory_space<vmem>>, vector<16xf32>,
    }
    %while3A_403 = arith.constant 1 : i32
    scf.for %while3A_485 = %while3A_401 to %while3A_397 step %while3A_403  : i32 {
      %mul3A_486 = arith.constant 2 : i32
      %mul3A_487 = arith.muli %while3A_485, %mul3A_486 : i32
      %add3A_488 = arith.constant 0 : i32
      %add3A_489 = arith.addi %mul3A_487, %add3A_488 : i32
      %mul3A_490 = arith.constant 16 : i32
      %mul3A_491 = arith.muli %add3A_489, %mul3A_490 : i32
      %get3A_492 = arith.index_cast %mul3A_491 : i32 to index
      %get3A_493 = tpu.vector_load %arg9[%get3A_492] {strides = array<i32>} : memref<10240xf32, #tpu.memory_space<vmem>>, vector<16xf32>,
      %mul3A_494 = arith.constant 16 : i32
      %mul3A_495 = arith.muli %add3A_489, %mul3A_494 : i32
      %add3A_496 = arith.constant 0 : i32
      %add3A_497 = arith.addi %mul3A_495, %add3A_496 : i32
      %get3A_498 = arith.index_cast %add3A_497 : i32 to index
      %get3A_499 = tpu.vector_load %arg7[%get3A_498] {strides = array<i32>} : memref<40032xf32, #tpu.memory_space<vmem>>, vector<16xf32>,
      %mul3A_500 = arith.mulf %get3A_499, %get3A_493 : vector<16xf32>
      %swap3A_501 = arith.index_cast %add3A_497 : i32 to index
      %swap3A_502 = tpu.vector_load %arg6[%swap3A_501] {strides = array<i32>} : memref<40032xf32, #tpu.memory_space<vmem>>, vector<16xf32>,
      tpu.vector_store %arg6[%swap3A_501], %mul3A_500 {strides = array<i32>} : memref<40032xf32, #tpu.memory_space<vmem>>, vector<16xf32>,
      %broadcast_in_dim3A_503 = arith.constant 0.000000e+00 : f32
      %broadcast_in_dim3A_504 = vector.broadcast %broadcast_in_dim3A_503 : f32 to vector<16xf32>
      %swap3A_505 = arith.index_cast %add3A_497 : i32 to index
      %swap3A_506 = tpu.vector_load %arg7[%swap3A_505] {strides = array<i32>} : memref<40032xf32, #tpu.memory_space<vmem>>, vector<16xf32>,
      tpu.vector_store %arg7[%swap3A_505], %broadcast_in_dim3A_504 {strides = array<i32>} : memref<40032xf32, #tpu.memory_space<vmem>>, vector<16xf32>,
      %mul3A_507 = arith.constant 16 : i32
      %mul3A_508 = arith.muli %add3A_489, %mul3A_507 : i32
      %add3A_509 = arith.constant 10008 : i32
      %add3A_510 = arith.addi %mul3A_508, %add3A_509 : i32
      %get3A_511 = arith.index_cast %add3A_510 : i32 to index
      %get3A_512 = tpu.vector_load %arg7[%get3A_511] {strides = array<i32>} : memref<40032xf32, #tpu.memory_space<vmem>>, vector<16xf32>,
      %mul3A_513 = arith.mulf %get3A_512, %get3A_493 : vector<16xf32>
      %swap3A_514 = arith.index_cast %add3A_510 : i32 to index
      %swap3A_515 = tpu.vector_load %arg6[%swap3A_514] {strides = array<i32>} : memref<40032xf32, #tpu.memory_space<vmem>>, vector<16xf32>,
      tpu.vector_store %arg6[%swap3A_514], %mul3A_513 {strides = array<i32>} : memref<40032xf32, #tpu.memory_space<vmem>>, vector<16xf32>,
      %broadcast_in_dim3A_516 = arith.constant 0.000000e+00 : f32
      %broadcast_in_dim3A_517 = vector.broadcast %broadcast_in_dim3A_516 : f32 to vector<16xf32>
      %swap3A_518 = arith.index_cast %add3A_510 : i32 to index
      %swap3A_519 = tpu.vector_load %arg7[%swap3A_518] {strides = array<i32>} : memref<40032xf32, #tpu.memory_space<vmem>>, vector<16xf32>,
      tpu.vector_store %arg7[%swap3A_518], %broadcast_in_dim3A_517 {strides = array<i32>} : memref<40032xf32, #tpu.memory_space<vmem>>, vector<16xf32>,
      %mul3A_520 = arith.constant 16 : i32
      %mul3A_521 = arith.muli %add3A_489, %mul3A_520 : i32
      %add3A_522 = arith.constant 20016 : i32
      %add3A_523 = arith.addi %mul3A_521, %add3A_522 : i32
      %get3A_524 = arith.index_cast %add3A_523 : i32 to index
      %get3A_525 = tpu.vector_load %arg7[%get3A_524] {strides = array<i32>} : memref<40032xf32, #tpu.memory_space<vmem>>, vector<16xf32>,
      %mul3A_526 = arith.mulf %get3A_525, %get3A_493 : vector<16xf32>
      %swap3A_527 = arith.index_cast %add3A_523 : i32 to index
      %swap3A_528 = tpu.vector_load %arg6[%swap3A_527] {strides = array<i32>} : memref<40032xf32, #tpu.memory_space<vmem>>, vector<16xf32>,
      tpu.vector_store %arg6[%swap3A_527], %mul3A_526 {strides = array<i32>} : memref<40032xf32, #tpu.memory_space<vmem>>, vector<16xf32>,
      %broadcast_in_dim3A_529 = arith.constant 0.000000e+00 : f32
      %broadcast_in_dim3A_530 = vector.broadcast %broadcast_in_dim3A_529 : f32 to vector<16xf32>
      %swap3A_531 = arith.index_cast %add3A_523 : i32 to index
      %swap3A_532 = tpu.vector_load %arg7[%swap3A_531] {strides = array<i32>} : memref<40032xf32, #tpu.memory_space<vmem>>, vector<16xf32>,
      tpu.vector_store %arg7[%swap3A_531], %broadcast_in_dim3A_530 {strides = array<i32>} : memref<40032xf32, #tpu.memory_space<vmem>>, vector<16xf32>,
      %mul3A_533 = arith.constant 16 : i32
      %mul3A_534 = arith.muli %add3A_489, %mul3A_533 : i32
      %add3A_535 = arith.constant 30024 : i32
      %add3A_536 = arith.addi %mul3A_534, %add3A_535 : i32
      %get3A_537 = arith.index_cast %add3A_536 : i32 to index
      %get3A_538 = tpu.vector_load %arg7[%get3A_537] {strides = array<i32>} : memref<40032xf32, #tpu.memory_space<vmem>>, vector<16xf32>,
      %mul3A_539 = arith.mulf %get3A_538, %get3A_493 : vector<16xf32>
      %swap3A_540 = arith.index_cast %add3A_536 : i32 to index
      %swap3A_541 = tpu.vector_load %arg6[%swap3A_540] {strides = array<i32>} : memref<40032xf32, #tpu.memory_space<vmem>>, vector<16xf32>,
      tpu.vector_store %arg6[%swap3A_540], %mul3A_539 {strides = array<i32>} : memref<40032xf32, #tpu.memory_space<vmem>>, vector<16xf32>,
      %broadcast_in_dim3A_542 = arith.constant 0.000000e+00 : f32
      %broadcast_in_dim3A_543 = vector.broadcast %broadcast_in_dim3A_542 : f32 to vector<16xf32>
      %swap3A_544 = arith.index_cast %add3A_536 : i32 to index
      %swap3A_545 = tpu.vector_load %arg7[%swap3A_544] {strides = array<i32>} : memref<40032xf32, #tpu.memory_space<vmem>>, vector<16xf32>,
      tpu.vector_store %arg7[%swap3A_544], %broadcast_in_dim3A_543 {strides = array<i32>} : memref<40032xf32, #tpu.memory_space<vmem>>, vector<16xf32>,
      %add3A_546 = arith.constant 1 : i32
      %add3A_547 = arith.addi %mul3A_487, %add3A_546 : i32
      %mul3A_548 = arith.constant 16 : i32
      %mul3A_549 = arith.muli %add3A_547, %mul3A_548 : i32
      %get3A_550 = arith.index_cast %mul3A_549 : i32 to index
      %get3A_551 = tpu.vector_load %arg9[%get3A_550] {strides = array<i32>} : memref<10240xf32, #tpu.memory_space<vmem>>, vector<16xf32>,
      %mul3A_552 = arith.constant 16 : i32
      %mul3A_553 = arith.muli %add3A_547, %mul3A_552 : i32
      %add3A_554 = arith.constant 0 : i32
      %add3A_555 = arith.addi %mul3A_553, %add3A_554 : i32
      %get3A_556 = arith.index_cast %add3A_555 : i32 to index
      %get3A_557 = tpu.vector_load %arg7[%get3A_556] {strides = array<i32>} : memref<40032xf32, #tpu.memory_space<vmem>>, vector<16xf32>,
      %mul3A_558 = arith.mulf %get3A_557, %get3A_551 : vector<16xf32>
      %swap3A_559 = arith.index_cast %add3A_555 : i32 to index
      %swap3A_560 = tpu.vector_load %arg6[%swap3A_559] {strides = array<i32>} : memref<40032xf32, #tpu.memory_space<vmem>>, vector<16xf32>,
      tpu.vector_store %arg6[%swap3A_559], %mul3A_558 {strides = array<i32>} : memref<40032xf32, #tpu.memory_space<vmem>>, vector<16xf32>,
      %broadcast_in_dim3A_561 = arith.constant 0.000000e+00 : f32
      %broadcast_in_dim3A_562 = vector.broadcast %broadcast_in_dim3A_561 : f32 to vector<16xf32>
      %swap3A_563 = arith.index_cast %add3A_555 : i32 to index
      %swap3A_564 = tpu.vector_load %arg7[%swap3A_563] {strides = array<i32>} : memref<40032xf32, #tpu.memory_space<vmem>>, vector<16xf32>,
      tpu.vector_store %arg7[%swap3A_563], %broadcast_in_dim3A_562 {strides = array<i32>} : memref<40032xf32, #tpu.memory_space<vmem>>, vector<16xf32>,
      %mul3A_565 = arith.constant 16 : i32
      %mul3A_566 = arith.muli %add3A_547, %mul3A_565 : i32
      %add3A_567 = arith.constant 10008 : i32
      %add3A_568 = arith.addi %mul3A_566, %add3A_567 : i32
      %get3A_569 = arith.index_cast %add3A_568 : i32 to index
      %get3A_570 = tpu.vector_load %arg7[%get3A_569] {strides = array<i32>} : memref<40032xf32, #tpu.memory_space<vmem>>, vector<16xf32>,
      %mul3A_571 = arith.mulf %get3A_570, %get3A_551 : vector<16xf32>
      %swap3A_572 = arith.index_cast %add3A_568 : i32 to index
      %swap3A_573 = tpu.vector_load %arg6[%swap3A_572] {strides = array<i32>} : memref<40032xf32, #tpu.memory_space<vmem>>, vector<16xf32>,
      tpu.vector_store %arg6[%swap3A_572], %mul3A_571 {strides = array<i32>} : memref<40032xf32, #tpu.memory_space<vmem>>, vector<16xf32>,
      %broadcast_in_dim3A_574 = arith.constant 0.000000e+00 : f32
      %broadcast_in_dim3A_575 = vector.broadcast %broadcast_in_dim3A_574 : f32 to vector<16xf32>
      %swap3A_576 = arith.index_cast %add3A_568 : i32 to index
      %swap3A_577 = tpu.vector_load %arg7[%swap3A_576] {strides = array<i32>} : memref<40032xf32, #tpu.memory_space<vmem>>, vector<16xf32>,
      tpu.vector_store %arg7[%swap3A_576], %broadcast_in_dim3A_575 {strides = array<i32>} : memref<40032xf32, #tpu.memory_space<vmem>>, vector<16xf32>,
      %mul3A_578 = arith.constant 16 : i32
      %mul3A_579 = arith.muli %add3A_547, %mul3A_578 : i32
      %add3A_580 = arith.constant 20016 : i32
      %add3A_581 = arith.addi %mul3A_579, %add3A_580 : i32
      %get3A_582 = arith.index_cast %add3A_581 : i32 to index
      %get3A_583 = tpu.vector_load %arg7[%get3A_582] {strides = array<i32>} : memref<40032xf32, #tpu.memory_space<vmem>>, vector<16xf32>,
      %mul3A_584 = arith.mulf %get3A_583, %get3A_551 : vector<16xf32>
      %swap3A_585 = arith.index_cast %add3A_581 : i32 to index
      %swap3A_586 = tpu.vector_load %arg6[%swap3A_585] {strides = array<i32>} : memref<40032xf32, #tpu.memory_space<vmem>>, vector<16xf32>,
      tpu.vector_store %arg6[%swap3A_585], %mul3A_584 {strides = array<i32>} : memref<40032xf32, #tpu.memory_space<vmem>>, vector<16xf32>,
      %broadcast_in_dim3A_587 = arith.constant 0.000000e+00 : f32
      %broadcast_in_dim3A_588 = vector.broadcast %broadcast_in_dim3A_587 : f32 to vector<16xf32>
      %swap3A_589 = arith.index_cast %add3A_581 : i32 to index
      %swap3A_590 = tpu.vector_load %arg7[%swap3A_589] {strides = array<i32>} : memref<40032xf32, #tpu.memory_space<vmem>>, vector<16xf32>,
      tpu.vector_store %arg7[%swap3A_589], %broadcast_in_dim3A_588 {strides = array<i32>} : memref<40032xf32, #tpu.memory_space<vmem>>, vector<16xf32>,
      %mul3A_591 = arith.constant 16 : i32
      %mul3A_592 = arith.muli %add3A_547, %mul3A_591 : i32
      %add3A_593 = arith.constant 30024 : i32
      %add3A_594 = arith.addi %mul3A_592, %add3A_593 : i32
      %get3A_595 = arith.index_cast %add3A_594 : i32 to index
      %get3A_596 = tpu.vector_load %arg7[%get3A_595] {strides = array<i32>} : memref<40032xf32, #tpu.memory_space<vmem>>, vector<16xf32>,
      %mul3A_597 = arith.mulf %get3A_596, %get3A_551 : vector<16xf32>
      %swap3A_598 = arith.index_cast %add3A_594 : i32 to index
      %swap3A_599 = tpu.vector_load %arg6[%swap3A_598] {strides = array<i32>} : memref<40032xf32, #tpu.memory_space<vmem>>, vector<16xf32>,
      tpu.vector_store %arg6[%swap3A_598], %mul3A_597 {strides = array<i32>} : memref<40032xf32, #tpu.memory_space<vmem>>, vector<16xf32>,
      %broadcast_in_dim3A_600 = arith.constant 0.000000e+00 : f32
      %broadcast_in_dim3A_601 = vector.broadcast %broadcast_in_dim3A_600 : f32 to vector<16xf32>
      %swap3A_602 = arith.index_cast %add3A_594 : i32 to index
      %swap3A_603 = tpu.vector_load %arg7[%swap3A_602] {strides = array<i32>} : memref<40032xf32, #tpu.memory_space<vmem>>, vector<16xf32>,
      tpu.vector_store %arg7[%swap3A_602], %broadcast_in_dim3A_601 {strides = array<i32>} : memref<40032xf32, #tpu.memory_space<vmem>>, vector<16xf32>,
    }
    %mul3A_404 = arith.constant 624 : i32
    %mul3A_405 = arith.constant 16 : i32
    %mul3A_406 = arith.muli %mul3A_404, %mul3A_405 : i32
    %get3A_407 = arith.index_cast %mul3A_406 : i32 to index
    %get3A_408 = tpu.vector_load %arg9[%get3A_407] {strides = array<i32>} : memref<10240xf32, #tpu.memory_space<vmem>>, vector<16xf32>,
    %mul3A_409 = arith.constant 624 : i32
    %mul3A_410 = arith.constant 16 : i32
    %mul3A_411 = arith.muli %mul3A_409, %mul3A_410 : i32
    %add3A_412 = arith.constant 0 : i32
    %add3A_413 = arith.addi %mul3A_411, %add3A_412 : i32
    %get3A_414 = arith.index_cast %add3A_413 : i32 to index
    %get3A_415 = tpu.vector_load %arg7[%get3A_414] {strides = array<i32>} : memref<40032xf32, #tpu.memory_space<vmem>>, vector<16xf32>,
    %mul3A_416 = arith.mulf %get3A_415, %get3A_408 : vector<16xf32>
    %swap3A_417 = arith.index_cast %add3A_413 : i32 to index
    %swap3A_418 = tpu.vector_load %arg6[%swap3A_417] {strides = array<i32>} : memref<40032xf32, #tpu.memory_space<vmem>>, vector<16xf32>,
    tpu.vector_store %arg6[%swap3A_417], %mul3A_416 {strides = array<i32>} : memref<40032xf32, #tpu.memory_space<vmem>>, vector<16xf32>,
    %broadcast_in_dim3A_419 = arith.constant 0.000000e+00 : f32
    %broadcast_in_dim3A_420 = vector.broadcast %broadcast_in_dim3A_419 : f32 to vector<16xf32>
    %swap3A_421 = arith.index_cast %add3A_413 : i32 to index
    %swap3A_422 = tpu.vector_load %arg7[%swap3A_421] {strides = array<i32>} : memref<40032xf32, #tpu.memory_space<vmem>>, vector<16xf32>,
    tpu.vector_store %arg7[%swap3A_421], %broadcast_in_dim3A_420 {strides = array<i32>} : memref<40032xf32, #tpu.memory_space<vmem>>, vector<16xf32>,
    %mul3A_423 = arith.constant 624 : i32
    %mul3A_424 = arith.constant 16 : i32
    %mul3A_425 = arith.muli %mul3A_423, %mul3A_424 : i32
    %add3A_426 = arith.constant 10008 : i32
    %add3A_427 = arith.addi %mul3A_425, %add3A_426 : i32
    %get3A_428 = arith.index_cast %add3A_427 : i32 to index
    %get3A_429 = tpu.vector_load %arg7[%get3A_428] {strides = array<i32>} : memref<40032xf32, #tpu.memory_space<vmem>>, vector<16xf32>,
    %mul3A_430 = arith.mulf %get3A_429, %get3A_408 : vector<16xf32>
    %swap3A_431 = arith.index_cast %add3A_427 : i32 to index
    %swap3A_432 = tpu.vector_load %arg6[%swap3A_431] {strides = array<i32>} : memref<40032xf32, #tpu.memory_space<vmem>>, vector<16xf32>,
    tpu.vector_store %arg6[%swap3A_431], %mul3A_430 {strides = array<i32>} : memref<40032xf32, #tpu.memory_space<vmem>>, vector<16xf32>,
    %broadcast_in_dim3A_433 = arith.constant 0.000000e+00 : f32
    %broadcast_in_dim3A_434 = vector.broadcast %broadcast_in_dim3A_433 : f32 to vector<16xf32>
    %swap3A_435 = arith.index_cast %add3A_427 : i32 to index
    %swap3A_436 = tpu.vector_load %arg7[%swap3A_435] {strides = array<i32>} : memref<40032xf32, #tpu.memory_space<vmem>>, vector<16xf32>,
    tpu.vector_store %arg7[%swap3A_435], %broadcast_in_dim3A_434 {strides = array<i32>} : memref<40032xf32, #tpu.memory_space<vmem>>, vector<16xf32>,
    %mul3A_437 = arith.constant 624 : i32
    %mul3A_438 = arith.constant 16 : i32
    %mul3A_439 = arith.muli %mul3A_437, %mul3A_438 : i32
    %add3A_440 = arith.constant 20016 : i32
    %add3A_441 = arith.addi %mul3A_439, %add3A_440 : i32
    %get3A_442 = arith.index_cast %add3A_441 : i32 to index
    %get3A_443 = tpu.vector_load %arg7[%get3A_442] {strides = array<i32>} : memref<40032xf32, #tpu.memory_space<vmem>>, vector<16xf32>,
    %mul3A_444 = arith.mulf %get3A_443, %get3A_408 : vector<16xf32>
    %swap3A_445 = arith.index_cast %add3A_441 : i32 to index
    %swap3A_446 = tpu.vector_load %arg6[%swap3A_445] {strides = array<i32>} : memref<40032xf32, #tpu.memory_space<vmem>>, vector<16xf32>,
    tpu.vector_store %arg6[%swap3A_445], %mul3A_444 {strides = array<i32>} : memref<40032xf32, #tpu.memory_space<vmem>>, vector<16xf32>,
    %broadcast_in_dim3A_447 = arith.constant 0.000000e+00 : f32
    %broadcast_in_dim3A_448 = vector.broadcast %broadcast_in_dim3A_447 : f32 to vector<16xf32>
    %swap3A_449 = arith.index_cast %add3A_441 : i32 to index
    %swap3A_450 = tpu.vector_load %arg7[%swap3A_449] {strides = array<i32>} : memref<40032xf32, #tpu.memory_space<vmem>>, vector<16xf32>,
    tpu.vector_store %arg7[%swap3A_449], %broadcast_in_dim3A_448 {strides = array<i32>} : memref<40032xf32, #tpu.memory_space<vmem>>, vector<16xf32>,
    %mul3A_451 = arith.constant 624 : i32
    %mul3A_452 = arith.constant 16 : i32
    %mul3A_453 = arith.muli %mul3A_451, %mul3A_452 : i32
    %add3A_454 = arith.constant 30024 : i32
    %add3A_455 = arith.addi %mul3A_453, %add3A_454 : i32
    %get3A_456 = arith.index_cast %add3A_455 : i32 to index
    %get3A_457 = tpu.vector_load %arg7[%get3A_456] {strides = array<i32>} : memref<40032xf32, #tpu.memory_space<vmem>>, vector<16xf32>,
    %mul3A_458 = arith.mulf %get3A_457, %get3A_408 : vector<16xf32>
    %swap3A_459 = arith.index_cast %add3A_455 : i32 to index
    %swap3A_460 = tpu.vector_load %arg6[%swap3A_459] {strides = array<i32>} : memref<40032xf32, #tpu.memory_space<vmem>>, vector<16xf32>,
    tpu.vector_store %arg6[%swap3A_459], %mul3A_458 {strides = array<i32>} : memref<40032xf32, #tpu.memory_space<vmem>>, vector<16xf32>,
    %broadcast_in_dim3A_461 = arith.constant 0.000000e+00 : f32
    %broadcast_in_dim3A_462 = vector.broadcast %broadcast_in_dim3A_461 : f32 to vector<16xf32>
    %swap3A_463 = arith.index_cast %add3A_455 : i32 to index
    %swap3A_464 = tpu.vector_load %arg7[%swap3A_463] {strides = array<i32>} : memref<40032xf32, #tpu.memory_space<vmem>>, vector<16xf32>,
    tpu.vector_store %arg7[%swap3A_463], %broadcast_in_dim3A_462 {strides = array<i32>} : memref<40032xf32, #tpu.memory_space<vmem>>, vector<16xf32>,
    %add3A_465 = arith.constant 0 : i32
    %add3A_466 = arith.addi %mul3A_2, %add3A_465 : i32
    %mul3A_467 = arith.constant 10000 : i32
    %mul3A_468 = arith.muli %add3A_466, %mul3A_467 : i32
    %run_scoped3A_469 = arith.constant 0 : i32
    "tpu.region"() ({
      %run_scoped3A_485 = tpu.sem_alloc : memref<!tpu.dma_semaphore, #tpu.memory_space<semaphore_mem>>
      %dma_start3A_486 = tpu.memref_slice %arg6[%run_scoped3A_469] : memref<40032xf32, #tpu.memory_space<vmem>> -> memref<10000xf32, #tpu.memory_space<vmem>>
      %dma_start3A_487 = tpu.memref_slice %arg5[%mul3A_468] : memref<1280000xf32, #tpu.memory_space<hbm>> -> memref<10000xf32, #tpu.memory_space<hbm>>
      %dma_start3A_488 = tpu.memref_slice %arg5[%mul3A_468] : memref<1280000xf32, #tpu.memory_space<hbm>> -> memref<10000xf32, #tpu.memory_space<hbm>>
      %dma_start3A_489 = tpu.memref_slice %arg6[%run_scoped3A_469] : memref<40032xf32, #tpu.memory_space<vmem>> -> memref<10000xf32, #tpu.memory_space<vmem>>
      tpu.enqueue_dma source(%dma_start3A_489 : memref<10000xf32, #tpu.memory_space<vmem>>) target(%dma_start3A_488 : memref<10000xf32, #tpu.memory_space<hbm>>) target_semaphore(%run_scoped3A_485 : memref<!tpu.dma_semaphore, #tpu.memory_space<semaphore_mem>>)
      %dma_wait3A_490 = tpu.memref_slice %arg6[%run_scoped3A_469] : memref<40032xf32, #tpu.memory_space<vmem>> -> memref<10000xf32, #tpu.memory_space<vmem>>
      %dma_wait3A_491 = tpu.memref_slice %arg5[%mul3A_468] : memref<1280000xf32, #tpu.memory_space<hbm>> -> memref<10000xf32, #tpu.memory_space<hbm>>
      %dma_wait3A_492 = tpu.memref_slice %arg5[%mul3A_468] : memref<1280000xf32, #tpu.memory_space<hbm>> -> memref<10000xf32, #tpu.memory_space<hbm>>
      %dma_wait3A_493 = tpu.memref_slice %arg6[%run_scoped3A_469] : memref<40032xf32, #tpu.memory_space<vmem>> -> memref<10000xf32, #tpu.memory_space<vmem>>
      tpu.wait_dma2 semaphore(%run_scoped3A_485 : memref<!tpu.dma_semaphore, #tpu.memory_space<semaphore_mem>>) src(%dma_wait3A_493 : memref<10000xf32, #tpu.memory_space<vmem>>) dst(%dma_wait3A_492 : memref<10000xf32, #tpu.memory_space<hbm>>)
      tpu.yield
    }) : () -> ()
    %add3A_470 = arith.constant 1 : i32
    %add3A_471 = arith.addi %mul3A_2, %add3A_470 : i32
    %mul3A_472 = arith.constant 10000 : i32
    %mul3A_473 = arith.muli %add3A_471, %mul3A_472 : i32
    %run_scoped3A_474 = arith.constant 10008 : i32
    "tpu.region"() ({
      %run_scoped3A_485 = tpu.sem_alloc : memref<!tpu.dma_semaphore, #tpu.memory_space<semaphore_mem>>
      %dma_start3A_486 = tpu.memref_slice %arg6[%run_scoped3A_474] : memref<40032xf32, #tpu.memory_space<vmem>> -> memref<10000xf32, #tpu.memory_space<vmem>>
      %dma_start3A_487 = tpu.memref_slice %arg5[%mul3A_473] : memref<1280000xf32, #tpu.memory_space<hbm>> -> memref<10000xf32, #tpu.memory_space<hbm>>
      %dma_start3A_488 = tpu.memref_slice %arg5[%mul3A_473] : memref<1280000xf32, #tpu.memory_space<hbm>> -> memref<10000xf32, #tpu.memory_space<hbm>>
      %dma_start3A_489 = tpu.memref_slice %arg6[%run_scoped3A_474] : memref<40032xf32, #tpu.memory_space<vmem>> -> memref<10000xf32, #tpu.memory_space<vmem>>
      tpu.enqueue_dma source(%dma_start3A_489 : memref<10000xf32, #tpu.memory_space<vmem>>) target(%dma_start3A_488 : memref<10000xf32, #tpu.memory_space<hbm>>) target_semaphore(%run_scoped3A_485 : memref<!tpu.dma_semaphore, #tpu.memory_space<semaphore_mem>>)
      %dma_wait3A_490 = tpu.memref_slice %arg6[%run_scoped3A_474] : memref<40032xf32, #tpu.memory_space<vmem>> -> memref<10000xf32, #tpu.memory_space<vmem>>
      %dma_wait3A_491 = tpu.memref_slice %arg5[%mul3A_473] : memref<1280000xf32, #tpu.memory_space<hbm>> -> memref<10000xf32, #tpu.memory_space<hbm>>
      %dma_wait3A_492 = tpu.memref_slice %arg5[%mul3A_473] : memref<1280000xf32, #tpu.memory_space<hbm>> -> memref<10000xf32, #tpu.memory_space<hbm>>
      %dma_wait3A_493 = tpu.memref_slice %arg6[%run_scoped3A_474] : memref<40032xf32, #tpu.memory_space<vmem>> -> memref<10000xf32, #tpu.memory_space<vmem>>
      tpu.wait_dma2 semaphore(%run_scoped3A_485 : memref<!tpu.dma_semaphore, #tpu.memory_space<semaphore_mem>>) src(%dma_wait3A_493 : memref<10000xf32, #tpu.memory_space<vmem>>) dst(%dma_wait3A_492 : memref<10000xf32, #tpu.memory_space<hbm>>)
      tpu.yield
    }) : () -> ()
    %add3A_475 = arith.constant 2 : i32
    %add3A_476 = arith.addi %mul3A_2, %add3A_475 : i32
    %mul3A_477 = arith.constant 10000 : i32
    %mul3A_478 = arith.muli %add3A_476, %mul3A_477 : i32
    %run_scoped3A_479 = arith.constant 20016 : i32
    "tpu.region"() ({
      %run_scoped3A_485 = tpu.sem_alloc : memref<!tpu.dma_semaphore, #tpu.memory_space<semaphore_mem>>
      %dma_start3A_486 = tpu.memref_slice %arg6[%run_scoped3A_479] : memref<40032xf32, #tpu.memory_space<vmem>> -> memref<10000xf32, #tpu.memory_space<vmem>>
      %dma_start3A_487 = tpu.memref_slice %arg5[%mul3A_478] : memref<1280000xf32, #tpu.memory_space<hbm>> -> memref<10000xf32, #tpu.memory_space<hbm>>
      %dma_start3A_488 = tpu.memref_slice %arg5[%mul3A_478] : memref<1280000xf32, #tpu.memory_space<hbm>> -> memref<10000xf32, #tpu.memory_space<hbm>>
      %dma_start3A_489 = tpu.memref_slice %arg6[%run_scoped3A_479] : memref<40032xf32, #tpu.memory_space<vmem>> -> memref<10000xf32, #tpu.memory_space<vmem>>
      tpu.enqueue_dma source(%dma_start3A_489 : memref<10000xf32, #tpu.memory_space<vmem>>) target(%dma_start3A_488 : memref<10000xf32, #tpu.memory_space<hbm>>) target_semaphore(%run_scoped3A_485 : memref<!tpu.dma_semaphore, #tpu.memory_space<semaphore_mem>>)
      %dma_wait3A_490 = tpu.memref_slice %arg6[%run_scoped3A_479] : memref<40032xf32, #tpu.memory_space<vmem>> -> memref<10000xf32, #tpu.memory_space<vmem>>
      %dma_wait3A_491 = tpu.memref_slice %arg5[%mul3A_478] : memref<1280000xf32, #tpu.memory_space<hbm>> -> memref<10000xf32, #tpu.memory_space<hbm>>
      %dma_wait3A_492 = tpu.memref_slice %arg5[%mul3A_478] : memref<1280000xf32, #tpu.memory_space<hbm>> -> memref<10000xf32, #tpu.memory_space<hbm>>
      %dma_wait3A_493 = tpu.memref_slice %arg6[%run_scoped3A_479] : memref<40032xf32, #tpu.memory_space<vmem>> -> memref<10000xf32, #tpu.memory_space<vmem>>
      tpu.wait_dma2 semaphore(%run_scoped3A_485 : memref<!tpu.dma_semaphore, #tpu.memory_space<semaphore_mem>>) src(%dma_wait3A_493 : memref<10000xf32, #tpu.memory_space<vmem>>) dst(%dma_wait3A_492 : memref<10000xf32, #tpu.memory_space<hbm>>)
      tpu.yield
    }) : () -> ()
    %add3A_480 = arith.constant 3 : i32
    %add3A_481 = arith.addi %mul3A_2, %add3A_480 : i32
    %mul3A_482 = arith.constant 10000 : i32
    %mul3A_483 = arith.muli %add3A_481, %mul3A_482 : i32
    %run_scoped3A_484 = arith.constant 30024 : i32
    "tpu.region"() ({
      %run_scoped3A_485 = tpu.sem_alloc : memref<!tpu.dma_semaphore, #tpu.memory_space<semaphore_mem>>
      %dma_start3A_486 = tpu.memref_slice %arg6[%run_scoped3A_484] : memref<40032xf32, #tpu.memory_space<vmem>> -> memref<10000xf32, #tpu.memory_space<vmem>>
      %dma_start3A_487 = tpu.memref_slice %arg5[%mul3A_483] : memref<1280000xf32, #tpu.memory_space<hbm>> -> memref<10000xf32, #tpu.memory_space<hbm>>
      %dma_start3A_488 = tpu.memref_slice %arg5[%mul3A_483] : memref<1280000xf32, #tpu.memory_space<hbm>> -> memref<10000xf32, #tpu.memory_space<hbm>>
      %dma_start3A_489 = tpu.memref_slice %arg6[%run_scoped3A_484] : memref<40032xf32, #tpu.memory_space<vmem>> -> memref<10000xf32, #tpu.memory_space<vmem>>
      tpu.enqueue_dma source(%dma_start3A_489 : memref<10000xf32, #tpu.memory_space<vmem>>) target(%dma_start3A_488 : memref<10000xf32, #tpu.memory_space<hbm>>) target_semaphore(%run_scoped3A_485 : memref<!tpu.dma_semaphore, #tpu.memory_space<semaphore_mem>>)
      %dma_wait3A_490 = tpu.memref_slice %arg6[%run_scoped3A_484] : memref<40032xf32, #tpu.memory_space<vmem>> -> memref<10000xf32, #tpu.memory_space<vmem>>
      %dma_wait3A_491 = tpu.memref_slice %arg5[%mul3A_483] : memref<1280000xf32, #tpu.memory_space<hbm>> -> memref<10000xf32, #tpu.memory_space<hbm>>
      %dma_wait3A_492 = tpu.memref_slice %arg5[%mul3A_483] : memref<1280000xf32, #tpu.memory_space<hbm>> -> memref<10000xf32, #tpu.memory_space<hbm>>
      %dma_wait3A_493 = tpu.memref_slice %arg6[%run_scoped3A_484] : memref<40032xf32, #tpu.memory_space<vmem>> -> memref<10000xf32, #tpu.memory_space<vmem>>
      tpu.wait_dma2 semaphore(%run_scoped3A_485 : memref<!tpu.dma_semaphore, #tpu.memory_space<semaphore_mem>>) src(%dma_wait3A_493 : memref<10000xf32, #tpu.memory_space<vmem>>) dst(%dma_wait3A_492 : memref<10000xf32, #tpu.memory_space<hbm>>)
      tpu.yield
    }) : () -> ()
    return
  }
}

module attributes {stable_mosaic.version = 14 : i64} {
  func.func @_pack_body(%arg0: memref<2500x128xi32, #tpu.memory_space<vmem>>, %arg1: memref<2500x128xi32, #tpu.memory_space<vmem>>, %arg2: memref<2500x128xi32, #tpu.memory_space<vmem>>) attributes {dimension_semantics = [], scalar_prefetch = 0 : i64, scratch_operands = 0 : i64, tpu.core_type = #tpu.core_type<tc>} {
    %get3A = arith.constant 0 : index
    %get3A_0 = arith.constant 0 : index
    %get3A_1 = vector.load %arg0[%get3A, %get3A_0] : memref<2500x128xi32, #tpu.memory_space<vmem>>, vector<2500x128xi32>
    %shift_left3A = arith.constant 14 : i32
    %shift_left3A_2 = vector.broadcast %shift_left3A : i32 to vector<2500x128xi32>
    %shift_left3A_3 = arith.shli %get3A_1, %shift_left3A_2 : vector<2500x128xi32>
    %get3A_4 = arith.constant 0 : index
    %get3A_5 = arith.constant 0 : index
    %get3A_6 = vector.load %arg1[%get3A_4, %get3A_5] : memref<2500x128xi32, #tpu.memory_space<vmem>>, vector<2500x128xi32>
    %or3A = arith.ori %shift_left3A_3, %get3A_6 : vector<2500x128xi32>
    %swap3A = arith.constant 0 : index
    %swap3A_7 = arith.constant 0 : index
    %swap3A_8 = vector.load %arg2[%swap3A, %swap3A_7] : memref<2500x128xi32, #tpu.memory_space<vmem>>, vector<2500x128xi32>
    tpu.vector_store %arg2[%swap3A, %swap3A_7], %or3A {strides = array<i32>} : memref<2500x128xi32, #tpu.memory_space<vmem>>, vector<2500x128xi32>,
    return
  }
}

module attributes {stable_mosaic.version = 14 : i64} {
  func.func @_tc_body(%arg0: memref<3xf32, #tpu.memory_space<smem>>, %arg1: memref<128x10000xf32, #tpu.memory_space<vmem>>, %arg2: memref<128x10000xf32, #tpu.memory_space<vmem>>, %arg3: memref<128x10000xf32, #tpu.memory_space<vmem>>, %arg4: memref<128x128xf32, #tpu.memory_space<vmem>>, %arg5: memref<1x128xf32, #tpu.memory_space<vmem>>, %arg6: memref<10000x128xf32, #tpu.memory_space<vmem>>) attributes {dimension_semantics = [], scalar_prefetch = 0 : i64, scratch_operands = 0 : i64, tpu.core_type = #tpu.core_type<tc>} {
    %get3A = arith.constant 0 : index
    %get3A_0 = memref.load %arg0[%get3A] : memref<3xf32, #tpu.memory_space<smem>>
    %get3A_1 = arith.constant 1 : index
    %get3A_2 = memref.load %arg0[%get3A_1] : memref<3xf32, #tpu.memory_space<smem>>
    %get3A_3 = arith.constant 2 : index
    %get3A_4 = memref.load %arg0[%get3A_3] : memref<3xf32, #tpu.memory_space<smem>>
    %get3A_5 = arith.constant 0 : index
    %get3A_6 = arith.constant 0 : index
    %get3A_7 = vector.load %arg1[%get3A_5, %get3A_6] : memref<128x10000xf32, #tpu.memory_space<vmem>>, vector<128x10000xf32>
    %mul3A = vector.broadcast %get3A_0 : f32 to vector<128x10000xf32>
    %mul3A_8 = arith.mulf %mul3A, %get3A_7 : vector<128x10000xf32>
    %get3A_9 = arith.constant 0 : index
    %get3A_10 = arith.constant 0 : index
    %get3A_11 = vector.load %arg2[%get3A_9, %get3A_10] : memref<128x10000xf32, #tpu.memory_space<vmem>>, vector<128x10000xf32>
    %mul3A_12 = vector.broadcast %get3A_2 : f32 to vector<128x10000xf32>
    %mul3A_13 = arith.mulf %mul3A_12, %get3A_11 : vector<128x10000xf32>
    %add3A = arith.addf %mul3A_8, %mul3A_13 : vector<128x10000xf32>
    %get3A_14 = arith.constant 0 : index
    %get3A_15 = arith.constant 0 : index
    %get3A_16 = vector.load %arg3[%get3A_14, %get3A_15] : memref<128x10000xf32, #tpu.memory_space<vmem>>, vector<128x10000xf32>
    %mul3A_17 = vector.broadcast %get3A_4 : f32 to vector<128x10000xf32>
    %mul3A_18 = arith.mulf %mul3A_17, %get3A_16 : vector<128x10000xf32>
    %add3A_19 = arith.addf %add3A, %mul3A_18 : vector<128x10000xf32>
    %get3A_20 = arith.constant 0 : index
    %get3A_21 = arith.constant 0 : index
    %get3A_22 = vector.load %arg4[%get3A_20, %get3A_21] : memref<128x128xf32, #tpu.memory_space<vmem>>, vector<128x128xf32>
    %dot_general3A = arith.constant dense<0.000000e+00> : vector<10000x128xf32>
    %dot_general3A_23 = tpu.matmul %add3A_19, %get3A_22, %dot_general3A {dimension_numbers = #tpu.dot_dimension_numbers<[0], [1], [1], [0], [0, 1, 1, 0], [], []>, transpose_lhs_hint = false} : vector<128x10000xf32>, vector<128x128xf32>, vector<10000x128xf32> -> vector<10000x128xf32>
    %get3A_24 = arith.constant 0 : index
    %get3A_25 = arith.constant 0 : index
    %get3A_26 = vector.load %arg5[%get3A_24, %get3A_25] : memref<1x128xf32, #tpu.memory_space<vmem>>, vector<1x128xf32>
    %add3A_27 = vector.broadcast %get3A_26 : vector<1x128xf32> to vector<10000x128xf32>
    %add3A_28 = arith.addf %dot_general3A_23, %add3A_27 : vector<10000x128xf32>
    %swap3A = arith.constant 0 : index
    %swap3A_29 = arith.constant 0 : index
    %swap3A_30 = vector.load %arg6[%swap3A, %swap3A_29] : memref<10000x128xf32, #tpu.memory_space<vmem>>, vector<10000x128xf32>
    tpu.vector_store %arg6[%swap3A, %swap3A_29], %add3A_28 {strides = array<i32>} : memref<10000x128xf32, #tpu.memory_space<vmem>>, vector<10000x128xf32>,
    return
  }
}

</mosaic_0001>

<sc_bundles>
// kernel: kernel.5.cloned.1.call-start
scs
__scs_entry_jumppad:
0x0: {  	(pc) =	sbr.rel $0x88, $3  }
0x1: {  	(tag) =	ssettag $0x0;
	lr =	simm.s32 $0x1  }
0x2: {  	[smem:$0x3F9A] =	sst lr;
	_ =	strace $0xD0000000  }
0x3: {  	_ = 	snop  }
0x4: {  	_ = 	snop  }
0x5: {  	_ = 	snop  }
0x6: {  	_ = 	snop  }
0x7: {  	_ = 	snop  }
__scs_overlays_trampoline_lowered:
0x8: {  	[smem:$0x3FA9] =	sst s0  }
0x9: {  	[smem:$0x3FAA] =	sst s1  }
0xa: {  	[smem:$0x3FAB] =	sst s2  }
0xb: {  	[smem:$0x3FAC] =	sst s3  }
0xc: {  	[smem:$0x3FAD] =	sst s4  }
0xd: {  	[smem:$0x3FAE] =	sst s5  }
0xe: {  	[smem:$0x3FAF] =	sst s6  }
0xf: {  	[smem:$0x3FB0] =	sst s7  }
0x10: {  	[smem:$0x3FB1] =	sst s8  }
0x11: {  	[smem:$0x3FB2] =	sst s9;
	s0 =	simm.s32 @!p0 $0x0  }
0x12: {  	s1 =	sld [smem:$0x3F98];
	s0 =	simm.s32 @p0 $0x1  }
0x13: {  	[smem:$0x3FB3] =	sst s0;
	s0 =	simm.s32 @!p1 $0x0  }
0x14: {  	s2 =	sld [smem:$0x3F97];
	s0 =	simm.s32 @p1 $0x1  }
0x15: {  	[smem:$0x3FB4] =	sst s0;
	s0 =	simm.s32 @!p2 $0x0  }
0x16: {  	s3 =	sld [smem:$0x3FDB];
	s0 =	simm.s32 @p2 $0x1  }
0x17: {  	s4 =	simm.s32 $0x1BF5;
	[smem:$0x3FB6] =	sst s0  }
0x18: {  	s0 =	sld [smem:$0x3F99];
	_ =	swait.ge [sflag:s4], $0x0  }
0x19: {  	s7 =	sld [smem:$0x3F9A]  }
0x1a: {  	s8 =	sadd.s32 $0xFFFFE003, lr  }
0x1b: {  	s9 =	sadd.s32 $0xFFFFFEF7, lr;
	s5 =	simm.s32 $0xFFFFFFFF;
	p2 =	slt.u32 s8, $0xFFFFF086  }
0x1c: {  	p1 =	slt.u32 s9, $0xF7A;
	s5 =	simm.s32 @!p2 $0x0  }
0x1d: {  	s5 =	simm.s32 @p1 $0x1;
	p0 =	seq.s32 s7, s2  }
0x1e: {  	s7 =	smul.u32 @!p0 $0xF7A, s2;
	p2 =	seq.s32 @!p0 s5, $0x0  }
0x1f: {  	s9 =	smul.u32 $0xF7A, s1;
	s8 =	simm.s32 @!p0 $0x1BF5;
	p2 =	por !p2, p0  }
0x20: {  	[sflag:s8] =	ssyncset.s32 @!p0 $0xFFFFF086;
	s6 =	sadd.s32 @!p0 s3, s7;
	s7 =	simm.s32 @!p0 $0x108  }
0x21: {  	s3 =	sadd.s32 s3, s9;
	s6 =	sadd.s32 @!p0 $0x88, s6;
	s7 =	simm.s32 @p2 $0x1082  }
0x22: {  	[simem:s7], [sflag:s8] =	dma.local @!p0 [hbm:s6], $0xF7A  }
0x23: {  	s9 =	sor.u32 $0xD0000000, s2;
	s6 =	simm.s32 $0x108;
	_ =	swait.ge @!p0 [sflag:s8], $0x0  }
0x24: {  	s3 =	sadd.s32 $0x88, s3;
	s6 =	simm.s32 @!p1 $0x1082;
	[sflag:s4] =	ssyncset.s32 $0xFFFFF086  }
0x25: {  	[simem:s6], [sflag:s4] =	dma.local [hbm:s3], $0xF7A  }
0x26: {  	[smem:$0x3F9A] =	sst s1;
	(tag) =	ssettag s2;
	_ =	strace s9  }
0x27: {  	s1 =	sld [smem:$0x3FAA]  }
0x28: {  	s2 =	sld [smem:$0x3FAB]  }
0x29: {  	s4 =	sld [smem:$0x3FAD]  }
0x2a: {  	p0 =	seq.s32 s5, $0x0;
	s5 =	sld [smem:$0x3FAE]  }
0x2b: {  	s6 =	sld [smem:$0x3FAF]  }
0x2c: {  	s7 =	sld [smem:$0x3FB0]  }
0x2d: {  	s3 =	simm.s32 $0x108;
	s8 =	sld [smem:$0x3FB1]  }
0x2e: {  	s3 =	simm.s32 @!p0 $0x1082;
	s9 =	sld [smem:$0x3FB2]  }
0x2f: {  	lr =	sadd.s32 s0, s3;
	s0 =	sld [smem:$0x3FA9]  }
0x30: {  	s3 =	sld [smem:$0x3FAC]  }
0x31: {  	[smem:$0x3FB5] =	sst s10  }
0x32: {  	s10 =	sld [smem:$0x3FB3];
	_ =	sdelay $0x3  }
0x33: {  	p0 =	seq.s32 s10, $0x1;
	s10 =	sld [smem:$0x3FB5];
	_ =	sdelay $0x3  }
0x34: {  	[smem:$0x3FB5] =	sst s10  }
0x35: {  	s10 =	sld [smem:$0x3FB4];
	_ =	sdelay $0x3  }
0x36: {  	p1 =	seq.s32 s10, $0x1;
	s10 =	sld [smem:$0x3FB5];
	_ =	sdelay $0x3  }
0x37: {  	[smem:$0x3FB5] =	sst s10  }
0x38: {  	s10 =	sld [smem:$0x3FB6]  }
0x39: {  	_ = 	snop;
	(pc) =	sbr.ind lr, $3  }
0x3a: {  	_ = 	snop  }
0x3b: {  	_ = 	snop  }
0x3c: {  	p2 =	seq.s32 s10, $0x1;
	s10 =	sld [smem:$0x3FB5]  }
0x3d: {  	_ =	shalt  }
0x3e: {  	_ =	shalt  }
0x3f: {  	_ =	shalt  }
0x40: {  	_ =	shalt  }
0x41: {  	_ =	shalt  }
0x42: {  	_ =	shalt  }
0x43: {  	_ =	shalt  }
0x44: {  	_ =	shalt  }
0x45: {  	_ =	shalt  }
0x46: {  	_ =	shalt  }
0x47: {  	_ =	shalt  }
0x48: {  	_ =	shalt  }
0x49: {  	_ =	shalt  }
0x4a: {  	_ =	shalt  }
0x4b: {  	_ =	shalt  }
0x4c: {  	_ =	shalt  }
0x4d: {  	_ =	shalt  }
0x4e: {  	_ =	shalt  }
0x4f: {  	_ =	shalt  }
0x50: {  	_ =	shalt  }
0x51: {  	_ =	shalt  }
0x52: {  	_ =	shalt  }
0x53: {  	_ =	shalt  }
0x54: {  	_ =	shalt  }
0x55: {  	_ =	shalt  }
0x56: {  	_ =	shalt  }
0x57: {  	_ =	shalt  }
0x58: {  	_ =	shalt  }
0x59: {  	_ =	shalt  }
0x5a: {  	_ =	shalt  }
0x5b: {  	_ =	shalt  }
0x5c: {  	_ =	shalt  }
0x5d: {  	_ =	shalt  }
0x5e: {  	_ =	shalt  }
0x5f: {  	_ =	shalt  }
0x60: {  	_ =	shalt  }
0x61: {  	_ =	shalt  }
0x62: {  	_ =	shalt  }
0x63: {  	_ =	shalt  }
0x64: {  	_ =	shalt  }
0x65: {  	_ =	shalt  }
0x66: {  	_ =	shalt  }
0x67: {  	_ =	shalt  }
0x68: {  	_ =	shalt  }
0x69: {  	_ =	shalt  }
0x6a: {  	_ =	shalt  }
0x6b: {  	_ =	shalt  }
0x6c: {  	_ =	shalt  }
0x6d: {  	_ =	shalt  }
0x6e: {  	_ =	shalt  }
0x6f: {  	_ =	shalt  }
0x70: {  	_ =	shalt  }
0x71: {  	_ =	shalt  }
0x72: {  	_ =	shalt  }
0x73: {  	_ =	shalt  }
0x74: {  	_ =	shalt  }
0x75: {  	_ =	shalt  }
0x76: {  	_ =	shalt  }
0x77: {  	_ =	shalt  }
0x78: {  	_ =	shalt  }
0x79: {  	_ =	shalt  }
0x7a: {  	_ =	shalt  }
0x7b: {  	_ =	shalt  }
0x7c: {  	_ =	shalt  }
0x7d: {  	_ =	shalt  }
0x7e: {  	_ =	shalt  }
0x7f: {  	_ =	shalt  }
0x80: {  	_ =	shalt  }
0x81: {  	_ =	shalt  }
0x82: {  	_ =	shalt  }
0x83: {  	_ =	shalt  }
0x84: {  	_ =	shalt  }
0x85: {  	_ =	shalt  }
0x86: {  	_ =	shalt  }
0x87: {  	_ =	shalt  }
.Lfunc_end0:
.L_simem_size_0:
called_computation_lowered:
.L_overlay_start_0:
0x88: {  	s2 =	sld [smem:$0x3FD9]  }
0x89: {  	s3 =	sld [smem:$0x3FFE];
	_ =	sdelay $0x1  }
0x8a: {  	s1 =	srdreg.scid  }
0x8b: {  	s0 =	sand.u32 $0x1, s1  }
0x8c: {  	s17 =	sshll.u32 s0, $0xA;
	s2 =	sadd.s32 s3, s2  }
0x8d: {  	s2 =	sadd.s32 s2, s17  }
0x8e: {  	[smem:$0x3FC1] =	sst s2  }
0x8f: {  	_ = 	snop  }
0x90: {  	s2 =	sld [smem:$0x3FD0];
	(tm) =	ssettm $0x1  }
0x91: {  	s18 =	sld [smem:$0x3FFB];
	_ =	sdelay $0x3  }
0x92: {  	_ =	strace s18  }
0x93: {  	s3 =	sld [smem:$0x3FFC];
	_ =	sdelay $0x3  }
0x94: {  	_ =	strace s3  }
0x95: {  	s3 =	sld [smem:$0x3FFD];
	_ =	sdelay $0x3  }
0x96: {  	_ =	strace s3  }
0x97: {  	_ =	strace $0x8FFFFFFF  }
0x98: {  	s19 =	sld [smem:$0x3FDB];
	_ =	sdelay $0x1  }
0x99: {  	s4 =	simm.s32 $_scs_section_size  }
0x9a: {  	s5 =	simm.s32 $_size__tile_overlayer_lowered;
	s6 =	simm.s32 $_tile_overlayer_lowered  }
0x9b: {  	s22 =	simm.s32 $0x1BFF;
	s21 =	sshll.u32 s6, $0x1;
	s3 =	sadd.s32 s4, s19  }
0x9c: {  	s7 =	simm.s32 $0x0;
	s20 =	sshll.u32 s5, $0x1;
	s5 =	sadd.s32 s21, s3  }
0x9d: {  	[timem:s7], [sflag:s22] =	dma.local [hbm:s5], s20  }
0x9e: {  	_ =	swait.ge [sflag:s22], s20  }
0x9f: {  	s4 =	ssub.s32 $0x0, s20;
	[sflag:s22] =	ssyncset.done $0x0  }
0xa0: {  	[sflag:s22] =	ssyncadd.s32 s4;
	_ =	sdelay $0x1  }
0xa1: {  	s23 =	simm.s32 $0x1B8B  }
0xa2: {  	_ =	swait.ge [sflag:s23], $0x1  }
0xa3: {  	[sflag:s23] =	ssyncset.done $0x0  }
0xa4: {  	s25 =	simm.s32 $0x1B8E;
	s24 =	sld [smem:$0x3FFE];
	[sflag:s23] =	ssyncadd.s32 $0xFFFFFFFF  }
0xa5: {  	s26 =	simm.s32 $execute0_lowered;
	[smem:$0x3FD2] =	sst s25  }
0xa6: {  	s5 =	sshll.u32 s26, $0x1;
	_ =	strace $0x80000046;
	[dreg:$0x1] =	wrdreg $0xFFFFFFFF  }
0xa7: {  	s28 =	simm.s32 $_size_execute0_lowered;
	s3 =	sadd.s32 s3, s5;
	[dreg:$0x0] =	wrdreg $0x0  }
0xa8: {  	s5 =	sshll.u32 s28, $0x1;
	[dreg:$0x2] =	wrdreg s3  }
0xa9: {  	[dreg:$0x3] =	wrdreg s5  }
0xaa: {  	[dreg:$0x4] =	wrdreg $0xC0  }
0xab: {  	_ =	task [dreg:s7], $0x5FFFF  }
0xac: {  	[dreg:$0x1] =	wrdreg $0xFFFFFFFF  }
0xad: {  	[dreg:$0x0] =	wrdreg $0x60  }
0xae: {  	[dreg:$0x2] =	wrdreg s24  }
0xaf: {  	[dreg:$0x3] =	wrdreg s2  }
0xb0: {  	[dreg:$0x4] =	wrdreg $0x1D1000  }
0xb1: {  	[dreg:$0x5] =	wrdreg $0x1F9000  }
0xb2: {  	[dreg:$0x6] =	wrdreg $0x9  }
0xb3: {  	_ =	task.clear_ibuf [dreg:s7], $0x7FFFF;
	_ =	strace $0x90000046  }
0xb4: {  	s29 =	simm.s32 $0x9;
	_ =	strace $0x80000048  }
0xb5: {  	_ =	swait.ge [sflag:s29], $0x1  }
0xb6: {  	[sflag:s29] =	ssyncadd.s32 $0xFFFFFFFF  }
0xb7: {  	_ =	strace $0x90000048  }
0xb8: {  	_ =	sfence  }
0xb9: {  	s30 =	sld [smem:$0x0];
	_ =	sdelay $0x2  }
0xba: {  	s31 =	sshll.u32 s1, $0xD;
	s1 =	sshrl.u32 s1, $0x2  }
0xbb: {  	s3 =	sand.u32 $0x4000, s31;
	s1 =	sadd.s32 s1, s30  }
0xbc: {  	s0 =	sor.u32 s3, s0;
	s1 =	sshll.u32 s1, $0x11  }
0xbd: {  	s0 =	sor.u32 s1, s0  }
0xbe: {  	s0 =	sadd.s32 $0x8F2B, s0  }
0xbf: {  	[sflag:s0] =	ssyncadd.remote.s32 $0x1  }
0xc0: {  	_ =	sfence.sel $0xFFFF  }
0xc1: {  	[dreg:$0x0] =	wrdreg $0xFFFFFFFF;
	(pc) =	sbr.abs _section_cstart, $3  }
0xc2: {  	[dreg:$0x1] =	wrdreg $0xFFFFFFFF  }
0xc3: {  	_ =	task.clear_ibuf [dreg:s7], $0x2FFFF;
	_ =	strace $0x9FFFFFFF  }
0xc4: {  	(tm) =	ssettm $0x7FFFFFFF  }
0xc5: {  	_ =	shalt  }
tec
execute0_lowered:
.L_overlay_start_1:
0x0: {  	(tag) =	ssettag $0x1  }
0x1: {  	s0 =	rddreg [dreg:$0x0]  }
0x2: {  	s1 =	rddreg [dreg:$0x1]  }
0x3: {  	s2 =	rddreg [dreg:$0x2]  }
0x4: {  	s17 =	rddreg [dreg:$0x3]  }
0x5: {  	s4 =	srdreg.scid;
	s16 =	stileid.u32;
	s3 =	simm.s32 $0x0  }
0x6: {  	s28 =	simm.s32 $0x7548;
	s29 =	simm.s32 $0x1B100;
	s30 =	simm.s32 $0x1C100  }
0x7: {  	s31 =	simm.s32 $0x1;
	s5 =	sand.u32 $0x1, s4;
	s18 =	sshll.u32 s16, $0x1  }
0x8: {  	[smem:$0x7FF] =	sst s3;
	s4 =	sadd.s32 $0xA00, s0;
	s11 =	smul.u32 $0x4E20, s16  }
0x9: {  	s8 =	sadd.s32 $0xA800, s0;
	s9 =	sadd.s32 $0x31A00, s0;
	s24 =	smul.u32 $0x5000, s16  }
0xa: {  	s22 =	sshrl.u32 s16, $0x3;
	s15 =	sshll.u32 s16, $0x7;
	s16 =	smul.u32 $0xA00, s16  }
0xb: {  	s6 =	sor.u32 s5, s18;
	_ =	strace $0x80000047;
	s14 =	smul.u32 $0x50000, s22  }
0xc: {  	s5 =	ssub.s32 $0x2, s5;
	s15 =	sand.u32 $0x380, s15;
	s7 =	smul.u32 $0x9C40, s6  }
0xd: {  	s6 =	smul.u32 $0x1388, s6;
	s10 =	sshrl.u32 s5, $0x1;
	s23 =	sshrl.u32 s11, $0x3  }
0xe: {  	s25 =	sshrl.u32 s16, $0x2;
	s5 =	ssub.s32 s5, s10;
	s10 =	sadd.s32 $0xFA0, s11  }
0xf: {  	s14 =	sshrl.u32 s14, $0x2;
	s11 =	sadd.s32 $0x1F40, s11;
	s26 =	sadd.s32 s25, s17  }
0x10: {  	s25 =	simm.s32 $0x2718;
	s7 =	sshrl.u32 s7, $0x3;
	s19 =	sadd.s32 s1, s6  }
0x11: {  	s14 =	sadd.s32 s14, s2;
	[dreg:$0xc] =	wrdreg s26;
	s16 =	sadd.s32 s8, s6  }
0x12: {  	s26 =	simm.s32 $0x4E30;
	[dreg:$0x5] =	wrdreg s19;
	s12 =	sadd.s32 $0x4E2, s7  }
0x13: {  	s13 =	sadd.s32 $0x9C4, s7;
	s7 =	sadd.s32 $0xEA6, s7;
	s14 =	sadd.s32 s15, s14  }
0x14: {  	s15 =	sadd.s32 $0xBF4, s0;
	s0 =	simm.s32 $0x13900;
	s20 =	sadd.s32 s1, s12  }
0x15: {  	s21 =	sadd.s32 s1, s13;
	s1 =	sadd.s32 s1, s7;
	[dreg:$0xa] =	wrdreg s14  }
0x16: {  	s17 =	sadd.s32 s8, s12;
	s18 =	sadd.s32 s8, s13;
	[dreg:$0x6] =	wrdreg s20  }
0x17: {  	s19 =	sadd.s32 s8, s7;
	s22 =	sadd.s32 s9, s13;
	[dreg:$0x7] =	wrdreg s21  }
0x18: {  	v2 =	vlaneseq.u32;
	[dreg:$0x8] =	wrdreg s1;
	s1 =	sadd.s32 s4, s23;
	s20 =	sadd.s32 s9, s6  }
0x19: {  	v0 =	vand.u32 $0x1, v2;
	s21 =	sadd.s32 s9, s12;
	s23 =	sadd.s32 s9, s7;
	s6 =	simm.s32 $0x9C80  }
0x1a: {  	v0 =	vmul.u32 $0x2718, v0;
	s7 =	simm.s32 $0x0;
	[dreg:$0x9] =	wrdreg s1;
	s1 =	sshrl.u32 s24, $0x2  }
0x1b: {  	v1 =	vimm.f32 $0.0e+00;
	v2 =	vshrl.u32 v2, $0x1;
	s24 =	smax.u32 s5, $0x1;
	s5 =	simm.s32 $0x3;
	s1 =	sadd.s32 s1, s2  }
0x1c: {  	v3 =	vimm.f32 $1.000000000e+00;
	v5 =	vor.u32 $0x8, v2;
	v4 =	vadd.s32 $0x4E30, v0;
	s2 =	simm.s32 $0x4;
	[dreg:$0xb] =	wrdreg s1;
	s1 =	simm.s32 $0x2  }
.LBB2_1:
0x1d: {  	s8 =	rddreg [dreg:$0x5]  }
0x1e: {  	[tilespmem:s3], [sflag:$0x3] =	stream.linear.gather [hbm4b:s8+s3], $0x2710, $0x38;
	[tilespmem:$0x1FB80] =	vst v63  }
0x1f: {  	s12 =	rddreg [dreg:$0x6]  }
0x20: {  	[tilespmem:s25], [sflag:$0x3] =	stream.linear.gather [hbm4b:s12+s3], $0x2710, $0x38;
	[tilespmem:$0x1FB80] =	vst v63  }
0x21: {  	s13 =	rddreg [dreg:$0x7]  }
0x22: {  	[tilespmem:s26], [sflag:$0x3] =	stream.linear.gather [hbm4b:s13+s3], $0x2710, $0x38;
	[tilespmem:$0x1FB80] =	vst v63  }
0x23: {  	s14 =	rddreg [dreg:$0x8];
	s8 =	simm.s32 $0x0  }
0x24: {  	[tilespmem:s28], [sflag:$0x3] =	stream.linear.gather [hbm4b:s14+s3], $0x2710, $0x38;
	[tilespmem:$0x1FB80] =	vst v63  }
.LBB2_2:
0x25: {  	p0 =	sne.s32 s8, $0x9F00  }
.Ltmp0:
0x26: {  	s9 =	sshra.s32 s8, $0x2;
	(pc) =	sbr.rel @p0 .LBB2_2-.Ltmp0, $4  }
0x27: {  	[tilespmem:s9+$0x13900] =	vst v1  }
0x28: {  	[tilespmem:s9+$0x13910] =	vst v1  }
0x29: {  	[tilespmem:s9+$0x13920] =	vst v1  }
0x2a: {  	s8 =	sadd.s32 $0x100, s8;
	[tilespmem:s9+$0x13930] =	vst v1  }
0x2b: {  	s9 =	simm.s32 $0x100;
	s8 =	simm.s32 $0x0  }
.LBB2_4:
0x2c: {  	p0 =	sne.s32 s9, $0x27000;
	[tilespmem:s8+$0x9CB0] =	vst v1;
	s12 =	smov.u32 s9;
	s9 =	sadd.s32 $0x100, s9  }
.Ltmp1:
0x2d: {  	[tilespmem:s8+$0x9CA0] =	vst v1;
	(pc) =	sbr.rel @p0 .LBB2_4-.Ltmp1, $3  }
0x2e: {  	[tilespmem:s8+$0x9C80] =	vst v1  }
0x2f: {  	[tilespmem:s8+$0x9C90] =	vst v1;
	_ =	sdelay $0x1  }
0x30: {  	s8 =	sshra.s32 s12, $0x2  }
0x31: {  	[tilespmem:s8+$0x9CB0] =	vst v1  }
0x32: {  	[tilespmem:s8+$0x9CA0] =	vst v1  }
0x33: {  	[tilespmem:s8+$0x9C80] =	vst v1  }
0x34: {  	[tilespmem:s8+$0x9C90] =	vst v1  }
0x35: {  	[tilespmem:$0x138C0] =	vst v1  }
0x36: {  	s8 =	simm.s32 $0x0;
	s9 =	rddreg [dreg:$0x9];
	p1 =	por $0x1, $0x1;
	[tilespmem:$0x138D0] =	vst v1  }
0x37: {  	[tilespmem:s29], [sflag:$0x1] =	stream.linear.gather [hbm4b:s9+s8], $0xFA0, $0x38;
	[tilespmem:$0x1FB80] =	vst v63  }
.LBB2_6:
0x38: {  	s9 =	sadd.s32 s8, s10  }
0x39: {  	s9 =	sshrl.u32 s9, $0x3  }
0x3a: {  	s9 =	sadd.s32 s4, s9  }
0x3b: {  	[tilespmem:s30], [sflag:$0x2] =	stream.linear.gather [hbm4b:s9+s3], $0xFA0, $0x38;
	[tilespmem:$0x1FB80] =	vst v63  }
0x3c: {  	_ =	swait.ge [sflag:s31], $0xFA0  }
0x3d: {  	[sflag:s31] =	ssyncset.done $0x0  }
0x3e: {  	s12 =	simm.s32 $0x1B120;
	[sflag:s31] =	ssyncadd.s32 $0xFFFFF060  }
0x3f: {  	v8 =	vld [tilespmem:s12+$0x20]  }
0x40: {  	v6 =	vld [tilespmem:s12+$0xFFFFFFF0]  }
0x41: {  	v10 =	vld [tilespmem:s12+$0x0]  }
0x42: {  	v12 =	vld [tilespmem:s12+$0x10]  }
0x43: {  	v13 =	vld [tilespmem:s12+$0xFFFFFFE0]  }
0x44: {  	v9 =	vshrl.u32 v8, $0xE  }
0x45: {  	v7 =	vshrl.u32 v6, $0xE;
	v11 =	vand.u32 $0x3FFF, v6  }
0x46: {  	v6 =	vshrl.u32 v10, $0xE;
	v10 =	vand.u32 $0x3FFF, v10;
	v14 =	vand.u32 $0x3FFF, v8  }
0x47: {  	p0 =	por p1, p1;
	s9 =	simm.s32 $0x0;
	s12 =	simm.s32 $0x1B170;
	v8 =	vshrl.u32 v12, $0xE;
	v12 =	vand.u32 $0x3FFF, v12;
	vm0 =	veq.s32 v9, v14  }
.LBB2_7:
0x48: {  	v14 =	vld [tilespmem:s12+$0x20];
	v15 =	vshrl.u32 v13, $0xE;
	v13 =	vand.u32 $0x3FFF, v13;
	v16 =	vsel vm0, $0x0, v3  }
0x49: {  	s9 =	sadd.s32 $0x5, s9;
	vm1 =	veq.s32 v7, v11;
	vm0 =	veq.s32 v15, v13;
	[tilespmem:v9+s0+$0x0] =	vst.idx.add.f32.msk $0xffff, v16  }
0x4a: {  	vm2 =	veq.s32 v8, v12;
	p1 =	slt.u32 s9, $0xF5;
	v16 =	vld [tilespmem:s12+$0xFFFFFFF0];
	v11 =	vsel vm0, $0x0, v3;
	vm0 =	veq.s32 v6, v10  }
0x4b: {  	v18 =	vsel vm2, $0x0, v3;
	v10 =	vsel vm1, $0x0, v3;
	v12 =	vld [tilespmem:s12+$0x0];
	v17 =	vsel vm0, $0x0, v3  }
0x4c: {  	v19 =	vld [tilespmem:s12+$0x10]  }
.Ltmp2:
0x4d: {  	v13 =	vld [tilespmem:s12+$0xFFFFFFE0];
	(pc) =	sbr.rel @p1 .LBB2_7-.Ltmp2, $4  }
0x4e: {  	v9 =	vshrl.u32 v14, $0xE;
	[tilespmem:v15+s0+$0x0] =	vst.idx.add.f32.msk $0xffff, v11  }
0x4f: {  	v11 =	vand.u32 $0x3FFF, v16;
	[tilespmem:v7+s0+$0x0] =	vst.idx.add.f32.msk $0xffff, v10;
	v7 =	vshrl.u32 v16, $0xE  }
0x50: {  	v14 =	vand.u32 $0x3FFF, v14;
	v10 =	vand.u32 $0x3FFF, v12;
	[tilespmem:v6+s0+$0x0] =	vst.idx.add.f32.msk $0xffff, v17;
	v6 =	vshrl.u32 v12, $0xE  }
0x51: {  	s12 =	sadd.s32 $0x50, s12;
	vm0 =	veq.s32 v9, v14;
	v12 =	vand.u32 $0x3FFF, v19;
	[tilespmem:v8+s0+$0x0] =	vst.idx.add.f32.msk $0xffff, v18;
	v8 =	vshrl.u32 v19, $0xE  }
0x52: {  	_ =	sdelay $0x1  }
0x53: {  	v14 =	vshrl.u32 v13, $0xE;
	v13 =	vand.u32 $0x3FFF, v13  }
0x54: {  	v15 =	vsel vm0, $0x0, v3;
	vm0 =	veq.s32 v14, v13  }
0x55: {  	vm1 =	veq.s32 v7, v11;
	[tilespmem:v9+s0+$0x0] =	vst.idx.add.f32.msk $0xffff, v15;
	v9 =	vsel vm0, $0x0, v3  }
0x56: {  	vm0 =	veq.s32 v6, v10;
	v10 =	vsel vm1, $0x0, v3;
	vm1 =	veq.s32 v8, v12  }
0x57: {  	[tilespmem:v7+s0+$0x0] =	vst.idx.add.f32.msk $0xffff, v10;
	v7 =	vsel vm1, $0x0, v3  }
0x58: {  	s8 =	sadd.s32 s8, s11;
	[tilespmem:v8+s0+$0x0] =	vst.idx.add.f32.msk $0xffff, v7  }
0x59: {  	s8 =	sshrl.u32 s8, $0x3;
	[tilespmem:v14+s0+$0x0] =	vst.idx.add.f32.msk $0xffff, v9;
	v9 =	vsel vm0, $0x0, v3  }
0x5a: {  	s8 =	sadd.s32 s4, s8;
	[tilespmem:v6+s0+$0x0] =	vst.idx.add.f32.msk $0xffff, v9  }
0x5b: {  	[tilespmem:s29], [sflag:$0x1] =	stream.linear.gather [hbm4b:s8+s3], $0xFA0, $0x38;
	[tilespmem:$0x1FB80] =	vst v63  }
0x5c: {  	_ =	swait.ge [sflag:s1], $0xFA0  }
0x5d: {  	[sflag:s1] =	ssyncset.done $0x0  }
0x5e: {  	s9 =	simm.s32 $0x1C120;
	[sflag:s1] =	ssyncadd.s32 $0xFFFFF060  }
0x5f: {  	v8 =	vld [tilespmem:s9+$0x20]  }
0x60: {  	v7 =	vld [tilespmem:s9+$0xFFFFFFF0]  }
0x61: {  	v10 =	vld [tilespmem:s9+$0x0]  }
0x62: {  	v12 =	vld [tilespmem:s9+$0x10]  }
0x63: {  	v13 =	vld [tilespmem:s9+$0xFFFFFFE0]  }
0x64: {  	v9 =	vshrl.u32 v8, $0xE  }
0x65: {  	v6 =	vshrl.u32 v7, $0xE;
	v11 =	vand.u32 $0x3FFF, v7  }
0x66: {  	v7 =	vshrl.u32 v10, $0xE;
	v10 =	vand.u32 $0x3FFF, v10;
	v14 =	vand.u32 $0x3FFF, v8  }
0x67: {  	s8 =	simm.s32 $0x0;
	s9 =	simm.s32 $0x1C170;
	v8 =	vshrl.u32 v12, $0xE;
	v12 =	vand.u32 $0x3FFF, v12;
	vm0 =	veq.s32 v9, v14  }
.LBB2_9:
0x68: {  	v14 =	vld [tilespmem:s9+$0x20];
	v15 =	vshrl.u32 v13, $0xE;
	v13 =	vand.u32 $0x3FFF, v13;
	v16 =	vsel vm0, $0x0, v3  }
0x69: {  	s8 =	sadd.s32 $0x5, s8;
	vm1 =	veq.s32 v6, v11;
	vm0 =	veq.s32 v15, v13;
	[tilespmem:v9+s0+$0x0] =	vst.idx.add.f32.msk $0xffff, v16  }
0x6a: {  	vm2 =	veq.s32 v8, v12;
	p1 =	slt.u32 s8, $0xF5;
	v16 =	vld [tilespmem:s9+$0xFFFFFFF0];
	v11 =	vsel vm0, $0x0, v3;
	vm0 =	veq.s32 v7, v10  }
0x6b: {  	v18 =	vsel vm2, $0x0, v3;
	v10 =	vsel vm1, $0x0, v3;
	v12 =	vld [tilespmem:s9+$0x0];
	v17 =	vsel vm0, $0x0, v3  }
0x6c: {  	v19 =	vld [tilespmem:s9+$0x10]  }
.Ltmp3:
0x6d: {  	v13 =	vld [tilespmem:s9+$0xFFFFFFE0];
	(pc) =	sbr.rel @p1 .LBB2_9-.Ltmp3, $4  }
0x6e: {  	v9 =	vshrl.u32 v14, $0xE;
	[tilespmem:v15+s0+$0x0] =	vst.idx.add.f32.msk $0xffff, v11  }
0x6f: {  	v11 =	vand.u32 $0x3FFF, v16;
	[tilespmem:v6+s0+$0x0] =	vst.idx.add.f32.msk $0xffff, v10;
	v6 =	vshrl.u32 v16, $0xE  }
0x70: {  	v14 =	vand.u32 $0x3FFF, v14;
	v10 =	vand.u32 $0x3FFF, v12;
	[tilespmem:v7+s0+$0x0] =	vst.idx.add.f32.msk $0xffff, v17;
	v7 =	vshrl.u32 v12, $0xE  }
0x71: {  	s9 =	sadd.s32 $0x50, s9;
	vm0 =	veq.s32 v9, v14;
	v12 =	vand.u32 $0x3FFF, v19;
	[tilespmem:v8+s0+$0x0] =	vst.idx.add.f32.msk $0xffff, v18;
	v8 =	vshrl.u32 v19, $0xE  }
0x72: {  	_ =	sdelay $0x2  }
0x73: {  	v14 =	vshrl.u32 v13, $0xE;
	v15 =	vsel vm0, $0x0, v3;
	vm1 =	veq.s32 v6, v11  }
.Ltmp4:
0x74: {  	vm14 =	veq.s32 v7, v10;
	[tilespmem:v9+s0+$0x0] =	vst.idx.add.f32.msk $0xffff, v15;
	v62 =	vsel vm1, $0x0, v3;
	(pc) =	sbr.rel @p0 .LBB2_6-.Ltmp4, $4  }
0x75: {  	v60 =	vand.u32 $0x3FFF, v13;
	vm15 =	veq.s32 v8, v12;
	v63 =	vsel vm14, $0x0, v3;
	[tilespmem:v6+s0+$0x0] =	vst.idx.add.f32.msk $0xffff, v62  }
0x76: {  	vm13 =	veq.s32 v14, v60;
	v6 =	vsel vm15, $0x0, v3;
	[tilespmem:v7+s0+$0x0] =	vst.idx.add.f32.msk $0xffff, v63  }
0x77: {  	v61 =	vsel vm13, $0x0, v3;
	[tilespmem:v8+s0+$0x0] =	vst.idx.add.f32.msk $0xffff, v6  }
0x78: {  	s8 =	simm.s32 $0x1F40;
	p1 =	por $0x0, $0x0;
	[tilespmem:v14+s0+$0x0] =	vst.idx.add.f32.msk $0xffff, v61  }
0x79: {  	_ =	swait.ge [sflag:s31], $0xFA0  }
0x7a: {  	[sflag:s31] =	ssyncset.done $0x0  }
0x7b: {  	s9 =	simm.s32 $0x1B120;
	[sflag:s31] =	ssyncadd.s32 $0xFFFFF060  }
0x7c: {  	v8 =	vld [tilespmem:s9+$0x20]  }
0x7d: {  	v7 =	vld [tilespmem:s9+$0xFFFFFFF0]  }
0x7e: {  	v10 =	vld [tilespmem:s9+$0x0]  }
0x7f: {  	v12 =	vld [tilespmem:s9+$0x10]  }
0x80: {  	v13 =	vld [tilespmem:s9+$0xFFFFFFE0]  }
0x81: {  	v9 =	vshrl.u32 v8, $0xE  }
0x82: {  	v6 =	vshrl.u32 v7, $0xE;
	v11 =	vand.u32 $0x3FFF, v7  }
0x83: {  	v7 =	vshrl.u32 v10, $0xE;
	v10 =	vand.u32 $0x3FFF, v10;
	v14 =	vand.u32 $0x3FFF, v8  }
0x84: {  	s8 =	simm.s32 $0x0;
	s9 =	simm.s32 $0x1B170;
	v8 =	vshrl.u32 v12, $0xE;
	v12 =	vand.u32 $0x3FFF, v12;
	vm0 =	veq.s32 v9, v14  }
.LBB2_12:
0x85: {  	v14 =	vld [tilespmem:s9+$0x20];
	v15 =	vshrl.u32 v13, $0xE;
	v13 =	vand.u32 $0x3FFF, v13;
	v16 =	vsel vm0, $0x0, v3  }
0x86: {  	s8 =	sadd.s32 $0x5, s8;
	vm1 =	veq.s32 v6, v11;
	vm0 =	veq.s32 v15, v13;
	[tilespmem:v9+s0+$0x0] =	vst.idx.add.f32.msk $0xffff, v16  }
0x87: {  	vm2 =	veq.s32 v8, v12;
	p0 =	slt.u32 s8, $0xF5;
	v16 =	vld [tilespmem:s9+$0xFFFFFFF0];
	v11 =	vsel vm0, $0x0, v3;
	vm0 =	veq.s32 v7, v10  }
0x88: {  	v18 =	vsel vm2, $0x0, v3;
	v10 =	vsel vm1, $0x0, v3;
	v12 =	vld [tilespmem:s9+$0x0];
	v17 =	vsel vm0, $0x0, v3  }
0x89: {  	v19 =	vld [tilespmem:s9+$0x10]  }
.Ltmp5:
0x8a: {  	v13 =	vld [tilespmem:s9+$0xFFFFFFE0];
	(pc) =	sbr.rel @p0 .LBB2_12-.Ltmp5, $4  }
0x8b: {  	v9 =	vshrl.u32 v14, $0xE;
	[tilespmem:v15+s0+$0x0] =	vst.idx.add.f32.msk $0xffff, v11  }
0x8c: {  	v11 =	vand.u32 $0x3FFF, v16;
	[tilespmem:v6+s0+$0x0] =	vst.idx.add.f32.msk $0xffff, v10;
	v6 =	vshrl.u32 v16, $0xE  }
0x8d: {  	v14 =	vand.u32 $0x3FFF, v14;
	v10 =	vand.u32 $0x3FFF, v12;
	[tilespmem:v7+s0+$0x0] =	vst.idx.add.f32.msk $0xffff, v17;
	v7 =	vshrl.u32 v12, $0xE  }
0x8e: {  	s9 =	sadd.s32 $0x50, s9;
	vm0 =	veq.s32 v9, v14;
	v12 =	vand.u32 $0x3FFF, v19;
	[tilespmem:v8+s0+$0x0] =	vst.idx.add.f32.msk $0xffff, v18;
	v8 =	vshrl.u32 v19, $0xE  }
0x8f: {  	_ =	sdelay $0x2  }
0x90: {  	v14 =	vshrl.u32 v13, $0xE;
	v15 =	vsel vm0, $0x0, v3;
	vm1 =	veq.s32 v6, v11  }
0x91: {  	vm13 =	veq.s32 v7, v10;
	[tilespmem:v9+s0+$0x0] =	vst.idx.add.f32.msk $0xffff, v15;
	v56 =	vsel vm1, $0x0, v3  }
0x92: {  	v54 =	vand.u32 $0x3FFF, v13;
	vm14 =	veq.s32 v8, v12;
	v57 =	vsel vm13, $0x0, v3;
	[tilespmem:v6+s0+$0x0] =	vst.idx.add.f32.msk $0xffff, v56  }
0x93: {  	vm12 =	veq.s32 v14, v54;
	v6 =	vsel vm14, $0x0, v3;
	[tilespmem:v7+s0+$0x0] =	vst.idx.add.f32.msk $0xffff, v57  }
0x94: {  	v55 =	vsel vm12, $0x0, v3;
	[tilespmem:v8+s0+$0x0] =	vst.idx.add.f32.msk $0xffff, v6  }
0x95: {  	s8 =	simm.s32 $0x13900;
	[tilespmem:v14+s0+$0x0] =	vst.idx.add.f32.msk $0xffff, v55  }
0x96: {  	s12 =	simm.s32 $0x80;
	s13 =	simm.s32 $0x400;
	s9 =	rddreg [dreg:$0xa]  }
0x97: {  	[spmem:s9] =	stream.strided.scatter [tilespmem:s8], [sflag:$0x4], $0x2800, s13, s12, $0x38;
	[tilespmem:$0x1FB80] =	vst v63  }
0x98: {  	_ =	swait.ge [sflag:s2], $0x2800  }
0x99: {  	[sflag:s2] =	ssyncset.done $0x0  }
0x9a: {  	[sflag:s2] =	ssyncadd.s32 $0xFFFFD800  }
0x9b: {  	s14 =	simm.s32 $0x18900;
	[bflag:$0x0] =	sbarrier.arrive $0xFFFF  }
0x9c: {  	s12 =	simm.s32 $0x1400;
	s13 =	simm.s32 $0x14000;
	s9 =	rddreg [dreg:$0xb]  }
0x9d: {  	[tilespmem:s14], [sflag:$0x4] =	stream.strided.gather [spmem:s9], $0x2800, s13, s12, $0x38;
	[tilespmem:$0x1FB80] =	vst v63  }
0x9e: {  	s13 =	simm.s32 $0x0  }
0x9f: {  	_ =	swait.ge [sflag:s2], $0x2800;
	s14 =	sand.u32 $0x70, s13;
	s9 =	sand.u32 $0x1C00, s13  }
0xa0: {  	[sflag:s2] =	ssyncset.done $0x0;
	s9 =	sor.u32 s14, s9  }
0xa1: {  	[sflag:s2] =	ssyncadd.s32 $0xFFFFD800;
	s12 =	sadd.s32 $0x18900, s9  }
0xa2: {  	v6 =	vld [tilespmem:s12+$0x80]  }
0xa3: {  	v7 =	vld [tilespmem:s9+$0x18900];
	_ =	sdelay $0x1  }
0xa4: {  	v8 =	vld [tilespmem:s12+$0x100];
	_ =	sdelay $0x1  }
0xa5: {  	v58 =	vld [tilespmem:s12+$0x180]  }
0xa6: {  	v6 =	vadd.f32 v6, v7  }
0xa7: {  	v7 =	vld [tilespmem:s12+$0x200]  }
0xa8: {  	v6 =	vadd.f32 v8, v6  }
0xa9: {  	v8 =	vld [tilespmem:s12+$0x280]  }
0xaa: {  	v6 =	vadd.f32 v58, v6  }
0xab: {  	v59 =	vld [tilespmem:s12+$0x300]  }
0xac: {  	v6 =	vadd.f32 v7, v6  }
0xad: {  	v7 =	vld [tilespmem:s12+$0x380]  }
0xae: {  	v6 =	vadd.f32 v8, v6  }
0xaf: {  	v8 =	vld [tilespmem:s9+$0x19D00]  }
0xb0: {  	v6 =	vadd.f32 v59, v6  }
0xb1: {  	v60 =	vld [tilespmem:s9+$0x19D80]  }
0xb2: {  	v6 =	vadd.f32 v7, v6  }
0xb3: {  	v7 =	vld [tilespmem:s9+$0x19E00]  }
0xb4: {  	v6 =	vadd.f32 v8, v6  }
0xb5: {  	v8 =	vld [tilespmem:s9+$0x19E80]  }
0xb6: {  	v6 =	vadd.f32 v60, v6  }
0xb7: {  	v61 =	vld [tilespmem:s9+$0x19F00]  }
0xb8: {  	v6 =	vadd.f32 v7, v6  }
0xb9: {  	v7 =	vld [tilespmem:s9+$0x19F80]  }
0xba: {  	v6 =	vadd.f32 v8, v6  }
0xbb: {  	v8 =	vld [tilespmem:s9+$0x1A000]  }
0xbc: {  	v6 =	vadd.f32 v61, v6  }
0xbd: {  	v62 =	vld [tilespmem:s9+$0x1A080]  }
0xbe: {  	v6 =	vadd.f32 v7, v6;
	_ =	sdelay $0x1  }
0xbf: {  	v6 =	vadd.f32 v8, v6;
	_ =	sdelay $0x1  }
0xc0: {  	v6 =	vadd.f32 v62, v6;
	_ =	sdelay $0x1  }
0xc1: {  	v7 =	vshra.s32 v6, $0x1;
	v8 =	vmul.f32 $5.000000000e-01, v6  }
0xc2: {  	v7 =	vsub.s32 $0x5F3759DF, v7  }
0xc3: {  	v63 =	vmul.f32 v7, v8;
	_ =	sdelay $0x1  }
0xc4: {  	v9 =	vmul.f32 v7, v63;
	_ =	sdelay $0x1  }
0xc5: {  	v9 =	vsub.f32 $1.500000000e+00, v9;
	_ =	sdelay $0x1  }
0xc6: {  	v7 =	vmul.f32 v7, v9;
	_ =	sdelay $0x1  }
0xc7: {  	v9 =	vmul.f32 v7, v8;
	_ =	sdelay $0x1  }
0xc8: {  	v9 =	vmul.f32 v9, v7;
	_ =	sdelay $0x1  }
0xc9: {  	v9 =	vsub.f32 $1.500000000e+00, v9;
	_ =	sdelay $0x1  }
0xca: {  	v7 =	vmul.f32 v9, v7;
	_ =	sdelay $0x1  }
0xcb: {  	v8 =	vmul.f32 v7, v8;
	_ =	sdelay $0x1  }
0xcc: {  	v8 =	vmul.f32 v8, v7;
	_ =	sdelay $0x1  }
0xcd: {  	v8 =	vsub.f32 $1.500000000e+00, v8;
	_ =	sdelay $0x1  }
0xce: {  	s13 =	simm.s32 $0x10;
	s9 =	simm.s32 $0x80;
	v7 =	vmul.f32 v8, v7  }
0xcf: {  	s12 =	sand.u32 $0x70, s13;
	s14 =	sand.u32 $0x1C00, s9;
	vm15 =	vgt.f32 v6, $5.000000000e-01  }
0xd0: {  	s13 =	sor.u32 s12, s14;
	s12 =	simm.s32 $0x20;
	v6 =	vnsel vm15, $0x0, v7  }
.LBB2_14:
0xd1: {  	p0 =	sne.s32 s12, $0x270;
	s14 =	sadd.s32 $0x18900, s13;
	[tilespmem:s8+$0x0] =	vst v6  }
0xd2: {  	v6 =	vld [tilespmem:s14+$0x80]  }
0xd3: {  	v7 =	vld [tilespmem:s13+$0x18900];
	_ =	sdelay $0x1  }
0xd4: {  	v8 =	vld [tilespmem:s14+$0x100];
	_ =	sdelay $0x1  }
0xd5: {  	v9 =	vld [tilespmem:s14+$0x180]  }
0xd6: {  	v6 =	vadd.f32 v6, v7  }
0xd7: {  	v7 =	vld [tilespmem:s14+$0x200]  }
0xd8: {  	v6 =	vadd.f32 v8, v6  }
0xd9: {  	v8 =	vld [tilespmem:s14+$0x280]  }
0xda: {  	v6 =	vadd.f32 v9, v6  }
0xdb: {  	v9 =	vld [tilespmem:s14+$0x300]  }
0xdc: {  	v6 =	vadd.f32 v7, v6  }
0xdd: {  	v7 =	vld [tilespmem:s14+$0x380]  }
0xde: {  	v6 =	vadd.f32 v8, v6  }
0xdf: {  	v8 =	vld [tilespmem:s13+$0x19D00]  }
0xe0: {  	v6 =	vadd.f32 v9, v6  }
0xe1: {  	v9 =	vld [tilespmem:s13+$0x19D80]  }
0xe2: {  	v6 =	vadd.f32 v7, v6  }
0xe3: {  	v7 =	vld [tilespmem:s13+$0x19E00]  }
0xe4: {  	v6 =	vadd.f32 v8, v6  }
0xe5: {  	v8 =	vld [tilespmem:s13+$0x19E80]  }
0xe6: {  	v6 =	vadd.f32 v9, v6  }
0xe7: {  	v9 =	vld [tilespmem:s13+$0x19F00]  }
0xe8: {  	v6 =	vadd.f32 v7, v6  }
0xe9: {  	v7 =	vld [tilespmem:s13+$0x19F80]  }
0xea: {  	v6 =	vadd.f32 v8, v6  }
0xeb: {  	v8 =	vld [tilespmem:s13+$0x1A000]  }
0xec: {  	v6 =	vadd.f32 v9, v6  }
0xed: {  	v9 =	vld [tilespmem:s13+$0x1A080]  }
0xee: {  	v6 =	vadd.f32 v7, v6;
	_ =	sdelay $0x1  }
0xef: {  	v6 =	vadd.f32 v8, v6;
	_ =	sdelay $0x1  }
0xf0: {  	v6 =	vadd.f32 v9, v6;
	_ =	sdelay $0x1  }
0xf1: {  	v7 =	vshra.s32 v6, $0x1;
	v8 =	vmul.f32 $5.000000000e-01, v6  }
0xf2: {  	v7 =	vsub.s32 $0x5F3759DF, v7  }
0xf3: {  	v9 =	vmul.f32 v7, v8;
	_ =	sdelay $0x1  }
0xf4: {  	v9 =	vmul.f32 v7, v9;
	_ =	sdelay $0x1  }
0xf5: {  	v9 =	vsub.f32 $1.500000000e+00, v9;
	_ =	sdelay $0x1  }
0xf6: {  	v7 =	vmul.f32 v7, v9;
	_ =	sdelay $0x1  }
0xf7: {  	v9 =	vmul.f32 v7, v8;
	_ =	sdelay $0x1  }
0xf8: {  	v9 =	vmul.f32 v9, v7;
	_ =	sdelay $0x1  }
0xf9: {  	v9 =	vsub.f32 $1.500000000e+00, v9;
	_ =	sdelay $0x1  }
0xfa: {  	v7 =	vmul.f32 v9, v7;
	_ =	sdelay $0x1  }
0xfb: {  	v8 =	vmul.f32 v7, v8;
	_ =	sdelay $0x1  }
0xfc: {  	v8 =	vmul.f32 v8, v7;
	_ =	sdelay $0x1  }
.Ltmp6:
0xfd: {  	v8 =	vsub.f32 $1.500000000e+00, v8;
	(pc) =	sbr.rel @p0 .LBB2_14-.Ltmp6, $4  }
0xfe: {  	_ = 	snop  }
0xff: {  	s9 =	sadd.s32 $0x80, s9;
	v7 =	vmul.f32 v8, v7  }
0x100: {  	s14 =	sand.u32 $0x1C00, s9;
	s13 =	sand.u32 $0x70, s12;
	vm0 =	vgt.f32 v6, $5.000000000e-01  }
0x101: {  	s8 =	sadd.s32 $0x10, s8;
	s12 =	sadd.s32 $0x10, s12;
	s13 =	sor.u32 s13, s14;
	v6 =	vnsel vm0, $0x0, v7  }
0x102: {  	s9 =	sadd.s32 $0x18900, s13;
	[tilespmem:s8+$0x0] =	vst v6  }
0x103: {  	v6 =	vld [tilespmem:s9+$0x80]  }
0x104: {  	v7 =	vld [tilespmem:s13+$0x18900];
	_ =	sdelay $0x1  }
0x105: {  	v8 =	vld [tilespmem:s9+$0x100];
	_ =	sdelay $0x1  }
0x106: {  	v9 =	vld [tilespmem:s9+$0x180]  }
0x107: {  	v6 =	vadd.f32 v6, v7  }
0x108: {  	v7 =	vld [tilespmem:s9+$0x200]  }
0x109: {  	v6 =	vadd.f32 v8, v6  }
0x10a: {  	v8 =	vld [tilespmem:s9+$0x280]  }
0x10b: {  	v6 =	vadd.f32 v9, v6  }
0x10c: {  	v9 =	vld [tilespmem:s9+$0x300]  }
0x10d: {  	v6 =	vadd.f32 v7, v6  }
0x10e: {  	v7 =	vld [tilespmem:s9+$0x380]  }
0x10f: {  	v6 =	vadd.f32 v8, v6  }
0x110: {  	v8 =	vld [tilespmem:s13+$0x19D00]  }
0x111: {  	v6 =	vadd.f32 v9, v6  }
0x112: {  	v9 =	vld [tilespmem:s13+$0x19D80]  }
0x113: {  	v6 =	vadd.f32 v7, v6  }
0x114: {  	v7 =	vld [tilespmem:s13+$0x19E00]  }
0x115: {  	v6 =	vadd.f32 v8, v6  }
0x116: {  	v8 =	vld [tilespmem:s13+$0x19E80]  }
0x117: {  	v6 =	vadd.f32 v9, v6  }
0x118: {  	v9 =	vld [tilespmem:s13+$0x19F00]  }
0x119: {  	v6 =	vadd.f32 v7, v6  }
0x11a: {  	v7 =	vld [tilespmem:s13+$0x19F80]  }
0x11b: {  	v6 =	vadd.f32 v8, v6  }
0x11c: {  	v8 =	vld [tilespmem:s13+$0x1A000]  }
0x11d: {  	v6 =	vadd.f32 v9, v6  }
0x11e: {  	v9 =	vld [tilespmem:s13+$0x1A080]  }
0x11f: {  	v6 =	vadd.f32 v7, v6;
	_ =	sdelay $0x1  }
0x120: {  	v6 =	vadd.f32 v8, v6;
	_ =	sdelay $0x1  }
0x121: {  	v6 =	vadd.f32 v9, v6;
	_ =	sdelay $0x1  }
0x122: {  	v7 =	vshra.s32 v6, $0x1;
	v8 =	vmul.f32 $5.000000000e-01, v6  }
0x123: {  	v7 =	vsub.s32 $0x5F3759DF, v7  }
0x124: {  	v9 =	vmul.f32 v7, v8;
	_ =	sdelay $0x1  }
0x125: {  	v9 =	vmul.f32 v7, v9;
	_ =	sdelay $0x1  }
0x126: {  	v9 =	vsub.f32 $1.500000000e+00, v9;
	_ =	sdelay $0x1  }
0x127: {  	v7 =	vmul.f32 v7, v9;
	_ =	sdelay $0x1  }
0x128: {  	v9 =	vmul.f32 v7, v8;
	_ =	sdelay $0x1  }
0x129: {  	v9 =	vmul.f32 v9, v7;
	_ =	sdelay $0x1  }
0x12a: {  	v9 =	vsub.f32 $1.500000000e+00, v9;
	_ =	sdelay $0x1  }
0x12b: {  	v7 =	vmul.f32 v9, v7;
	_ =	sdelay $0x1  }
0x12c: {  	v8 =	vmul.f32 v7, v8;
	_ =	sdelay $0x1  }
0x12d: {  	v8 =	vmul.f32 v8, v7;
	_ =	sdelay $0x1  }
0x12e: {  	v8 =	vsub.f32 $1.500000000e+00, v8;
	_ =	sdelay $0x1  }
0x12f: {  	v7 =	vmul.f32 v8, v7  }
0x130: {  	vm0 =	vgt.f32 v6, $5.000000000e-01  }
0x131: {  	s9 =	sadd.s32 $0x10, s8;
	v6 =	vnsel vm0, $0x0, v7  }
0x132: {  	s12 =	rddreg [dreg:$0xc];
	[tilespmem:s9+$0x0] =	vst v6  }
0x133: {  	[spmem:s12] =	stream.linear.scatter [tilespmem:s0], [sflag:$0x4], $0x280, $0x38;
	[tilespmem:$0x1FB80] =	vst v63  }
0x134: {  	_ =	swait.ge [sflag:s2], $0x280  }
0x135: {  	[sflag:s2] =	ssyncset.done $0x0  }
0x136: {  	[sflag:s2] =	ssyncadd.s32 $0xFFFFFD80  }
0x137: {  	[bflag:$0x0] =	sbarrier.arrive $0xFFFF  }
0x138: {  	s14 =	simm.s32 $0x16100;
	s13 =	rddreg [dreg:$0x3]  }
0x139: {  	[tilespmem:s14], [sflag:$0x4] =	stream.linear.gather [spmem:s13], $0x2800, $0x38;
	[tilespmem:$0x1FB80] =	vst v63  }
0x13a: {  	_ =	swait.ge [sflag:s2], $0x2800  }
0x13b: {  	[sflag:s2] =	ssyncset.done $0x0  }
0x13c: {  	[sflag:s2] =	ssyncadd.s32 $0xFFFFD800  }
0x13d: {  	_ =	swait.ge [sflag:s5], $0x2710  }
0x13e: {  	[sflag:s5] =	ssyncset.done $0x0  }
0x13f: {  	[sflag:s5] =	ssyncadd.s32 $0xFFFFD8F0  }
0x140: {  	_ =	swait.ge [sflag:s5], $0x2710  }
0x141: {  	[sflag:s5] =	ssyncset.done $0x0  }
0x142: {  	[sflag:s5] =	ssyncadd.s32 $0xFFFFD8F0  }
0x143: {  	_ =	swait.ge [sflag:s5], $0x2710  }
0x144: {  	[sflag:s5] =	ssyncset.done $0x0  }
0x145: {  	[sflag:s5] =	ssyncadd.s32 $0xFFFFD8F0  }
0x146: {  	_ =	swait.ge [sflag:s5], $0x2710  }
0x147: {  	[sflag:s5] =	ssyncset.done $0x0  }
0x148: {  	s8 =	simm.s32 $0x0;
	[sflag:s5] =	ssyncadd.s32 $0xFFFFD8F0  }
0x149: {  	v7 =	vld [tilespmem:s8+$0x16100]  }
0x14a: {  	v6 =	vld [tilespmem:s8+$0x16110]  }
0x14b: {  	v10 =	vld [tilespmem:s8+$0x0]  }
0x14c: {  	v13 =	vld [tilespmem:s8+$0x2718]  }
0x14d: {  	v12 =	vld [tilespmem:s8+$0x4E30]  }
0x14e: {  	v11 =	vld [tilespmem:s8+$0x7548]  }
0x14f: {  	v8 =	vld [tilespmem:s8+$0x10]  }
0x150: {  	v9 =	vld [tilespmem:s8+$0x2728];
	v14 =	vmul.f32 v10, v7  }
0x151: {  	s9 =	simm.s32 $0x80;
	v13 =	vmul.f32 v13, v7;
	v10 =	vld [tilespmem:s8+$0x4E40]  }
.LBB2_16:
0x152: {  	s12 =	sshra.s32 s9, $0x2;
	p0 =	sne.s32 s9, $0x9B80;
	[tilespmem:s8+$0x0] =	vst v14;
	v12 =	vmul.f32 v12, v7;
	v14 =	vld [tilespmem:s8+$0x7558]  }
0x153: {  	[tilespmem:s8+$0x2718] =	vst v13;
	v11 =	vmul.f32 v11, v7;
	v7 =	vld [tilespmem:s12+$0x16100]  }
0x154: {  	v13 =	vld [tilespmem:s12+$0x16110];
	[tilespmem:s8+$0x4E30] =	vst v12;
	v8 =	vmul.f32 v8, v6  }
0x155: {  	v15 =	vld [tilespmem:s12+$0x0];
	[tilespmem:s8+$0x7548] =	vst v11;
	v9 =	vmul.f32 v9, v6  }
0x156: {  	v16 =	vld [tilespmem:s12+$0x2718];
	[tilespmem:s8+$0x10] =	vst v8;
	v8 =	vmul.f32 v10, v6  }
.Ltmp7:
0x157: {  	v12 =	vld [tilespmem:s12+$0x4E30];
	[tilespmem:s8+$0x2728] =	vst v9;
	v9 =	vmul.f32 v14, v6;
	(pc) =	sbr.rel @p0 .LBB2_16-.Ltmp7, $4  }
0x158: {  	v11 =	vld [tilespmem:s12+$0x7548];
	[tilespmem:s8+$0x4E40] =	vst v8  }
0x159: {  	v8 =	vld [tilespmem:s12+$0x10];
	[tilespmem:s8+$0x7558] =	vst v9;
	v6 =	vmov v13;
	s8 =	smov.u32 s12  }
0x15a: {  	v14 =	vmul.f32 v15, v7;
	v9 =	vld [tilespmem:s8+$0x2728]  }
0x15b: {  	s9 =	sadd.s32 $0x80, s9;
	v13 =	vmul.f32 v16, v7;
	v10 =	vld [tilespmem:s8+$0x4E40]  }
0x15c: {  	[tilespmem:s8+$0x0] =	vst v14;
	v12 =	vmul.f32 v12, v7;
	v60 =	vld [tilespmem:s8+$0x7558]  }
0x15d: {  	[tilespmem:s8+$0x2718] =	vst v13;
	v7 =	vmul.f32 v11, v7  }
0x15e: {  	[tilespmem:s8+$0x4E30] =	vst v12;
	v8 =	vmul.f32 v8, v6  }
0x15f: {  	[tilespmem:s8+$0x7548] =	vst v7;
	v7 =	vmul.f32 v9, v6  }
0x160: {  	[tilespmem:s8+$0x10] =	vst v8;
	v61 =	vmul.f32 v10, v6  }
0x161: {  	[tilespmem:s8+$0x2728] =	vst v7;
	v6 =	vmul.f32 v60, v6  }
0x162: {  	[tilespmem:s8+$0x4E40] =	vst v61  }
0x163: {  	[tilespmem:s8+$0x7558] =	vst v6  }
0x164: {  	v6 =	vld [tilespmem:$0x18800]  }
0x165: {  	v7 =	vld [tilespmem:$0x2700]  }
0x166: {  	v8 =	vld [tilespmem:$0x4E18]  }
0x167: {  	v62 =	vld [tilespmem:$0x7530]  }
0x168: {  	v63 =	vld [tilespmem:$0x9C48];
	_ =	sdelay $0x1  }
0x169: {  	v7 =	vmul.f32 v7, v6  }
0x16a: {  	v8 =	vmul.f32 v8, v6  }
0x16b: {  	[tilespmem:$0x2700] =	vst v7;
	v7 =	vmul.f32 v62, v6  }
0x16c: {  	[tilespmem:$0x4E18] =	vst v8;
	v6 =	vmul.f32 v63, v6  }
0x16d: {  	[tilespmem:$0x7530] =	vst v7  }
0x16e: {  	s8 =	simm.s32 $0x0;
	[tilespmem:$0x9C48] =	vst v6  }
0x16f: {  	[tilespmem:s29], [sflag:$0x1] =	stream.linear.gather [hbm4b:s4+s8], $0xFA0, $0x38;
	[tilespmem:$0x1FB80] =	vst v63  }
.LBB2_18:
0x170: {  	s9 =	smul.u32 $0x3E8, s8;
	_ =	sdelay $0x1  }
0x171: {  	s9 =	sadd.s32 s9, s15  }
0x172: {  	[tilespmem:s30], [sflag:$0x2] =	stream.linear.gather [hbm4b:s9+s3], $0xFA0, $0x38;
	[tilespmem:$0x1FB80] =	vst v63  }
0x173: {  	_ =	swait.ge [sflag:s31], $0xFA0  }
0x174: {  	[sflag:s31] =	ssyncset.done $0x0  }
0x175: {  	s14 =	simm.s32 $0x1B120;
	[sflag:s31] =	ssyncadd.s32 $0xFFFFF060  }
0x176: {  	v6 =	vld [tilespmem:s14+$0x20];
	_ =	sdelay $0x4  }
0x177: {  	v7 =	vperm.xlane v6, v2;
	_ =	sdelay $0x1  }
0x178: {  	v8 =	vand.u32 $0x3FFF, v7  }
0x179: {  	v9 =	vadd.s32 v0, v8;
	_ =	sdelay $0x3  }
0x17a: {  	v10 =	vld [tilespmem:s14+$0xFFFFFFE0]  }
0x17b: {  	v9 =	vld.idx.msk [tilespmem:v9+s3+$0x0], $0xffff  }
0x17c: {  	v7 =	vshrl.u32 v7, $0xE  }
0x17d: {  	v14 =	vld [tilespmem:s14+$0x0];
	v11 =	vadd.s32 v0, v7  }
0x17e: {  	v16 =	vld [tilespmem:s14+$0xFFFFFFF0];
	vm0 =	veq.s32 v7, v8;
	v8 =	vadd.s32 v4, v8  }
0x17f: {  	v12 =	vld [tilespmem:s14+$0x10];
	v15 =	vperm.xlane v10, v2;
	v13 =	vsel vm0, $0x0, v3  }
0x180: {  	v9 =	vmul.f32 v13, v9  }
0x181: {  	v17 =	vand.u32 $0x3FFF, v15  }
0x182: {  	v19 =	vperm.xlane v14, v2;
	v18 =	vadd.s32 v0, v17;
	[tilespmem:v11+s6+$0x0] =	vst.idx.add.f32.msk $0xffff, v9  }
0x183: {  	v6 =	vperm.xlane v6, v5;
	v23 =	vperm.xlane v16, v2;
	v8 =	vld.idx.msk [tilespmem:v8+s3+$0x0], $0xffff  }
0x184: {  	v10 =	vperm.xlane v10, v5;
	v9 =	vperm.xlane v12, v2  }
0x185: {  	s9 =	simm.s32 $0x1B170;
	v14 =	vperm.xlane v14, v5;
	v21 =	vand.u32 $0x3FFF, v19;
	v7 =	vadd.s32 v4, v7  }
0x186: {  	v32 =	vld [tilespmem:s9+$0xFFFFFFE0];
	v25 =	vand.u32 $0x3FFF, v6;
	v26 =	vadd.s32 v0, v21;
	v20 =	vand.u32 $0x3FFF, v9  }
0x187: {  	v27 =	vshrl.u32 v15, $0xE;
	v29 =	vand.u32 $0x3FFF, v23;
	v24 =	vld.idx.msk [tilespmem:v18+s3+$0x0], $0xffff;
	v22 =	vadd.s32 v0, v20  }
0x188: {  	v35 =	vld [tilespmem:s9+$0x20];
	v33 =	vshrl.u32 v10, $0xE;
	v12 =	vperm.xlane v12, v5;
	v8 =	vmul.f32 v8, v13  }
0x189: {  	v15 =	vld [tilespmem:s9+$0xFFFFFFF0];
	v19 =	vshrl.u32 v19, $0xE;
	v28 =	vadd.s32 v0, v27;
	v31 =	vadd.s32 v0, v29  }
0x18a: {  	vm0 =	veq.s32 v27, v17;
	v30 =	vand.u32 $0x3FFF, v12;
	v18 =	vshrl.u32 v12, $0xE;
	[tilespmem:v7+s6+$0x0] =	vst.idx.add.f32.msk $0xffff, v8  }
0x18b: {  	v13 =	vadd.s32 v0, v25;
	v7 =	vsel vm0, $0x0, v3;
	v8 =	vadd.s32 v4, v17;
	v17 =	vld.idx.msk [tilespmem:v26+s3+$0x0], $0xffff  }
0x18c: {  	v9 =	vshrl.u32 v9, $0xE;
	v12 =	vld.idx.msk [tilespmem:v22+s3+$0x0], $0xffff;
	v22 =	vand.u32 $0x3FFF, v10;
	v10 =	vmul.f32 v7, v24  }
0x18d: {  	v16 =	vperm.xlane v16, v5;
	v11 =	vld [tilespmem:s9+$0x10];
	vm0 =	veq.s32 v9, v20;
	v26 =	vadd.s32 v0, v19  }
0x18e: {  	[tilespmem:v28+s6+$0x0] =	vst.idx.add.f32.msk $0xffff, v10;
	v10 =	vadd.s32 v0, v9;
	v28 =	vsel vm0, $0x0, v3;
	vm0 =	veq.s32 v19, v21  }
0x18f: {  	v23 =	vshrl.u32 v23, $0xE;
	v20 =	vadd.s32 v4, v20;
	v24 =	vld.idx.msk [tilespmem:v31+s3+$0x0], $0xffff;
	v34 =	vsel vm0, $0x0, v3  }
0x190: {  	v36 =	vshrl.u32 v6, $0xE;
	v31 =	vadd.s32 v4, v21;
	v13 =	vld.idx.msk [tilespmem:v13+s3+$0x0], $0xffff;
	v6 =	vmul.f32 v34, v17  }
0x191: {  	vm3 =	veq.s32 v23, v29;
	v21 =	vadd.s32 v0, v23;
	v8 =	vld.idx.msk [tilespmem:v8+s3+$0x0], $0xffff;
	v12 =	vmul.f32 v28, v12  }
0x192: {  	v27 =	vadd.s32 v4, v27;
	v17 =	vadd.s32 v4, v29;
	[tilespmem:v26+s6+$0x0] =	vst.idx.add.f32.msk $0xffff, v6  }
0x193: {  	vm2 =	veq.s32 v18, v30;
	vm1 =	veq.s32 v33, v22;
	[tilespmem:v10+s6+$0x0] =	vst.idx.add.f32.msk $0xffff, v12;
	v10 =	vsel vm3, $0x0, v3  }
0x194: {  	v9 =	vadd.s32 v4, v9;
	v12 =	vld.idx.msk [tilespmem:v20+s3+$0x0], $0xffff;
	v20 =	vadd.s32 v0, v36;
	v24 =	vmul.f32 v10, v24  }
0x195: {  	vm0 =	veq.s32 v36, v25;
	v6 =	vadd.s32 v4, v25;
	v25 =	vshrl.u32 v14, $0xE;
	v29 =	vld.idx.msk [tilespmem:v31+s3+$0x0], $0xffff  }
0x196: {  	v26 =	vsel vm0, $0x0, v3;
	v14 =	vand.u32 $0x3FFF, v14;
	v7 =	vmul.f32 v8, v7;
	[tilespmem:v21+s6+$0x0] =	vst.idx.add.f32.msk $0xffff, v24  }
0x197: {  	v13 =	vmul.f32 v26, v13;
	vm0 =	veq.s32 v25, v14;
	v24 =	vadd.s32 v0, v22;
	v17 =	vld.idx.msk [tilespmem:v17+s3+$0x0], $0xffff  }
0x198: {  	vm2 =	vmmov vm2;
	v41 =	vadd.s32 v0, v25;
	v21 =	vadd.s32 v0, v30;
	[tilespmem:v27+s6+$0x0] =	vst.idx.add.f32.msk $0xffff, v7  }
0x199: {  	v31 =	vand.u32 $0x3FFF, v16;
	v42 =	vadd.s32 v4, v14;
	[tilespmem:v20+s6+$0x0] =	vst.idx.add.f32.msk $0xffff, v13;
	v12 =	vmul.f32 v12, v28  }
0x19a: {  	v36 =	vadd.s32 v4, v36;
	v7 =	vadd.s32 v4, v23;
	v13 =	vperm.xlane v11, v5;
	v20 =	vld.idx.msk [tilespmem:v6+s3+$0x0], $0xffff  }
0x19b: {  	v23 =	vadd.s32 v0, v31;
	v28 =	vshrl.u32 v16, $0xE;
	v16 =	vperm.xlane v35, v2;
	[tilespmem:v9+s6+$0x0] =	vst.idx.add.f32.msk $0xffff, v12  }
0x19c: {  	v8 =	vand.u32 $0x3FFF, v13;
	v6 =	vshrl.u32 v13, $0xE;
	v13 =	vadd.s32 v4, v19;
	v24 =	vld.idx.msk [tilespmem:v24+s3+$0x0], $0xffff  }
0x19d: {  	v27 =	vadd.s32 v0, v14;
	v37 =	vand.u32 $0x3FFF, v16;
	v19 =	vld.idx.msk [tilespmem:v21+s3+$0x0], $0xffff;
	v10 =	vmul.f32 v17, v10  }
0x19e: {  	v22 =	vadd.s32 v4, v22;
	v12 =	vperm.xlane v32, v5;
	v21 =	vld [tilespmem:s9+$0x0];
	v38 =	vadd.s32 v0, v37  }
0x19f: {  	v63 =	vsel vm2, $0x0, v3;
	v29 =	vmul.f32 v29, v34;
	vm4 =	veq.s32 v28, v31;
	[tilespmem:v7+s6+$0x0] =	vst.idx.add.f32.msk $0xffff, v10  }
0x1a0: {  	v9 =	vand.u32 $0x3FFF, v12;
	v10 =	vadd.s32 v0, v18;
	v7 =	vshrl.u32 v12, $0xE;
	v12 =	vld.idx.msk [tilespmem:v23+s3+$0x0], $0xffff  }
0x1a1: {  	vm3 =	vmmov vm1;
	v40 =	vadd.s32 v0, v28;
	v23 =	vadd.s32 v4, v30;
	[tilespmem:v13+s6+$0x0] =	vst.idx.add.f32.msk $0xffff, v29  }
0x1a2: {  	v31 =	vadd.s32 v4, v31;
	v30 =	vadd.s32 v0, v33;
	v20 =	vmul.f32 v20, v26;
	v29 =	vld.idx.msk [tilespmem:v27+s3+$0x0], $0xffff  }
0x1a3: {  	vm1 =	veq.s32 v6, v8;
	v17 =	vshrl.u32 v16, $0xE;
	v13 =	vmul.f32 v63, v19;
	v38 =	vld.idx.msk [tilespmem:v38+s3+$0x0], $0xffff  }
0x1a4: {  	v39 =	vsel vm3, $0x0, v3;
	vm5 =	veq.s32 v17, v37;
	v44 =	vadd.s32 v0, v17;
	[tilespmem:v36+s6+$0x0] =	vst.idx.add.f32.msk $0xffff, v20  }
0x1a5: {  	v37 =	vadd.s32 v4, v37;
	v24 =	vmul.f32 v39, v24;
	[tilespmem:v10+s6+$0x0] =	vst.idx.add.f32.msk $0xffff, v13  }
0x1a6: {  	vm2 =	veq.s32 v7, v9;
	v19 =	vperm.xlane v21, v5;
	v27 =	vsel vm4, $0x0, v3;
	v23 =	vld.idx.msk [tilespmem:v23+s3+$0x0], $0xffff  }
0x1a7: {  	v16 =	vsel vm5, $0x0, v3;
	[tilespmem:v30+s6+$0x0] =	vst.idx.add.f32.msk $0xffff, v24;
	v14 =	vmul.f32 v27, v12;
	v24 =	vperm.xlane v32, v2  }
0x1a8: {  	v20 =	vadd.s32 v4, v25;
	v10 =	vshrl.u32 v19, $0xE;
	v13 =	vsel vm0, $0x0, v3;
	v43 =	vld.idx.msk [tilespmem:v22+s3+$0x0], $0xffff  }
0x1a9: {  	v12 =	vand.u32 $0x3FFF, v19;
	[tilespmem:v40+s6+$0x0] =	vst.idx.add.f32.msk $0xffff, v14;
	v19 =	vmul.f32 v13, v29;
	v26 =	vand.u32 $0x3FFF, v24  }
0x1aa: {  	v25 =	vperm.xlane v35, v5;
	v30 =	vadd.s32 v4, v18;
	v29 =	vld.idx.msk [tilespmem:v31+s3+$0x0], $0xffff;
	v32 =	vadd.s32 v0, v26  }
0x1ab: {  	vm1 =	vmmov vm1;
	vm0 =	veq.s32 v10, v12;
	v38 =	vmul.f32 v16, v38;
	[tilespmem:v41+s6+$0x0] =	vst.idx.add.f32.msk $0xffff, v19  }
0x1ac: {  	v14 =	vshrl.u32 v24, $0xE;
	v24 =	vperm.xlane v15, v5;
	v31 =	vadd.s32 v4, v28;
	v22 =	vld.idx.msk [tilespmem:v42+s3+$0x0], $0xffff  }
0x1ad: {  	vm2 =	vmmov vm2;
	v28 =	vperm.xlane v15, v2;
	v19 =	vadd.s32 v4, v33;
	[tilespmem:v44+s6+$0x0] =	vst.idx.add.f32.msk $0xffff, v38  }
0x1ae: {  	s12 =	simm.s32 $0x5;
	vm3 =	veq.s32 v14, v26;
	v34 =	vmul.f32 v23, v63;
	v33 =	vld.idx.msk [tilespmem:v37+s3+$0x0], $0xffff;
	v23 =	vmul.f32 v43, v39  }
.LBB2_19:
0x1af: {  	s12 =	sadd.s32 $0x5, s12;
	v32 =	vld.idx.msk [tilespmem:v32+s3+$0x0], $0xffff;
	v15 =	vshrl.u32 v24, $0xE;
	v35 =	vperm.xlane v11, v2;
	v11 =	vmul.f32 v29, v27  }
0x1b0: {  	v18 =	vperm.xlane v21, v2;
	p0 =	slt.u32 s12, $0xF5;
	v27 =	vshrl.u32 v28, $0xE;
	v21 =	vand.u32 $0x3FFF, v25;
	[tilespmem:v30+s6+$0x0] =	vst.idx.add.f32.msk $0xffff, v34  }
0x1b1: {  	v17 =	vadd.s32 v4, v17;
	v29 =	vand.u32 $0x3FFF, v35;
	[tilespmem:v31+s6+$0x0] =	vst.idx.add.f32.msk $0xffff, v11;
	v11 =	vmul.f32 v22, v13  }
0x1b2: {  	v13 =	vshrl.u32 v18, $0xE;
	v22 =	vand.u32 $0x3FFF, v18;
	v30 =	vadd.s32 v0, v29;
	[tilespmem:v19+s6+$0x0] =	vst.idx.add.f32.msk $0xffff, v23  }
0x1b3: {  	s9 =	sadd.s32 $0x50, s9;
	v23 =	vsel vm3, $0x0, v3;
	v31 =	vadd.s32 v0, v22;
	v34 =	vadd.s32 v4, v22;
	[tilespmem:v20+s6+$0x0] =	vst.idx.add.f32.msk $0xffff, v11  }
0x1b4: {  	vm4 =	veq.s32 v13, v22;
	v16 =	vmul.f32 v33, v16;
	v20 =	vadd.s32 v0, v21;
	v18 =	vld [tilespmem:s9+$0xFFFFFFF0]  }
0x1b5: {  	v28 =	vand.u32 $0x3FFF, v28;
	v22 =	vadd.s32 v0, v14;
	v19 =	vshrl.u32 v25, $0xE;
	v11 =	vld [tilespmem:s9+$0x10]  }
0x1b6: {  	v24 =	vand.u32 $0x3FFF, v24;
	vm5 =	veq.s32 v27, v28;
	v25 =	vadd.s32 v0, v28;
	[tilespmem:v17+s6+$0x0] =	vst.idx.add.f32.msk $0xffff, v16  }
0x1b7: {  	vm3 =	veq.s32 v15, v24;
	vm6 =	veq.s32 v19, v21;
	v16 =	vadd.s32 v4, v26;
	v17 =	vld.idx.msk [tilespmem:v30+s3+$0x0], $0xffff  }
0x1b8: {  	v26 =	vmul.f32 v23, v32;
	v30 =	vld.idx.msk [tilespmem:v31+s3+$0x0], $0xffff  }
0x1b9: {  	v31 =	vshrl.u32 v35, $0xE;
	v20 =	vld.idx.msk [tilespmem:v20+s3+$0x0], $0xffff  }
0x1ba: {  	vm7 =	veq.s32 v31, v29;
	[tilespmem:v22+s6+$0x0] =	vst.idx.add.f32.msk $0xffff, v26;
	v22 =	vadd.s32 v0, v31  }
0x1bb: {  	v29 =	vadd.s32 v4, v29;
	v26 =	vperm.xlane v11, v5;
	v32 =	vld.idx.msk [tilespmem:v25+s3+$0x0], $0xffff  }
0x1bc: {  	v33 =	vadd.s32 v0, v13;
	v35 =	vsel vm7, $0x0, v3;
	v16 =	vld.idx.msk [tilespmem:v16+s3+$0x0], $0xffff  }
0x1bd: {  	v38 =	vsel vm4, $0x0, v3;
	v37 =	vand.u32 $0x3FFF, v26;
	v17 =	vmul.f32 v35, v17;
	v36 =	vld [tilespmem:s9+$0xFFFFFFE0]  }
0x1be: {  	v39 =	vshrl.u32 v26, $0xE;
	v26 =	vadd.s32 v0, v27;
	v30 =	vmul.f32 v38, v30;
	v25 =	vld [tilespmem:s9+$0x20]  }
0x1bf: {  	v28 =	vadd.s32 v4, v28;
	vm4 =	veq.s32 v39, v37;
	[tilespmem:v22+s6+$0x0] =	vst.idx.add.f32.msk $0xffff, v17  }
0x1c0: {  	v40 =	vadd.s32 v0, v19;
	v22 =	vsel vm5, $0x0, v3;
	v29 =	vld.idx.msk [tilespmem:v29+s3+$0x0], $0xffff  }
0x1c1: {  	v21 =	vadd.s32 v4, v21;
	v17 =	vmul.f32 v22, v32;
	[tilespmem:v33+s6+$0x0] =	vst.idx.add.f32.msk $0xffff, v30;
	v30 =	vsel vm6, $0x0, v3  }
0x1c2: {  	v14 =	vadd.s32 v4, v14;
	v32 =	vperm.xlane v36, v5;
	v33 =	vld.idx.msk [tilespmem:v34+s3+$0x0], $0xffff;
	v20 =	vmul.f32 v30, v20  }
0x1c3: {  	v34 =	vperm.xlane v25, v2;
	[tilespmem:v26+s6+$0x0] =	vst.idx.add.f32.msk $0xffff, v17;
	v26 =	vadd.s32 v4, v31  }
0x1c4: {  	v41 =	vadd.s32 v0, v9;
	v42 =	vadd.s32 v0, v8;
	v31 =	vand.u32 $0x3FFF, v32;
	v28 =	vld.idx.msk [tilespmem:v28+s3+$0x0], $0xffff  }
0x1c5: {  	v23 =	vmul.f32 v16, v23;
	v17 =	vshrl.u32 v34, $0xE;
	v34 =	vand.u32 $0x3FFF, v34;
	[tilespmem:v40+s6+$0x0] =	vst.idx.add.f32.msk $0xffff, v20  }
0x1c6: {  	v40 =	vshrl.u32 v32, $0xE;
	v20 =	vmul.f32 v29, v35;
	vm5 =	veq.s32 v17, v34;
	v29 =	vld.idx.msk [tilespmem:v21+s3+$0x0], $0xffff  }
0x1c7: {  	v16 =	vsel vm5, $0x0, v3;
	[tilespmem:v14+s6+$0x0] =	vst.idx.add.f32.msk $0xffff, v23;
	v14 =	vadd.s32 v4, v27;
	v23 =	vadd.s32 v0, v24  }
0x1c8: {  	v13 =	vadd.s32 v4, v13;
	vm5 =	veq.s32 v40, v31;
	[tilespmem:v26+s6+$0x0] =	vst.idx.add.f32.msk $0xffff, v20  }
0x1c9: {  	v20 =	vadd.s32 v0, v12;
	v26 =	vld.idx.msk [tilespmem:v42+s3+$0x0], $0xffff  }
0x1ca: {  	v22 =	vmul.f32 v28, v22;
	v28 =	vmul.f32 v33, v38;
	v27 =	vld.idx.msk [tilespmem:v41+s3+$0x0], $0xffff  }
0x1cb: {  	v32 =	vadd.s32 v0, v34;
	v21 =	vld [tilespmem:s9+$0x0]  }
0x1cc: {  	[tilespmem:v14+s6+$0x0] =	vst.idx.add.f32.msk $0xffff, v22;
	v14 =	vadd.s32 v0, v6  }
0x1cd: {  	v33 =	vmul.f32 v29, v30;
	v22 =	vld.idx.msk [tilespmem:v23+s3+$0x0], $0xffff;
	v23 =	vadd.s32 v4, v8;
	v8 =	vmov v37  }
0x1ce: {  	v29 =	vadd.s32 v0, v7;
	v30 =	vadd.s32 v4, v9;
	[tilespmem:v13+s6+$0x0] =	vst.idx.add.f32.msk $0xffff, v28;
	v28 =	vsel vm1, $0x0, v3  }
0x1cf: {  	v35 =	vsel vm2, $0x0, v3;
	v9 =	vmovc v31;
	v37 =	vadd.s32 v4, v12;
	v20 =	vld.idx.msk [tilespmem:v20+s3+$0x0], $0xffff;
	v12 =	vmul.f32 v28, v26  }
0x1d0: {  	v26 =	vmul.f32 v35, v27;
	v13 =	vperm.xlane v21, v5;
	v31 =	vld.idx.msk [tilespmem:v32+s3+$0x0], $0xffff;
	v32 =	vadd.s32 v0, v15  }
0x1d1: {  	v24 =	vadd.s32 v4, v24;
	v38 =	vadd.s32 v0, v10;
	vm1 =	vmmov vm4;
	[tilespmem:v14+s6+$0x0] =	vst.idx.add.f32.msk $0xffff, v12  }
0x1d2: {  	v27 =	vsel vm3, $0x0, v3;
	v41 =	vshrl.u32 v13, $0xE;
	v12 =	vand.u32 $0x3FFF, v13;
	v23 =	vld.idx.msk [tilespmem:v23+s3+$0x0], $0xffff  }
0x1d3: {  	v14 =	vmul.f32 v27, v22;
	v13 =	vsel vm0, $0x0, v3;
	[tilespmem:v29+s6+$0x0] =	vst.idx.add.f32.msk $0xffff, v26;
	vm0 =	veq.s32 v41, v12  }
0x1d4: {  	v43 =	vadd.s32 v4, v19;
	v22 =	vperm.xlane v36, v2;
	v36 =	vadd.s32 v0, v17;
	v42 =	vld.idx.msk [tilespmem:v30+s3+$0x0], $0xffff  }
0x1d5: {  	vm2 =	vmmov vm5;
	v19 =	vmul.f32 v13, v20;
	[tilespmem:v32+s6+$0x0] =	vst.idx.add.f32.msk $0xffff, v14  }
0x1d6: {  	v45 =	vadd.s32 v4, v34;
	v26 =	vand.u32 $0x3FFF, v22;
	v44 =	vmul.f32 v16, v31;
	v29 =	vld.idx.msk [tilespmem:v24+s3+$0x0], $0xffff  }
.Ltmp8:
0x1d7: {  	v30 =	vadd.s32 v4, v6;
	v14 =	vshrl.u32 v22, $0xE;
	v32 =	vadd.s32 v0, v26;
	[tilespmem:v38+s6+$0x0] =	vst.idx.add.f32.msk $0xffff, v19;
	(pc) =	sbr.rel @p0 .LBB2_19-.Ltmp8, $4  }
0x1d8: {  	vm3 =	veq.s32 v14, v26;
	v19 =	vadd.s32 v4, v7;
	v34 =	vmul.f32 v23, v28;
	v22 =	vld.idx.msk [tilespmem:v37+s3+$0x0], $0xffff  }
0x1d9: {  	v20 =	vadd.s32 v4, v10;
	v6 =	vmov v39;
	v31 =	vadd.s32 v4, v15;
	[tilespmem:v43+s6+$0x0] =	vst.idx.add.f32.msk $0xffff, v33  }
0x1da: {  	v24 =	vperm.xlane v18, v5;
	v7 =	vmov v40;
	v23 =	vmul.f32 v42, v35;
	[tilespmem:v36+s6+$0x0] =	vst.idx.add.f32.msk $0xffff, v44  }
0x1db: {  	v25 =	vperm.xlane v25, v5;
	v10 =	vmov v41;
	v28 =	vperm.xlane v18, v2;
	v33 =	vld.idx.msk [tilespmem:v45+s3+$0x0], $0xffff  }
0x1dc: {  	v11 =	vperm.xlane v11, v2;
	_ =	sdelay $0x1  }
0x1dd: {  	v15 =	vperm.xlane v21, v2;
	v18 =	vand.u32 $0x3FFF, v11  }
0x1de: {  	v21 =	vadd.s32 v0, v18  }
0x1df: {  	v17 =	vadd.s32 v4, v17;
	v35 =	vand.u32 $0x3FFF, v15  }
0x1e0: {  	v32 =	vld.idx.msk [tilespmem:v32+s3+$0x0], $0xffff;
	v27 =	vmul.f32 v29, v27;
	v29 =	vand.u32 $0x3FFF, v25;
	v36 =	vadd.s32 v0, v35  }
0x1e1: {  	[tilespmem:v30+s6+$0x0] =	vst.idx.add.f32.msk $0xffff, v34;
	v46 =	vand.u32 $0x3FFF, v28;
	v30 =	vadd.s32 v0, v29  }
0x1e2: {  	[tilespmem:v31+s6+$0x0] =	vst.idx.add.f32.msk $0xffff, v27;
	v27 =	vadd.s32 v0, v46;
	v16 =	vmul.f32 v33, v16  }
0x1e3: {  	v31 =	vadd.s32 v0, v14;
	v21 =	vld.idx.msk [tilespmem:v21+s3+$0x0], $0xffff  }
0x1e4: {  	v11 =	vshrl.u32 v11, $0xE;
	[tilespmem:v17+s6+$0x0] =	vst.idx.add.f32.msk $0xffff, v16;
	v16 =	vadd.s32 v4, v26  }
0x1e5: {  	v15 =	vshrl.u32 v15, $0xE;
	v47 =	vadd.s32 v0, v11;
	v17 =	vsel vm3, $0x0, v3;
	v26 =	vld.idx.msk [tilespmem:v36+s3+$0x0], $0xffff  }
0x1e6: {  	vm3 =	veq.s32 v11, v18;
	v18 =	vadd.s32 v4, v18;
	v32 =	vmul.f32 v17, v32;
	v30 =	vld.idx.msk [tilespmem:v30+s3+$0x0], $0xffff  }
0x1e7: {  	v48 =	vadd.s32 v4, v35;
	v37 =	vadd.s32 v0, v15;
	v27 =	vld.idx.msk [tilespmem:v27+s3+$0x0], $0xffff;
	v38 =	vsel vm3, $0x0, v3  }
0x1e8: {  	v28 =	vshrl.u32 v28, $0xE;
	vm3 =	veq.s32 v15, v35;
	[tilespmem:v31+s6+$0x0] =	vst.idx.add.f32.msk $0xffff, v32;
	v21 =	vmul.f32 v38, v21  }
0x1e9: {  	vm4 =	veq.s32 v28, v46;
	v49 =	vadd.s32 v0, v28;
	v31 =	vsel vm3, $0x0, v3;
	v16 =	vld.idx.msk [tilespmem:v16+s3+$0x0], $0xffff  }
0x1ea: {  	v25 =	vshrl.u32 v25, $0xE;
	v34 =	vadd.s32 v4, v46;
	v26 =	vmul.f32 v31, v26;
	[tilespmem:v47+s6+$0x0] =	vst.idx.add.f32.msk $0xffff, v21  }
0x1eb: {  	v50 =	vadd.s32 v0, v25;
	v14 =	vadd.s32 v4, v14;
	v21 =	vsel vm4, $0x0, v3;
	v18 =	vld.idx.msk [tilespmem:v18+s3+$0x0], $0xffff  }
0x1ec: {  	vm3 =	veq.s32 v25, v29;
	[tilespmem:v37+s6+$0x0] =	vst.idx.add.f32.msk $0xffff, v26;
	v27 =	vmul.f32 v21, v27  }
0x1ed: {  	v11 =	vadd.s32 v4, v11;
	v26 =	vadd.s32 v4, v29;
	v29 =	vsel vm3, $0x0, v3;
	v51 =	vld.idx.msk [tilespmem:v48+s3+$0x0], $0xffff  }
0x1ee: {  	v30 =	vmul.f32 v29, v30;
	[tilespmem:v49+s6+$0x0] =	vst.idx.add.f32.msk $0xffff, v27;
	v27 =	vadd.s32 v0, v8  }
0x1ef: {  	v16 =	vmul.f32 v16, v17;
	v32 =	vld.idx.msk [tilespmem:v34+s3+$0x0], $0xffff  }
0x1f0: {  	v52 =	vadd.s32 v0, v9;
	[tilespmem:v50+s6+$0x0] =	vst.idx.add.f32.msk $0xffff, v30;
	v18 =	vmul.f32 v18, v38  }
0x1f1: {  	v28 =	vadd.s32 v4, v28;
	v30 =	vand.u32 $0x3FFF, v24;
	[tilespmem:v14+s6+$0x0] =	vst.idx.add.f32.msk $0xffff, v16  }
0x1f2: {  	v17 =	vadd.s32 v0, v30;
	[tilespmem:v11+s6+$0x0] =	vst.idx.add.f32.msk $0xffff, v18  }
0x1f3: {  	v11 =	vadd.s32 v4, v15;
	v15 =	vld.idx.msk [tilespmem:v27+s3+$0x0], $0xffff  }
0x1f4: {  	v14 =	vadd.s32 v0, v12;
	v26 =	vld.idx.msk [tilespmem:v26+s3+$0x0], $0xffff;
	v16 =	vmul.f32 v32, v21  }
0x1f5: {  	v18 =	vld.idx.msk [tilespmem:v52+s3+$0x0], $0xffff;
	v21 =	vadd.s32 v0, v6  }
0x1f6: {  	v8 =	vadd.s32 v4, v8;
	v27 =	vmul.f32 v51, v31;
	[tilespmem:v28+s6+$0x0] =	vst.idx.add.f32.msk $0xffff, v16  }
0x1f7: {  	v28 =	vsel vm1, $0x0, v3;
	v16 =	vld.idx.msk [tilespmem:v17+s3+$0x0], $0xffff;
	v17 =	vadd.s32 v0, v7  }
0x1f8: {  	v9 =	vadd.s32 v4, v9;
	v24 =	vshrl.u32 v24, $0xE;
	[tilespmem:v11+s6+$0x0] =	vst.idx.add.f32.msk $0xffff, v27;
	v11 =	vmul.f32 v28, v15  }
0x1f9: {  	vm1 =	veq.s32 v24, v30;
	v27 =	vadd.s32 v0, v24;
	v15 =	vsel vm2, $0x0, v3;
	v14 =	vld.idx.msk [tilespmem:v14+s3+$0x0], $0xffff  }
0x1fa: {  	v30 =	vadd.s32 v4, v30;
	v18 =	vmul.f32 v15, v18;
	[tilespmem:v21+s6+$0x0] =	vst.idx.add.f32.msk $0xffff, v11  }
0x1fb: {  	v11 =	vadd.s32 v0, v10;
	v21 =	vsel vm1, $0x0, v3;
	v8 =	vld.idx.msk [tilespmem:v8+s3+$0x0], $0xffff  }
0x1fc: {  	v12 =	vadd.s32 v4, v12;
	[tilespmem:v17+s6+$0x0] =	vst.idx.add.f32.msk $0xffff, v18;
	v16 =	vmul.f32 v21, v16  }
0x1fd: {  	v17 =	vsel vm0, $0x0, v3;
	v9 =	vld.idx.msk [tilespmem:v9+s3+$0x0], $0xffff  }
0x1fe: {  	[tilespmem:v27+s6+$0x0] =	vst.idx.add.f32.msk $0xffff, v16;
	v14 =	vmul.f32 v17, v14  }
0x1ff: {  	v16 =	vadd.s32 v4, v25;
	v18 =	vld.idx.msk [tilespmem:v30+s3+$0x0], $0xffff  }
0x200: {  	v6 =	vadd.s32 v4, v6;
	[tilespmem:v11+s6+$0x0] =	vst.idx.add.f32.msk $0xffff, v14  }
0x201: {  	v7 =	vadd.s32 v4, v7;
	v11 =	vmul.f32 v22, v13;
	v12 =	vld.idx.msk [tilespmem:v12+s3+$0x0], $0xffff  }
0x202: {  	[tilespmem:v19+s6+$0x0] =	vst.idx.add.f32.msk $0xffff, v23;
	s9 =	sshll.u32 s8, $0x1;
	v13 =	vadd.s32 v4, v24;
	v14 =	vmul.f32 v26, v29  }
0x203: {  	s9 =	smin.u32 s9, $0x4D;
	v10 =	vadd.s32 v4, v10;
	v8 =	vmul.f32 v8, v28;
	[tilespmem:v20+s6+$0x0] =	vst.idx.add.f32.msk $0xffff, v11  }
0x204: {  	s9 =	smul.u32 $0xFA0, s9;
	v9 =	vmul.f32 v9, v15;
	[tilespmem:v16+s6+$0x0] =	vst.idx.add.f32.msk $0xffff, v14  }
0x205: {  	[tilespmem:v6+s6+$0x0] =	vst.idx.add.f32.msk $0xffff, v8;
	v11 =	vmul.f32 v18, v21  }
0x206: {  	s9 =	sshrl.u32 s9, $0x3;
	[tilespmem:v7+s6+$0x0] =	vst.idx.add.f32.msk $0xffff, v9;
	v6 =	vmul.f32 v12, v17  }
0x207: {  	s9 =	sadd.s32 s4, s9;
	[tilespmem:v13+s6+$0x0] =	vst.idx.add.f32.msk $0xffff, v11  }
0x208: {  	s9 =	sadd.s32 $0x3E8, s9;
	[tilespmem:v10+s6+$0x0] =	vst.idx.add.f32.msk $0xffff, v6  }
0x209: {  	[tilespmem:s29], [sflag:$0x1] =	stream.linear.gather [hbm4b:s9+s3], $0xFA0, $0x38;
	[tilespmem:$0x1FB80] =	vst v63  }
0x20a: {  	_ =	swait.ge [sflag:s1], $0xFA0  }
0x20b: {  	[sflag:s1] =	ssyncset.done $0x0  }
0x20c: {  	s14 =	simm.s32 $0x1C120;
	[sflag:s1] =	ssyncadd.s32 $0xFFFFF060  }
0x20d: {  	v6 =	vld [tilespmem:s14+$0x20];
	_ =	sdelay $0x4  }
0x20e: {  	v7 =	vperm.xlane v6, v2;
	_ =	sdelay $0x1  }
0x20f: {  	v8 =	vand.u32 $0x3FFF, v7  }
0x210: {  	v9 =	vadd.s32 v0, v8;
	_ =	sdelay $0x2  }
0x211: {  	v10 =	vld [tilespmem:s14+$0xFFFFFFE0];
	_ =	sdelay $0x1  }
0x212: {  	v9 =	vld.idx.msk [tilespmem:v9+s3+$0x0], $0xffff  }
0x213: {  	v14 =	vld [tilespmem:s14+$0x0];
	v7 =	vshrl.u32 v7, $0xE  }
0x214: {  	v16 =	vld [tilespmem:s14+$0xFFFFFFF0];
	v11 =	vadd.s32 v0, v7  }
0x215: {  	v12 =	vld [tilespmem:s14+$0x10];
	v15 =	vperm.xlane v10, v2;
	vm0 =	veq.s32 v7, v8;
	v8 =	vadd.s32 v4, v8  }
0x216: {  	v13 =	vsel vm0, $0x0, v3  }
0x217: {  	v17 =	vand.u32 $0x3FFF, v15;
	v9 =	vmul.f32 v13, v9  }
0x218: {  	v19 =	vperm.xlane v14, v2;
	v18 =	vadd.s32 v0, v17  }
0x219: {  	v6 =	vperm.xlane v6, v5;
	v23 =	vperm.xlane v16, v2;
	[tilespmem:v11+s6+$0x0] =	vst.idx.add.f32.msk $0xffff, v9  }
0x21a: {  	v10 =	vperm.xlane v10, v5;
	v9 =	vperm.xlane v12, v2;
	v8 =	vld.idx.msk [tilespmem:v8+s3+$0x0], $0xffff  }
0x21b: {  	v14 =	vperm.xlane v14, v5;
	v16 =	vperm.xlane v16, v5  }
0x21c: {  	v21 =	vand.u32 $0x3FFF, v19;
	v7 =	vadd.s32 v4, v7;
	v20 =	vand.u32 $0x3FFF, v9  }
0x21d: {  	s9 =	simm.s32 $0x1C170;
	v25 =	vand.u32 $0x3FFF, v6;
	v27 =	vshrl.u32 v15, $0xE;
	v24 =	vld.idx.msk [tilespmem:v18+s3+$0x0], $0xffff;
	v22 =	vadd.s32 v0, v20  }
0x21e: {  	v55 =	vld [tilespmem:s9+$0x20];
	v29 =	vand.u32 $0x3FFF, v23;
	v26 =	vadd.s32 v0, v21;
	v12 =	vperm.xlane v12, v5  }
0x21f: {  	v15 =	vld [tilespmem:s9+$0xFFFFFFF0];
	v28 =	vadd.s32 v0, v27;
	v31 =	vadd.s32 v0, v29;
	v8 =	vmul.f32 v8, v13  }
0x220: {  	vm0 =	veq.s32 v27, v17;
	v11 =	vld [tilespmem:s9+$0x10];
	v30 =	vand.u32 $0x3FFF, v12;
	v18 =	vshrl.u32 v12, $0xE  }
0x221: {  	v13 =	vadd.s32 v0, v25;
	[tilespmem:v7+s6+$0x0] =	vst.idx.add.f32.msk $0xffff, v8;
	v7 =	vsel vm0, $0x0, v3;
	v8 =	vadd.s32 v4, v17  }
0x222: {  	v12 =	vld.idx.msk [tilespmem:v22+s3+$0x0], $0xffff;
	v17 =	vand.u32 $0x3FFF, v10;
	v22 =	vshrl.u32 v10, $0xE;
	v10 =	vmul.f32 v7, v24  }
0x223: {  	v19 =	vshrl.u32 v19, $0xE;
	v23 =	vshrl.u32 v23, $0xE;
	v9 =	vshrl.u32 v9, $0xE;
	v24 =	vld.idx.msk [tilespmem:v26+s3+$0x0], $0xffff  }
0x224: {  	v57 =	vshrl.u32 v6, $0xE;
	v59 =	vshrl.u32 v16, $0xE;
	[tilespmem:v28+s6+$0x0] =	vst.idx.add.f32.msk $0xffff, v10;
	v10 =	vadd.s32 v0, v9  }
0x225: {  	v53 =	vadd.s32 v4, v21;
	vm0 =	veq.s32 v9, v20;
	v26 =	vld.idx.msk [tilespmem:v31+s3+$0x0], $0xffff;
	v28 =	vadd.s32 v0, v19  }
0x226: {  	v20 =	vadd.s32 v4, v20;
	v31 =	vsel vm0, $0x0, v3;
	vm0 =	veq.s32 v19, v21;
	v21 =	vld [tilespmem:s9+$0xFFFFFFE0]  }
0x227: {  	v60 =	vand.u32 $0x3FFF, v16;
	v54 =	vsel vm0, $0x0, v3;
	v13 =	vld.idx.msk [tilespmem:v13+s3+$0x0], $0xffff;
	v12 =	vmul.f32 v31, v12  }
0x228: {  	v16 =	vperm.xlane v55, v2;
	v56 =	vadd.s32 v0, v23;
	v8 =	vld.idx.msk [tilespmem:v8+s3+$0x0], $0xffff;
	v6 =	vmul.f32 v54, v24  }
0x229: {  	vm3 =	veq.s32 v23, v29;
	v24 =	vadd.s32 v4, v29;
	[tilespmem:v10+s6+$0x0] =	vst.idx.add.f32.msk $0xffff, v12  }
0x22a: {  	vm4 =	veq.s32 v59, v60;
	v27 =	vadd.s32 v4, v27;
	v10 =	vsel vm3, $0x0, v3;
	[tilespmem:v28+s6+$0x0] =	vst.idx.add.f32.msk $0xffff, v6  }
0x22b: {  	v40 =	vadd.s32 v0, v59;
	v58 =	vadd.s32 v0, v17;
	v12 =	vld.idx.msk [tilespmem:v20+s3+$0x0], $0xffff;
	v26 =	vmul.f32 v10, v26  }
0x22c: {  	v34 =	vadd.s32 v4, v60;
	v36 =	vadd.s32 v4, v57;
	v20 =	vadd.s32 v0, v57;
	v29 =	vld.idx.msk [tilespmem:v53+s3+$0x0], $0xffff  }
0x22d: {  	vm0 =	veq.s32 v57, v25;
	v7 =	vmul.f32 v8, v7;
	[tilespmem:v56+s6+$0x0] =	vst.idx.add.f32.msk $0xffff, v26  }
0x22e: {  	vm2 =	veq.s32 v18, v30;
	v6 =	vadd.s32 v4, v25;
	v25 =	vsel vm0, $0x0, v3;
	v24 =	vld.idx.msk [tilespmem:v24+s3+$0x0], $0xffff  }
0x22f: {  	v9 =	vadd.s32 v4, v9;
	v13 =	vmul.f32 v25, v13;
	[tilespmem:v27+s6+$0x0] =	vst.idx.add.f32.msk $0xffff, v7  }
0x230: {  	vm2 =	vmmov vm2;
	vm1 =	veq.s32 v22, v17;
	v26 =	vadd.s32 v0, v30;
	v32 =	vld.idx.msk [tilespmem:v58+s3+$0x0], $0xffff  }
0x231: {  	v28 =	vshrl.u32 v14, $0xE;
	v7 =	vadd.s32 v4, v23;
	[tilespmem:v20+s6+$0x0] =	vst.idx.add.f32.msk $0xffff, v13;
	v13 =	vperm.xlane v11, v5  }
0x232: {  	v14 =	vand.u32 $0x3FFF, v14;
	v23 =	vadd.s32 v0, v60;
	v12 =	vmul.f32 v12, v31;
	v20 =	vld [tilespmem:s9+$0x0]  }
0x233: {  	v31 =	vld.idx.msk [tilespmem:v6+s3+$0x0], $0xffff;
	v8 =	vand.u32 $0x3FFF, v13;
	v6 =	vshrl.u32 v13, $0xE;
	v13 =	vadd.s32 v4, v19  }
0x234: {  	v61 =	vsel vm2, $0x0, v3;
	v27 =	vadd.s32 v0, v14;
	[tilespmem:v9+s6+$0x0] =	vst.idx.add.f32.msk $0xffff, v12;
	v10 =	vmul.f32 v24, v10  }
0x235: {  	vm0 =	veq.s32 v28, v14;
	v12 =	vperm.xlane v21, v5;
	v19 =	vld.idx.msk [tilespmem:v26+s3+$0x0], $0xffff;
	v26 =	vand.u32 $0x3FFF, v16  }
0x236: {  	vm3 =	vmmov vm1;
	v29 =	vmul.f32 v29, v54;
	v24 =	vadd.s32 v0, v26;
	[tilespmem:v7+s6+$0x0] =	vst.idx.add.f32.msk $0xffff, v10  }
0x237: {  	v9 =	vand.u32 $0x3FFF, v12;
	v10 =	vadd.s32 v0, v18;
	v7 =	vshrl.u32 v12, $0xE;
	v12 =	vld.idx.msk [tilespmem:v23+s3+$0x0], $0xffff  }
0x238: {  	v39 =	vsel vm3, $0x0, v3;
	v23 =	vadd.s32 v4, v30;
	v41 =	vmul.f32 v31, v25;
	[tilespmem:v13+s6+$0x0] =	vst.idx.add.f32.msk $0xffff, v29  }
0x239: {  	v42 =	vadd.s32 v4, v14;
	v21 =	vperm.xlane v21, v2;
	v30 =	vadd.s32 v0, v22;
	v62 =	vld.idx.msk [tilespmem:v27+s3+$0x0], $0xffff  }
0x23a: {  	v16 =	vshrl.u32 v16, $0xE;
	v29 =	vadd.s32 v4, v17;
	v13 =	vmul.f32 v61, v19;
	[tilespmem:v36+s6+$0x0] =	vst.idx.add.f32.msk $0xffff, v41  }
0x23b: {  	vm1 =	veq.s32 v6, v8;
	vm5 =	veq.s32 v16, v26;
	v32 =	vmul.f32 v39, v32;
	v24 =	vld.idx.msk [tilespmem:v24+s3+$0x0], $0xffff  }
0x23c: {  	v44 =	vadd.s32 v0, v16;
	v26 =	vadd.s32 v4, v26;
	[tilespmem:v10+s6+$0x0] =	vst.idx.add.f32.msk $0xffff, v13  }
0x23d: {  	vm2 =	veq.s32 v7, v9;
	v31 =	vadd.s32 v0, v28;
	v27 =	vsel vm4, $0x0, v3;
	v23 =	vld.idx.msk [tilespmem:v23+s3+$0x0], $0xffff  }
0x23e: {  	vm1 =	vmmov vm1;
	v19 =	vperm.xlane v20, v5;
	[tilespmem:v30+s6+$0x0] =	vst.idx.add.f32.msk $0xffff, v32;
	v14 =	vmul.f32 v27, v12  }
0x23f: {  	v25 =	vand.u32 $0x3FFF, v21;
	v17 =	vsel vm5, $0x0, v3;
	v13 =	vsel vm0, $0x0, v3;
	v43 =	vld.idx.msk [tilespmem:v29+s3+$0x0], $0xffff  }
0x240: {  	v10 =	vshrl.u32 v19, $0xE;
	v12 =	vand.u32 $0x3FFF, v19;
	[tilespmem:v40+s6+$0x0] =	vst.idx.add.f32.msk $0xffff, v14;
	v19 =	vmul.f32 v13, v62  }
0x241: {  	v32 =	vadd.s32 v0, v25;
	v30 =	vadd.s32 v4, v18;
	vm0 =	veq.s32 v10, v12;
	v29 =	vld.idx.msk [tilespmem:v34+s3+$0x0], $0xffff  }
0x242: {  	v14 =	vshrl.u32 v21, $0xE;
	v21 =	vadd.s32 v4, v28;
	v63 =	vmul.f32 v17, v24;
	[tilespmem:v31+s6+$0x0] =	vst.idx.add.f32.msk $0xffff, v19  }
0x243: {  	v28 =	vperm.xlane v15, v2;
	v19 =	vadd.s32 v4, v22;
	v31 =	vadd.s32 v4, v59;
	v22 =	vld.idx.msk [tilespmem:v42+s3+$0x0], $0xffff  }
0x244: {  	vm2 =	vmmov vm2;
	v24 =	vperm.xlane v15, v5;
	v34 =	vmul.f32 v23, v61;
	[tilespmem:v44+s6+$0x0] =	vst.idx.add.f32.msk $0xffff, v63  }
0x245: {  	s12 =	simm.s32 $0x5;
	vm3 =	veq.s32 v14, v25;
	v23 =	vmul.f32 v43, v39;
	v33 =	vld.idx.msk [tilespmem:v26+s3+$0x0], $0xffff;
	v26 =	vperm.xlane v55, v5  }
.LBB2_21:
0x246: {  	s12 =	sadd.s32 $0x5, s12;
	v32 =	vld.idx.msk [tilespmem:v32+s3+$0x0], $0xffff;
	v15 =	vshrl.u32 v24, $0xE;
	v35 =	vperm.xlane v11, v2;
	v11 =	vmul.f32 v29, v27  }
0x247: {  	v18 =	vperm.xlane v20, v2;
	p0 =	slt.u32 s12, $0xF5;
	v27 =	vshrl.u32 v28, $0xE;
	v20 =	vand.u32 $0x3FFF, v26;
	[tilespmem:v30+s6+$0x0] =	vst.idx.add.f32.msk $0xffff, v34  }
0x248: {  	v16 =	vadd.s32 v4, v16;
	v29 =	vand.u32 $0x3FFF, v35;
	[tilespmem:v31+s6+$0x0] =	vst.idx.add.f32.msk $0xffff, v11;
	v11 =	vmul.f32 v22, v13  }
0x249: {  	v13 =	vshrl.u32 v18, $0xE;
	v22 =	vand.u32 $0x3FFF, v18;
	v30 =	vadd.s32 v0, v29;
	[tilespmem:v19+s6+$0x0] =	vst.idx.add.f32.msk $0xffff, v23  }
0x24a: {  	s9 =	sadd.s32 $0x50, s9;
	v23 =	vsel vm3, $0x0, v3;
	v31 =	vadd.s32 v0, v22;
	v34 =	vadd.s32 v4, v22;
	[tilespmem:v21+s6+$0x0] =	vst.idx.add.f32.msk $0xffff, v11  }
0x24b: {  	vm4 =	veq.s32 v13, v22;
	v17 =	vmul.f32 v33, v17;
	v21 =	vadd.s32 v0, v20;
	v18 =	vld [tilespmem:s9+$0xFFFFFFF0]  }
0x24c: {  	v28 =	vand.u32 $0x3FFF, v28;
	v22 =	vadd.s32 v0, v14;
	v19 =	vshrl.u32 v26, $0xE;
	v11 =	vld [tilespmem:s9+$0x10]  }
0x24d: {  	v24 =	vand.u32 $0x3FFF, v24;
	vm5 =	veq.s32 v27, v28;
	v26 =	vadd.s32 v0, v28;
	[tilespmem:v16+s6+$0x0] =	vst.idx.add.f32.msk $0xffff, v17  }
0x24e: {  	vm3 =	veq.s32 v15, v24;
	vm6 =	veq.s32 v19, v20;
	v16 =	vadd.s32 v4, v25;
	v17 =	vld.idx.msk [tilespmem:v30+s3+$0x0], $0xffff  }
0x24f: {  	v25 =	vmul.f32 v23, v32;
	v30 =	vld.idx.msk [tilespmem:v31+s3+$0x0], $0xffff  }
0x250: {  	v31 =	vshrl.u32 v35, $0xE;
	v21 =	vld.idx.msk [tilespmem:v21+s3+$0x0], $0xffff  }
0x251: {  	vm7 =	veq.s32 v31, v29;
	[tilespmem:v22+s6+$0x0] =	vst.idx.add.f32.msk $0xffff, v25;
	v22 =	vadd.s32 v0, v31  }
0x252: {  	v29 =	vadd.s32 v4, v29;
	v25 =	vperm.xlane v11, v5;
	v32 =	vld.idx.msk [tilespmem:v26+s3+$0x0], $0xffff  }
0x253: {  	v35 =	vsel vm7, $0x0, v3;
	v33 =	vld.idx.msk [tilespmem:v16+s3+$0x0], $0xffff;
	v16 =	vadd.s32 v0, v13  }
0x254: {  	v38 =	vsel vm4, $0x0, v3;
	v37 =	vand.u32 $0x3FFF, v25;
	v17 =	vmul.f32 v35, v17;
	v36 =	vld [tilespmem:s9+$0xFFFFFFE0]  }
0x255: {  	v39 =	vshrl.u32 v25, $0xE;
	v25 =	vadd.s32 v0, v27;
	v30 =	vmul.f32 v38, v30;
	v26 =	vld [tilespmem:s9+$0x20]  }
0x256: {  	v28 =	vadd.s32 v4, v28;
	vm4 =	veq.s32 v39, v37;
	[tilespmem:v22+s6+$0x0] =	vst.idx.add.f32.msk $0xffff, v17  }
0x257: {  	v22 =	vsel vm5, $0x0, v3;
	v17 =	vld.idx.msk [tilespmem:v29+s3+$0x0], $0xffff;
	v29 =	vadd.s32 v0, v19  }
0x258: {  	v20 =	vadd.s32 v4, v20;
	v32 =	vmul.f32 v22, v32;
	[tilespmem:v16+s6+$0x0] =	vst.idx.add.f32.msk $0xffff, v30;
	v30 =	vsel vm6, $0x0, v3  }
0x259: {  	v14 =	vadd.s32 v4, v14;
	v40 =	vperm.xlane v36, v5;
	v34 =	vld.idx.msk [tilespmem:v34+s3+$0x0], $0xffff;
	v21 =	vmul.f32 v30, v21  }
0x25a: {  	v41 =	vperm.xlane v26, v2;
	[tilespmem:v25+s6+$0x0] =	vst.idx.add.f32.msk $0xffff, v32;
	v25 =	vadd.s32 v4, v31  }
0x25b: {  	v42 =	vadd.s32 v0, v8;
	v32 =	vadd.s32 v0, v9;
	v31 =	vand.u32 $0x3FFF, v40;
	v28 =	vld.idx.msk [tilespmem:v28+s3+$0x0], $0xffff  }
0x25c: {  	v23 =	vmul.f32 v33, v23;
	v16 =	vshrl.u32 v41, $0xE;
	v41 =	vand.u32 $0x3FFF, v41;
	[tilespmem:v29+s6+$0x0] =	vst.idx.add.f32.msk $0xffff, v21  }
0x25d: {  	v33 =	vshrl.u32 v40, $0xE;
	v21 =	vmul.f32 v17, v35;
	vm5 =	veq.s32 v16, v41;
	v29 =	vld.idx.msk [tilespmem:v20+s3+$0x0], $0xffff  }
0x25e: {  	v17 =	vsel vm5, $0x0, v3;
	[tilespmem:v14+s6+$0x0] =	vst.idx.add.f32.msk $0xffff, v23;
	v14 =	vadd.s32 v4, v27;
	v23 =	vadd.s32 v0, v24  }
0x25f: {  	v13 =	vadd.s32 v4, v13;
	vm5 =	veq.s32 v33, v31;
	[tilespmem:v25+s6+$0x0] =	vst.idx.add.f32.msk $0xffff, v21  }
0x260: {  	v21 =	vadd.s32 v0, v12;
	v25 =	vld.idx.msk [tilespmem:v42+s3+$0x0], $0xffff  }
0x261: {  	v22 =	vmul.f32 v28, v22;
	v28 =	vmul.f32 v34, v38;
	v27 =	vld.idx.msk [tilespmem:v32+s3+$0x0], $0xffff  }
0x262: {  	v32 =	vadd.s32 v0, v41;
	v20 =	vld [tilespmem:s9+$0x0]  }
0x263: {  	[tilespmem:v14+s6+$0x0] =	vst.idx.add.f32.msk $0xffff, v22;
	v14 =	vadd.s32 v0, v6  }
0x264: {  	v35 =	vmul.f32 v29, v30;
	v22 =	vld.idx.msk [tilespmem:v23+s3+$0x0], $0xffff;
	v23 =	vadd.s32 v4, v8;
	v8 =	vmov v37  }
0x265: {  	v29 =	vadd.s32 v0, v7;
	v30 =	vadd.s32 v4, v9;
	[tilespmem:v13+s6+$0x0] =	vst.idx.add.f32.msk $0xffff, v28;
	v28 =	vsel vm1, $0x0, v3  }
0x266: {  	v34 =	vadd.s32 v4, v12;
	v9 =	vmovc v31;
	v37 =	vsel vm2, $0x0, v3;
	v21 =	vld.idx.msk [tilespmem:v21+s3+$0x0], $0xffff;
	v12 =	vmul.f32 v28, v25  }
0x267: {  	v25 =	vmul.f32 v37, v27;
	v13 =	vperm.xlane v20, v5;
	v31 =	vld.idx.msk [tilespmem:v32+s3+$0x0], $0xffff;
	v32 =	vadd.s32 v0, v15  }
0x268: {  	v24 =	vadd.s32 v4, v24;
	v38 =	vadd.s32 v0, v10;
	vm1 =	vmmov vm4;
	[tilespmem:v14+s6+$0x0] =	vst.idx.add.f32.msk $0xffff, v12  }
0x269: {  	v27 =	vsel vm3, $0x0, v3;
	v40 =	vshrl.u32 v13, $0xE;
	v12 =	vand.u32 $0x3FFF, v13;
	v23 =	vld.idx.msk [tilespmem:v23+s3+$0x0], $0xffff  }
0x26a: {  	v14 =	vmul.f32 v27, v22;
	v13 =	vsel vm0, $0x0, v3;
	[tilespmem:v29+s6+$0x0] =	vst.idx.add.f32.msk $0xffff, v25;
	vm0 =	veq.s32 v40, v12  }
0x26b: {  	v43 =	vadd.s32 v4, v19;
	v22 =	vperm.xlane v36, v2;
	v36 =	vadd.s32 v0, v16;
	v42 =	vld.idx.msk [tilespmem:v30+s3+$0x0], $0xffff  }
0x26c: {  	vm2 =	vmmov vm5;
	v19 =	vmul.f32 v13, v21;
	[tilespmem:v32+s6+$0x0] =	vst.idx.add.f32.msk $0xffff, v14  }
0x26d: {  	v41 =	vadd.s32 v4, v41;
	v25 =	vand.u32 $0x3FFF, v22;
	v44 =	vmul.f32 v17, v31;
	v29 =	vld.idx.msk [tilespmem:v24+s3+$0x0], $0xffff  }
.Ltmp9:
0x26e: {  	v30 =	vadd.s32 v4, v6;
	v14 =	vshrl.u32 v22, $0xE;
	v32 =	vadd.s32 v0, v25;
	[tilespmem:v38+s6+$0x0] =	vst.idx.add.f32.msk $0xffff, v19;
	(pc) =	sbr.rel @p0 .LBB2_21-.Ltmp9, $4  }
0x26f: {  	vm3 =	veq.s32 v14, v25;
	v19 =	vadd.s32 v4, v7;
	v22 =	vld.idx.msk [tilespmem:v34+s3+$0x0], $0xffff;
	v34 =	vmul.f32 v23, v28  }
0x270: {  	v21 =	vadd.s32 v4, v10;
	v6 =	vmov v39;
	v31 =	vadd.s32 v4, v15;
	[tilespmem:v43+s6+$0x0] =	vst.idx.add.f32.msk $0xffff, v35  }
0x271: {  	v24 =	vperm.xlane v18, v5;
	v7 =	vmov v33;
	v23 =	vmul.f32 v42, v37;
	[tilespmem:v36+s6+$0x0] =	vst.idx.add.f32.msk $0xffff, v44  }
0x272: {  	v26 =	vperm.xlane v26, v5;
	v10 =	vmov v40;
	v28 =	vperm.xlane v18, v2;
	v33 =	vld.idx.msk [tilespmem:v41+s3+$0x0], $0xffff  }
0x273: {  	_ = 	snop  }
0x274: {  	v11 =	vperm.xlane v11, v2  }
0x275: {  	v41 =	vand.u32 $0x3FFF, v28  }
0x276: {  	v18 =	vand.u32 $0x3FFF, v11;
	v42 =	vadd.s32 v0, v41  }
0x277: {  	v32 =	vld.idx.msk [tilespmem:v32+s3+$0x0], $0xffff;
	v35 =	vadd.s32 v0, v18  }
0x278: {  	v15 =	vperm.xlane v20, v2;
	v27 =	vmul.f32 v29, v27;
	v16 =	vadd.s32 v4, v16  }
0x279: {  	[tilespmem:v30+s6+$0x0] =	vst.idx.add.f32.msk $0xffff, v34;
	v44 =	vadd.s32 v0, v14;
	v43 =	vand.u32 $0x3FFF, v26  }
0x27a: {  	v20 =	vand.u32 $0x3FFF, v15;
	[tilespmem:v31+s6+$0x0] =	vst.idx.add.f32.msk $0xffff, v27;
	v46 =	vadd.s32 v0, v43  }
0x27b: {  	v48 =	vsel vm3, $0x0, v3;
	v36 =	vadd.s32 v0, v20;
	v17 =	vmul.f32 v33, v17;
	v27 =	vld.idx.msk [tilespmem:v42+s3+$0x0], $0xffff  }
0x27c: {  	v25 =	vadd.s32 v4, v25;
	v52 =	vshrl.u32 v28, $0xE;
	v50 =	vmul.f32 v48, v32;
	v45 =	vld.idx.msk [tilespmem:v35+s3+$0x0], $0xffff  }
0x27d: {  	v11 =	vshrl.u32 v11, $0xE;
	v57 =	vadd.s32 v0, v52;
	vm13 =	veq.s32 v52, v41;
	[tilespmem:v16+s6+$0x0] =	vst.idx.add.f32.msk $0xffff, v17  }
0x27e: {  	v29 =	vadd.s32 v4, v41;
	v49 =	vadd.s32 v0, v11;
	[tilespmem:v44+s6+$0x0] =	vst.idx.add.f32.msk $0xffff, v50  }
0x27f: {  	vm12 =	veq.s32 v11, v18;
	v53 =	vadd.s32 v4, v18;
	v58 =	vsel vm13, $0x0, v3;
	v56 =	vld.idx.msk [tilespmem:v46+s3+$0x0], $0xffff  }
0x280: {  	v37 =	vsel vm12, $0x0, v3;
	v16 =	vshrl.u32 v26, $0xE;
	v47 =	vld.idx.msk [tilespmem:v36+s3+$0x0], $0xffff;
	v27 =	vmul.f32 v58, v27  }
0x281: {  	v15 =	vshrl.u32 v15, $0xE;
	v59 =	vadd.s32 v0, v16;
	v25 =	vld.idx.msk [tilespmem:v25+s3+$0x0], $0xffff;
	v55 =	vmul.f32 v37, v45  }
0x282: {  	v51 =	vadd.s32 v0, v15;
	vm14 =	veq.s32 v16, v43;
	[tilespmem:v57+s6+$0x0] =	vst.idx.add.f32.msk $0xffff, v27  }
0x283: {  	v63 =	vadd.s32 v4, v14;
	vm4 =	veq.s32 v15, v20;
	v32 =	vsel vm14, $0x0, v3;
	[tilespmem:v49+s6+$0x0] =	vst.idx.add.f32.msk $0xffff, v55  }
0x284: {  	v20 =	vadd.s32 v4, v20;
	v54 =	vsel vm4, $0x0, v3;
	v61 =	vmul.f32 v32, v56;
	v29 =	vld.idx.msk [tilespmem:v29+s3+$0x0], $0xffff  }
0x285: {  	v38 =	vadd.s32 v0, v9;
	v35 =	vmul.f32 v54, v47;
	v17 =	vld.idx.msk [tilespmem:v53+s3+$0x0], $0xffff  }
0x286: {  	v28 =	vadd.s32 v4, v52;
	v25 =	vmul.f32 v25, v48;
	[tilespmem:v59+s6+$0x0] =	vst.idx.add.f32.msk $0xffff, v61  }
0x287: {  	v39 =	vand.u32 $0x3FFF, v24;
	v11 =	vadd.s32 v4, v11;
	[tilespmem:v51+s6+$0x0] =	vst.idx.add.f32.msk $0xffff, v35  }
0x288: {  	v40 =	vadd.s32 v0, v39;
	[tilespmem:v63+s6+$0x0] =	vst.idx.add.f32.msk $0xffff, v25  }
0x289: {  	v62 =	vadd.s32 v0, v8;
	v20 =	vld.idx.msk [tilespmem:v20+s3+$0x0], $0xffff;
	v44 =	vmul.f32 v29, v58  }
0x28a: {  	v60 =	vadd.s32 v4, v43;
	v25 =	vld.idx.msk [tilespmem:v38+s3+$0x0], $0xffff;
	v17 =	vmul.f32 v17, v37  }
0x28b: {  	v41 =	vadd.s32 v4, v15;
	[tilespmem:v28+s6+$0x0] =	vst.idx.add.f32.msk $0xffff, v44  }
0x28c: {  	v43 =	vadd.s32 v0, v12;
	[tilespmem:v11+s6+$0x0] =	vst.idx.add.f32.msk $0xffff, v17  }
0x28d: {  	v47 =	vadd.s32 v0, v7;
	v17 =	vld.idx.msk [tilespmem:v40+s3+$0x0], $0xffff  }
0x28e: {  	v50 =	vadd.s32 v4, v9;
	v49 =	vshrl.u32 v24, $0xE;
	v18 =	vmul.f32 v20, v54;
	v42 =	vld.idx.msk [tilespmem:v62+s3+$0x0], $0xffff  }
0x28f: {  	v52 =	vsel vm2, $0x0, v3;
	v45 =	vadd.s32 v0, v6;
	v27 =	vld.idx.msk [tilespmem:v60+s3+$0x0], $0xffff;
	v53 =	vadd.s32 v0, v49  }
0x290: {  	vm15 =	veq.s32 v49, v39;
	v25 =	vmul.f32 v52, v25;
	[tilespmem:v41+s6+$0x0] =	vst.idx.add.f32.msk $0xffff, v18  }
0x291: {  	v56 =	vsel vm15, $0x0, v3;
	v54 =	vadd.s32 v4, v39;
	v14 =	vld.idx.msk [tilespmem:v43+s3+$0x0], $0xffff  }
0x292: {  	v46 =	vadd.s32 v4, v8;
	v48 =	vsel vm1, $0x0, v3;
	[tilespmem:v47+s6+$0x0] =	vst.idx.add.f32.msk $0xffff, v25;
	v17 =	vmul.f32 v56, v17  }
0x293: {  	v55 =	vadd.s32 v0, v10;
	v9 =	vld.idx.msk [tilespmem:v50+s3+$0x0], $0xffff;
	v51 =	vmul.f32 v48, v42  }
0x294: {  	v57 =	vadd.s32 v4, v12;
	[tilespmem:v53+s6+$0x0] =	vst.idx.add.f32.msk $0xffff, v17  }
0x295: {  	v58 =	vsel vm0, $0x0, v3;
	[tilespmem:v45+s6+$0x0] =	vst.idx.add.f32.msk $0xffff, v51  }
0x296: {  	v14 =	vmul.f32 v58, v14;
	v17 =	vld.idx.msk [tilespmem:v54+s3+$0x0], $0xffff  }
0x297: {  	v16 =	vadd.s32 v4, v16;
	v8 =	vld.idx.msk [tilespmem:v46+s3+$0x0], $0xffff  }
0x298: {  	v7 =	vadd.s32 v4, v7;
	[tilespmem:v55+s6+$0x0] =	vst.idx.add.f32.msk $0xffff, v14  }
0x299: {  	v6 =	vadd.s32 v4, v6;
	v59 =	vmul.f32 v22, v13;
	v12 =	vld.idx.msk [tilespmem:v57+s3+$0x0], $0xffff  }
0x29a: {  	[tilespmem:v19+s6+$0x0] =	vst.idx.add.f32.msk $0xffff, v23;
	s8 =	sadd.s32 $0x1, s8;
	v60 =	vadd.s32 v4, v49;
	v61 =	vmul.f32 v27, v32  }
0x29b: {  	p0 =	sne.s32 s8, $0x28;
	[tilespmem:v21+s6+$0x0] =	vst.idx.add.f32.msk $0xffff, v59;
	v62 =	vadd.s32 v4, v10;
	v9 =	vmul.f32 v9, v52  }
.Ltmp10:
0x29c: {  	[tilespmem:v16+s6+$0x0] =	vst.idx.add.f32.msk $0xffff, v61;
	v8 =	vmul.f32 v8, v48;
	(pc) =	sbr.rel @p0 .LBB2_18-.Ltmp10, $4  }
0x29d: {  	[tilespmem:v7+s6+$0x0] =	vst.idx.add.f32.msk $0xffff, v9;
	v63 =	vmul.f32 v17, v56  }
0x29e: {  	[tilespmem:v6+s6+$0x0] =	vst.idx.add.f32.msk $0xffff, v8;
	v6 =	vmul.f32 v12, v58  }
0x29f: {  	[tilespmem:v60+s6+$0x0] =	vst.idx.add.f32.msk $0xffff, v63  }
0x2a0: {  	[tilespmem:v62+s6+$0x0] =	vst.idx.add.f32.msk $0xffff, v6  }
0x2a1: {  	_ =	swait.ge [sflag:s31], $0xFA0  }
0x2a2: {  	[sflag:s31] =	ssyncset.done $0x0  }
0x2a3: {  	s8 =	simm.s32 $0x0;
	[sflag:s31] =	ssyncadd.s32 $0xFFFFF060  }
0x2a4: {  	v8 =	vld [tilespmem:s8+$0x9C80]  }
0x2a5: {  	v9 =	vld [tilespmem:s8+$0xC398]  }
0x2a6: {  	v11 =	vld [tilespmem:s8+$0xEAB0]  }
0x2a7: {  	v12 =	vld [tilespmem:s8+$0x111C8]  }
0x2a8: {  	v14 =	vld [tilespmem:s8+$0x9C90]  }
0x2a9: {  	[tilespmem:s8+$0x9C80] =	vst v1;
	v15 =	vld [tilespmem:s8+$0xC3A8]  }
0x2aa: {  	[tilespmem:s8+$0xC398] =	vst v1;
	v16 =	vld [tilespmem:s8+$0x16100]  }
0x2ab: {  	[tilespmem:s8+$0xEAB0] =	vst v1;
	v6 =	vld [tilespmem:s8+$0xEAC0]  }
0x2ac: {  	[tilespmem:s8+$0x111C8] =	vst v1;
	v13 =	vld [tilespmem:s8+$0x16110]  }
0x2ad: {  	[tilespmem:s8+$0x9C90] =	vst v1;
	v7 =	vld [tilespmem:s8+$0x111D8]  }
0x2ae: {  	[tilespmem:s8+$0xC3A8] =	vst v1  }
0x2af: {  	[tilespmem:s8+$0xEAC0] =	vst v1;
	v17 =	vmul.f32 v8, v16;
	v10 =	vmul.f32 v9, v16  }
0x2b0: {  	[tilespmem:s8+$0x111D8] =	vst v1;
	v9 =	vmul.f32 v11, v16;
	v8 =	vmul.f32 v12, v16  }
0x2b1: {  	s9 =	simm.s32 $0x20;
	s12 =	simm.s32 $0x100;
	v12 =	vmul.f32 v14, v13;
	v11 =	vmul.f32 v15, v13;
	[tilespmem:s8+$0x0] =	vst v17  }
.LBB2_24:
0x2b2: {  	p0 =	sne.s32 s12, $0x9B80;
	v14 =	vld [tilespmem:s9+$0x9C80];
	[tilespmem:s9+$0x9C80] =	vst v1;
	v15 =	vmul.f32 v6, v13;
	v16 =	vmul.f32 v7, v13  }
0x2b3: {  	v17 =	vld [tilespmem:s9+$0xC398];
	[tilespmem:s9+$0xC398] =	vst v1  }
0x2b4: {  	v18 =	vld [tilespmem:s9+$0xEAB0];
	[tilespmem:s9+$0xEAB0] =	vst v1  }
0x2b5: {  	v19 =	vld [tilespmem:s9+$0x111C8];
	[tilespmem:s9+$0x111C8] =	vst v1  }
0x2b6: {  	v20 =	vld [tilespmem:s9+$0x9C90];
	[tilespmem:s9+$0x9C90] =	vst v1  }
0x2b7: {  	v21 =	vld [tilespmem:s9+$0xC3A8];
	[tilespmem:s9+$0xC3A8] =	vst v1  }
0x2b8: {  	v6 =	vld [tilespmem:s9+$0xEAC0];
	[tilespmem:s9+$0xEAC0] =	vst v1  }
0x2b9: {  	v7 =	vld [tilespmem:s9+$0x111D8];
	[tilespmem:s9+$0x111D8] =	vst v1  }
0x2ba: {  	v22 =	vld [tilespmem:s9+$0x16100];
	[tilespmem:s8+$0x2718] =	vst v10  }
0x2bb: {  	v13 =	vld [tilespmem:s9+$0x16110];
	[tilespmem:s8+$0x4E30] =	vst v9  }
0x2bc: {  	[tilespmem:s8+$0x7548] =	vst v8  }
.Ltmp11:
0x2bd: {  	[tilespmem:s8+$0x10] =	vst v12;
	(pc) =	sbr.rel @p0 .LBB2_24-.Ltmp11, $4  }
0x2be: {  	[tilespmem:s8+$0x2728] =	vst v11  }
0x2bf: {  	v11 =	vmul.f32 v14, v22;
	v10 =	vmul.f32 v17, v22;
	[tilespmem:s8+$0x4E40] =	vst v15  }
0x2c0: {  	v9 =	vmul.f32 v18, v22;
	v8 =	vmul.f32 v19, v22;
	[tilespmem:s8+$0x7558] =	vst v16;
	s8 =	smov.u32 s9  }
0x2c1: {  	s9 =	sshra.s32 s12, $0x2;
	s12 =	sadd.s32 $0x80, s12;
	v12 =	vmul.f32 v20, v13;
	[tilespmem:s8+$0x0] =	vst v11;
	v11 =	vmul.f32 v21, v13  }
0x2c2: {  	v14 =	vld [tilespmem:s9+$0x9C80];
	[tilespmem:s9+$0x9C80] =	vst v1  }
0x2c3: {  	v15 =	vld [tilespmem:s9+$0xC398];
	[tilespmem:s9+$0xC398] =	vst v1  }
0x2c4: {  	v16 =	vld [tilespmem:s9+$0xEAB0];
	[tilespmem:s9+$0xEAB0] =	vst v1  }
0x2c5: {  	v17 =	vld [tilespmem:s9+$0x111C8];
	[tilespmem:s9+$0x111C8] =	vst v1  }
0x2c6: {  	v18 =	vld [tilespmem:s9+$0x9C90];
	[tilespmem:s9+$0x9C90] =	vst v1  }
0x2c7: {  	v19 =	vld [tilespmem:s9+$0xC3A8];
	[tilespmem:s9+$0xC3A8] =	vst v1  }
0x2c8: {  	v20 =	vld [tilespmem:s9+$0xEAC0];
	[tilespmem:s9+$0xEAC0] =	vst v1  }
0x2c9: {  	v21 =	vld [tilespmem:s9+$0x111D8];
	[tilespmem:s9+$0x111D8] =	vst v1  }
0x2ca: {  	v22 =	vld [tilespmem:s9+$0x16100];
	[tilespmem:s8+$0x2718] =	vst v10  }
0x2cb: {  	v10 =	vld [tilespmem:s9+$0x16110];
	[tilespmem:s8+$0x4E30] =	vst v9  }
0x2cc: {  	[tilespmem:s8+$0x7548] =	vst v8  }
0x2cd: {  	v6 =	vmul.f32 v6, v13;
	[tilespmem:s8+$0x10] =	vst v12  }
0x2ce: {  	v7 =	vmul.f32 v7, v13;
	[tilespmem:s8+$0x2728] =	vst v11  }
0x2cf: {  	[tilespmem:s8+$0x4E40] =	vst v6;
	v8 =	vmul.f32 v14, v22  }
0x2d0: {  	[tilespmem:s8+$0x7558] =	vst v7;
	v6 =	vmul.f32 v15, v22  }
0x2d1: {  	v7 =	vmul.f32 v16, v22;
	[tilespmem:s9+$0x0] =	vst v8  }
0x2d2: {  	v8 =	vmul.f32 v17, v22;
	[tilespmem:s9+$0x2718] =	vst v6  }
0x2d3: {  	v6 =	vmul.f32 v18, v10;
	[tilespmem:s9+$0x4E30] =	vst v7  }
0x2d4: {  	v7 =	vmul.f32 v19, v10;
	[tilespmem:s9+$0x7548] =	vst v8  }
0x2d5: {  	v8 =	vmul.f32 v20, v10;
	[tilespmem:s9+$0x10] =	vst v6  }
0x2d6: {  	v6 =	vmul.f32 v21, v10;
	[tilespmem:s9+$0x2728] =	vst v7  }
0x2d7: {  	[tilespmem:s9+$0x4E40] =	vst v8  }
0x2d8: {  	[tilespmem:s9+$0x7558] =	vst v6  }
0x2d9: {  	v6 =	vld [tilespmem:$0x18800]  }
0x2da: {  	v7 =	vld [tilespmem:$0xC380];
	_ =	sdelay $0x1  }
0x2db: {  	v8 =	vld [tilespmem:$0xEA98];
	_ =	sdelay $0x1  }
0x2dc: {  	v9 =	vld [tilespmem:$0x111B0]  }
0x2dd: {  	v10 =	vld [tilespmem:$0x138C8];
	[tilespmem:$0xC380] =	vst v1;
	v7 =	vmul.f32 v7, v6  }
0x2de: {  	[tilespmem:$0xEA98] =	vst v1  }
0x2df: {  	[tilespmem:$0x2700] =	vst v7;
	v7 =	vmul.f32 v8, v6  }
0x2e0: {  	[tilespmem:$0x111B0] =	vst v1  }
0x2e1: {  	[tilespmem:$0x4E18] =	vst v7;
	v7 =	vmul.f32 v9, v6  }
0x2e2: {  	[tilespmem:$0x138C8] =	vst v1;
	v6 =	vmul.f32 v10, v6  }
0x2e3: {  	[tilespmem:$0x7530] =	vst v7  }
0x2e4: {  	s14 =	simm.s32 $0x0;
	[tilespmem:$0x9C48] =	vst v6  }
0x2e5: {  	[hbm4b:s16+s14] =	stream.linear.scatter [tilespmem:s14], [sflag:$0x4], $0x2710, $0x38;
	[tilespmem:$0x1FB80] =	vst v63  }
0x2e6: {  	_ =	swait.ge [sflag:s2], $0x2710  }
0x2e7: {  	[sflag:s2] =	ssyncset.done $0x0  }
0x2e8: {  	[sflag:s2] =	ssyncadd.s32 $0xFFFFD8F0  }
0x2e9: {  	[hbm4b:s17+s14] =	stream.linear.scatter [tilespmem:s25], [sflag:$0x4], $0x2710, $0x38;
	[tilespmem:$0x1FB80] =	vst v63  }
0x2ea: {  	_ =	swait.ge [sflag:s2], $0x2710  }
0x2eb: {  	[sflag:s2] =	ssyncset.done $0x0  }
0x2ec: {  	[sflag:s2] =	ssyncadd.s32 $0xFFFFD8F0  }
0x2ed: {  	[hbm4b:s18+s14] =	stream.linear.scatter [tilespmem:s26], [sflag:$0x4], $0x2710, $0x38;
	[tilespmem:$0x1FB80] =	vst v63  }
0x2ee: {  	_ =	swait.ge [sflag:s2], $0x2710  }
0x2ef: {  	[sflag:s2] =	ssyncset.done $0x0  }
0x2f0: {  	[sflag:s2] =	ssyncadd.s32 $0xFFFFD8F0  }
0x2f1: {  	[hbm4b:s19+s14] =	stream.linear.scatter [tilespmem:s28], [sflag:$0x4], $0x2710, $0x38;
	[tilespmem:$0x1FB80] =	vst v63  }
0x2f2: {  	_ =	swait.ge [sflag:s2], $0x2710  }
0x2f3: {  	[sflag:s2] =	ssyncset.done $0x0  }
0x2f4: {  	s8 =	simm.s32 $0x0;
	[sflag:s2] =	ssyncadd.s32 $0xFFFFD8F0  }
0x2f5: {  	v7 =	vld [tilespmem:s8+$0x16100]  }
0x2f6: {  	v6 =	vld [tilespmem:s8+$0x16110]  }
0x2f7: {  	v10 =	vld [tilespmem:s8+$0x0]  }
0x2f8: {  	v13 =	vld [tilespmem:s8+$0x2718]  }
0x2f9: {  	v12 =	vld [tilespmem:s8+$0x4E30]  }
0x2fa: {  	v11 =	vld [tilespmem:s8+$0x7548]  }
0x2fb: {  	v8 =	vld [tilespmem:s8+$0x10]  }
0x2fc: {  	v9 =	vld [tilespmem:s8+$0x2728];
	v14 =	vmul.f32 v10, v7  }
0x2fd: {  	s9 =	simm.s32 $0x80;
	v13 =	vmul.f32 v13, v7;
	v10 =	vld [tilespmem:s8+$0x4E40]  }
.LBB2_26:
0x2fe: {  	s12 =	sshra.s32 s9, $0x2;
	p0 =	sne.s32 s9, $0x9B80;
	[tilespmem:s8+$0x0] =	vst v14;
	v12 =	vmul.f32 v12, v7;
	v14 =	vld [tilespmem:s8+$0x7558]  }
0x2ff: {  	[tilespmem:s8+$0x2718] =	vst v13;
	v11 =	vmul.f32 v11, v7;
	v7 =	vld [tilespmem:s12+$0x16100]  }
0x300: {  	v13 =	vld [tilespmem:s12+$0x16110];
	[tilespmem:s8+$0x4E30] =	vst v12;
	v8 =	vmul.f32 v8, v6  }
0x301: {  	v15 =	vld [tilespmem:s12+$0x0];
	[tilespmem:s8+$0x7548] =	vst v11;
	v9 =	vmul.f32 v9, v6  }
0x302: {  	v16 =	vld [tilespmem:s12+$0x2718];
	[tilespmem:s8+$0x10] =	vst v8;
	v8 =	vmul.f32 v10, v6  }
.Ltmp12:
0x303: {  	v12 =	vld [tilespmem:s12+$0x4E30];
	[tilespmem:s8+$0x2728] =	vst v9;
	v9 =	vmul.f32 v14, v6;
	(pc) =	sbr.rel @p0 .LBB2_26-.Ltmp12, $4  }
0x304: {  	v11 =	vld [tilespmem:s12+$0x7548];
	[tilespmem:s8+$0x4E40] =	vst v8  }
0x305: {  	v8 =	vld [tilespmem:s12+$0x10];
	[tilespmem:s8+$0x7558] =	vst v9;
	v6 =	vmov v13;
	s8 =	smov.u32 s12  }
0x306: {  	v14 =	vmul.f32 v15, v7;
	v9 =	vld [tilespmem:s8+$0x2728]  }
0x307: {  	s9 =	sadd.s32 $0x80, s9;
	v13 =	vmul.f32 v16, v7;
	v10 =	vld [tilespmem:s8+$0x4E40]  }
0x308: {  	[tilespmem:s8+$0x0] =	vst v14;
	v12 =	vmul.f32 v12, v7;
	v60 =	vld [tilespmem:s8+$0x7558]  }
0x309: {  	[tilespmem:s8+$0x2718] =	vst v13;
	v7 =	vmul.f32 v11, v7  }
0x30a: {  	[tilespmem:s8+$0x4E30] =	vst v12;
	v8 =	vmul.f32 v8, v6  }
0x30b: {  	[tilespmem:s8+$0x7548] =	vst v7;
	v7 =	vmul.f32 v9, v6  }
0x30c: {  	[tilespmem:s8+$0x10] =	vst v8;
	v61 =	vmul.f32 v10, v6  }
0x30d: {  	[tilespmem:s8+$0x2728] =	vst v7;
	v6 =	vmul.f32 v60, v6  }
0x30e: {  	[tilespmem:s8+$0x4E40] =	vst v61  }
0x30f: {  	[tilespmem:s8+$0x7558] =	vst v6  }
0x310: {  	v6 =	vld [tilespmem:$0x18800]  }
0x311: {  	v7 =	vld [tilespmem:$0x2700]  }
0x312: {  	v8 =	vld [tilespmem:$0x4E18]  }
0x313: {  	v62 =	vld [tilespmem:$0x7530]  }
0x314: {  	v63 =	vld [tilespmem:$0x9C48];
	_ =	sdelay $0x1  }
0x315: {  	v7 =	vmul.f32 v7, v6  }
0x316: {  	v8 =	vmul.f32 v8, v6  }
0x317: {  	[tilespmem:$0x2700] =	vst v7;
	v7 =	vmul.f32 v62, v6  }
0x318: {  	[tilespmem:$0x4E18] =	vst v8;
	v6 =	vmul.f32 v63, v6  }
0x319: {  	[tilespmem:$0x7530] =	vst v7  }
0x31a: {  	s8 =	simm.s32 $0x0;
	[tilespmem:$0x9C48] =	vst v6  }
0x31b: {  	[tilespmem:s29], [sflag:$0x1] =	stream.linear.gather [hbm4b:s4+s8], $0xFA0, $0x38;
	[tilespmem:$0x1FB80] =	vst v63  }
.LBB2_28:
0x31c: {  	s9 =	smul.u32 $0x3E8, s8;
	_ =	sdelay $0x1  }
0x31d: {  	s9 =	sadd.s32 s9, s15  }
0x31e: {  	[tilespmem:s30], [sflag:$0x2] =	stream.linear.gather [hbm4b:s9+s3], $0xFA0, $0x38;
	[tilespmem:$0x1FB80] =	vst v63  }
0x31f: {  	_ =	swait.ge [sflag:s31], $0xFA0  }
0x320: {  	[sflag:s31] =	ssyncset.done $0x0  }
0x321: {  	s14 =	simm.s32 $0x1B120;
	[sflag:s31] =	ssyncadd.s32 $0xFFFFF060  }
0x322: {  	v6 =	vld [tilespmem:s14+$0x20];
	_ =	sdelay $0x4  }
0x323: {  	v7 =	vperm.xlane v6, v2;
	_ =	sdelay $0x1  }
0x324: {  	v8 =	vand.u32 $0x3FFF, v7  }
0x325: {  	v9 =	vadd.s32 v0, v8;
	_ =	sdelay $0x3  }
0x326: {  	v10 =	vld [tilespmem:s14+$0xFFFFFFE0]  }
0x327: {  	v9 =	vld.idx.msk [tilespmem:v9+s3+$0x0], $0xffff  }
0x328: {  	v7 =	vshrl.u32 v7, $0xE  }
0x329: {  	v14 =	vld [tilespmem:s14+$0x0];
	v11 =	vadd.s32 v0, v7  }
0x32a: {  	v16 =	vld [tilespmem:s14+$0xFFFFFFF0];
	vm0 =	veq.s32 v7, v8;
	v8 =	vadd.s32 v4, v8  }
0x32b: {  	v12 =	vld [tilespmem:s14+$0x10];
	v15 =	vperm.xlane v10, v2;
	v13 =	vsel vm0, $0x0, v3  }
0x32c: {  	v9 =	vmul.f32 v13, v9  }
0x32d: {  	v17 =	vand.u32 $0x3FFF, v15  }
0x32e: {  	v19 =	vperm.xlane v14, v2;
	v18 =	vadd.s32 v0, v17;
	[tilespmem:v11+s6+$0x0] =	vst.idx.add.f32.msk $0xffff, v9  }
0x32f: {  	v6 =	vperm.xlane v6, v5;
	v23 =	vperm.xlane v16, v2;
	v8 =	vld.idx.msk [tilespmem:v8+s3+$0x0], $0xffff  }
0x330: {  	v10 =	vperm.xlane v10, v5;
	v9 =	vperm.xlane v12, v2  }
0x331: {  	s9 =	simm.s32 $0x1B170;
	v14 =	vperm.xlane v14, v5;
	v21 =	vand.u32 $0x3FFF, v19;
	v7 =	vadd.s32 v4, v7  }
0x332: {  	v32 =	vld [tilespmem:s9+$0xFFFFFFE0];
	v25 =	vand.u32 $0x3FFF, v6;
	v26 =	vadd.s32 v0, v21;
	v20 =	vand.u32 $0x3FFF, v9  }
0x333: {  	v27 =	vshrl.u32 v15, $0xE;
	v29 =	vand.u32 $0x3FFF, v23;
	v24 =	vld.idx.msk [tilespmem:v18+s3+$0x0], $0xffff;
	v22 =	vadd.s32 v0, v20  }
0x334: {  	v35 =	vld [tilespmem:s9+$0x20];
	v33 =	vshrl.u32 v10, $0xE;
	v12 =	vperm.xlane v12, v5;
	v8 =	vmul.f32 v8, v13  }
0x335: {  	v15 =	vld [tilespmem:s9+$0xFFFFFFF0];
	v19 =	vshrl.u32 v19, $0xE;
	v28 =	vadd.s32 v0, v27;
	v31 =	vadd.s32 v0, v29  }
0x336: {  	vm0 =	veq.s32 v27, v17;
	v30 =	vand.u32 $0x3FFF, v12;
	v18 =	vshrl.u32 v12, $0xE;
	[tilespmem:v7+s6+$0x0] =	vst.idx.add.f32.msk $0xffff, v8  }
0x337: {  	v13 =	vadd.s32 v0, v25;
	v7 =	vsel vm0, $0x0, v3;
	v8 =	vadd.s32 v4, v17;
	v17 =	vld.idx.msk [tilespmem:v26+s3+$0x0], $0xffff  }
0x338: {  	v9 =	vshrl.u32 v9, $0xE;
	v12 =	vld.idx.msk [tilespmem:v22+s3+$0x0], $0xffff;
	v22 =	vand.u32 $0x3FFF, v10;
	v10 =	vmul.f32 v7, v24  }
0x339: {  	v16 =	vperm.xlane v16, v5;
	v11 =	vld [tilespmem:s9+$0x10];
	vm0 =	veq.s32 v9, v20;
	v26 =	vadd.s32 v0, v19  }
0x33a: {  	[tilespmem:v28+s6+$0x0] =	vst.idx.add.f32.msk $0xffff, v10;
	v10 =	vadd.s32 v0, v9;
	v28 =	vsel vm0, $0x0, v3;
	vm0 =	veq.s32 v19, v21  }
0x33b: {  	v23 =	vshrl.u32 v23, $0xE;
	v20 =	vadd.s32 v4, v20;
	v24 =	vld.idx.msk [tilespmem:v31+s3+$0x0], $0xffff;
	v34 =	vsel vm0, $0x0, v3  }
0x33c: {  	v36 =	vshrl.u32 v6, $0xE;
	v31 =	vadd.s32 v4, v21;
	v13 =	vld.idx.msk [tilespmem:v13+s3+$0x0], $0xffff;
	v6 =	vmul.f32 v34, v17  }
0x33d: {  	vm3 =	veq.s32 v23, v29;
	v21 =	vadd.s32 v0, v23;
	v8 =	vld.idx.msk [tilespmem:v8+s3+$0x0], $0xffff;
	v12 =	vmul.f32 v28, v12  }
0x33e: {  	v27 =	vadd.s32 v4, v27;
	v17 =	vadd.s32 v4, v29;
	[tilespmem:v26+s6+$0x0] =	vst.idx.add.f32.msk $0xffff, v6  }
0x33f: {  	vm2 =	veq.s32 v18, v30;
	vm1 =	veq.s32 v33, v22;
	[tilespmem:v10+s6+$0x0] =	vst.idx.add.f32.msk $0xffff, v12;
	v10 =	vsel vm3, $0x0, v3  }
0x340: {  	v9 =	vadd.s32 v4, v9;
	v12 =	vld.idx.msk [tilespmem:v20+s3+$0x0], $0xffff;
	v20 =	vadd.s32 v0, v36;
	v24 =	vmul.f32 v10, v24  }
0x341: {  	vm0 =	veq.s32 v36, v25;
	v6 =	vadd.s32 v4, v25;
	v25 =	vshrl.u32 v14, $0xE;
	v29 =	vld.idx.msk [tilespmem:v31+s3+$0x0], $0xffff  }
0x342: {  	v26 =	vsel vm0, $0x0, v3;
	v14 =	vand.u32 $0x3FFF, v14;
	v7 =	vmul.f32 v8, v7;
	[tilespmem:v21+s6+$0x0] =	vst.idx.add.f32.msk $0xffff, v24  }
0x343: {  	v13 =	vmul.f32 v26, v13;
	vm0 =	veq.s32 v25, v14;
	v24 =	vadd.s32 v0, v22;
	v17 =	vld.idx.msk [tilespmem:v17+s3+$0x0], $0xffff  }
0x344: {  	vm2 =	vmmov vm2;
	v41 =	vadd.s32 v0, v25;
	v21 =	vadd.s32 v0, v30;
	[tilespmem:v27+s6+$0x0] =	vst.idx.add.f32.msk $0xffff, v7  }
0x345: {  	v31 =	vand.u32 $0x3FFF, v16;
	v42 =	vadd.s32 v4, v14;
	[tilespmem:v20+s6+$0x0] =	vst.idx.add.f32.msk $0xffff, v13;
	v12 =	vmul.f32 v12, v28  }
0x346: {  	v36 =	vadd.s32 v4, v36;
	v7 =	vadd.s32 v4, v23;
	v13 =	vperm.xlane v11, v5;
	v20 =	vld.idx.msk [tilespmem:v6+s3+$0x0], $0xffff  }
0x347: {  	v23 =	vadd.s32 v0, v31;
	v28 =	vshrl.u32 v16, $0xE;
	v16 =	vperm.xlane v35, v2;
	[tilespmem:v9+s6+$0x0] =	vst.idx.add.f32.msk $0xffff, v12  }
0x348: {  	v8 =	vand.u32 $0x3FFF, v13;
	v6 =	vshrl.u32 v13, $0xE;
	v13 =	vadd.s32 v4, v19;
	v24 =	vld.idx.msk [tilespmem:v24+s3+$0x0], $0xffff  }
0x349: {  	v27 =	vadd.s32 v0, v14;
	v37 =	vand.u32 $0x3FFF, v16;
	v19 =	vld.idx.msk [tilespmem:v21+s3+$0x0], $0xffff;
	v10 =	vmul.f32 v17, v10  }
0x34a: {  	v22 =	vadd.s32 v4, v22;
	v12 =	vperm.xlane v32, v5;
	v21 =	vld [tilespmem:s9+$0x0];
	v38 =	vadd.s32 v0, v37  }
0x34b: {  	v63 =	vsel vm2, $0x0, v3;
	v29 =	vmul.f32 v29, v34;
	vm4 =	veq.s32 v28, v31;
	[tilespmem:v7+s6+$0x0] =	vst.idx.add.f32.msk $0xffff, v10  }
0x34c: {  	v9 =	vand.u32 $0x3FFF, v12;
	v10 =	vadd.s32 v0, v18;
	v7 =	vshrl.u32 v12, $0xE;
	v12 =	vld.idx.msk [tilespmem:v23+s3+$0x0], $0xffff  }
0x34d: {  	vm3 =	vmmov vm1;
	v40 =	vadd.s32 v0, v28;
	v23 =	vadd.s32 v4, v30;
	[tilespmem:v13+s6+$0x0] =	vst.idx.add.f32.msk $0xffff, v29  }
0x34e: {  	v31 =	vadd.s32 v4, v31;
	v30 =	vadd.s32 v0, v33;
	v20 =	vmul.f32 v20, v26;
	v29 =	vld.idx.msk [tilespmem:v27+s3+$0x0], $0xffff  }
0x34f: {  	vm1 =	veq.s32 v6, v8;
	v17 =	vshrl.u32 v16, $0xE;
	v13 =	vmul.f32 v63, v19;
	v38 =	vld.idx.msk [tilespmem:v38+s3+$0x0], $0xffff  }
0x350: {  	v39 =	vsel vm3, $0x0, v3;
	vm5 =	veq.s32 v17, v37;
	v44 =	vadd.s32 v0, v17;
	[tilespmem:v36+s6+$0x0] =	vst.idx.add.f32.msk $0xffff, v20  }
0x351: {  	v37 =	vadd.s32 v4, v37;
	v24 =	vmul.f32 v39, v24;
	[tilespmem:v10+s6+$0x0] =	vst.idx.add.f32.msk $0xffff, v13  }
0x352: {  	vm2 =	veq.s32 v7, v9;
	v19 =	vperm.xlane v21, v5;
	v27 =	vsel vm4, $0x0, v3;
	v23 =	vld.idx.msk [tilespmem:v23+s3+$0x0], $0xffff  }
0x353: {  	v16 =	vsel vm5, $0x0, v3;
	[tilespmem:v30+s6+$0x0] =	vst.idx.add.f32.msk $0xffff, v24;
	v14 =	vmul.f32 v27, v12;
	v24 =	vperm.xlane v32, v2  }
0x354: {  	v20 =	vadd.s32 v4, v25;
	v10 =	vshrl.u32 v19, $0xE;
	v13 =	vsel vm0, $0x0, v3;
	v43 =	vld.idx.msk [tilespmem:v22+s3+$0x0], $0xffff  }
0x355: {  	v12 =	vand.u32 $0x3FFF, v19;
	[tilespmem:v40+s6+$0x0] =	vst.idx.add.f32.msk $0xffff, v14;
	v19 =	vmul.f32 v13, v29;
	v26 =	vand.u32 $0x3FFF, v24  }
0x356: {  	v25 =	vperm.xlane v35, v5;
	v30 =	vadd.s32 v4, v18;
	v29 =	vld.idx.msk [tilespmem:v31+s3+$0x0], $0xffff;
	v32 =	vadd.s32 v0, v26  }
0x357: {  	vm1 =	vmmov vm1;
	vm0 =	veq.s32 v10, v12;
	v38 =	vmul.f32 v16, v38;
	[tilespmem:v41+s6+$0x0] =	vst.idx.add.f32.msk $0xffff, v19  }
0x358: {  	v14 =	vshrl.u32 v24, $0xE;
	v24 =	vperm.xlane v15, v5;
	v31 =	vadd.s32 v4, v28;
	v22 =	vld.idx.msk [tilespmem:v42+s3+$0x0], $0xffff  }
0x359: {  	vm2 =	vmmov vm2;
	v28 =	vperm.xlane v15, v2;
	v19 =	vadd.s32 v4, v33;
	[tilespmem:v44+s6+$0x0] =	vst.idx.add.f32.msk $0xffff, v38  }
0x35a: {  	s12 =	simm.s32 $0x5;
	vm3 =	veq.s32 v14, v26;
	v34 =	vmul.f32 v23, v63;
	v33 =	vld.idx.msk [tilespmem:v37+s3+$0x0], $0xffff;
	v23 =	vmul.f32 v43, v39  }
.LBB2_29:
0x35b: {  	s12 =	sadd.s32 $0x5, s12;
	v32 =	vld.idx.msk [tilespmem:v32+s3+$0x0], $0xffff;
	v15 =	vshrl.u32 v24, $0xE;
	v35 =	vperm.xlane v11, v2;
	v11 =	vmul.f32 v29, v27  }
0x35c: {  	v18 =	vperm.xlane v21, v2;
	p0 =	slt.u32 s12, $0xF5;
	v27 =	vshrl.u32 v28, $0xE;
	v21 =	vand.u32 $0x3FFF, v25;
	[tilespmem:v30+s6+$0x0] =	vst.idx.add.f32.msk $0xffff, v34  }
0x35d: {  	v17 =	vadd.s32 v4, v17;
	v29 =	vand.u32 $0x3FFF, v35;
	[tilespmem:v31+s6+$0x0] =	vst.idx.add.f32.msk $0xffff, v11;
	v11 =	vmul.f32 v22, v13  }
0x35e: {  	v13 =	vshrl.u32 v18, $0xE;
	v22 =	vand.u32 $0x3FFF, v18;
	v30 =	vadd.s32 v0, v29;
	[tilespmem:v19+s6+$0x0] =	vst.idx.add.f32.msk $0xffff, v23  }
0x35f: {  	s9 =	sadd.s32 $0x50, s9;
	v23 =	vsel vm3, $0x0, v3;
	v31 =	vadd.s32 v0, v22;
	v34 =	vadd.s32 v4, v22;
	[tilespmem:v20+s6+$0x0] =	vst.idx.add.f32.msk $0xffff, v11  }
0x360: {  	vm4 =	veq.s32 v13, v22;
	v16 =	vmul.f32 v33, v16;
	v20 =	vadd.s32 v0, v21;
	v18 =	vld [tilespmem:s9+$0xFFFFFFF0]  }
0x361: {  	v28 =	vand.u32 $0x3FFF, v28;
	v22 =	vadd.s32 v0, v14;
	v19 =	vshrl.u32 v25, $0xE;
	v11 =	vld [tilespmem:s9+$0x10]  }
0x362: {  	v24 =	vand.u32 $0x3FFF, v24;
	vm5 =	veq.s32 v27, v28;
	v25 =	vadd.s32 v0, v28;
	[tilespmem:v17+s6+$0x0] =	vst.idx.add.f32.msk $0xffff, v16  }
0x363: {  	vm3 =	veq.s32 v15, v24;
	vm6 =	veq.s32 v19, v21;
	v16 =	vadd.s32 v4, v26;
	v17 =	vld.idx.msk [tilespmem:v30+s3+$0x0], $0xffff  }
0x364: {  	v26 =	vmul.f32 v23, v32;
	v30 =	vld.idx.msk [tilespmem:v31+s3+$0x0], $0xffff  }
0x365: {  	v31 =	vshrl.u32 v35, $0xE;
	v20 =	vld.idx.msk [tilespmem:v20+s3+$0x0], $0xffff  }
0x366: {  	vm7 =	veq.s32 v31, v29;
	[tilespmem:v22+s6+$0x0] =	vst.idx.add.f32.msk $0xffff, v26;
	v22 =	vadd.s32 v0, v31  }
0x367: {  	v29 =	vadd.s32 v4, v29;
	v26 =	vperm.xlane v11, v5;
	v32 =	vld.idx.msk [tilespmem:v25+s3+$0x0], $0xffff  }
0x368: {  	v33 =	vadd.s32 v0, v13;
	v35 =	vsel vm7, $0x0, v3;
	v16 =	vld.idx.msk [tilespmem:v16+s3+$0x0], $0xffff  }
0x369: {  	v38 =	vsel vm4, $0x0, v3;
	v37 =	vand.u32 $0x3FFF, v26;
	v17 =	vmul.f32 v35, v17;
	v36 =	vld [tilespmem:s9+$0xFFFFFFE0]  }
0x36a: {  	v39 =	vshrl.u32 v26, $0xE;
	v26 =	vadd.s32 v0, v27;
	v30 =	vmul.f32 v38, v30;
	v25 =	vld [tilespmem:s9+$0x20]  }
0x36b: {  	v28 =	vadd.s32 v4, v28;
	vm4 =	veq.s32 v39, v37;
	[tilespmem:v22+s6+$0x0] =	vst.idx.add.f32.msk $0xffff, v17  }
0x36c: {  	v40 =	vadd.s32 v0, v19;
	v22 =	vsel vm5, $0x0, v3;
	v29 =	vld.idx.msk [tilespmem:v29+s3+$0x0], $0xffff  }
0x36d: {  	v21 =	vadd.s32 v4, v21;
	v17 =	vmul.f32 v22, v32;
	[tilespmem:v33+s6+$0x0] =	vst.idx.add.f32.msk $0xffff, v30;
	v30 =	vsel vm6, $0x0, v3  }
0x36e: {  	v14 =	vadd.s32 v4, v14;
	v32 =	vperm.xlane v36, v5;
	v33 =	vld.idx.msk [tilespmem:v34+s3+$0x0], $0xffff;
	v20 =	vmul.f32 v30, v20  }
0x36f: {  	v34 =	vperm.xlane v25, v2;
	[tilespmem:v26+s6+$0x0] =	vst.idx.add.f32.msk $0xffff, v17;
	v26 =	vadd.s32 v4, v31  }
0x370: {  	v41 =	vadd.s32 v0, v9;
	v42 =	vadd.s32 v0, v8;
	v31 =	vand.u32 $0x3FFF, v32;
	v28 =	vld.idx.msk [tilespmem:v28+s3+$0x0], $0xffff  }
0x371: {  	v23 =	vmul.f32 v16, v23;
	v17 =	vshrl.u32 v34, $0xE;
	v34 =	vand.u32 $0x3FFF, v34;
	[tilespmem:v40+s6+$0x0] =	vst.idx.add.f32.msk $0xffff, v20  }
0x372: {  	v40 =	vshrl.u32 v32, $0xE;
	v20 =	vmul.f32 v29, v35;
	vm5 =	veq.s32 v17, v34;
	v29 =	vld.idx.msk [tilespmem:v21+s3+$0x0], $0xffff  }
0x373: {  	v16 =	vsel vm5, $0x0, v3;
	[tilespmem:v14+s6+$0x0] =	vst.idx.add.f32.msk $0xffff, v23;
	v14 =	vadd.s32 v4, v27;
	v23 =	vadd.s32 v0, v24  }
0x374: {  	v13 =	vadd.s32 v4, v13;
	vm5 =	veq.s32 v40, v31;
	[tilespmem:v26+s6+$0x0] =	vst.idx.add.f32.msk $0xffff, v20  }
0x375: {  	v20 =	vadd.s32 v0, v12;
	v26 =	vld.idx.msk [tilespmem:v42+s3+$0x0], $0xffff  }
0x376: {  	v22 =	vmul.f32 v28, v22;
	v28 =	vmul.f32 v33, v38;
	v27 =	vld.idx.msk [tilespmem:v41+s3+$0x0], $0xffff  }
0x377: {  	v32 =	vadd.s32 v0, v34;
	v21 =	vld [tilespmem:s9+$0x0]  }
0x378: {  	[tilespmem:v14+s6+$0x0] =	vst.idx.add.f32.msk $0xffff, v22;
	v14 =	vadd.s32 v0, v6  }
0x379: {  	v33 =	vmul.f32 v29, v30;
	v22 =	vld.idx.msk [tilespmem:v23+s3+$0x0], $0xffff;
	v23 =	vadd.s32 v4, v8;
	v8 =	vmov v37  }
0x37a: {  	v29 =	vadd.s32 v0, v7;
	v30 =	vadd.s32 v4, v9;
	[tilespmem:v13+s6+$0x0] =	vst.idx.add.f32.msk $0xffff, v28;
	v28 =	vsel vm1, $0x0, v3  }
0x37b: {  	v35 =	vsel vm2, $0x0, v3;
	v9 =	vmovc v31;
	v37 =	vadd.s32 v4, v12;
	v20 =	vld.idx.msk [tilespmem:v20+s3+$0x0], $0xffff;
	v12 =	vmul.f32 v28, v26  }
0x37c: {  	v26 =	vmul.f32 v35, v27;
	v13 =	vperm.xlane v21, v5;
	v31 =	vld.idx.msk [tilespmem:v32+s3+$0x0], $0xffff;
	v32 =	vadd.s32 v0, v15  }
0x37d: {  	v24 =	vadd.s32 v4, v24;
	v38 =	vadd.s32 v0, v10;
	vm1 =	vmmov vm4;
	[tilespmem:v14+s6+$0x0] =	vst.idx.add.f32.msk $0xffff, v12  }
0x37e: {  	v27 =	vsel vm3, $0x0, v3;
	v41 =	vshrl.u32 v13, $0xE;
	v12 =	vand.u32 $0x3FFF, v13;
	v23 =	vld.idx.msk [tilespmem:v23+s3+$0x0], $0xffff  }
0x37f: {  	v14 =	vmul.f32 v27, v22;
	v13 =	vsel vm0, $0x0, v3;
	[tilespmem:v29+s6+$0x0] =	vst.idx.add.f32.msk $0xffff, v26;
	vm0 =	veq.s32 v41, v12  }
0x380: {  	v43 =	vadd.s32 v4, v19;
	v22 =	vperm.xlane v36, v2;
	v36 =	vadd.s32 v0, v17;
	v42 =	vld.idx.msk [tilespmem:v30+s3+$0x0], $0xffff  }
0x381: {  	vm2 =	vmmov vm5;
	v19 =	vmul.f32 v13, v20;
	[tilespmem:v32+s6+$0x0] =	vst.idx.add.f32.msk $0xffff, v14  }
0x382: {  	v45 =	vadd.s32 v4, v34;
	v26 =	vand.u32 $0x3FFF, v22;
	v44 =	vmul.f32 v16, v31;
	v29 =	vld.idx.msk [tilespmem:v24+s3+$0x0], $0xffff  }
.Ltmp13:
0x383: {  	v30 =	vadd.s32 v4, v6;
	v14 =	vshrl.u32 v22, $0xE;
	v32 =	vadd.s32 v0, v26;
	[tilespmem:v38+s6+$0x0] =	vst.idx.add.f32.msk $0xffff, v19;
	(pc) =	sbr.rel @p0 .LBB2_29-.Ltmp13, $4  }
0x384: {  	vm3 =	veq.s32 v14, v26;
	v19 =	vadd.s32 v4, v7;
	v34 =	vmul.f32 v23, v28;
	v22 =	vld.idx.msk [tilespmem:v37+s3+$0x0], $0xffff  }
0x385: {  	v20 =	vadd.s32 v4, v10;
	v6 =	vmov v39;
	v31 =	vadd.s32 v4, v15;
	[tilespmem:v43+s6+$0x0] =	vst.idx.add.f32.msk $0xffff, v33  }
0x386: {  	v24 =	vperm.xlane v18, v5;
	v7 =	vmov v40;
	v23 =	vmul.f32 v42, v35;
	[tilespmem:v36+s6+$0x0] =	vst.idx.add.f32.msk $0xffff, v44  }
0x387: {  	v25 =	vperm.xlane v25, v5;
	v10 =	vmov v41;
	v28 =	vperm.xlane v18, v2;
	v33 =	vld.idx.msk [tilespmem:v45+s3+$0x0], $0xffff  }
0x388: {  	v11 =	vperm.xlane v11, v2;
	_ =	sdelay $0x1  }
0x389: {  	v15 =	vperm.xlane v21, v2;
	v18 =	vand.u32 $0x3FFF, v11  }
0x38a: {  	v21 =	vadd.s32 v0, v18  }
0x38b: {  	v17 =	vadd.s32 v4, v17;
	v35 =	vand.u32 $0x3FFF, v15  }
0x38c: {  	v32 =	vld.idx.msk [tilespmem:v32+s3+$0x0], $0xffff;
	v27 =	vmul.f32 v29, v27;
	v29 =	vand.u32 $0x3FFF, v25;
	v36 =	vadd.s32 v0, v35  }
0x38d: {  	[tilespmem:v30+s6+$0x0] =	vst.idx.add.f32.msk $0xffff, v34;
	v46 =	vand.u32 $0x3FFF, v28;
	v30 =	vadd.s32 v0, v29  }
0x38e: {  	[tilespmem:v31+s6+$0x0] =	vst.idx.add.f32.msk $0xffff, v27;
	v27 =	vadd.s32 v0, v46;
	v16 =	vmul.f32 v33, v16  }
0x38f: {  	v31 =	vadd.s32 v0, v14;
	v21 =	vld.idx.msk [tilespmem:v21+s3+$0x0], $0xffff  }
0x390: {  	v11 =	vshrl.u32 v11, $0xE;
	[tilespmem:v17+s6+$0x0] =	vst.idx.add.f32.msk $0xffff, v16;
	v16 =	vadd.s32 v4, v26  }
0x391: {  	v15 =	vshrl.u32 v15, $0xE;
	v47 =	vadd.s32 v0, v11;
	v17 =	vsel vm3, $0x0, v3;
	v26 =	vld.idx.msk [tilespmem:v36+s3+$0x0], $0xffff  }
0x392: {  	vm3 =	veq.s32 v11, v18;
	v18 =	vadd.s32 v4, v18;
	v32 =	vmul.f32 v17, v32;
	v30 =	vld.idx.msk [tilespmem:v30+s3+$0x0], $0xffff  }
0x393: {  	v48 =	vadd.s32 v4, v35;
	v37 =	vadd.s32 v0, v15;
	v27 =	vld.idx.msk [tilespmem:v27+s3+$0x0], $0xffff;
	v38 =	vsel vm3, $0x0, v3  }
0x394: {  	v28 =	vshrl.u32 v28, $0xE;
	vm3 =	veq.s32 v15, v35;
	[tilespmem:v31+s6+$0x0] =	vst.idx.add.f32.msk $0xffff, v32;
	v21 =	vmul.f32 v38, v21  }
0x395: {  	vm4 =	veq.s32 v28, v46;
	v49 =	vadd.s32 v0, v28;
	v31 =	vsel vm3, $0x0, v3;
	v16 =	vld.idx.msk [tilespmem:v16+s3+$0x0], $0xffff  }
0x396: {  	v25 =	vshrl.u32 v25, $0xE;
	v34 =	vadd.s32 v4, v46;
	v26 =	vmul.f32 v31, v26;
	[tilespmem:v47+s6+$0x0] =	vst.idx.add.f32.msk $0xffff, v21  }
0x397: {  	v50 =	vadd.s32 v0, v25;
	v14 =	vadd.s32 v4, v14;
	v21 =	vsel vm4, $0x0, v3;
	v18 =	vld.idx.msk [tilespmem:v18+s3+$0x0], $0xffff  }
0x398: {  	vm3 =	veq.s32 v25, v29;
	[tilespmem:v37+s6+$0x0] =	vst.idx.add.f32.msk $0xffff, v26;
	v27 =	vmul.f32 v21, v27  }
0x399: {  	v11 =	vadd.s32 v4, v11;
	v26 =	vadd.s32 v4, v29;
	v29 =	vsel vm3, $0x0, v3;
	v51 =	vld.idx.msk [tilespmem:v48+s3+$0x0], $0xffff  }
0x39a: {  	v30 =	vmul.f32 v29, v30;
	[tilespmem:v49+s6+$0x0] =	vst.idx.add.f32.msk $0xffff, v27;
	v27 =	vadd.s32 v0, v8  }
0x39b: {  	v16 =	vmul.f32 v16, v17;
	v32 =	vld.idx.msk [tilespmem:v34+s3+$0x0], $0xffff  }
0x39c: {  	v52 =	vadd.s32 v0, v9;
	[tilespmem:v50+s6+$0x0] =	vst.idx.add.f32.msk $0xffff, v30;
	v18 =	vmul.f32 v18, v38  }
0x39d: {  	v28 =	vadd.s32 v4, v28;
	v30 =	vand.u32 $0x3FFF, v24;
	[tilespmem:v14+s6+$0x0] =	vst.idx.add.f32.msk $0xffff, v16  }
0x39e: {  	v17 =	vadd.s32 v0, v30;
	[tilespmem:v11+s6+$0x0] =	vst.idx.add.f32.msk $0xffff, v18  }
0x39f: {  	v11 =	vadd.s32 v4, v15;
	v15 =	vld.idx.msk [tilespmem:v27+s3+$0x0], $0xffff  }
0x3a0: {  	v14 =	vadd.s32 v0, v12;
	v26 =	vld.idx.msk [tilespmem:v26+s3+$0x0], $0xffff;
	v16 =	vmul.f32 v32, v21  }
0x3a1: {  	v18 =	vld.idx.msk [tilespmem:v52+s3+$0x0], $0xffff;
	v21 =	vadd.s32 v0, v6  }
0x3a2: {  	v8 =	vadd.s32 v4, v8;
	v27 =	vmul.f32 v51, v31;
	[tilespmem:v28+s6+$0x0] =	vst.idx.add.f32.msk $0xffff, v16  }
0x3a3: {  	v28 =	vsel vm1, $0x0, v3;
	v16 =	vld.idx.msk [tilespmem:v17+s3+$0x0], $0xffff;
	v17 =	vadd.s32 v0, v7  }
0x3a4: {  	v9 =	vadd.s32 v4, v9;
	v24 =	vshrl.u32 v24, $0xE;
	[tilespmem:v11+s6+$0x0] =	vst.idx.add.f32.msk $0xffff, v27;
	v11 =	vmul.f32 v28, v15  }
0x3a5: {  	vm1 =	veq.s32 v24, v30;
	v27 =	vadd.s32 v0, v24;
	v15 =	vsel vm2, $0x0, v3;
	v14 =	vld.idx.msk [tilespmem:v14+s3+$0x0], $0xffff  }
0x3a6: {  	v30 =	vadd.s32 v4, v30;
	v18 =	vmul.f32 v15, v18;
	[tilespmem:v21+s6+$0x0] =	vst.idx.add.f32.msk $0xffff, v11  }
0x3a7: {  	v11 =	vadd.s32 v0, v10;
	v21 =	vsel vm1, $0x0, v3;
	v8 =	vld.idx.msk [tilespmem:v8+s3+$0x0], $0xffff  }
0x3a8: {  	v12 =	vadd.s32 v4, v12;
	[tilespmem:v17+s6+$0x0] =	vst.idx.add.f32.msk $0xffff, v18;
	v16 =	vmul.f32 v21, v16  }
0x3a9: {  	v17 =	vsel vm0, $0x0, v3;
	v9 =	vld.idx.msk [tilespmem:v9+s3+$0x0], $0xffff  }
0x3aa: {  	[tilespmem:v27+s6+$0x0] =	vst.idx.add.f32.msk $0xffff, v16;
	v14 =	vmul.f32 v17, v14  }
0x3ab: {  	v16 =	vadd.s32 v4, v25;
	v18 =	vld.idx.msk [tilespmem:v30+s3+$0x0], $0xffff  }
0x3ac: {  	v6 =	vadd.s32 v4, v6;
	[tilespmem:v11+s6+$0x0] =	vst.idx.add.f32.msk $0xffff, v14  }
0x3ad: {  	v7 =	vadd.s32 v4, v7;
	v11 =	vmul.f32 v22, v13;
	v12 =	vld.idx.msk [tilespmem:v12+s3+$0x0], $0xffff  }
0x3ae: {  	[tilespmem:v19+s6+$0x0] =	vst.idx.add.f32.msk $0xffff, v23;
	s9 =	sshll.u32 s8, $0x1;
	v13 =	vadd.s32 v4, v24;
	v14 =	vmul.f32 v26, v29  }
0x3af: {  	s9 =	smin.u32 s9, $0x4D;
	v10 =	vadd.s32 v4, v10;
	v8 =	vmul.f32 v8, v28;
	[tilespmem:v20+s6+$0x0] =	vst.idx.add.f32.msk $0xffff, v11  }
0x3b0: {  	s9 =	smul.u32 $0xFA0, s9;
	v9 =	vmul.f32 v9, v15;
	[tilespmem:v16+s6+$0x0] =	vst.idx.add.f32.msk $0xffff, v14  }
0x3b1: {  	[tilespmem:v6+s6+$0x0] =	vst.idx.add.f32.msk $0xffff, v8;
	v11 =	vmul.f32 v18, v21  }
0x3b2: {  	s9 =	sshrl.u32 s9, $0x3;
	[tilespmem:v7+s6+$0x0] =	vst.idx.add.f32.msk $0xffff, v9;
	v6 =	vmul.f32 v12, v17  }
0x3b3: {  	s9 =	sadd.s32 s4, s9;
	[tilespmem:v13+s6+$0x0] =	vst.idx.add.f32.msk $0xffff, v11  }
0x3b4: {  	s9 =	sadd.s32 $0x3E8, s9;
	[tilespmem:v10+s6+$0x0] =	vst.idx.add.f32.msk $0xffff, v6  }
0x3b5: {  	[tilespmem:s29], [sflag:$0x1] =	stream.linear.gather [hbm4b:s9+s3], $0xFA0, $0x38;
	[tilespmem:$0x1FB80] =	vst v63  }
0x3b6: {  	_ =	swait.ge [sflag:s1], $0xFA0  }
0x3b7: {  	[sflag:s1] =	ssyncset.done $0x0  }
0x3b8: {  	s14 =	simm.s32 $0x1C120;
	[sflag:s1] =	ssyncadd.s32 $0xFFFFF060  }
0x3b9: {  	v6 =	vld [tilespmem:s14+$0x20];
	_ =	sdelay $0x4  }
0x3ba: {  	v7 =	vperm.xlane v6, v2;
	_ =	sdelay $0x1  }
0x3bb: {  	v8 =	vand.u32 $0x3FFF, v7  }
0x3bc: {  	v9 =	vadd.s32 v0, v8;
	_ =	sdelay $0x2  }
0x3bd: {  	v10 =	vld [tilespmem:s14+$0xFFFFFFE0];
	_ =	sdelay $0x1  }
0x3be: {  	v9 =	vld.idx.msk [tilespmem:v9+s3+$0x0], $0xffff  }
0x3bf: {  	v14 =	vld [tilespmem:s14+$0x0];
	v7 =	vshrl.u32 v7, $0xE  }
0x3c0: {  	v16 =	vld [tilespmem:s14+$0xFFFFFFF0];
	v11 =	vadd.s32 v0, v7  }
0x3c1: {  	v12 =	vld [tilespmem:s14+$0x10];
	v15 =	vperm.xlane v10, v2;
	vm0 =	veq.s32 v7, v8;
	v8 =	vadd.s32 v4, v8  }
0x3c2: {  	v13 =	vsel vm0, $0x0, v3  }
0x3c3: {  	v17 =	vand.u32 $0x3FFF, v15;
	v9 =	vmul.f32 v13, v9  }
0x3c4: {  	v19 =	vperm.xlane v14, v2;
	v18 =	vadd.s32 v0, v17  }
0x3c5: {  	v6 =	vperm.xlane v6, v5;
	v23 =	vperm.xlane v16, v2;
	[tilespmem:v11+s6+$0x0] =	vst.idx.add.f32.msk $0xffff, v9  }
0x3c6: {  	v10 =	vperm.xlane v10, v5;
	v9 =	vperm.xlane v12, v2;
	v8 =	vld.idx.msk [tilespmem:v8+s3+$0x0], $0xffff  }
0x3c7: {  	v14 =	vperm.xlane v14, v5;
	v16 =	vperm.xlane v16, v5  }
0x3c8: {  	v21 =	vand.u32 $0x3FFF, v19;
	v7 =	vadd.s32 v4, v7;
	v20 =	vand.u32 $0x3FFF, v9  }
0x3c9: {  	s9 =	simm.s32 $0x1C170;
	v25 =	vand.u32 $0x3FFF, v6;
	v27 =	vshrl.u32 v15, $0xE;
	v24 =	vld.idx.msk [tilespmem:v18+s3+$0x0], $0xffff;
	v22 =	vadd.s32 v0, v20  }
0x3ca: {  	v55 =	vld [tilespmem:s9+$0x20];
	v29 =	vand.u32 $0x3FFF, v23;
	v26 =	vadd.s32 v0, v21;
	v12 =	vperm.xlane v12, v5  }
0x3cb: {  	v15 =	vld [tilespmem:s9+$0xFFFFFFF0];
	v28 =	vadd.s32 v0, v27;
	v31 =	vadd.s32 v0, v29;
	v8 =	vmul.f32 v8, v13  }
0x3cc: {  	vm0 =	veq.s32 v27, v17;
	v11 =	vld [tilespmem:s9+$0x10];
	v30 =	vand.u32 $0x3FFF, v12;
	v18 =	vshrl.u32 v12, $0xE  }
0x3cd: {  	v13 =	vadd.s32 v0, v25;
	[tilespmem:v7+s6+$0x0] =	vst.idx.add.f32.msk $0xffff, v8;
	v7 =	vsel vm0, $0x0, v3;
	v8 =	vadd.s32 v4, v17  }
0x3ce: {  	v12 =	vld.idx.msk [tilespmem:v22+s3+$0x0], $0xffff;
	v17 =	vand.u32 $0x3FFF, v10;
	v22 =	vshrl.u32 v10, $0xE;
	v10 =	vmul.f32 v7, v24  }
0x3cf: {  	v19 =	vshrl.u32 v19, $0xE;
	v23 =	vshrl.u32 v23, $0xE;
	v9 =	vshrl.u32 v9, $0xE;
	v24 =	vld.idx.msk [tilespmem:v26+s3+$0x0], $0xffff  }
0x3d0: {  	v57 =	vshrl.u32 v6, $0xE;
	v59 =	vshrl.u32 v16, $0xE;
	[tilespmem:v28+s6+$0x0] =	vst.idx.add.f32.msk $0xffff, v10;
	v10 =	vadd.s32 v0, v9  }
0x3d1: {  	v53 =	vadd.s32 v4, v21;
	vm0 =	veq.s32 v9, v20;
	v26 =	vld.idx.msk [tilespmem:v31+s3+$0x0], $0xffff;
	v28 =	vadd.s32 v0, v19  }
0x3d2: {  	v20 =	vadd.s32 v4, v20;
	v31 =	vsel vm0, $0x0, v3;
	vm0 =	veq.s32 v19, v21;
	v21 =	vld [tilespmem:s9+$0xFFFFFFE0]  }
0x3d3: {  	v60 =	vand.u32 $0x3FFF, v16;
	v54 =	vsel vm0, $0x0, v3;
	v13 =	vld.idx.msk [tilespmem:v13+s3+$0x0], $0xffff;
	v12 =	vmul.f32 v31, v12  }
0x3d4: {  	v16 =	vperm.xlane v55, v2;
	v56 =	vadd.s32 v0, v23;
	v8 =	vld.idx.msk [tilespmem:v8+s3+$0x0], $0xffff;
	v6 =	vmul.f32 v54, v24  }
0x3d5: {  	vm3 =	veq.s32 v23, v29;
	v24 =	vadd.s32 v4, v29;
	[tilespmem:v10+s6+$0x0] =	vst.idx.add.f32.msk $0xffff, v12  }
0x3d6: {  	vm4 =	veq.s32 v59, v60;
	v27 =	vadd.s32 v4, v27;
	v10 =	vsel vm3, $0x0, v3;
	[tilespmem:v28+s6+$0x0] =	vst.idx.add.f32.msk $0xffff, v6  }
0x3d7: {  	v40 =	vadd.s32 v0, v59;
	v58 =	vadd.s32 v0, v17;
	v12 =	vld.idx.msk [tilespmem:v20+s3+$0x0], $0xffff;
	v26 =	vmul.f32 v10, v26  }
0x3d8: {  	v34 =	vadd.s32 v4, v60;
	v36 =	vadd.s32 v4, v57;
	v20 =	vadd.s32 v0, v57;
	v29 =	vld.idx.msk [tilespmem:v53+s3+$0x0], $0xffff  }
0x3d9: {  	vm0 =	veq.s32 v57, v25;
	v7 =	vmul.f32 v8, v7;
	[tilespmem:v56+s6+$0x0] =	vst.idx.add.f32.msk $0xffff, v26  }
0x3da: {  	vm2 =	veq.s32 v18, v30;
	v6 =	vadd.s32 v4, v25;
	v25 =	vsel vm0, $0x0, v3;
	v24 =	vld.idx.msk [tilespmem:v24+s3+$0x0], $0xffff  }
0x3db: {  	v9 =	vadd.s32 v4, v9;
	v13 =	vmul.f32 v25, v13;
	[tilespmem:v27+s6+$0x0] =	vst.idx.add.f32.msk $0xffff, v7  }
0x3dc: {  	vm2 =	vmmov vm2;
	vm1 =	veq.s32 v22, v17;
	v26 =	vadd.s32 v0, v30;
	v32 =	vld.idx.msk [tilespmem:v58+s3+$0x0], $0xffff  }
0x3dd: {  	v28 =	vshrl.u32 v14, $0xE;
	v7 =	vadd.s32 v4, v23;
	[tilespmem:v20+s6+$0x0] =	vst.idx.add.f32.msk $0xffff, v13;
	v13 =	vperm.xlane v11, v5  }
0x3de: {  	v14 =	vand.u32 $0x3FFF, v14;
	v23 =	vadd.s32 v0, v60;
	v12 =	vmul.f32 v12, v31;
	v20 =	vld [tilespmem:s9+$0x0]  }
0x3df: {  	v31 =	vld.idx.msk [tilespmem:v6+s3+$0x0], $0xffff;
	v8 =	vand.u32 $0x3FFF, v13;
	v6 =	vshrl.u32 v13, $0xE;
	v13 =	vadd.s32 v4, v19  }
0x3e0: {  	v61 =	vsel vm2, $0x0, v3;
	v27 =	vadd.s32 v0, v14;
	[tilespmem:v9+s6+$0x0] =	vst.idx.add.f32.msk $0xffff, v12;
	v10 =	vmul.f32 v24, v10  }
0x3e1: {  	vm0 =	veq.s32 v28, v14;
	v12 =	vperm.xlane v21, v5;
	v19 =	vld.idx.msk [tilespmem:v26+s3+$0x0], $0xffff;
	v26 =	vand.u32 $0x3FFF, v16  }
0x3e2: {  	vm3 =	vmmov vm1;
	v29 =	vmul.f32 v29, v54;
	v24 =	vadd.s32 v0, v26;
	[tilespmem:v7+s6+$0x0] =	vst.idx.add.f32.msk $0xffff, v10  }
0x3e3: {  	v9 =	vand.u32 $0x3FFF, v12;
	v10 =	vadd.s32 v0, v18;
	v7 =	vshrl.u32 v12, $0xE;
	v12 =	vld.idx.msk [tilespmem:v23+s3+$0x0], $0xffff  }
0x3e4: {  	v39 =	vsel vm3, $0x0, v3;
	v23 =	vadd.s32 v4, v30;
	v41 =	vmul.f32 v31, v25;
	[tilespmem:v13+s6+$0x0] =	vst.idx.add.f32.msk $0xffff, v29  }
0x3e5: {  	v42 =	vadd.s32 v4, v14;
	v21 =	vperm.xlane v21, v2;
	v30 =	vadd.s32 v0, v22;
	v62 =	vld.idx.msk [tilespmem:v27+s3+$0x0], $0xffff  }
0x3e6: {  	v16 =	vshrl.u32 v16, $0xE;
	v29 =	vadd.s32 v4, v17;
	v13 =	vmul.f32 v61, v19;
	[tilespmem:v36+s6+$0x0] =	vst.idx.add.f32.msk $0xffff, v41  }
0x3e7: {  	vm1 =	veq.s32 v6, v8;
	vm5 =	veq.s32 v16, v26;
	v32 =	vmul.f32 v39, v32;
	v24 =	vld.idx.msk [tilespmem:v24+s3+$0x0], $0xffff  }
0x3e8: {  	v44 =	vadd.s32 v0, v16;
	v26 =	vadd.s32 v4, v26;
	[tilespmem:v10+s6+$0x0] =	vst.idx.add.f32.msk $0xffff, v13  }
0x3e9: {  	vm2 =	veq.s32 v7, v9;
	v31 =	vadd.s32 v0, v28;
	v27 =	vsel vm4, $0x0, v3;
	v23 =	vld.idx.msk [tilespmem:v23+s3+$0x0], $0xffff  }
0x3ea: {  	vm1 =	vmmov vm1;
	v19 =	vperm.xlane v20, v5;
	[tilespmem:v30+s6+$0x0] =	vst.idx.add.f32.msk $0xffff, v32;
	v14 =	vmul.f32 v27, v12  }
0x3eb: {  	v25 =	vand.u32 $0x3FFF, v21;
	v17 =	vsel vm5, $0x0, v3;
	v13 =	vsel vm0, $0x0, v3;
	v43 =	vld.idx.msk [tilespmem:v29+s3+$0x0], $0xffff  }
0x3ec: {  	v10 =	vshrl.u32 v19, $0xE;
	v12 =	vand.u32 $0x3FFF, v19;
	[tilespmem:v40+s6+$0x0] =	vst.idx.add.f32.msk $0xffff, v14;
	v19 =	vmul.f32 v13, v62  }
0x3ed: {  	v32 =	vadd.s32 v0, v25;
	v30 =	vadd.s32 v4, v18;
	vm0 =	veq.s32 v10, v12;
	v29 =	vld.idx.msk [tilespmem:v34+s3+$0x0], $0xffff  }
0x3ee: {  	v14 =	vshrl.u32 v21, $0xE;
	v21 =	vadd.s32 v4, v28;
	v63 =	vmul.f32 v17, v24;
	[tilespmem:v31+s6+$0x0] =	vst.idx.add.f32.msk $0xffff, v19  }
0x3ef: {  	v28 =	vperm.xlane v15, v2;
	v19 =	vadd.s32 v4, v22;
	v31 =	vadd.s32 v4, v59;
	v22 =	vld.idx.msk [tilespmem:v42+s3+$0x0], $0xffff  }
0x3f0: {  	vm2 =	vmmov vm2;
	v24 =	vperm.xlane v15, v5;
	v34 =	vmul.f32 v23, v61;
	[tilespmem:v44+s6+$0x0] =	vst.idx.add.f32.msk $0xffff, v63  }
0x3f1: {  	s12 =	simm.s32 $0x5;
	vm3 =	veq.s32 v14, v25;
	v23 =	vmul.f32 v43, v39;
	v33 =	vld.idx.msk [tilespmem:v26+s3+$0x0], $0xffff;
	v26 =	vperm.xlane v55, v5  }
.LBB2_31:
0x3f2: {  	s12 =	sadd.s32 $0x5, s12;
	v32 =	vld.idx.msk [tilespmem:v32+s3+$0x0], $0xffff;
	v15 =	vshrl.u32 v24, $0xE;
	v35 =	vperm.xlane v11, v2;
	v11 =	vmul.f32 v29, v27  }
0x3f3: {  	v18 =	vperm.xlane v20, v2;
	p0 =	slt.u32 s12, $0xF5;
	v27 =	vshrl.u32 v28, $0xE;
	v20 =	vand.u32 $0x3FFF, v26;
	[tilespmem:v30+s6+$0x0] =	vst.idx.add.f32.msk $0xffff, v34  }
0x3f4: {  	v16 =	vadd.s32 v4, v16;
	v29 =	vand.u32 $0x3FFF, v35;
	[tilespmem:v31+s6+$0x0] =	vst.idx.add.f32.msk $0xffff, v11;
	v11 =	vmul.f32 v22, v13  }
0x3f5: {  	v13 =	vshrl.u32 v18, $0xE;
	v22 =	vand.u32 $0x3FFF, v18;
	v30 =	vadd.s32 v0, v29;
	[tilespmem:v19+s6+$0x0] =	vst.idx.add.f32.msk $0xffff, v23  }
0x3f6: {  	s9 =	sadd.s32 $0x50, s9;
	v23 =	vsel vm3, $0x0, v3;
	v31 =	vadd.s32 v0, v22;
	v34 =	vadd.s32 v4, v22;
	[tilespmem:v21+s6+$0x0] =	vst.idx.add.f32.msk $0xffff, v11  }
0x3f7: {  	vm4 =	veq.s32 v13, v22;
	v17 =	vmul.f32 v33, v17;
	v21 =	vadd.s32 v0, v20;
	v18 =	vld [tilespmem:s9+$0xFFFFFFF0]  }
0x3f8: {  	v28 =	vand.u32 $0x3FFF, v28;
	v22 =	vadd.s32 v0, v14;
	v19 =	vshrl.u32 v26, $0xE;
	v11 =	vld [tilespmem:s9+$0x10]  }
0x3f9: {  	v24 =	vand.u32 $0x3FFF, v24;
	vm5 =	veq.s32 v27, v28;
	v26 =	vadd.s32 v0, v28;
	[tilespmem:v16+s6+$0x0] =	vst.idx.add.f32.msk $0xffff, v17  }
0x3fa: {  	vm3 =	veq.s32 v15, v24;
	vm6 =	veq.s32 v19, v20;
	v16 =	vadd.s32 v4, v25;
	v17 =	vld.idx.msk [tilespmem:v30+s3+$0x0], $0xffff  }
0x3fb: {  	v25 =	vmul.f32 v23, v32;
	v30 =	vld.idx.msk [tilespmem:v31+s3+$0x0], $0xffff  }
0x3fc: {  	v31 =	vshrl.u32 v35, $0xE;
	v21 =	vld.idx.msk [tilespmem:v21+s3+$0x0], $0xffff  }
0x3fd: {  	vm7 =	veq.s32 v31, v29;
	[tilespmem:v22+s6+$0x0] =	vst.idx.add.f32.msk $0xffff, v25;
	v22 =	vadd.s32 v0, v31  }
0x3fe: {  	v29 =	vadd.s32 v4, v29;
	v25 =	vperm.xlane v11, v5;
	v32 =	vld.idx.msk [tilespmem:v26+s3+$0x0], $0xffff  }
0x3ff: {  	v35 =	vsel vm7, $0x0, v3;
	v33 =	vld.idx.msk [tilespmem:v16+s3+$0x0], $0xffff;
	v16 =	vadd.s32 v0, v13  }
0x400: {  	v38 =	vsel vm4, $0x0, v3;
	v37 =	vand.u32 $0x3FFF, v25;
	v17 =	vmul.f32 v35, v17;
	v36 =	vld [tilespmem:s9+$0xFFFFFFE0]  }
0x401: {  	v39 =	vshrl.u32 v25, $0xE;
	v25 =	vadd.s32 v0, v27;
	v30 =	vmul.f32 v38, v30;
	v26 =	vld [tilespmem:s9+$0x20]  }
0x402: {  	v28 =	vadd.s32 v4, v28;
	vm4 =	veq.s32 v39, v37;
	[tilespmem:v22+s6+$0x0] =	vst.idx.add.f32.msk $0xffff, v17  }
0x403: {  	v22 =	vsel vm5, $0x0, v3;
	v17 =	vld.idx.msk [tilespmem:v29+s3+$0x0], $0xffff;
	v29 =	vadd.s32 v0, v19  }
0x404: {  	v20 =	vadd.s32 v4, v20;
	v32 =	vmul.f32 v22, v32;
	[tilespmem:v16+s6+$0x0] =	vst.idx.add.f32.msk $0xffff, v30;
	v30 =	vsel vm6, $0x0, v3  }
0x405: {  	v14 =	vadd.s32 v4, v14;
	v40 =	vperm.xlane v36, v5;
	v34 =	vld.idx.msk [tilespmem:v34+s3+$0x0], $0xffff;
	v21 =	vmul.f32 v30, v21  }
0x406: {  	v41 =	vperm.xlane v26, v2;
	[tilespmem:v25+s6+$0x0] =	vst.idx.add.f32.msk $0xffff, v32;
	v25 =	vadd.s32 v4, v31  }
0x407: {  	v42 =	vadd.s32 v0, v8;
	v32 =	vadd.s32 v0, v9;
	v31 =	vand.u32 $0x3FFF, v40;
	v28 =	vld.idx.msk [tilespmem:v28+s3+$0x0], $0xffff  }
0x408: {  	v23 =	vmul.f32 v33, v23;
	v16 =	vshrl.u32 v41, $0xE;
	v41 =	vand.u32 $0x3FFF, v41;
	[tilespmem:v29+s6+$0x0] =	vst.idx.add.f32.msk $0xffff, v21  }
0x409: {  	v33 =	vshrl.u32 v40, $0xE;
	v21 =	vmul.f32 v17, v35;
	vm5 =	veq.s32 v16, v41;
	v29 =	vld.idx.msk [tilespmem:v20+s3+$0x0], $0xffff  }
0x40a: {  	v17 =	vsel vm5, $0x0, v3;
	[tilespmem:v14+s6+$0x0] =	vst.idx.add.f32.msk $0xffff, v23;
	v14 =	vadd.s32 v4, v27;
	v23 =	vadd.s32 v0, v24  }
0x40b: {  	v13 =	vadd.s32 v4, v13;
	vm5 =	veq.s32 v33, v31;
	[tilespmem:v25+s6+$0x0] =	vst.idx.add.f32.msk $0xffff, v21  }
0x40c: {  	v21 =	vadd.s32 v0, v12;
	v25 =	vld.idx.msk [tilespmem:v42+s3+$0x0], $0xffff  }
0x40d: {  	v22 =	vmul.f32 v28, v22;
	v28 =	vmul.f32 v34, v38;
	v27 =	vld.idx.msk [tilespmem:v32+s3+$0x0], $0xffff  }
0x40e: {  	v32 =	vadd.s32 v0, v41;
	v20 =	vld [tilespmem:s9+$0x0]  }
0x40f: {  	[tilespmem:v14+s6+$0x0] =	vst.idx.add.f32.msk $0xffff, v22;
	v14 =	vadd.s32 v0, v6  }
0x410: {  	v35 =	vmul.f32 v29, v30;
	v22 =	vld.idx.msk [tilespmem:v23+s3+$0x0], $0xffff;
	v23 =	vadd.s32 v4, v8;
	v8 =	vmov v37  }
0x411: {  	v29 =	vadd.s32 v0, v7;
	v30 =	vadd.s32 v4, v9;
	[tilespmem:v13+s6+$0x0] =	vst.idx.add.f32.msk $0xffff, v28;
	v28 =	vsel vm1, $0x0, v3  }
0x412: {  	v34 =	vadd.s32 v4, v12;
	v9 =	vmovc v31;
	v37 =	vsel vm2, $0x0, v3;
	v21 =	vld.idx.msk [tilespmem:v21+s3+$0x0], $0xffff;
	v12 =	vmul.f32 v28, v25  }
0x413: {  	v25 =	vmul.f32 v37, v27;
	v13 =	vperm.xlane v20, v5;
	v31 =	vld.idx.msk [tilespmem:v32+s3+$0x0], $0xffff;
	v32 =	vadd.s32 v0, v15  }
0x414: {  	v24 =	vadd.s32 v4, v24;
	v38 =	vadd.s32 v0, v10;
	vm1 =	vmmov vm4;
	[tilespmem:v14+s6+$0x0] =	vst.idx.add.f32.msk $0xffff, v12  }
0x415: {  	v27 =	vsel vm3, $0x0, v3;
	v40 =	vshrl.u32 v13, $0xE;
	v12 =	vand.u32 $0x3FFF, v13;
	v23 =	vld.idx.msk [tilespmem:v23+s3+$0x0], $0xffff  }
0x416: {  	v14 =	vmul.f32 v27, v22;
	v13 =	vsel vm0, $0x0, v3;
	[tilespmem:v29+s6+$0x0] =	vst.idx.add.f32.msk $0xffff, v25;
	vm0 =	veq.s32 v40, v12  }
0x417: {  	v43 =	vadd.s32 v4, v19;
	v22 =	vperm.xlane v36, v2;
	v36 =	vadd.s32 v0, v16;
	v42 =	vld.idx.msk [tilespmem:v30+s3+$0x0], $0xffff  }
0x418: {  	vm2 =	vmmov vm5;
	v19 =	vmul.f32 v13, v21;
	[tilespmem:v32+s6+$0x0] =	vst.idx.add.f32.msk $0xffff, v14  }
0x419: {  	v41 =	vadd.s32 v4, v41;
	v25 =	vand.u32 $0x3FFF, v22;
	v44 =	vmul.f32 v17, v31;
	v29 =	vld.idx.msk [tilespmem:v24+s3+$0x0], $0xffff  }
.Ltmp14:
0x41a: {  	v30 =	vadd.s32 v4, v6;
	v14 =	vshrl.u32 v22, $0xE;
	v32 =	vadd.s32 v0, v25;
	[tilespmem:v38+s6+$0x0] =	vst.idx.add.f32.msk $0xffff, v19;
	(pc) =	sbr.rel @p0 .LBB2_31-.Ltmp14, $4  }
0x41b: {  	vm3 =	veq.s32 v14, v25;
	v19 =	vadd.s32 v4, v7;
	v22 =	vld.idx.msk [tilespmem:v34+s3+$0x0], $0xffff;
	v34 =	vmul.f32 v23, v28  }
0x41c: {  	v21 =	vadd.s32 v4, v10;
	v6 =	vmov v39;
	v31 =	vadd.s32 v4, v15;
	[tilespmem:v43+s6+$0x0] =	vst.idx.add.f32.msk $0xffff, v35  }
0x41d: {  	v24 =	vperm.xlane v18, v5;
	v7 =	vmov v33;
	v23 =	vmul.f32 v42, v37;
	[tilespmem:v36+s6+$0x0] =	vst.idx.add.f32.msk $0xffff, v44  }
0x41e: {  	v26 =	vperm.xlane v26, v5;
	v10 =	vmov v40;
	v28 =	vperm.xlane v18, v2;
	v33 =	vld.idx.msk [tilespmem:v41+s3+$0x0], $0xffff  }
0x41f: {  	_ = 	snop  }
0x420: {  	v11 =	vperm.xlane v11, v2  }
0x421: {  	v41 =	vand.u32 $0x3FFF, v28  }
0x422: {  	v18 =	vand.u32 $0x3FFF, v11;
	v42 =	vadd.s32 v0, v41  }
0x423: {  	v32 =	vld.idx.msk [tilespmem:v32+s3+$0x0], $0xffff;
	v35 =	vadd.s32 v0, v18  }
0x424: {  	v15 =	vperm.xlane v20, v2;
	v27 =	vmul.f32 v29, v27;
	v16 =	vadd.s32 v4, v16  }
0x425: {  	[tilespmem:v30+s6+$0x0] =	vst.idx.add.f32.msk $0xffff, v34;
	v44 =	vadd.s32 v0, v14;
	v43 =	vand.u32 $0x3FFF, v26  }
0x426: {  	v20 =	vand.u32 $0x3FFF, v15;
	[tilespmem:v31+s6+$0x0] =	vst.idx.add.f32.msk $0xffff, v27;
	v46 =	vadd.s32 v0, v43  }
0x427: {  	v48 =	vsel vm3, $0x0, v3;
	v36 =	vadd.s32 v0, v20;
	v17 =	vmul.f32 v33, v17;
	v27 =	vld.idx.msk [tilespmem:v42+s3+$0x0], $0xffff  }
0x428: {  	v25 =	vadd.s32 v4, v25;
	v52 =	vshrl.u32 v28, $0xE;
	v50 =	vmul.f32 v48, v32;
	v45 =	vld.idx.msk [tilespmem:v35+s3+$0x0], $0xffff  }
0x429: {  	v11 =	vshrl.u32 v11, $0xE;
	v57 =	vadd.s32 v0, v52;
	vm13 =	veq.s32 v52, v41;
	[tilespmem:v16+s6+$0x0] =	vst.idx.add.f32.msk $0xffff, v17  }
0x42a: {  	v29 =	vadd.s32 v4, v41;
	v49 =	vadd.s32 v0, v11;
	[tilespmem:v44+s6+$0x0] =	vst.idx.add.f32.msk $0xffff, v50  }
0x42b: {  	vm12 =	veq.s32 v11, v18;
	v53 =	vadd.s32 v4, v18;
	v58 =	vsel vm13, $0x0, v3;
	v56 =	vld.idx.msk [tilespmem:v46+s3+$0x0], $0xffff  }
0x42c: {  	v37 =	vsel vm12, $0x0, v3;
	v16 =	vshrl.u32 v26, $0xE;
	v47 =	vld.idx.msk [tilespmem:v36+s3+$0x0], $0xffff;
	v27 =	vmul.f32 v58, v27  }
0x42d: {  	v15 =	vshrl.u32 v15, $0xE;
	v59 =	vadd.s32 v0, v16;
	v25 =	vld.idx.msk [tilespmem:v25+s3+$0x0], $0xffff;
	v55 =	vmul.f32 v37, v45  }
0x42e: {  	v51 =	vadd.s32 v0, v15;
	vm14 =	veq.s32 v16, v43;
	[tilespmem:v57+s6+$0x0] =	vst.idx.add.f32.msk $0xffff, v27  }
0x42f: {  	v63 =	vadd.s32 v4, v14;
	vm4 =	veq.s32 v15, v20;
	v32 =	vsel vm14, $0x0, v3;
	[tilespmem:v49+s6+$0x0] =	vst.idx.add.f32.msk $0xffff, v55  }
0x430: {  	v20 =	vadd.s32 v4, v20;
	v54 =	vsel vm4, $0x0, v3;
	v61 =	vmul.f32 v32, v56;
	v29 =	vld.idx.msk [tilespmem:v29+s3+$0x0], $0xffff  }
0x431: {  	v38 =	vadd.s32 v0, v9;
	v35 =	vmul.f32 v54, v47;
	v17 =	vld.idx.msk [tilespmem:v53+s3+$0x0], $0xffff  }
0x432: {  	v28 =	vadd.s32 v4, v52;
	v25 =	vmul.f32 v25, v48;
	[tilespmem:v59+s6+$0x0] =	vst.idx.add.f32.msk $0xffff, v61  }
0x433: {  	v39 =	vand.u32 $0x3FFF, v24;
	v11 =	vadd.s32 v4, v11;
	[tilespmem:v51+s6+$0x0] =	vst.idx.add.f32.msk $0xffff, v35  }
0x434: {  	v40 =	vadd.s32 v0, v39;
	[tilespmem:v63+s6+$0x0] =	vst.idx.add.f32.msk $0xffff, v25  }
0x435: {  	v62 =	vadd.s32 v0, v8;
	v20 =	vld.idx.msk [tilespmem:v20+s3+$0x0], $0xffff;
	v44 =	vmul.f32 v29, v58  }
0x436: {  	v60 =	vadd.s32 v4, v43;
	v25 =	vld.idx.msk [tilespmem:v38+s3+$0x0], $0xffff;
	v17 =	vmul.f32 v17, v37  }
0x437: {  	v41 =	vadd.s32 v4, v15;
	[tilespmem:v28+s6+$0x0] =	vst.idx.add.f32.msk $0xffff, v44  }
0x438: {  	v43 =	vadd.s32 v0, v12;
	[tilespmem:v11+s6+$0x0] =	vst.idx.add.f32.msk $0xffff, v17  }
0x439: {  	v47 =	vadd.s32 v0, v7;
	v17 =	vld.idx.msk [tilespmem:v40+s3+$0x0], $0xffff  }
0x43a: {  	v50 =	vadd.s32 v4, v9;
	v49 =	vshrl.u32 v24, $0xE;
	v18 =	vmul.f32 v20, v54;
	v42 =	vld.idx.msk [tilespmem:v62+s3+$0x0], $0xffff  }
0x43b: {  	v52 =	vsel vm2, $0x0, v3;
	v45 =	vadd.s32 v0, v6;
	v27 =	vld.idx.msk [tilespmem:v60+s3+$0x0], $0xffff;
	v53 =	vadd.s32 v0, v49  }
0x43c: {  	vm15 =	veq.s32 v49, v39;
	v25 =	vmul.f32 v52, v25;
	[tilespmem:v41+s6+$0x0] =	vst.idx.add.f32.msk $0xffff, v18  }
0x43d: {  	v56 =	vsel vm15, $0x0, v3;
	v54 =	vadd.s32 v4, v39;
	v14 =	vld.idx.msk [tilespmem:v43+s3+$0x0], $0xffff  }
0x43e: {  	v46 =	vadd.s32 v4, v8;
	v48 =	vsel vm1, $0x0, v3;
	[tilespmem:v47+s6+$0x0] =	vst.idx.add.f32.msk $0xffff, v25;
	v17 =	vmul.f32 v56, v17  }
0x43f: {  	v55 =	vadd.s32 v0, v10;
	v9 =	vld.idx.msk [tilespmem:v50+s3+$0x0], $0xffff;
	v51 =	vmul.f32 v48, v42  }
0x440: {  	v57 =	vadd.s32 v4, v12;
	[tilespmem:v53+s6+$0x0] =	vst.idx.add.f32.msk $0xffff, v17  }
0x441: {  	v58 =	vsel vm0, $0x0, v3;
	[tilespmem:v45+s6+$0x0] =	vst.idx.add.f32.msk $0xffff, v51  }
0x442: {  	v14 =	vmul.f32 v58, v14;
	v17 =	vld.idx.msk [tilespmem:v54+s3+$0x0], $0xffff  }
0x443: {  	v16 =	vadd.s32 v4, v16;
	v8 =	vld.idx.msk [tilespmem:v46+s3+$0x0], $0xffff  }
0x444: {  	v7 =	vadd.s32 v4, v7;
	[tilespmem:v55+s6+$0x0] =	vst.idx.add.f32.msk $0xffff, v14  }
0x445: {  	v6 =	vadd.s32 v4, v6;
	v59 =	vmul.f32 v22, v13;
	v12 =	vld.idx.msk [tilespmem:v57+s3+$0x0], $0xffff  }
0x446: {  	[tilespmem:v19+s6+$0x0] =	vst.idx.add.f32.msk $0xffff, v23;
	s8 =	sadd.s32 $0x1, s8;
	v60 =	vadd.s32 v4, v49;
	v61 =	vmul.f32 v27, v32  }
0x447: {  	p0 =	sne.s32 s8, $0x28;
	[tilespmem:v21+s6+$0x0] =	vst.idx.add.f32.msk $0xffff, v59;
	v62 =	vadd.s32 v4, v10;
	v9 =	vmul.f32 v9, v52  }
.Ltmp15:
0x448: {  	[tilespmem:v16+s6+$0x0] =	vst.idx.add.f32.msk $0xffff, v61;
	v8 =	vmul.f32 v8, v48;
	(pc) =	sbr.rel @p0 .LBB2_28-.Ltmp15, $4  }
0x449: {  	[tilespmem:v7+s6+$0x0] =	vst.idx.add.f32.msk $0xffff, v9;
	v63 =	vmul.f32 v17, v56  }
0x44a: {  	[tilespmem:v6+s6+$0x0] =	vst.idx.add.f32.msk $0xffff, v8;
	v6 =	vmul.f32 v12, v58  }
0x44b: {  	[tilespmem:v60+s6+$0x0] =	vst.idx.add.f32.msk $0xffff, v63  }
0x44c: {  	[tilespmem:v62+s6+$0x0] =	vst.idx.add.f32.msk $0xffff, v6  }
0x44d: {  	_ =	swait.ge [sflag:s31], $0xFA0  }
0x44e: {  	[sflag:s31] =	ssyncset.done $0x0  }
0x44f: {  	s8 =	simm.s32 $0x0;
	[sflag:s31] =	ssyncadd.s32 $0xFFFFF060  }
0x450: {  	v8 =	vld [tilespmem:s8+$0x9C80]  }
0x451: {  	v9 =	vld [tilespmem:s8+$0xC398]  }
0x452: {  	v11 =	vld [tilespmem:s8+$0xEAB0]  }
0x453: {  	v12 =	vld [tilespmem:s8+$0x111C8]  }
0x454: {  	v14 =	vld [tilespmem:s8+$0x9C90]  }
0x455: {  	[tilespmem:s8+$0x9C80] =	vst v1;
	v15 =	vld [tilespmem:s8+$0xC3A8]  }
0x456: {  	[tilespmem:s8+$0xC398] =	vst v1;
	v16 =	vld [tilespmem:s8+$0x16100]  }
0x457: {  	[tilespmem:s8+$0xEAB0] =	vst v1;
	v6 =	vld [tilespmem:s8+$0xEAC0]  }
0x458: {  	[tilespmem:s8+$0x111C8] =	vst v1;
	v13 =	vld [tilespmem:s8+$0x16110]  }
0x459: {  	[tilespmem:s8+$0x9C90] =	vst v1;
	v7 =	vld [tilespmem:s8+$0x111D8]  }
0x45a: {  	[tilespmem:s8+$0xC3A8] =	vst v1  }
0x45b: {  	[tilespmem:s8+$0xEAC0] =	vst v1;
	v17 =	vmul.f32 v8, v16;
	v10 =	vmul.f32 v9, v16  }
0x45c: {  	[tilespmem:s8+$0x111D8] =	vst v1;
	v9 =	vmul.f32 v11, v16;
	v8 =	vmul.f32 v12, v16  }
0x45d: {  	s9 =	simm.s32 $0x20;
	s12 =	simm.s32 $0x100;
	v12 =	vmul.f32 v14, v13;
	v11 =	vmul.f32 v15, v13;
	[tilespmem:s8+$0x0] =	vst v17  }
.LBB2_34:
0x45e: {  	p0 =	sne.s32 s12, $0x9B80;
	v14 =	vld [tilespmem:s9+$0x9C80];
	[tilespmem:s9+$0x9C80] =	vst v1;
	v15 =	vmul.f32 v6, v13;
	v16 =	vmul.f32 v7, v13  }
0x45f: {  	v17 =	vld [tilespmem:s9+$0xC398];
	[tilespmem:s9+$0xC398] =	vst v1  }
0x460: {  	v18 =	vld [tilespmem:s9+$0xEAB0];
	[tilespmem:s9+$0xEAB0] =	vst v1  }
0x461: {  	v19 =	vld [tilespmem:s9+$0x111C8];
	[tilespmem:s9+$0x111C8] =	vst v1  }
0x462: {  	v20 =	vld [tilespmem:s9+$0x9C90];
	[tilespmem:s9+$0x9C90] =	vst v1  }
0x463: {  	v21 =	vld [tilespmem:s9+$0xC3A8];
	[tilespmem:s9+$0xC3A8] =	vst v1  }
0x464: {  	v6 =	vld [tilespmem:s9+$0xEAC0];
	[tilespmem:s9+$0xEAC0] =	vst v1  }
0x465: {  	v7 =	vld [tilespmem:s9+$0x111D8];
	[tilespmem:s9+$0x111D8] =	vst v1  }
0x466: {  	v22 =	vld [tilespmem:s9+$0x16100];
	[tilespmem:s8+$0x2718] =	vst v10  }
0x467: {  	v13 =	vld [tilespmem:s9+$0x16110];
	[tilespmem:s8+$0x4E30] =	vst v9  }
0x468: {  	[tilespmem:s8+$0x7548] =	vst v8  }
.Ltmp16:
0x469: {  	[tilespmem:s8+$0x10] =	vst v12;
	(pc) =	sbr.rel @p0 .LBB2_34-.Ltmp16, $4  }
0x46a: {  	[tilespmem:s8+$0x2728] =	vst v11  }
0x46b: {  	v11 =	vmul.f32 v14, v22;
	v10 =	vmul.f32 v17, v22;
	[tilespmem:s8+$0x4E40] =	vst v15  }
0x46c: {  	v9 =	vmul.f32 v18, v22;
	v8 =	vmul.f32 v19, v22;
	[tilespmem:s8+$0x7558] =	vst v16;
	s8 =	smov.u32 s9  }
0x46d: {  	s9 =	sshra.s32 s12, $0x2;
	s12 =	sadd.s32 $0x80, s12;
	v12 =	vmul.f32 v20, v13;
	[tilespmem:s8+$0x0] =	vst v11;
	v11 =	vmul.f32 v21, v13  }
0x46e: {  	v14 =	vld [tilespmem:s9+$0x9C80];
	[tilespmem:s9+$0x9C80] =	vst v1  }
0x46f: {  	v15 =	vld [tilespmem:s9+$0xC398];
	[tilespmem:s9+$0xC398] =	vst v1  }
0x470: {  	v16 =	vld [tilespmem:s9+$0xEAB0];
	[tilespmem:s9+$0xEAB0] =	vst v1  }
0x471: {  	v17 =	vld [tilespmem:s9+$0x111C8];
	[tilespmem:s9+$0x111C8] =	vst v1  }
0x472: {  	v18 =	vld [tilespmem:s9+$0x9C90];
	[tilespmem:s9+$0x9C90] =	vst v1  }
0x473: {  	v19 =	vld [tilespmem:s9+$0xC3A8];
	[tilespmem:s9+$0xC3A8] =	vst v1  }
0x474: {  	v20 =	vld [tilespmem:s9+$0xEAC0];
	[tilespmem:s9+$0xEAC0] =	vst v1  }
0x475: {  	v21 =	vld [tilespmem:s9+$0x111D8];
	[tilespmem:s9+$0x111D8] =	vst v1  }
0x476: {  	v22 =	vld [tilespmem:s9+$0x16100];
	[tilespmem:s8+$0x2718] =	vst v10  }
0x477: {  	v10 =	vld [tilespmem:s9+$0x16110];
	[tilespmem:s8+$0x4E30] =	vst v9  }
0x478: {  	[tilespmem:s8+$0x7548] =	vst v8  }
0x479: {  	v6 =	vmul.f32 v6, v13;
	[tilespmem:s8+$0x10] =	vst v12  }
0x47a: {  	v7 =	vmul.f32 v7, v13;
	[tilespmem:s8+$0x2728] =	vst v11  }
0x47b: {  	[tilespmem:s8+$0x4E40] =	vst v6;
	v60 =	vmul.f32 v14, v22  }
0x47c: {  	[tilespmem:s8+$0x7558] =	vst v7;
	v6 =	vmul.f32 v15, v22  }
0x47d: {  	v7 =	vmul.f32 v16, v22;
	[tilespmem:s9+$0x0] =	vst v60  }
0x47e: {  	v61 =	vmul.f32 v17, v22;
	[tilespmem:s9+$0x2718] =	vst v6  }
0x47f: {  	v6 =	vmul.f32 v18, v10;
	[tilespmem:s9+$0x4E30] =	vst v7  }
0x480: {  	v7 =	vmul.f32 v19, v10;
	[tilespmem:s9+$0x7548] =	vst v61  }
0x481: {  	v62 =	vmul.f32 v20, v10;
	[tilespmem:s9+$0x10] =	vst v6  }
0x482: {  	v6 =	vmul.f32 v21, v10;
	[tilespmem:s9+$0x2728] =	vst v7  }
0x483: {  	[tilespmem:s9+$0x4E40] =	vst v62  }
0x484: {  	[tilespmem:s9+$0x7558] =	vst v6  }
0x485: {  	v6 =	vld [tilespmem:$0x18800]  }
0x486: {  	v7 =	vld [tilespmem:$0xC380];
	_ =	sdelay $0x1  }
0x487: {  	v8 =	vld [tilespmem:$0xEA98];
	_ =	sdelay $0x1  }
0x488: {  	v9 =	vld [tilespmem:$0x111B0]  }
0x489: {  	v63 =	vld [tilespmem:$0x138C8];
	[tilespmem:$0xC380] =	vst v1;
	v7 =	vmul.f32 v7, v6  }
0x48a: {  	[tilespmem:$0xEA98] =	vst v1  }
0x48b: {  	[tilespmem:$0x2700] =	vst v7;
	v7 =	vmul.f32 v8, v6  }
0x48c: {  	[tilespmem:$0x111B0] =	vst v1  }
0x48d: {  	[tilespmem:$0x4E18] =	vst v7;
	v7 =	vmul.f32 v9, v6  }
0x48e: {  	[tilespmem:$0x138C8] =	vst v1;
	v6 =	vmul.f32 v63, v6  }
0x48f: {  	[tilespmem:$0x7530] =	vst v7  }
0x490: {  	[tilespmem:$0x9C48] =	vst v6  }
0x491: {  	[hbm4b:s20+s3] =	stream.linear.scatter [tilespmem:s3], [sflag:$0x4], $0x2710, $0x38;
	[tilespmem:$0x1FB80] =	vst v63  }
0x492: {  	_ =	swait.ge [sflag:s2], $0x2710  }
0x493: {  	[sflag:s2] =	ssyncset.done $0x0  }
0x494: {  	[sflag:s2] =	ssyncadd.s32 $0xFFFFD8F0  }
0x495: {  	[hbm4b:s21+s3] =	stream.linear.scatter [tilespmem:s25], [sflag:$0x4], $0x2710, $0x38;
	[tilespmem:$0x1FB80] =	vst v63  }
0x496: {  	_ =	swait.ge [sflag:s2], $0x2710  }
0x497: {  	[sflag:s2] =	ssyncset.done $0x0  }
0x498: {  	[sflag:s2] =	ssyncadd.s32 $0xFFFFD8F0  }
0x499: {  	[hbm4b:s22+s3] =	stream.linear.scatter [tilespmem:s26], [sflag:$0x4], $0x2710, $0x38;
	[tilespmem:$0x1FB80] =	vst v63  }
0x49a: {  	s7 =	sadd.s32 $0x1, s7;
	_ =	swait.ge [sflag:s2], $0x2710  }
0x49b: {  	p0 =	sne.s32 s7, s24;
	[sflag:s2] =	ssyncset.done $0x0  }
.Ltmp17:
0x49c: {  	[sflag:s2] =	ssyncadd.s32 $0xFFFFD8F0;
	(pc) =	sbr.rel @p0 .LBB2_1-.Ltmp17, $4  }
0x49d: {  	[hbm4b:s23+s3] =	stream.linear.scatter [tilespmem:s28], [sflag:$0x4], $0x2710, $0x38;
	[tilespmem:$0x1FB80] =	vst v63  }
0x49e: {  	_ =	swait.ge [sflag:s2], $0x2710  }
0x49f: {  	[sflag:s2] =	ssyncset.done $0x0  }
0x4a0: {  	[sflag:s2] =	ssyncadd.s32 $0xFFFFD8F0  }
0x4a1: {  	_ =	sfence.sel $0x180000  }
0x4a2: {  	[bflag:$0x0] =	sbarrier.arrive $0xFFFF  }
0x4a3: {  	_ =	strace $0x90000047  }
0x4a4: {  	s0 =	stileid.u32;
	[bflag:$0x2] =	sbarrier.arrive $0xFFFF  }
0x4a5: {  	p0 =	sne.s32 s0, $0x0;
	s0 =	rddreg [dreg:$0x4]  }
0x4a6: {  	s0 =	sadd.s32 @!p0 $0x100000, s0  }
0x4a7: {  	[sflag:s0] =	ssyncadd.tile.s32 @!p0 $0x1;
	_ =	shalt  }
.Lfunc_end2:
_tile_overlayer_lowered:
.L_overlay_start_2:
0x4a8: {  	(tag) =	ssettag $0x2  }
0x4a9: {  	s0 =	rddreg [dreg:$0x0];
	s2 =	stileid.u32  }
0x4aa: {  	s1 =	rddreg [dreg:$0x1];
	p0 =	sne.s32 s2, $0x0  }
0x4ab: {  	s3 =	rddreg [dreg:$0x2];
	[bflag:$0x3] =	sbarrier.arrive $0xFFFF;
	s2 =	simm.s32 @!p0 $0x1C04  }
0x4ac: {  	[timem:s3], [sflag:s2] =	dma.local @!p0 [hbm:s0], s1  }
0x4ad: {  	s0 =	simm.s32 @!p0 $0x4  }
0x4ae: {  	_ =	swait.ge @!p0 [sflag:s0], s1  }
0x4af: {  	s1 =	ssub.s32 @!p0 $0x0, s1;
	[sflag:s0] =	ssyncset.done @!p0 $0x0  }
0x4b0: {  	[sflag:s0] =	ssyncadd.s32 @!p0 s1  }
0x4b1: {  	[bflag:$0x3] =	sbarrier.arrive $0xFFFF  }
0x4b2: {  	_ =	shalt  }

</sc_bundles>
